<compile_context>
chip_gen: v7x
topology: tpu7x:2x2x1
jax: 0.10.2.dev20260603
libtpu: 0.0.44.dev20260713+nightly
codegen_flags: <defaults>
</compile_context>

<pallas_src>
import functools

import jax
import jax.numpy as jnp
from jax import lax
from jax.experimental import pallas as pl
from jax.experimental.pallas import tpu as pltpu
from jax.experimental.pallas import tpu_sc as plsc

N = 10000
E = 320000
F = 128
FH = F // 2
NCLS = 64

NCORES = 2
NSUB = 16
EPS = E // NSUB
C = 128
CS = 125
NCHUNK = EPS // CS
NHALF = NCHUNK // 2
Z = 200
NZ = N // Z
ZC = 104
CW = 16

_mesh = plsc.VectorSubcoreMesh(core_axis_name="c", subcore_axis_name="s")


def _zero_vmem(ref, nrow, ncol):
    def body(i, carry):
        ref[i // (ncol // 16), pl.ds((i % (ncol // 16)) * 16, 16)] = (
            jnp.zeros((16,), jnp.float32))
        return carry
    lax.fori_loop(0, nrow * (ncol // 16), body, None)


NBUF = 5


def _spmm_body(h_hbm, src_hbm, dst_hbm, out_hbm, idx_s, idx_d, bufs, zbuf,
               acc, sem_g, sem_s):
    c = lax.axis_index("c")
    s = lax.axis_index("s")

    pltpu.sync_copy(src_hbm.at[c, s, pl.ds(0, NHALF)], idx_s)
    pltpu.sync_copy(dst_hbm.at[s, pl.ds(0, NHALF)], idx_d)
    for b in range(NBUF):
        pltpu.async_copy(h_hbm.at[idx_s.at[b]], bufs[b], sem_g)

    _zero_vmem(zbuf, ZC, FH)
    for t in range(6):
        pltpu.sync_copy(zbuf, acc.at[pl.ds((s + NSUB * t) * ZC, ZC)])

    @pl.when(s == 0)
    def _():
        pltpu.sync_copy(zbuf.at[pl.ds(0, 16)], acc.at[pl.ds(96 * ZC, 16)])
    plsc.subcore_barrier()

    for half in range(2):
        if half:
            pltpu.sync_copy(src_hbm.at[c, s, pl.ds(NHALF, NHALF)], idx_s)
            pltpu.sync_copy(dst_hbm.at[s, pl.ds(NHALF, NHALF)], idx_d)
            for b in range(NBUF):
                pltpu.async_copy(h_hbm.at[idx_s.at[b]], bufs[b], sem_g)

        def chunk(i, carry):
            for b in range(NBUF):
                k = NBUF * i + b
                pltpu.make_async_copy(h_hbm.at[idx_s.at[k]], bufs[b],
                                      sem_g).wait()
                pltpu.async_copy(bufs[b], acc.at[idx_d.at[k]], sem_s,
                                 add=True)
            for b in range(NBUF):
                k = NBUF * i + b
                pltpu.make_async_copy(bufs[b], acc.at[idx_d.at[k]],
                                      sem_s).wait()

                @pl.when(k + NBUF < NHALF)
                def _():
                    pltpu.async_copy(h_hbm.at[idx_s.at[k + NBUF]], bufs[b],
                                     sem_g)
            return carry
        lax.fori_loop(0, NHALF // NBUF, chunk, None)

    plsc.subcore_barrier()
    for t in range((NZ + NSUB - 1) // NSUB):
        j = s + NSUB * t

        @pl.when(j < NZ)
        def _():
            pltpu.sync_copy(acc.at[pl.ds(j * Z, Z)],
                            out_hbm.at[c, pl.ds(j * Z, Z)])


_sc_spmm = pl.kernel(
    _spmm_body,
    out_type=jax.ShapeDtypeStruct((NCORES, N, FH), jnp.float32),
    mesh=_mesh,
    scratch_types=[
        pltpu.VMEM((NHALF, CS), jnp.int32),
        pltpu.VMEM((NHALF, CS), jnp.int32),
        tuple(pltpu.VMEM((CS, FH), jnp.float32) for _ in range(NBUF)),
        pltpu.VMEM((ZC, FH), jnp.float32),
        pltpu.VMEM_SHARED((N + 8, FH), jnp.float32),
        pltpu.SemaphoreType.DMA,
        pltpu.SemaphoreType.DMA,
    ],
    compiler_params=pltpu.CompilerParams(use_tc_tiling_on_sc=False))

NCHUNK_D = 80
WIN = 8


def _cnt_body(dst_hbm, cnt_hbm, idx_d, ones, zbuf16, cnt_sh, sem):
    c = lax.axis_index("c")
    s = lax.axis_index("s")
    wid = c * NSUB + s
    pltpu.sync_copy(dst_hbm.at[wid], idx_d)

    _zero_vmem(zbuf16, Z, CW)

    def fill_ones(i, carry):
        ones[i, pl.ds(0, CW)] = jnp.ones((CW,), jnp.float32)
        return carry
    lax.fori_loop(0, C, fill_ones, None)
    for t in range((NZ + NSUB - 1) // NSUB):
        j = s + NSUB * t

        @pl.when(j < NZ)
        def _():
            pltpu.sync_copy(zbuf16, cnt_sh.at[pl.ds(j * Z, Z)])
    plsc.subcore_barrier()

    def chunk(k, carry):
        pltpu.async_copy(ones, cnt_sh.at[idx_d.at[k]], sem, add=True)

        @pl.when(k >= WIN)
        def _():
            pltpu.make_async_copy(ones, cnt_sh.at[idx_d.at[0]], sem).wait()
        return carry
    lax.fori_loop(0, NCHUNK_D, chunk, None)
    for _ in range(WIN):
        pltpu.make_async_copy(ones, cnt_sh.at[idx_d.at[0]], sem).wait()

    plsc.subcore_barrier()
    for t in range((NZ + NSUB - 1) // NSUB):
        j = s + NSUB * t

        @pl.when(j < NZ)
        def _():
            pltpu.sync_copy(cnt_sh.at[pl.ds(j * Z, Z)],
                            cnt_hbm.at[c, pl.ds(j * Z, Z)])


_sc_cnt = pl.kernel(
    _cnt_body,
    out_type=jax.ShapeDtypeStruct((NCORES, N, CW), jnp.float32),
    mesh=_mesh,
    scratch_types=[
        pltpu.VMEM((NCHUNK_D, C), jnp.int32),
        pltpu.VMEM((C, CW), jnp.float32),
        pltpu.VMEM((Z, CW), jnp.float32),
        pltpu.VMEM_SHARED((N + 8, CW), jnp.float32),
        pltpu.SemaphoreType.DMA,
    ],
    compiler_params=pltpu.CompilerParams(use_tc_tiling_on_sc=False))

R = 2000


def _dots(mean, h, wl_ref, wr_ref, bl_ref):
    return (jnp.dot(mean, wl_ref[...], preferred_element_type=jnp.float32,
                    precision=lax.Precision.DEFAULT)
            + jnp.dot(h, wr_ref[...], preferred_element_type=jnp.float32,
                      precision=lax.Precision.DEFAULT)
            + bl_ref[...])


def _combine_body(p_ref, c_ref, h_ref, wl_ref, wr_ref, bl_ref, o_ref):
    cnt = jnp.maximum(c_ref[0, :, 0:1] + c_ref[1, :, 0:1], 1.0)
    mean = jnp.concatenate([p_ref[0], p_ref[1]], axis=1) / cnt
    o_ref[...] = jnp.maximum(_dots(mean, h_ref[...], wl_ref, wr_ref, bl_ref),
                             0.0)


def _final_body(p_ref, c_ref, h_ref, wl_ref, wr_ref, bl_ref, wc_ref, bc_ref,
                o_ref):
    cnt = jnp.maximum(c_ref[0, :, 0:1] + c_ref[1, :, 0:1], 1.0)
    mean = jnp.concatenate([p_ref[0], p_ref[1]], axis=1) / cnt
    y = _dots(mean, h_ref[...], wl_ref, wr_ref, bl_ref)
    o_ref[...] = (jnp.dot(y, wc_ref[...], preferred_element_type=jnp.float32,
                          precision=lax.Precision.DEFAULT)
                  + bc_ref[...])


_common_specs = [
    pl.BlockSpec((NCORES, R, FH), lambda i: (0, i, 0)),
    pl.BlockSpec((NCORES, R, CW), lambda i: (0, i, 0)),
    pl.BlockSpec((R, F), lambda i: (i, 0)),
    pl.BlockSpec((F, F), lambda i: (0, 0)),
    pl.BlockSpec((F, F), lambda i: (0, 0)),
    pl.BlockSpec((1, F), lambda i: (0, 0)),
]

_combine_relu = pl.pallas_call(
    _combine_body,
    grid=(N // R,),
    in_specs=_common_specs,
    out_specs=pl.BlockSpec((R, F), lambda i: (i, 0)),
    out_shape=jax.ShapeDtypeStruct((N, F), jnp.float32),
)

_combine_final = pl.pallas_call(
    _final_body,
    grid=(N // R,),
    in_specs=_common_specs + [
        pl.BlockSpec((F, NCLS), lambda i: (0, 0)),
        pl.BlockSpec((1, NCLS), lambda i: (0, 0)),
    ],
    out_specs=pl.BlockSpec((R, NCLS), lambda i: (i, 0)),
    out_shape=jax.ShapeDtypeStruct((N, NCLS), jnp.float32),
)


def kernel(x, edge_index, Wl0, bl0, Wr0, Wl1, bl1, Wr1, Wl2, bl2, Wr2, Wc,
           bc):
    srcw = edge_index[0].reshape(NSUB, EPS)
    src2 = jnp.stack([2 * srcw, 2 * srcw + 1]).reshape(NCORES, NSUB,
                                                       NCHUNK, CS)
    dst3 = edge_index[1].reshape(NSUB, NCHUNK, CS)
    dw = edge_index[1].reshape(NCORES * NSUB, E // (NCORES * NSUB))
    dwp = jnp.pad(dw, ((0, 0), (0, NCHUNK_D * C - dw.shape[1])),
                  constant_values=N).reshape(NCORES * NSUB, NCHUNK_D, C)

    cnt = _sc_cnt(dwp)
    p0 = _sc_spmm(x.reshape(2 * N, FH), src2, dst3)
    h1 = _combine_relu(p0, cnt, x, Wl0, Wr0, bl0.reshape(1, F))
    p1 = _sc_spmm(h1.reshape(2 * N, FH), src2, dst3)
    h2 = _combine_relu(p1, cnt, h1, Wl1, Wr1, bl1.reshape(1, F))
    p2 = _sc_spmm(h2.reshape(2 * N, FH), src2, dst3)
    return _combine_final(p2, cnt, h2, Wl2, Wr2, bl2.reshape(1, F), Wc,
                          bc.reshape(1, NCLS))

# --- scband reference (transcript-rebuilt; emitter-appended) ---
"""Pipeline reference for scband-graph-sage-55018531062472 (READ-ONLY COPY).

The authoritative reference and input builder live on the scoring server;
editing this copy changes nothing except your own understanding.
"""

import jax, jax.numpy as jnp
import numpy as np

N = 10000
E = 320000
IN = 128
HID = 128
NC = 64


def setup_inputs(seed: int = 0) -> dict:
    key = jax.random.key(seed)
    ks = jax.random.split(key, 14)
    x = jax.random.normal(ks[0], (N, IN), dtype=jnp.float32)
    edge_index = jax.random.randint(ks[1], (2, E), 0, N, dtype=jnp.int32)
    def lin(k, fan_in, fan_out):
        s = 1.0 / np.sqrt(fan_in)
        return jax.random.uniform(k, (fan_in, fan_out), jnp.float32, -s, s)
    # SAGEConv layer 0: in=IN, out=HID
    Wl0 = lin(ks[2], IN, HID); bl0 = jnp.zeros((HID,), jnp.float32); Wr0 = lin(ks[3], IN, HID)
    # SAGEConv layer 1: in=HID, out=HID
    Wl1 = lin(ks[4], HID, HID); bl1 = jnp.zeros((HID,), jnp.float32); Wr1 = lin(ks[5], HID, HID)
    # SAGEConv layer 2: in=HID, out=HID
    Wl2 = lin(ks[6], HID, HID); bl2 = jnp.zeros((HID,), jnp.float32); Wr2 = lin(ks[7], HID, HID)
    # classifier
    Wc = lin(ks[8], HID, NC); bc = jnp.zeros((NC,), jnp.float32)
    return {"x": x, "edge_index": edge_index,
            "Wl0": Wl0, "bl0": bl0, "Wr0": Wr0,
            "Wl1": Wl1, "bl1": bl1, "Wr1": Wr1,
            "Wl2": Wl2, "bl2": bl2, "Wr2": Wr2,
            "Wc": Wc, "bc": bc}


def _sage_conv(x, edge_index, Wl, bl, Wr):
    src = edge_index[0]
    dst = edge_index[1]
    msgs = jnp.take(x, src, axis=0)
    agg = jax.ops.segment_sum(msgs, dst, num_segments=N)
    cnt = jax.ops.segment_sum(jnp.ones((E,), jnp.float32), dst, num_segments=N)
    mean = agg / jnp.clip(cnt, 1.0, None)[:, None]
    return mean @ Wl + bl + x @ Wr


def reference(x, edge_index, Wl0, bl0, Wr0, Wl1, bl1, Wr1, Wl2, bl2, Wr2, Wc, bc):
    h = _sage_conv(x, edge_index, Wl0, bl0, Wr0)
    h = jax.nn.relu(h)  # dropout is identity in eval mode
    h = _sage_conv(h, edge_index, Wl1, bl1, Wr1)
    h = jax.nn.relu(h)
    h = _sage_conv(h, edge_index, Wl2, bl2, Wr2)
    return h @ Wc + bc

if __name__ == "__main__":
    import jax
    _d = setup_inputs()
    print(jax.jit(kernel)(*tuple(_d.values())))

</pallas_src>

<mosaic_0001>
#map = affine_map<(d0, d1) -> (0, 0)>
#map1 = affine_map<(d0, d1) -> (0, 0, 0, 0)>
#map2 = affine_map<(d0, d1) -> (0, 0, 0)>
module attributes {stable_mosaic.version = 14 : i64} {
  func.func @_spmm_body(%arg0: i32, %arg1: i32, %arg2: memref<20000x64xf32, #tpu.memory_space<hbm>>, %arg3: memref<2x16x160x125xi32, #tpu.memory_space<hbm>>, %arg4: memref<16x160x125xi32, #tpu.memory_space<hbm>>, %arg5: memref<2x10000x64xf32, #tpu.memory_space<hbm>>, %arg6: memref<80x125xi32, #tpu.memory_space<vmem>>, %arg7: memref<80x125xi32, #tpu.memory_space<vmem>>, %arg8: memref<125x64xf32, #tpu.memory_space<vmem>>, %arg9: memref<125x64xf32, #tpu.memory_space<vmem>>, %arg10: memref<125x64xf32, #tpu.memory_space<vmem>>, %arg11: memref<125x64xf32, #tpu.memory_space<vmem>>, %arg12: memref<125x64xf32, #tpu.memory_space<vmem>>, %arg13: memref<104x64xf32, #tpu.memory_space<vmem>>, %arg14: memref<10008x64xf32, #tpu.memory_space<vmem_shared>>, %arg15: memref<!tpu.dma_semaphore, #tpu.memory_space<semaphore_mem>>, %arg16: memref<!tpu.dma_semaphore, #tpu.memory_space<semaphore_mem>>) attributes {dimension_semantics = [#tpu.dimension_semantics<core_parallel>, #tpu.dimension_semantics<subcore_parallel>], iteration_bounds = array<i64: 2, 16>, scalar_prefetch = 0 : i64, scratch_operands = 11 : i64, tpu.core_type = #tpu.core_type<sc_vector_subcore>, window_params = [{transform_indices = #map}, {transform_indices = #map1}, {transform_indices = #map2}, {transform_indices = #map2}]} {
    "tpu.region"() ({
      %run_scoped3A = tpu.sem_alloc : memref<!tpu.dma_semaphore, #tpu.memory_space<semaphore_mem>>
      %dma_start3A_135 = arith.constant 0 : i32
      %dma_start3A_136 = arith.constant 0 : i32
      %dma_start3A_137 = tpu.memref_slice %arg3[%arg0, %arg1, %dma_start3A_135, %dma_start3A_136] : memref<2x16x160x125xi32, #tpu.memory_space<hbm>> -> memref<1x1x80x125xi32, #tpu.memory_space<hbm>>
      %dma_start3A_138 = tpu.memref_squeeze %dma_start3A_137 : memref<1x1x80x125xi32, #tpu.memory_space<hbm>> -> memref<80x125xi32, #tpu.memory_space<hbm>>
      %dma_start3A_139 = arith.constant 0 : i32
      %dma_start3A_140 = arith.constant 0 : i32
      %dma_start3A_141 = tpu.memref_slice %arg3[%arg0, %arg1, %dma_start3A_139, %dma_start3A_140] : memref<2x16x160x125xi32, #tpu.memory_space<hbm>> -> memref<1x1x80x125xi32, #tpu.memory_space<hbm>>
      %dma_start3A_142 = tpu.memref_squeeze %dma_start3A_141 : memref<1x1x80x125xi32, #tpu.memory_space<hbm>> -> memref<80x125xi32, #tpu.memory_space<hbm>>
      tpu.enqueue_dma source(%dma_start3A_142 : memref<80x125xi32, #tpu.memory_space<hbm>>) target(%arg6 : memref<80x125xi32, #tpu.memory_space<vmem>>) target_semaphore(%run_scoped3A : memref<!tpu.dma_semaphore, #tpu.memory_space<semaphore_mem>>)
      %dma_wait3A = arith.constant 0 : i32
      %dma_wait3A_143 = arith.constant 0 : i32
      %dma_wait3A_144 = tpu.memref_slice %arg3[%arg0, %arg1, %dma_wait3A, %dma_wait3A_143] : memref<2x16x160x125xi32, #tpu.memory_space<hbm>> -> memref<1x1x80x125xi32, #tpu.memory_space<hbm>>
      %dma_wait3A_145 = tpu.memref_squeeze %dma_wait3A_144 : memref<1x1x80x125xi32, #tpu.memory_space<hbm>> -> memref<80x125xi32, #tpu.memory_space<hbm>>
      %dma_wait3A_146 = arith.constant 0 : i32
      %dma_wait3A_147 = arith.constant 0 : i32
      %dma_wait3A_148 = tpu.memref_slice %arg3[%arg0, %arg1, %dma_wait3A_146, %dma_wait3A_147] : memref<2x16x160x125xi32, #tpu.memory_space<hbm>> -> memref<1x1x80x125xi32, #tpu.memory_space<hbm>>
      %dma_wait3A_149 = tpu.memref_squeeze %dma_wait3A_148 : memref<1x1x80x125xi32, #tpu.memory_space<hbm>> -> memref<80x125xi32, #tpu.memory_space<hbm>>
      tpu.wait_dma2 semaphore(%run_scoped3A : memref<!tpu.dma_semaphore, #tpu.memory_space<semaphore_mem>>) src(%dma_wait3A_149 : memref<80x125xi32, #tpu.memory_space<hbm>>) dst(%arg6 : memref<80x125xi32, #tpu.memory_space<vmem>>)
      tpu.yield
    }) : () -> ()
    "tpu.region"() ({
      %run_scoped3A = tpu.sem_alloc : memref<!tpu.dma_semaphore, #tpu.memory_space<semaphore_mem>>
      %dma_start3A_135 = arith.constant 0 : i32
      %dma_start3A_136 = arith.constant 0 : i32
      %dma_start3A_137 = tpu.memref_slice %arg4[%arg1, %dma_start3A_135, %dma_start3A_136] : memref<16x160x125xi32, #tpu.memory_space<hbm>> -> memref<1x80x125xi32, #tpu.memory_space<hbm>>
      %dma_start3A_138 = tpu.memref_squeeze %dma_start3A_137 : memref<1x80x125xi32, #tpu.memory_space<hbm>> -> memref<80x125xi32, #tpu.memory_space<hbm>>
      %dma_start3A_139 = arith.constant 0 : i32
      %dma_start3A_140 = arith.constant 0 : i32
      %dma_start3A_141 = tpu.memref_slice %arg4[%arg1, %dma_start3A_139, %dma_start3A_140] : memref<16x160x125xi32, #tpu.memory_space<hbm>> -> memref<1x80x125xi32, #tpu.memory_space<hbm>>
      %dma_start3A_142 = tpu.memref_squeeze %dma_start3A_141 : memref<1x80x125xi32, #tpu.memory_space<hbm>> -> memref<80x125xi32, #tpu.memory_space<hbm>>
      tpu.enqueue_dma source(%dma_start3A_142 : memref<80x125xi32, #tpu.memory_space<hbm>>) target(%arg7 : memref<80x125xi32, #tpu.memory_space<vmem>>) target_semaphore(%run_scoped3A : memref<!tpu.dma_semaphore, #tpu.memory_space<semaphore_mem>>)
      %dma_wait3A = arith.constant 0 : i32
      %dma_wait3A_143 = arith.constant 0 : i32
      %dma_wait3A_144 = tpu.memref_slice %arg4[%arg1, %dma_wait3A, %dma_wait3A_143] : memref<16x160x125xi32, #tpu.memory_space<hbm>> -> memref<1x80x125xi32, #tpu.memory_space<hbm>>
      %dma_wait3A_145 = tpu.memref_squeeze %dma_wait3A_144 : memref<1x80x125xi32, #tpu.memory_space<hbm>> -> memref<80x125xi32, #tpu.memory_space<hbm>>
      %dma_wait3A_146 = arith.constant 0 : i32
      %dma_wait3A_147 = arith.constant 0 : i32
      %dma_wait3A_148 = tpu.memref_slice %arg4[%arg1, %dma_wait3A_146, %dma_wait3A_147] : memref<16x160x125xi32, #tpu.memory_space<hbm>> -> memref<1x80x125xi32, #tpu.memory_space<hbm>>
      %dma_wait3A_149 = tpu.memref_squeeze %dma_wait3A_148 : memref<1x80x125xi32, #tpu.memory_space<hbm>> -> memref<80x125xi32, #tpu.memory_space<hbm>>
      tpu.wait_dma2 semaphore(%run_scoped3A : memref<!tpu.dma_semaphore, #tpu.memory_space<semaphore_mem>>) src(%dma_wait3A_149 : memref<80x125xi32, #tpu.memory_space<hbm>>) dst(%arg7 : memref<80x125xi32, #tpu.memory_space<vmem>>)
      tpu.yield
    }) : () -> ()
    %dma_start3A = arith.constant 0 : i32
    %dma_start3A_0 = arith.constant 0 : i32
    %dma_start3A_1 = tpu.memref_slice %arg6[%dma_start3A, %dma_start3A_0] : memref<80x125xi32, #tpu.memory_space<vmem>> -> memref<1x125xi32, #tpu.memory_space<vmem>>
    %dma_start3A_2 = tpu.memref_squeeze %dma_start3A_1 : memref<1x125xi32, #tpu.memory_space<vmem>> -> memref<125xi32, #tpu.memory_space<vmem>>
    %dma_start3A_3 = arith.constant 0 : i32
    %dma_start3A_4 = arith.constant 0 : i32
    %dma_start3A_5 = tpu.memref_slice %arg2[%dma_start3A_3, %dma_start3A_4] : memref<20000x64xf32, #tpu.memory_space<hbm>> -> memref<20000x64xf32, #tpu.memory_space<hbm>>
    tpu.enqueue_indirect_dma source(%dma_start3A_5 : memref<20000x64xf32, #tpu.memory_space<hbm>>) target(%arg8 : memref<125x64xf32, #tpu.memory_space<vmem>>) offsets(%dma_start3A_2 : memref<125xi32, #tpu.memory_space<vmem>>) semaphore(%arg15 : memref<!tpu.dma_semaphore, #tpu.memory_space<semaphore_mem>>)
    %dma_start3A_6 = arith.constant 1 : i32
    %dma_start3A_7 = arith.constant 0 : i32
    %dma_start3A_8 = tpu.memref_slice %arg6[%dma_start3A_6, %dma_start3A_7] : memref<80x125xi32, #tpu.memory_space<vmem>> -> memref<1x125xi32, #tpu.memory_space<vmem>>
    %dma_start3A_9 = tpu.memref_squeeze %dma_start3A_8 : memref<1x125xi32, #tpu.memory_space<vmem>> -> memref<125xi32, #tpu.memory_space<vmem>>
    %dma_start3A_10 = arith.constant 0 : i32
    %dma_start3A_11 = arith.constant 0 : i32
    %dma_start3A_12 = tpu.memref_slice %arg2[%dma_start3A_10, %dma_start3A_11] : memref<20000x64xf32, #tpu.memory_space<hbm>> -> memref<20000x64xf32, #tpu.memory_space<hbm>>
    tpu.enqueue_indirect_dma source(%dma_start3A_12 : memref<20000x64xf32, #tpu.memory_space<hbm>>) target(%arg9 : memref<125x64xf32, #tpu.memory_space<vmem>>) offsets(%dma_start3A_9 : memref<125xi32, #tpu.memory_space<vmem>>) semaphore(%arg15 : memref<!tpu.dma_semaphore, #tpu.memory_space<semaphore_mem>>)
    %dma_start3A_13 = arith.constant 2 : i32
    %dma_start3A_14 = arith.constant 0 : i32
    %dma_start3A_15 = tpu.memref_slice %arg6[%dma_start3A_13, %dma_start3A_14] : memref<80x125xi32, #tpu.memory_space<vmem>> -> memref<1x125xi32, #tpu.memory_space<vmem>>
    %dma_start3A_16 = tpu.memref_squeeze %dma_start3A_15 : memref<1x125xi32, #tpu.memory_space<vmem>> -> memref<125xi32, #tpu.memory_space<vmem>>
    %dma_start3A_17 = arith.constant 0 : i32
    %dma_start3A_18 = arith.constant 0 : i32
    %dma_start3A_19 = tpu.memref_slice %arg2[%dma_start3A_17, %dma_start3A_18] : memref<20000x64xf32, #tpu.memory_space<hbm>> -> memref<20000x64xf32, #tpu.memory_space<hbm>>
    tpu.enqueue_indirect_dma source(%dma_start3A_19 : memref<20000x64xf32, #tpu.memory_space<hbm>>) target(%arg10 : memref<125x64xf32, #tpu.memory_space<vmem>>) offsets(%dma_start3A_16 : memref<125xi32, #tpu.memory_space<vmem>>) semaphore(%arg15 : memref<!tpu.dma_semaphore, #tpu.memory_space<semaphore_mem>>)
    %dma_start3A_20 = arith.constant 3 : i32
    %dma_start3A_21 = arith.constant 0 : i32
    %dma_start3A_22 = tpu.memref_slice %arg6[%dma_start3A_20, %dma_start3A_21] : memref<80x125xi32, #tpu.memory_space<vmem>> -> memref<1x125xi32, #tpu.memory_space<vmem>>
    %dma_start3A_23 = tpu.memref_squeeze %dma_start3A_22 : memref<1x125xi32, #tpu.memory_space<vmem>> -> memref<125xi32, #tpu.memory_space<vmem>>
    %dma_start3A_24 = arith.constant 0 : i32
    %dma_start3A_25 = arith.constant 0 : i32
    %dma_start3A_26 = tpu.memref_slice %arg2[%dma_start3A_24, %dma_start3A_25] : memref<20000x64xf32, #tpu.memory_space<hbm>> -> memref<20000x64xf32, #tpu.memory_space<hbm>>
    tpu.enqueue_indirect_dma source(%dma_start3A_26 : memref<20000x64xf32, #tpu.memory_space<hbm>>) target(%arg11 : memref<125x64xf32, #tpu.memory_space<vmem>>) offsets(%dma_start3A_23 : memref<125xi32, #tpu.memory_space<vmem>>) semaphore(%arg15 : memref<!tpu.dma_semaphore, #tpu.memory_space<semaphore_mem>>)
    %dma_start3A_27 = arith.constant 4 : i32
    %dma_start3A_28 = arith.constant 0 : i32
    %dma_start3A_29 = tpu.memref_slice %arg6[%dma_start3A_27, %dma_start3A_28] : memref<80x125xi32, #tpu.memory_space<vmem>> -> memref<1x125xi32, #tpu.memory_space<vmem>>
    %dma_start3A_30 = tpu.memref_squeeze %dma_start3A_29 : memref<1x125xi32, #tpu.memory_space<vmem>> -> memref<125xi32, #tpu.memory_space<vmem>>
    %dma_start3A_31 = arith.constant 0 : i32
    %dma_start3A_32 = arith.constant 0 : i32
    %dma_start3A_33 = tpu.memref_slice %arg2[%dma_start3A_31, %dma_start3A_32] : memref<20000x64xf32, #tpu.memory_space<hbm>> -> memref<20000x64xf32, #tpu.memory_space<hbm>>
    tpu.enqueue_indirect_dma source(%dma_start3A_33 : memref<20000x64xf32, #tpu.memory_space<hbm>>) target(%arg12 : memref<125x64xf32, #tpu.memory_space<vmem>>) offsets(%dma_start3A_30 : memref<125xi32, #tpu.memory_space<vmem>>) semaphore(%arg15 : memref<!tpu.dma_semaphore, #tpu.memory_space<semaphore_mem>>)
    %scan3A = arith.constant 0 : i32
    %scan3A_34 = arith.constant 416 : i32
    %scan3A_35 = arith.addi %scan3A, %scan3A_34 : i32
    %scan3A_36 = arith.constant 1 : i32
    scf.for %scan3A_135 = %scan3A to %scan3A_35 step %scan3A_36  : i32 {
      %broadcast_in_dim3A = arith.constant 0.000000e+00 : f32
      %broadcast_in_dim3A_136 = vector.broadcast %broadcast_in_dim3A : f32 to vector<16xf32>
      %jit3A = arith.constant 4 : i32
      %div3A = arith.divsi %scan3A_135, %jit3A : i32
      %sign3A = arith.constant 0 : i32
      %sign3A_137 = arith.cmpi sgt, %scan3A_135, %sign3A : i32
      %sign3A_138 = arith.extui %sign3A_137 : i1 to i32
      %sign3A_139 = arith.constant 0 : i32
      %sign3A_140 = arith.cmpi slt, %scan3A_135, %sign3A_139 : i32
      %sign3A_141 = arith.extui %sign3A_140 : i1 to i32
      %sign3A_142 = arith.subi %sign3A_138, %sign3A_141 : i32
      %sign3A_143 = arith.constant 0 : i32
      %sign3A_144 = arith.cmpi sgt, %jit3A, %sign3A_143 : i32
      %sign3A_145 = arith.extui %sign3A_144 : i1 to i32
      %sign3A_146 = arith.constant 0 : i32
      %sign3A_147 = arith.cmpi slt, %jit3A, %sign3A_146 : i32
      %sign3A_148 = arith.extui %sign3A_147 : i1 to i32
      %sign3A_149 = arith.subi %sign3A_145, %sign3A_148 : i32
      %ne3A = arith.cmpi ne, %sign3A_142, %sign3A_149 : i32
      %rem3A = arith.remsi %scan3A_135, %jit3A : i32
      %ne3A_150 = arith.constant 0 : i32
      %ne3A_151 = arith.cmpi ne, %rem3A, %ne3A_150 : i32
      %and3A = arith.andi %ne3A, %ne3A_151 : i1
      %sub3A = arith.constant 1 : i32
      %sub3A_152 = arith.subi %div3A, %sub3A : i32
      %select_n3A = arith.select %and3A, %sub3A_152, %div3A : i32
      %jit3A_153 = arith.constant 4 : i32
      %eq3A_154 = arith.constant 0 : i32
      %eq3A_155 = arith.cmpi eq, %jit3A_153, %eq3A_154 : i32
      %jit3A_156 = arith.constant 1 : i32
      %select_n3A_157 = arith.select %eq3A_155, %jit3A_156, %jit3A_153 : i32
      %rem3A_158 = arith.remsi %scan3A_135, %select_n3A_157 : i32
      %ne3A_159 = arith.constant 0 : i32
      %ne3A_160 = arith.cmpi ne, %rem3A_158, %ne3A_159 : i32
      %lt3A_161 = arith.constant 0 : i32
      %lt3A_162 = arith.cmpi slt, %rem3A_158, %lt3A_161 : i32
      %lt3A_163 = arith.constant 0 : i32
      %lt3A_164 = arith.cmpi slt, %select_n3A_157, %lt3A_163 : i32
      %ne3A_165 = arith.xori %lt3A_162, %lt3A_164 : i1
      %and3A_166 = arith.andi %ne3A_165, %ne3A_160 : i1
      %add3A_167 = arith.addi %rem3A_158, %select_n3A_157 : i32
      %select_n3A_168 = arith.select %and3A_166, %add3A_167, %rem3A_158 : i32
      %mul3A_169 = arith.constant 16 : i32
      %mul3A_170 = arith.muli %select_n3A_168, %mul3A_169 : i32
      %swap3A = arith.index_cast %select_n3A : i32 to index
      %swap3A_171 = arith.index_cast %mul3A_170 : i32 to index
      %swap3A_172 = tpu.vector_load %arg13[%swap3A, %swap3A_171] {strides = array<i32>} : memref<104x64xf32, #tpu.memory_space<vmem>>, vector<1x16xf32>,
      %swap3A_173 = vector.shape_cast %swap3A_172 : vector<1x16xf32> to vector<16xf32>
      %swap3A_174 = vector.shape_cast %broadcast_in_dim3A_136 : vector<16xf32> to vector<1x16xf32>
      tpu.vector_store %arg13[%swap3A, %swap3A_171], %swap3A_174 {strides = array<i32>} : memref<104x64xf32, #tpu.memory_space<vmem>>, vector<1x16xf32>,
    }
    %scan3A_37 = arith.constant 416 : i32
    %add3A = arith.constant 0 : i32
    %add3A_38 = arith.addi %arg1, %add3A : i32
    %mul3A = arith.constant 104 : i32
    %mul3A_39 = arith.muli %add3A_38, %mul3A : i32
    "tpu.region"() ({
      %run_scoped3A = tpu.sem_alloc : memref<!tpu.dma_semaphore, #tpu.memory_space<semaphore_mem>>
      %dma_start3A_135 = arith.constant 0 : i32
      %dma_start3A_136 = tpu.memref_slice %arg14[%mul3A_39, %dma_start3A_135] : memref<10008x64xf32, #tpu.memory_space<vmem_shared>> -> memref<104x64xf32, #tpu.memory_space<vmem_shared>>
      %dma_start3A_137 = arith.constant 0 : i32
      %dma_start3A_138 = tpu.memref_slice %arg14[%mul3A_39, %dma_start3A_137] : memref<10008x64xf32, #tpu.memory_space<vmem_shared>> -> memref<104x64xf32, #tpu.memory_space<vmem_shared>>
      tpu.enqueue_dma source(%arg13 : memref<104x64xf32, #tpu.memory_space<vmem>>) target(%dma_start3A_138 : memref<104x64xf32, #tpu.memory_space<vmem_shared>>) target_semaphore(%run_scoped3A : memref<!tpu.dma_semaphore, #tpu.memory_space<semaphore_mem>>)
      %dma_wait3A = arith.constant 0 : i32
      %dma_wait3A_139 = tpu.memref_slice %arg14[%mul3A_39, %dma_wait3A] : memref<10008x64xf32, #tpu.memory_space<vmem_shared>> -> memref<104x64xf32, #tpu.memory_space<vmem_shared>>
      %dma_wait3A_140 = arith.constant 0 : i32
      %dma_wait3A_141 = tpu.memref_slice %arg14[%mul3A_39, %dma_wait3A_140] : memref<10008x64xf32, #tpu.memory_space<vmem_shared>> -> memref<104x64xf32, #tpu.memory_space<vmem_shared>>
      tpu.wait_dma2 semaphore(%run_scoped3A : memref<!tpu.dma_semaphore, #tpu.memory_space<semaphore_mem>>) src(%arg13 : memref<104x64xf32, #tpu.memory_space<vmem>>) dst(%dma_wait3A_141 : memref<104x64xf32, #tpu.memory_space<vmem_shared>>)
      tpu.yield
    }) : () -> ()
    %add3A_40 = arith.constant 16 : i32
    %add3A_41 = arith.addi %arg1, %add3A_40 : i32
    %mul3A_42 = arith.constant 104 : i32
    %mul3A_43 = arith.muli %add3A_41, %mul3A_42 : i32
    "tpu.region"() ({
      %run_scoped3A = tpu.sem_alloc : memref<!tpu.dma_semaphore, #tpu.memory_space<semaphore_mem>>
      %dma_start3A_135 = arith.constant 0 : i32
      %dma_start3A_136 = tpu.memref_slice %arg14[%mul3A_43, %dma_start3A_135] : memref<10008x64xf32, #tpu.memory_space<vmem_shared>> -> memref<104x64xf32, #tpu.memory_space<vmem_shared>>
      %dma_start3A_137 = arith.constant 0 : i32
      %dma_start3A_138 = tpu.memref_slice %arg14[%mul3A_43, %dma_start3A_137] : memref<10008x64xf32, #tpu.memory_space<vmem_shared>> -> memref<104x64xf32, #tpu.memory_space<vmem_shared>>
      tpu.enqueue_dma source(%arg13 : memref<104x64xf32, #tpu.memory_space<vmem>>) target(%dma_start3A_138 : memref<104x64xf32, #tpu.memory_space<vmem_shared>>) target_semaphore(%run_scoped3A : memref<!tpu.dma_semaphore, #tpu.memory_space<semaphore_mem>>)
      %dma_wait3A = arith.constant 0 : i32
      %dma_wait3A_139 = tpu.memref_slice %arg14[%mul3A_43, %dma_wait3A] : memref<10008x64xf32, #tpu.memory_space<vmem_shared>> -> memref<104x64xf32, #tpu.memory_space<vmem_shared>>
      %dma_wait3A_140 = arith.constant 0 : i32
      %dma_wait3A_141 = tpu.memref_slice %arg14[%mul3A_43, %dma_wait3A_140] : memref<10008x64xf32, #tpu.memory_space<vmem_shared>> -> memref<104x64xf32, #tpu.memory_space<vmem_shared>>
      tpu.wait_dma2 semaphore(%run_scoped3A : memref<!tpu.dma_semaphore, #tpu.memory_space<semaphore_mem>>) src(%arg13 : memref<104x64xf32, #tpu.memory_space<vmem>>) dst(%dma_wait3A_141 : memref<104x64xf32, #tpu.memory_space<vmem_shared>>)
      tpu.yield
    }) : () -> ()
    %add3A_44 = arith.constant 32 : i32
    %add3A_45 = arith.addi %arg1, %add3A_44 : i32
    %mul3A_46 = arith.constant 104 : i32
    %mul3A_47 = arith.muli %add3A_45, %mul3A_46 : i32
    "tpu.region"() ({
      %run_scoped3A = tpu.sem_alloc : memref<!tpu.dma_semaphore, #tpu.memory_space<semaphore_mem>>
      %dma_start3A_135 = arith.constant 0 : i32
      %dma_start3A_136 = tpu.memref_slice %arg14[%mul3A_47, %dma_start3A_135] : memref<10008x64xf32, #tpu.memory_space<vmem_shared>> -> memref<104x64xf32, #tpu.memory_space<vmem_shared>>
      %dma_start3A_137 = arith.constant 0 : i32
      %dma_start3A_138 = tpu.memref_slice %arg14[%mul3A_47, %dma_start3A_137] : memref<10008x64xf32, #tpu.memory_space<vmem_shared>> -> memref<104x64xf32, #tpu.memory_space<vmem_shared>>
      tpu.enqueue_dma source(%arg13 : memref<104x64xf32, #tpu.memory_space<vmem>>) target(%dma_start3A_138 : memref<104x64xf32, #tpu.memory_space<vmem_shared>>) target_semaphore(%run_scoped3A : memref<!tpu.dma_semaphore, #tpu.memory_space<semaphore_mem>>)
      %dma_wait3A = arith.constant 0 : i32
      %dma_wait3A_139 = tpu.memref_slice %arg14[%mul3A_47, %dma_wait3A] : memref<10008x64xf32, #tpu.memory_space<vmem_shared>> -> memref<104x64xf32, #tpu.memory_space<vmem_shared>>
      %dma_wait3A_140 = arith.constant 0 : i32
      %dma_wait3A_141 = tpu.memref_slice %arg14[%mul3A_47, %dma_wait3A_140] : memref<10008x64xf32, #tpu.memory_space<vmem_shared>> -> memref<104x64xf32, #tpu.memory_space<vmem_shared>>
      tpu.wait_dma2 semaphore(%run_scoped3A : memref<!tpu.dma_semaphore, #tpu.memory_space<semaphore_mem>>) src(%arg13 : memref<104x64xf32, #tpu.memory_space<vmem>>) dst(%dma_wait3A_141 : memref<104x64xf32, #tpu.memory_space<vmem_shared>>)
      tpu.yield
    }) : () -> ()
    %add3A_48 = arith.constant 48 : i32
    %add3A_49 = arith.addi %arg1, %add3A_48 : i32
    %mul3A_50 = arith.constant 104 : i32
    %mul3A_51 = arith.muli %add3A_49, %mul3A_50 : i32
    "tpu.region"() ({
      %run_scoped3A = tpu.sem_alloc : memref<!tpu.dma_semaphore, #tpu.memory_space<semaphore_mem>>
      %dma_start3A_135 = arith.constant 0 : i32
      %dma_start3A_136 = tpu.memref_slice %arg14[%mul3A_51, %dma_start3A_135] : memref<10008x64xf32, #tpu.memory_space<vmem_shared>> -> memref<104x64xf32, #tpu.memory_space<vmem_shared>>
      %dma_start3A_137 = arith.constant 0 : i32
      %dma_start3A_138 = tpu.memref_slice %arg14[%mul3A_51, %dma_start3A_137] : memref<10008x64xf32, #tpu.memory_space<vmem_shared>> -> memref<104x64xf32, #tpu.memory_space<vmem_shared>>
      tpu.enqueue_dma source(%arg13 : memref<104x64xf32, #tpu.memory_space<vmem>>) target(%dma_start3A_138 : memref<104x64xf32, #tpu.memory_space<vmem_shared>>) target_semaphore(%run_scoped3A : memref<!tpu.dma_semaphore, #tpu.memory_space<semaphore_mem>>)
      %dma_wait3A = arith.constant 0 : i32
      %dma_wait3A_139 = tpu.memref_slice %arg14[%mul3A_51, %dma_wait3A] : memref<10008x64xf32, #tpu.memory_space<vmem_shared>> -> memref<104x64xf32, #tpu.memory_space<vmem_shared>>
      %dma_wait3A_140 = arith.constant 0 : i32
      %dma_wait3A_141 = tpu.memref_slice %arg14[%mul3A_51, %dma_wait3A_140] : memref<10008x64xf32, #tpu.memory_space<vmem_shared>> -> memref<104x64xf32, #tpu.memory_space<vmem_shared>>
      tpu.wait_dma2 semaphore(%run_scoped3A : memref<!tpu.dma_semaphore, #tpu.memory_space<semaphore_mem>>) src(%arg13 : memref<104x64xf32, #tpu.memory_space<vmem>>) dst(%dma_wait3A_141 : memref<104x64xf32, #tpu.memory_space<vmem_shared>>)
      tpu.yield
    }) : () -> ()
    %add3A_52 = arith.constant 64 : i32
    %add3A_53 = arith.addi %arg1, %add3A_52 : i32
    %mul3A_54 = arith.constant 104 : i32
    %mul3A_55 = arith.muli %add3A_53, %mul3A_54 : i32
    "tpu.region"() ({
      %run_scoped3A = tpu.sem_alloc : memref<!tpu.dma_semaphore, #tpu.memory_space<semaphore_mem>>
      %dma_start3A_135 = arith.constant 0 : i32
      %dma_start3A_136 = tpu.memref_slice %arg14[%mul3A_55, %dma_start3A_135] : memref<10008x64xf32, #tpu.memory_space<vmem_shared>> -> memref<104x64xf32, #tpu.memory_space<vmem_shared>>
      %dma_start3A_137 = arith.constant 0 : i32
      %dma_start3A_138 = tpu.memref_slice %arg14[%mul3A_55, %dma_start3A_137] : memref<10008x64xf32, #tpu.memory_space<vmem_shared>> -> memref<104x64xf32, #tpu.memory_space<vmem_shared>>
      tpu.enqueue_dma source(%arg13 : memref<104x64xf32, #tpu.memory_space<vmem>>) target(%dma_start3A_138 : memref<104x64xf32, #tpu.memory_space<vmem_shared>>) target_semaphore(%run_scoped3A : memref<!tpu.dma_semaphore, #tpu.memory_space<semaphore_mem>>)
      %dma_wait3A = arith.constant 0 : i32
      %dma_wait3A_139 = tpu.memref_slice %arg14[%mul3A_55, %dma_wait3A] : memref<10008x64xf32, #tpu.memory_space<vmem_shared>> -> memref<104x64xf32, #tpu.memory_space<vmem_shared>>
      %dma_wait3A_140 = arith.constant 0 : i32
      %dma_wait3A_141 = tpu.memref_slice %arg14[%mul3A_55, %dma_wait3A_140] : memref<10008x64xf32, #tpu.memory_space<vmem_shared>> -> memref<104x64xf32, #tpu.memory_space<vmem_shared>>
      tpu.wait_dma2 semaphore(%run_scoped3A : memref<!tpu.dma_semaphore, #tpu.memory_space<semaphore_mem>>) src(%arg13 : memref<104x64xf32, #tpu.memory_space<vmem>>) dst(%dma_wait3A_141 : memref<104x64xf32, #tpu.memory_space<vmem_shared>>)
      tpu.yield
    }) : () -> ()
    %add3A_56 = arith.constant 80 : i32
    %add3A_57 = arith.addi %arg1, %add3A_56 : i32
    %mul3A_58 = arith.constant 104 : i32
    %mul3A_59 = arith.muli %add3A_57, %mul3A_58 : i32
    "tpu.region"() ({
      %run_scoped3A = tpu.sem_alloc : memref<!tpu.dma_semaphore, #tpu.memory_space<semaphore_mem>>
      %dma_start3A_135 = arith.constant 0 : i32
      %dma_start3A_136 = tpu.memref_slice %arg14[%mul3A_59, %dma_start3A_135] : memref<10008x64xf32, #tpu.memory_space<vmem_shared>> -> memref<104x64xf32, #tpu.memory_space<vmem_shared>>
      %dma_start3A_137 = arith.constant 0 : i32
      %dma_start3A_138 = tpu.memref_slice %arg14[%mul3A_59, %dma_start3A_137] : memref<10008x64xf32, #tpu.memory_space<vmem_shared>> -> memref<104x64xf32, #tpu.memory_space<vmem_shared>>
      tpu.enqueue_dma source(%arg13 : memref<104x64xf32, #tpu.memory_space<vmem>>) target(%dma_start3A_138 : memref<104x64xf32, #tpu.memory_space<vmem_shared>>) target_semaphore(%run_scoped3A : memref<!tpu.dma_semaphore, #tpu.memory_space<semaphore_mem>>)
      %dma_wait3A = arith.constant 0 : i32
      %dma_wait3A_139 = tpu.memref_slice %arg14[%mul3A_59, %dma_wait3A] : memref<10008x64xf32, #tpu.memory_space<vmem_shared>> -> memref<104x64xf32, #tpu.memory_space<vmem_shared>>
      %dma_wait3A_140 = arith.constant 0 : i32
      %dma_wait3A_141 = tpu.memref_slice %arg14[%mul3A_59, %dma_wait3A_140] : memref<10008x64xf32, #tpu.memory_space<vmem_shared>> -> memref<104x64xf32, #tpu.memory_space<vmem_shared>>
      tpu.wait_dma2 semaphore(%run_scoped3A : memref<!tpu.dma_semaphore, #tpu.memory_space<semaphore_mem>>) src(%arg13 : memref<104x64xf32, #tpu.memory_space<vmem>>) dst(%dma_wait3A_141 : memref<104x64xf32, #tpu.memory_space<vmem_shared>>)
      tpu.yield
    }) : () -> ()
    %eq3A = arith.constant 0 : i32
    %eq3A_60 = arith.cmpi eq, %arg1, %eq3A : i32
    %convert_element_type3A = arith.extui %eq3A_60 : i1 to i32
    %cond3A = arith.constant 0 : i32
    %cond3A_61 = arith.cmpi ne, %convert_element_type3A, %cond3A : i32
    scf.if %cond3A_61 {
      "tpu.region"() ({
        %run_scoped3A = tpu.sem_alloc : memref<!tpu.dma_semaphore, #tpu.memory_space<semaphore_mem>>
        %dma_start3A_135 = arith.constant 0 : i32
        %dma_start3A_136 = arith.constant 0 : i32
        %dma_start3A_137 = tpu.memref_slice %arg13[%dma_start3A_135, %dma_start3A_136] : memref<104x64xf32, #tpu.memory_space<vmem>> -> memref<16x64xf32, #tpu.memory_space<vmem>>
        %dma_start3A_138 = arith.constant 9984 : i32
        %dma_start3A_139 = arith.constant 0 : i32
        %dma_start3A_140 = tpu.memref_slice %arg14[%dma_start3A_138, %dma_start3A_139] : memref<10008x64xf32, #tpu.memory_space<vmem_shared>> -> memref<16x64xf32, #tpu.memory_space<vmem_shared>>
        %dma_start3A_141 = arith.constant 9984 : i32
        %dma_start3A_142 = arith.constant 0 : i32
        %dma_start3A_143 = tpu.memref_slice %arg14[%dma_start3A_141, %dma_start3A_142] : memref<10008x64xf32, #tpu.memory_space<vmem_shared>> -> memref<16x64xf32, #tpu.memory_space<vmem_shared>>
        %dma_start3A_144 = arith.constant 0 : i32
        %dma_start3A_145 = arith.constant 0 : i32
        %dma_start3A_146 = tpu.memref_slice %arg13[%dma_start3A_144, %dma_start3A_145] : memref<104x64xf32, #tpu.memory_space<vmem>> -> memref<16x64xf32, #tpu.memory_space<vmem>>
        tpu.enqueue_dma source(%dma_start3A_146 : memref<16x64xf32, #tpu.memory_space<vmem>>) target(%dma_start3A_143 : memref<16x64xf32, #tpu.memory_space<vmem_shared>>) target_semaphore(%run_scoped3A : memref<!tpu.dma_semaphore, #tpu.memory_space<semaphore_mem>>)
        %dma_wait3A = arith.constant 0 : i32
        %dma_wait3A_147 = arith.constant 0 : i32
        %dma_wait3A_148 = tpu.memref_slice %arg13[%dma_wait3A, %dma_wait3A_147] : memref<104x64xf32, #tpu.memory_space<vmem>> -> memref<16x64xf32, #tpu.memory_space<vmem>>
        %dma_wait3A_149 = arith.constant 9984 : i32
        %dma_wait3A_150 = arith.constant 0 : i32
        %dma_wait3A_151 = tpu.memref_slice %arg14[%dma_wait3A_149, %dma_wait3A_150] : memref<10008x64xf32, #tpu.memory_space<vmem_shared>> -> memref<16x64xf32, #tpu.memory_space<vmem_shared>>
        %dma_wait3A_152 = arith.constant 9984 : i32
        %dma_wait3A_153 = arith.constant 0 : i32
        %dma_wait3A_154 = tpu.memref_slice %arg14[%dma_wait3A_152, %dma_wait3A_153] : memref<10008x64xf32, #tpu.memory_space<vmem_shared>> -> memref<16x64xf32, #tpu.memory_space<vmem_shared>>
        %dma_wait3A_155 = arith.constant 0 : i32
        %dma_wait3A_156 = arith.constant 0 : i32
        %dma_wait3A_157 = tpu.memref_slice %arg13[%dma_wait3A_155, %dma_wait3A_156] : memref<104x64xf32, #tpu.memory_space<vmem>> -> memref<16x64xf32, #tpu.memory_space<vmem>>
        tpu.wait_dma2 semaphore(%run_scoped3A : memref<!tpu.dma_semaphore, #tpu.memory_space<semaphore_mem>>) src(%dma_wait3A_157 : memref<16x64xf32, #tpu.memory_space<vmem>>) dst(%dma_wait3A_154 : memref<16x64xf32, #tpu.memory_space<vmem_shared>>)
        tpu.yield
      }) : () -> ()
    } else {
    }
    %barrier3A = arith.constant 0 : index
    tpu.barrier barrier_id(%barrier3A)
    %scan3A_62 = arith.constant 0 : i32
    %scan3A_63 = arith.constant 16 : i32
    %scan3A_64 = arith.addi %scan3A_62, %scan3A_63 : i32
    %scan3A_65 = arith.constant 1 : i32
    scf.for %scan3A_135 = %scan3A_62 to %scan3A_64 step %scan3A_65  : i32 {
      %mul3A_136 = arith.constant 5 : i32
      %mul3A_137 = arith.muli %mul3A_136, %scan3A_135 : i32
      %add3A_138 = arith.constant 0 : i32
      %add3A_139 = arith.addi %mul3A_137, %add3A_138 : i32
      %dma_wait3A = arith.constant 0 : i32
      %dma_wait3A_140 = tpu.memref_slice %arg6[%add3A_139, %dma_wait3A] : memref<80x125xi32, #tpu.memory_space<vmem>> -> memref<1x125xi32, #tpu.memory_space<vmem>>
      %dma_wait3A_141 = tpu.memref_squeeze %dma_wait3A_140 : memref<1x125xi32, #tpu.memory_space<vmem>> -> memref<125xi32, #tpu.memory_space<vmem>>
      %dma_wait3A_142 = arith.constant 0 : i32
      %dma_wait3A_143 = arith.constant 0 : i32
      %dma_wait3A_144 = tpu.memref_slice %arg2[%dma_wait3A_142, %dma_wait3A_143] : memref<20000x64xf32, #tpu.memory_space<hbm>> -> memref<20000x64xf32, #tpu.memory_space<hbm>>
      tpu.wait_indirect_dma semaphore(%arg15 : memref<!tpu.dma_semaphore, #tpu.memory_space<semaphore_mem>>) src(%dma_wait3A_144 : memref<20000x64xf32, #tpu.memory_space<hbm>>) dst(%arg8 : memref<125x64xf32, #tpu.memory_space<vmem>>)
      %dma_start3A_145 = arith.constant 0 : i32
      %dma_start3A_146 = tpu.memref_slice %arg7[%add3A_139, %dma_start3A_145] : memref<80x125xi32, #tpu.memory_space<vmem>> -> memref<1x125xi32, #tpu.memory_space<vmem>>
      %dma_start3A_147 = tpu.memref_squeeze %dma_start3A_146 : memref<1x125xi32, #tpu.memory_space<vmem>> -> memref<125xi32, #tpu.memory_space<vmem>>
      %dma_start3A_148 = arith.constant 0 : i32
      %dma_start3A_149 = arith.constant 0 : i32
      %dma_start3A_150 = tpu.memref_slice %arg14[%dma_start3A_148, %dma_start3A_149] : memref<10008x64xf32, #tpu.memory_space<vmem_shared>> -> memref<10008x64xf32, #tpu.memory_space<vmem_shared>>
      tpu.enqueue_indirect_dma source(%arg8 : memref<125x64xf32, #tpu.memory_space<vmem>>) target(%dma_start3A_150 : memref<10008x64xf32, #tpu.memory_space<vmem_shared>>) offsets(%dma_start3A_147 : memref<125xi32, #tpu.memory_space<vmem>>) semaphore(%arg16 : memref<!tpu.dma_semaphore, #tpu.memory_space<semaphore_mem>>) {add = true}
      %mul3A_151 = arith.constant 5 : i32
      %mul3A_152 = arith.muli %mul3A_151, %scan3A_135 : i32
      %add3A_153 = arith.constant 1 : i32
      %add3A_154 = arith.addi %mul3A_152, %add3A_153 : i32
      %dma_wait3A_155 = arith.constant 0 : i32
      %dma_wait3A_156 = tpu.memref_slice %arg6[%add3A_154, %dma_wait3A_155] : memref<80x125xi32, #tpu.memory_space<vmem>> -> memref<1x125xi32, #tpu.memory_space<vmem>>
      %dma_wait3A_157 = tpu.memref_squeeze %dma_wait3A_156 : memref<1x125xi32, #tpu.memory_space<vmem>> -> memref<125xi32, #tpu.memory_space<vmem>>
      %dma_wait3A_158 = arith.constant 0 : i32
      %dma_wait3A_159 = arith.constant 0 : i32
      %dma_wait3A_160 = tpu.memref_slice %arg2[%dma_wait3A_158, %dma_wait3A_159] : memref<20000x64xf32, #tpu.memory_space<hbm>> -> memref<20000x64xf32, #tpu.memory_space<hbm>>
      tpu.wait_indirect_dma semaphore(%arg15 : memref<!tpu.dma_semaphore, #tpu.memory_space<semaphore_mem>>) src(%dma_wait3A_160 : memref<20000x64xf32, #tpu.memory_space<hbm>>) dst(%arg9 : memref<125x64xf32, #tpu.memory_space<vmem>>)
      %dma_start3A_161 = arith.constant 0 : i32
      %dma_start3A_162 = tpu.memref_slice %arg7[%add3A_154, %dma_start3A_161] : memref<80x125xi32, #tpu.memory_space<vmem>> -> memref<1x125xi32, #tpu.memory_space<vmem>>
      %dma_start3A_163 = tpu.memref_squeeze %dma_start3A_162 : memref<1x125xi32, #tpu.memory_space<vmem>> -> memref<125xi32, #tpu.memory_space<vmem>>
      %dma_start3A_164 = arith.constant 0 : i32
      %dma_start3A_165 = arith.constant 0 : i32
      %dma_start3A_166 = tpu.memref_slice %arg14[%dma_start3A_164, %dma_start3A_165] : memref<10008x64xf32, #tpu.memory_space<vmem_shared>> -> memref<10008x64xf32, #tpu.memory_space<vmem_shared>>
      tpu.enqueue_indirect_dma source(%arg9 : memref<125x64xf32, #tpu.memory_space<vmem>>) target(%dma_start3A_166 : memref<10008x64xf32, #tpu.memory_space<vmem_shared>>) offsets(%dma_start3A_163 : memref<125xi32, #tpu.memory_space<vmem>>) semaphore(%arg16 : memref<!tpu.dma_semaphore, #tpu.memory_space<semaphore_mem>>) {add = true}
      %mul3A_167 = arith.constant 5 : i32
      %mul3A_168 = arith.muli %mul3A_167, %scan3A_135 : i32
      %add3A_169 = arith.constant 2 : i32
      %add3A_170 = arith.addi %mul3A_168, %add3A_169 : i32
      %dma_wait3A_171 = arith.constant 0 : i32
      %dma_wait3A_172 = tpu.memref_slice %arg6[%add3A_170, %dma_wait3A_171] : memref<80x125xi32, #tpu.memory_space<vmem>> -> memref<1x125xi32, #tpu.memory_space<vmem>>
      %dma_wait3A_173 = tpu.memref_squeeze %dma_wait3A_172 : memref<1x125xi32, #tpu.memory_space<vmem>> -> memref<125xi32, #tpu.memory_space<vmem>>
      %dma_wait3A_174 = arith.constant 0 : i32
      %dma_wait3A_175 = arith.constant 0 : i32
      %dma_wait3A_176 = tpu.memref_slice %arg2[%dma_wait3A_174, %dma_wait3A_175] : memref<20000x64xf32, #tpu.memory_space<hbm>> -> memref<20000x64xf32, #tpu.memory_space<hbm>>
      tpu.wait_indirect_dma semaphore(%arg15 : memref<!tpu.dma_semaphore, #tpu.memory_space<semaphore_mem>>) src(%dma_wait3A_176 : memref<20000x64xf32, #tpu.memory_space<hbm>>) dst(%arg10 : memref<125x64xf32, #tpu.memory_space<vmem>>)
      %dma_start3A_177 = arith.constant 0 : i32
      %dma_start3A_178 = tpu.memref_slice %arg7[%add3A_170, %dma_start3A_177] : memref<80x125xi32, #tpu.memory_space<vmem>> -> memref<1x125xi32, #tpu.memory_space<vmem>>
      %dma_start3A_179 = tpu.memref_squeeze %dma_start3A_178 : memref<1x125xi32, #tpu.memory_space<vmem>> -> memref<125xi32, #tpu.memory_space<vmem>>
      %dma_start3A_180 = arith.constant 0 : i32
      %dma_start3A_181 = arith.constant 0 : i32
      %dma_start3A_182 = tpu.memref_slice %arg14[%dma_start3A_180, %dma_start3A_181] : memref<10008x64xf32, #tpu.memory_space<vmem_shared>> -> memref<10008x64xf32, #tpu.memory_space<vmem_shared>>
      tpu.enqueue_indirect_dma source(%arg10 : memref<125x64xf32, #tpu.memory_space<vmem>>) target(%dma_start3A_182 : memref<10008x64xf32, #tpu.memory_space<vmem_shared>>) offsets(%dma_start3A_179 : memref<125xi32, #tpu.memory_space<vmem>>) semaphore(%arg16 : memref<!tpu.dma_semaphore, #tpu.memory_space<semaphore_mem>>) {add = true}
      %mul3A_183 = arith.constant 5 : i32
      %mul3A_184 = arith.muli %mul3A_183, %scan3A_135 : i32
      %add3A_185 = arith.constant 3 : i32
      %add3A_186 = arith.addi %mul3A_184, %add3A_185 : i32
      %dma_wait3A_187 = arith.constant 0 : i32
      %dma_wait3A_188 = tpu.memref_slice %arg6[%add3A_186, %dma_wait3A_187] : memref<80x125xi32, #tpu.memory_space<vmem>> -> memref<1x125xi32, #tpu.memory_space<vmem>>
      %dma_wait3A_189 = tpu.memref_squeeze %dma_wait3A_188 : memref<1x125xi32, #tpu.memory_space<vmem>> -> memref<125xi32, #tpu.memory_space<vmem>>
      %dma_wait3A_190 = arith.constant 0 : i32
      %dma_wait3A_191 = arith.constant 0 : i32
      %dma_wait3A_192 = tpu.memref_slice %arg2[%dma_wait3A_190, %dma_wait3A_191] : memref<20000x64xf32, #tpu.memory_space<hbm>> -> memref<20000x64xf32, #tpu.memory_space<hbm>>
      tpu.wait_indirect_dma semaphore(%arg15 : memref<!tpu.dma_semaphore, #tpu.memory_space<semaphore_mem>>) src(%dma_wait3A_192 : memref<20000x64xf32, #tpu.memory_space<hbm>>) dst(%arg11 : memref<125x64xf32, #tpu.memory_space<vmem>>)
      %dma_start3A_193 = arith.constant 0 : i32
      %dma_start3A_194 = tpu.memref_slice %arg7[%add3A_186, %dma_start3A_193] : memref<80x125xi32, #tpu.memory_space<vmem>> -> memref<1x125xi32, #tpu.memory_space<vmem>>
      %dma_start3A_195 = tpu.memref_squeeze %dma_start3A_194 : memref<1x125xi32, #tpu.memory_space<vmem>> -> memref<125xi32, #tpu.memory_space<vmem>>
      %dma_start3A_196 = arith.constant 0 : i32
      %dma_start3A_197 = arith.constant 0 : i32
      %dma_start3A_198 = tpu.memref_slice %arg14[%dma_start3A_196, %dma_start3A_197] : memref<10008x64xf32, #tpu.memory_space<vmem_shared>> -> memref<10008x64xf32, #tpu.memory_space<vmem_shared>>
      tpu.enqueue_indirect_dma source(%arg11 : memref<125x64xf32, #tpu.memory_space<vmem>>) target(%dma_start3A_198 : memref<10008x64xf32, #tpu.memory_space<vmem_shared>>) offsets(%dma_start3A_195 : memref<125xi32, #tpu.memory_space<vmem>>) semaphore(%arg16 : memref<!tpu.dma_semaphore, #tpu.memory_space<semaphore_mem>>) {add = true}
      %mul3A_199 = arith.constant 5 : i32
      %mul3A_200 = arith.muli %mul3A_199, %scan3A_135 : i32
      %add3A_201 = arith.constant 4 : i32
      %add3A_202 = arith.addi %mul3A_200, %add3A_201 : i32
      %dma_wait3A_203 = arith.constant 0 : i32
      %dma_wait3A_204 = tpu.memref_slice %arg6[%add3A_202, %dma_wait3A_203] : memref<80x125xi32, #tpu.memory_space<vmem>> -> memref<1x125xi32, #tpu.memory_space<vmem>>
      %dma_wait3A_205 = tpu.memref_squeeze %dma_wait3A_204 : memref<1x125xi32, #tpu.memory_space<vmem>> -> memref<125xi32, #tpu.memory_space<vmem>>
      %dma_wait3A_206 = arith.constant 0 : i32
      %dma_wait3A_207 = arith.constant 0 : i32
      %dma_wait3A_208 = tpu.memref_slice %arg2[%dma_wait3A_206, %dma_wait3A_207] : memref<20000x64xf32, #tpu.memory_space<hbm>> -> memref<20000x64xf32, #tpu.memory_space<hbm>>
      tpu.wait_indirect_dma semaphore(%arg15 : memref<!tpu.dma_semaphore, #tpu.memory_space<semaphore_mem>>) src(%dma_wait3A_208 : memref<20000x64xf32, #tpu.memory_space<hbm>>) dst(%arg12 : memref<125x64xf32, #tpu.memory_space<vmem>>)
      %dma_start3A_209 = arith.constant 0 : i32
      %dma_start3A_210 = tpu.memref_slice %arg7[%add3A_202, %dma_start3A_209] : memref<80x125xi32, #tpu.memory_space<vmem>> -> memref<1x125xi32, #tpu.memory_space<vmem>>
      %dma_start3A_211 = tpu.memref_squeeze %dma_start3A_210 : memref<1x125xi32, #tpu.memory_space<vmem>> -> memref<125xi32, #tpu.memory_space<vmem>>
      %dma_start3A_212 = arith.constant 0 : i32
      %dma_start3A_213 = arith.constant 0 : i32
      %dma_start3A_214 = tpu.memref_slice %arg14[%dma_start3A_212, %dma_start3A_213] : memref<10008x64xf32, #tpu.memory_space<vmem_shared>> -> memref<10008x64xf32, #tpu.memory_space<vmem_shared>>
      tpu.enqueue_indirect_dma source(%arg12 : memref<125x64xf32, #tpu.memory_space<vmem>>) target(%dma_start3A_214 : memref<10008x64xf32, #tpu.memory_space<vmem_shared>>) offsets(%dma_start3A_211 : memref<125xi32, #tpu.memory_space<vmem>>) semaphore(%arg16 : memref<!tpu.dma_semaphore, #tpu.memory_space<semaphore_mem>>) {add = true}
      %mul3A_215 = arith.constant 5 : i32
      %mul3A_216 = arith.muli %mul3A_215, %scan3A_135 : i32
      %add3A_217 = arith.constant 0 : i32
      %add3A_218 = arith.addi %mul3A_216, %add3A_217 : i32
      %dma_wait3A_219 = arith.constant 0 : i32
      %dma_wait3A_220 = tpu.memref_slice %arg7[%add3A_218, %dma_wait3A_219] : memref<80x125xi32, #tpu.memory_space<vmem>> -> memref<1x125xi32, #tpu.memory_space<vmem>>
      %dma_wait3A_221 = tpu.memref_squeeze %dma_wait3A_220 : memref<1x125xi32, #tpu.memory_space<vmem>> -> memref<125xi32, #tpu.memory_space<vmem>>
      %dma_wait3A_222 = arith.constant 0 : i32
      %dma_wait3A_223 = arith.constant 0 : i32
      %dma_wait3A_224 = tpu.memref_slice %arg14[%dma_wait3A_222, %dma_wait3A_223] : memref<10008x64xf32, #tpu.memory_space<vmem_shared>> -> memref<10008x64xf32, #tpu.memory_space<vmem_shared>>
      tpu.wait_indirect_dma semaphore(%arg16 : memref<!tpu.dma_semaphore, #tpu.memory_space<semaphore_mem>>) src(%arg8 : memref<125x64xf32, #tpu.memory_space<vmem>>) dst(%dma_wait3A_224 : memref<10008x64xf32, #tpu.memory_space<vmem_shared>>)
      %add3A_225 = arith.constant 5 : i32
      %add3A_226 = arith.addi %add3A_218, %add3A_225 : i32
      %lt3A_227 = arith.constant 80 : i32
      %lt3A_228 = arith.cmpi slt, %add3A_226, %lt3A_227 : i32
      %convert_element_type3A_229 = arith.extui %lt3A_228 : i1 to i32
      %cond3A_230 = arith.constant 0 : i32
      %cond3A_231 = arith.cmpi ne, %convert_element_type3A_229, %cond3A_230 : i32
      scf.if %cond3A_231 {
        %add3A_300 = arith.constant 5 : i32
        %add3A_301 = arith.addi %add3A_218, %add3A_300 : i32
        %dma_start3A_302 = arith.constant 0 : i32
        %dma_start3A_303 = tpu.memref_slice %arg6[%add3A_301, %dma_start3A_302] : memref<80x125xi32, #tpu.memory_space<vmem>> -> memref<1x125xi32, #tpu.memory_space<vmem>>
        %dma_start3A_304 = tpu.memref_squeeze %dma_start3A_303 : memref<1x125xi32, #tpu.memory_space<vmem>> -> memref<125xi32, #tpu.memory_space<vmem>>
        %dma_start3A_305 = arith.constant 0 : i32
        %dma_start3A_306 = arith.constant 0 : i32
        %dma_start3A_307 = tpu.memref_slice %arg2[%dma_start3A_305, %dma_start3A_306] : memref<20000x64xf32, #tpu.memory_space<hbm>> -> memref<20000x64xf32, #tpu.memory_space<hbm>>
        tpu.enqueue_indirect_dma source(%dma_start3A_307 : memref<20000x64xf32, #tpu.memory_space<hbm>>) target(%arg8 : memref<125x64xf32, #tpu.memory_space<vmem>>) offsets(%dma_start3A_304 : memref<125xi32, #tpu.memory_space<vmem>>) semaphore(%arg15 : memref<!tpu.dma_semaphore, #tpu.memory_space<semaphore_mem>>)
      } else {
      }
      %mul3A_232 = arith.constant 5 : i32
      %mul3A_233 = arith.muli %mul3A_232, %scan3A_135 : i32
      %add3A_234 = arith.constant 1 : i32
      %add3A_235 = arith.addi %mul3A_233, %add3A_234 : i32
      %dma_wait3A_236 = arith.constant 0 : i32
      %dma_wait3A_237 = tpu.memref_slice %arg7[%add3A_235, %dma_wait3A_236] : memref<80x125xi32, #tpu.memory_space<vmem>> -> memref<1x125xi32, #tpu.memory_space<vmem>>
      %dma_wait3A_238 = tpu.memref_squeeze %dma_wait3A_237 : memref<1x125xi32, #tpu.memory_space<vmem>> -> memref<125xi32, #tpu.memory_space<vmem>>
      %dma_wait3A_239 = arith.constant 0 : i32
      %dma_wait3A_240 = arith.constant 0 : i32
      %dma_wait3A_241 = tpu.memref_slice %arg14[%dma_wait3A_239, %dma_wait3A_240] : memref<10008x64xf32, #tpu.memory_space<vmem_shared>> -> memref<10008x64xf32, #tpu.memory_space<vmem_shared>>
      tpu.wait_indirect_dma semaphore(%arg16 : memref<!tpu.dma_semaphore, #tpu.memory_space<semaphore_mem>>) src(%arg9 : memref<125x64xf32, #tpu.memory_space<vmem>>) dst(%dma_wait3A_241 : memref<10008x64xf32, #tpu.memory_space<vmem_shared>>)
      %add3A_242 = arith.constant 5 : i32
      %add3A_243 = arith.addi %add3A_235, %add3A_242 : i32
      %lt3A_244 = arith.constant 80 : i32
      %lt3A_245 = arith.cmpi slt, %add3A_243, %lt3A_244 : i32
      %convert_element_type3A_246 = arith.extui %lt3A_245 : i1 to i32
      %cond3A_247 = arith.constant 0 : i32
      %cond3A_248 = arith.cmpi ne, %convert_element_type3A_246, %cond3A_247 : i32
      scf.if %cond3A_248 {
        %add3A_300 = arith.constant 5 : i32
        %add3A_301 = arith.addi %add3A_235, %add3A_300 : i32
        %dma_start3A_302 = arith.constant 0 : i32
        %dma_start3A_303 = tpu.memref_slice %arg6[%add3A_301, %dma_start3A_302] : memref<80x125xi32, #tpu.memory_space<vmem>> -> memref<1x125xi32, #tpu.memory_space<vmem>>
        %dma_start3A_304 = tpu.memref_squeeze %dma_start3A_303 : memref<1x125xi32, #tpu.memory_space<vmem>> -> memref<125xi32, #tpu.memory_space<vmem>>
        %dma_start3A_305 = arith.constant 0 : i32
        %dma_start3A_306 = arith.constant 0 : i32
        %dma_start3A_307 = tpu.memref_slice %arg2[%dma_start3A_305, %dma_start3A_306] : memref<20000x64xf32, #tpu.memory_space<hbm>> -> memref<20000x64xf32, #tpu.memory_space<hbm>>
        tpu.enqueue_indirect_dma source(%dma_start3A_307 : memref<20000x64xf32, #tpu.memory_space<hbm>>) target(%arg9 : memref<125x64xf32, #tpu.memory_space<vmem>>) offsets(%dma_start3A_304 : memref<125xi32, #tpu.memory_space<vmem>>) semaphore(%arg15 : memref<!tpu.dma_semaphore, #tpu.memory_space<semaphore_mem>>)
      } else {
      }
      %mul3A_249 = arith.constant 5 : i32
      %mul3A_250 = arith.muli %mul3A_249, %scan3A_135 : i32
      %add3A_251 = arith.constant 2 : i32
      %add3A_252 = arith.addi %mul3A_250, %add3A_251 : i32
      %dma_wait3A_253 = arith.constant 0 : i32
      %dma_wait3A_254 = tpu.memref_slice %arg7[%add3A_252, %dma_wait3A_253] : memref<80x125xi32, #tpu.memory_space<vmem>> -> memref<1x125xi32, #tpu.memory_space<vmem>>
      %dma_wait3A_255 = tpu.memref_squeeze %dma_wait3A_254 : memref<1x125xi32, #tpu.memory_space<vmem>> -> memref<125xi32, #tpu.memory_space<vmem>>
      %dma_wait3A_256 = arith.constant 0 : i32
      %dma_wait3A_257 = arith.constant 0 : i32
      %dma_wait3A_258 = tpu.memref_slice %arg14[%dma_wait3A_256, %dma_wait3A_257] : memref<10008x64xf32, #tpu.memory_space<vmem_shared>> -> memref<10008x64xf32, #tpu.memory_space<vmem_shared>>
      tpu.wait_indirect_dma semaphore(%arg16 : memref<!tpu.dma_semaphore, #tpu.memory_space<semaphore_mem>>) src(%arg10 : memref<125x64xf32, #tpu.memory_space<vmem>>) dst(%dma_wait3A_258 : memref<10008x64xf32, #tpu.memory_space<vmem_shared>>)
      %add3A_259 = arith.constant 5 : i32
      %add3A_260 = arith.addi %add3A_252, %add3A_259 : i32
      %lt3A_261 = arith.constant 80 : i32
      %lt3A_262 = arith.cmpi slt, %add3A_260, %lt3A_261 : i32
      %convert_element_type3A_263 = arith.extui %lt3A_262 : i1 to i32
      %cond3A_264 = arith.constant 0 : i32
      %cond3A_265 = arith.cmpi ne, %convert_element_type3A_263, %cond3A_264 : i32
      scf.if %cond3A_265 {
        %add3A_300 = arith.constant 5 : i32
        %add3A_301 = arith.addi %add3A_252, %add3A_300 : i32
        %dma_start3A_302 = arith.constant 0 : i32
        %dma_start3A_303 = tpu.memref_slice %arg6[%add3A_301, %dma_start3A_302] : memref<80x125xi32, #tpu.memory_space<vmem>> -> memref<1x125xi32, #tpu.memory_space<vmem>>
        %dma_start3A_304 = tpu.memref_squeeze %dma_start3A_303 : memref<1x125xi32, #tpu.memory_space<vmem>> -> memref<125xi32, #tpu.memory_space<vmem>>
        %dma_start3A_305 = arith.constant 0 : i32
        %dma_start3A_306 = arith.constant 0 : i32
        %dma_start3A_307 = tpu.memref_slice %arg2[%dma_start3A_305, %dma_start3A_306] : memref<20000x64xf32, #tpu.memory_space<hbm>> -> memref<20000x64xf32, #tpu.memory_space<hbm>>
        tpu.enqueue_indirect_dma source(%dma_start3A_307 : memref<20000x64xf32, #tpu.memory_space<hbm>>) target(%arg10 : memref<125x64xf32, #tpu.memory_space<vmem>>) offsets(%dma_start3A_304 : memref<125xi32, #tpu.memory_space<vmem>>) semaphore(%arg15 : memref<!tpu.dma_semaphore, #tpu.memory_space<semaphore_mem>>)
      } else {
      }
      %mul3A_266 = arith.constant 5 : i32
      %mul3A_267 = arith.muli %mul3A_266, %scan3A_135 : i32
      %add3A_268 = arith.constant 3 : i32
      %add3A_269 = arith.addi %mul3A_267, %add3A_268 : i32
      %dma_wait3A_270 = arith.constant 0 : i32
      %dma_wait3A_271 = tpu.memref_slice %arg7[%add3A_269, %dma_wait3A_270] : memref<80x125xi32, #tpu.memory_space<vmem>> -> memref<1x125xi32, #tpu.memory_space<vmem>>
      %dma_wait3A_272 = tpu.memref_squeeze %dma_wait3A_271 : memref<1x125xi32, #tpu.memory_space<vmem>> -> memref<125xi32, #tpu.memory_space<vmem>>
      %dma_wait3A_273 = arith.constant 0 : i32
      %dma_wait3A_274 = arith.constant 0 : i32
      %dma_wait3A_275 = tpu.memref_slice %arg14[%dma_wait3A_273, %dma_wait3A_274] : memref<10008x64xf32, #tpu.memory_space<vmem_shared>> -> memref<10008x64xf32, #tpu.memory_space<vmem_shared>>
      tpu.wait_indirect_dma semaphore(%arg16 : memref<!tpu.dma_semaphore, #tpu.memory_space<semaphore_mem>>) src(%arg11 : memref<125x64xf32, #tpu.memory_space<vmem>>) dst(%dma_wait3A_275 : memref<10008x64xf32, #tpu.memory_space<vmem_shared>>)
      %add3A_276 = arith.constant 5 : i32
      %add3A_277 = arith.addi %add3A_269, %add3A_276 : i32
      %lt3A_278 = arith.constant 80 : i32
      %lt3A_279 = arith.cmpi slt, %add3A_277, %lt3A_278 : i32
      %convert_element_type3A_280 = arith.extui %lt3A_279 : i1 to i32
      %cond3A_281 = arith.constant 0 : i32
      %cond3A_282 = arith.cmpi ne, %convert_element_type3A_280, %cond3A_281 : i32
      scf.if %cond3A_282 {
        %add3A_300 = arith.constant 5 : i32
        %add3A_301 = arith.addi %add3A_269, %add3A_300 : i32
        %dma_start3A_302 = arith.constant 0 : i32
        %dma_start3A_303 = tpu.memref_slice %arg6[%add3A_301, %dma_start3A_302] : memref<80x125xi32, #tpu.memory_space<vmem>> -> memref<1x125xi32, #tpu.memory_space<vmem>>
        %dma_start3A_304 = tpu.memref_squeeze %dma_start3A_303 : memref<1x125xi32, #tpu.memory_space<vmem>> -> memref<125xi32, #tpu.memory_space<vmem>>
        %dma_start3A_305 = arith.constant 0 : i32
        %dma_start3A_306 = arith.constant 0 : i32
        %dma_start3A_307 = tpu.memref_slice %arg2[%dma_start3A_305, %dma_start3A_306] : memref<20000x64xf32, #tpu.memory_space<hbm>> -> memref<20000x64xf32, #tpu.memory_space<hbm>>
        tpu.enqueue_indirect_dma source(%dma_start3A_307 : memref<20000x64xf32, #tpu.memory_space<hbm>>) target(%arg11 : memref<125x64xf32, #tpu.memory_space<vmem>>) offsets(%dma_start3A_304 : memref<125xi32, #tpu.memory_space<vmem>>) semaphore(%arg15 : memref<!tpu.dma_semaphore, #tpu.memory_space<semaphore_mem>>)
      } else {
      }
      %mul3A_283 = arith.constant 5 : i32
      %mul3A_284 = arith.muli %mul3A_283, %scan3A_135 : i32
      %add3A_285 = arith.constant 4 : i32
      %add3A_286 = arith.addi %mul3A_284, %add3A_285 : i32
      %dma_wait3A_287 = arith.constant 0 : i32
      %dma_wait3A_288 = tpu.memref_slice %arg7[%add3A_286, %dma_wait3A_287] : memref<80x125xi32, #tpu.memory_space<vmem>> -> memref<1x125xi32, #tpu.memory_space<vmem>>
      %dma_wait3A_289 = tpu.memref_squeeze %dma_wait3A_288 : memref<1x125xi32, #tpu.memory_space<vmem>> -> memref<125xi32, #tpu.memory_space<vmem>>
      %dma_wait3A_290 = arith.constant 0 : i32
      %dma_wait3A_291 = arith.constant 0 : i32
      %dma_wait3A_292 = tpu.memref_slice %arg14[%dma_wait3A_290, %dma_wait3A_291] : memref<10008x64xf32, #tpu.memory_space<vmem_shared>> -> memref<10008x64xf32, #tpu.memory_space<vmem_shared>>
      tpu.wait_indirect_dma semaphore(%arg16 : memref<!tpu.dma_semaphore, #tpu.memory_space<semaphore_mem>>) src(%arg12 : memref<125x64xf32, #tpu.memory_space<vmem>>) dst(%dma_wait3A_292 : memref<10008x64xf32, #tpu.memory_space<vmem_shared>>)
      %add3A_293 = arith.constant 5 : i32
      %add3A_294 = arith.addi %add3A_286, %add3A_293 : i32
      %lt3A_295 = arith.constant 80 : i32
      %lt3A_296 = arith.cmpi slt, %add3A_294, %lt3A_295 : i32
      %convert_element_type3A_297 = arith.extui %lt3A_296 : i1 to i32
      %cond3A_298 = arith.constant 0 : i32
      %cond3A_299 = arith.cmpi ne, %convert_element_type3A_297, %cond3A_298 : i32
      scf.if %cond3A_299 {
        %add3A_300 = arith.constant 5 : i32
        %add3A_301 = arith.addi %add3A_286, %add3A_300 : i32
        %dma_start3A_302 = arith.constant 0 : i32
        %dma_start3A_303 = tpu.memref_slice %arg6[%add3A_301, %dma_start3A_302] : memref<80x125xi32, #tpu.memory_space<vmem>> -> memref<1x125xi32, #tpu.memory_space<vmem>>
        %dma_start3A_304 = tpu.memref_squeeze %dma_start3A_303 : memref<1x125xi32, #tpu.memory_space<vmem>> -> memref<125xi32, #tpu.memory_space<vmem>>
        %dma_start3A_305 = arith.constant 0 : i32
        %dma_start3A_306 = arith.constant 0 : i32
        %dma_start3A_307 = tpu.memref_slice %arg2[%dma_start3A_305, %dma_start3A_306] : memref<20000x64xf32, #tpu.memory_space<hbm>> -> memref<20000x64xf32, #tpu.memory_space<hbm>>
        tpu.enqueue_indirect_dma source(%dma_start3A_307 : memref<20000x64xf32, #tpu.memory_space<hbm>>) target(%arg12 : memref<125x64xf32, #tpu.memory_space<vmem>>) offsets(%dma_start3A_304 : memref<125xi32, #tpu.memory_space<vmem>>) semaphore(%arg15 : memref<!tpu.dma_semaphore, #tpu.memory_space<semaphore_mem>>)
      } else {
      }
    }
    %scan3A_66 = arith.constant 16 : i32
    "tpu.region"() ({
      %run_scoped3A = tpu.sem_alloc : memref<!tpu.dma_semaphore, #tpu.memory_space<semaphore_mem>>
      %dma_start3A_135 = arith.constant 80 : i32
      %dma_start3A_136 = arith.constant 0 : i32
      %dma_start3A_137 = tpu.memref_slice %arg3[%arg0, %arg1, %dma_start3A_135, %dma_start3A_136] : memref<2x16x160x125xi32, #tpu.memory_space<hbm>> -> memref<1x1x80x125xi32, #tpu.memory_space<hbm>>
      %dma_start3A_138 = tpu.memref_squeeze %dma_start3A_137 : memref<1x1x80x125xi32, #tpu.memory_space<hbm>> -> memref<80x125xi32, #tpu.memory_space<hbm>>
      %dma_start3A_139 = arith.constant 80 : i32
      %dma_start3A_140 = arith.constant 0 : i32
      %dma_start3A_141 = tpu.memref_slice %arg3[%arg0, %arg1, %dma_start3A_139, %dma_start3A_140] : memref<2x16x160x125xi32, #tpu.memory_space<hbm>> -> memref<1x1x80x125xi32, #tpu.memory_space<hbm>>
      %dma_start3A_142 = tpu.memref_squeeze %dma_start3A_141 : memref<1x1x80x125xi32, #tpu.memory_space<hbm>> -> memref<80x125xi32, #tpu.memory_space<hbm>>
      tpu.enqueue_dma source(%dma_start3A_142 : memref<80x125xi32, #tpu.memory_space<hbm>>) target(%arg6 : memref<80x125xi32, #tpu.memory_space<vmem>>) target_semaphore(%run_scoped3A : memref<!tpu.dma_semaphore, #tpu.memory_space<semaphore_mem>>)
      %dma_wait3A = arith.constant 80 : i32
      %dma_wait3A_143 = arith.constant 0 : i32
      %dma_wait3A_144 = tpu.memref_slice %arg3[%arg0, %arg1, %dma_wait3A, %dma_wait3A_143] : memref<2x16x160x125xi32, #tpu.memory_space<hbm>> -> memref<1x1x80x125xi32, #tpu.memory_space<hbm>>
      %dma_wait3A_145 = tpu.memref_squeeze %dma_wait3A_144 : memref<1x1x80x125xi32, #tpu.memory_space<hbm>> -> memref<80x125xi32, #tpu.memory_space<hbm>>
      %dma_wait3A_146 = arith.constant 80 : i32
      %dma_wait3A_147 = arith.constant 0 : i32
      %dma_wait3A_148 = tpu.memref_slice %arg3[%arg0, %arg1, %dma_wait3A_146, %dma_wait3A_147] : memref<2x16x160x125xi32, #tpu.memory_space<hbm>> -> memref<1x1x80x125xi32, #tpu.memory_space<hbm>>
      %dma_wait3A_149 = tpu.memref_squeeze %dma_wait3A_148 : memref<1x1x80x125xi32, #tpu.memory_space<hbm>> -> memref<80x125xi32, #tpu.memory_space<hbm>>
      tpu.wait_dma2 semaphore(%run_scoped3A : memref<!tpu.dma_semaphore, #tpu.memory_space<semaphore_mem>>) src(%dma_wait3A_149 : memref<80x125xi32, #tpu.memory_space<hbm>>) dst(%arg6 : memref<80x125xi32, #tpu.memory_space<vmem>>)
      tpu.yield
    }) : () -> ()
    "tpu.region"() ({
      %run_scoped3A = tpu.sem_alloc : memref<!tpu.dma_semaphore, #tpu.memory_space<semaphore_mem>>
      %dma_start3A_135 = arith.constant 80 : i32
      %dma_start3A_136 = arith.constant 0 : i32
      %dma_start3A_137 = tpu.memref_slice %arg4[%arg1, %dma_start3A_135, %dma_start3A_136] : memref<16x160x125xi32, #tpu.memory_space<hbm>> -> memref<1x80x125xi32, #tpu.memory_space<hbm>>
      %dma_start3A_138 = tpu.memref_squeeze %dma_start3A_137 : memref<1x80x125xi32, #tpu.memory_space<hbm>> -> memref<80x125xi32, #tpu.memory_space<hbm>>
      %dma_start3A_139 = arith.constant 80 : i32
      %dma_start3A_140 = arith.constant 0 : i32
      %dma_start3A_141 = tpu.memref_slice %arg4[%arg1, %dma_start3A_139, %dma_start3A_140] : memref<16x160x125xi32, #tpu.memory_space<hbm>> -> memref<1x80x125xi32, #tpu.memory_space<hbm>>
      %dma_start3A_142 = tpu.memref_squeeze %dma_start3A_141 : memref<1x80x125xi32, #tpu.memory_space<hbm>> -> memref<80x125xi32, #tpu.memory_space<hbm>>
      tpu.enqueue_dma source(%dma_start3A_142 : memref<80x125xi32, #tpu.memory_space<hbm>>) target(%arg7 : memref<80x125xi32, #tpu.memory_space<vmem>>) target_semaphore(%run_scoped3A : memref<!tpu.dma_semaphore, #tpu.memory_space<semaphore_mem>>)
      %dma_wait3A = arith.constant 80 : i32
      %dma_wait3A_143 = arith.constant 0 : i32
      %dma_wait3A_144 = tpu.memref_slice %arg4[%arg1, %dma_wait3A, %dma_wait3A_143] : memref<16x160x125xi32, #tpu.memory_space<hbm>> -> memref<1x80x125xi32, #tpu.memory_space<hbm>>
      %dma_wait3A_145 = tpu.memref_squeeze %dma_wait3A_144 : memref<1x80x125xi32, #tpu.memory_space<hbm>> -> memref<80x125xi32, #tpu.memory_space<hbm>>
      %dma_wait3A_146 = arith.constant 80 : i32
      %dma_wait3A_147 = arith.constant 0 : i32
      %dma_wait3A_148 = tpu.memref_slice %arg4[%arg1, %dma_wait3A_146, %dma_wait3A_147] : memref<16x160x125xi32, #tpu.memory_space<hbm>> -> memref<1x80x125xi32, #tpu.memory_space<hbm>>
      %dma_wait3A_149 = tpu.memref_squeeze %dma_wait3A_148 : memref<1x80x125xi32, #tpu.memory_space<hbm>> -> memref<80x125xi32, #tpu.memory_space<hbm>>
      tpu.wait_dma2 semaphore(%run_scoped3A : memref<!tpu.dma_semaphore, #tpu.memory_space<semaphore_mem>>) src(%dma_wait3A_149 : memref<80x125xi32, #tpu.memory_space<hbm>>) dst(%arg7 : memref<80x125xi32, #tpu.memory_space<vmem>>)
      tpu.yield
    }) : () -> ()
    %dma_start3A_67 = arith.constant 0 : i32
    %dma_start3A_68 = arith.constant 0 : i32
    %dma_start3A_69 = tpu.memref_slice %arg6[%dma_start3A_67, %dma_start3A_68] : memref<80x125xi32, #tpu.memory_space<vmem>> -> memref<1x125xi32, #tpu.memory_space<vmem>>
    %dma_start3A_70 = tpu.memref_squeeze %dma_start3A_69 : memref<1x125xi32, #tpu.memory_space<vmem>> -> memref<125xi32, #tpu.memory_space<vmem>>
    %dma_start3A_71 = arith.constant 0 : i32
    %dma_start3A_72 = arith.constant 0 : i32
    %dma_start3A_73 = tpu.memref_slice %arg2[%dma_start3A_71, %dma_start3A_72] : memref<20000x64xf32, #tpu.memory_space<hbm>> -> memref<20000x64xf32, #tpu.memory_space<hbm>>
    tpu.enqueue_indirect_dma source(%dma_start3A_73 : memref<20000x64xf32, #tpu.memory_space<hbm>>) target(%arg8 : memref<125x64xf32, #tpu.memory_space<vmem>>) offsets(%dma_start3A_70 : memref<125xi32, #tpu.memory_space<vmem>>) semaphore(%arg15 : memref<!tpu.dma_semaphore, #tpu.memory_space<semaphore_mem>>)
    %dma_start3A_74 = arith.constant 1 : i32
    %dma_start3A_75 = arith.constant 0 : i32
    %dma_start3A_76 = tpu.memref_slice %arg6[%dma_start3A_74, %dma_start3A_75] : memref<80x125xi32, #tpu.memory_space<vmem>> -> memref<1x125xi32, #tpu.memory_space<vmem>>
    %dma_start3A_77 = tpu.memref_squeeze %dma_start3A_76 : memref<1x125xi32, #tpu.memory_space<vmem>> -> memref<125xi32, #tpu.memory_space<vmem>>
    %dma_start3A_78 = arith.constant 0 : i32
    %dma_start3A_79 = arith.constant 0 : i32
    %dma_start3A_80 = tpu.memref_slice %arg2[%dma_start3A_78, %dma_start3A_79] : memref<20000x64xf32, #tpu.memory_space<hbm>> -> memref<20000x64xf32, #tpu.memory_space<hbm>>
    tpu.enqueue_indirect_dma source(%dma_start3A_80 : memref<20000x64xf32, #tpu.memory_space<hbm>>) target(%arg9 : memref<125x64xf32, #tpu.memory_space<vmem>>) offsets(%dma_start3A_77 : memref<125xi32, #tpu.memory_space<vmem>>) semaphore(%arg15 : memref<!tpu.dma_semaphore, #tpu.memory_space<semaphore_mem>>)
    %dma_start3A_81 = arith.constant 2 : i32
    %dma_start3A_82 = arith.constant 0 : i32
    %dma_start3A_83 = tpu.memref_slice %arg6[%dma_start3A_81, %dma_start3A_82] : memref<80x125xi32, #tpu.memory_space<vmem>> -> memref<1x125xi32, #tpu.memory_space<vmem>>
    %dma_start3A_84 = tpu.memref_squeeze %dma_start3A_83 : memref<1x125xi32, #tpu.memory_space<vmem>> -> memref<125xi32, #tpu.memory_space<vmem>>
    %dma_start3A_85 = arith.constant 0 : i32
    %dma_start3A_86 = arith.constant 0 : i32
    %dma_start3A_87 = tpu.memref_slice %arg2[%dma_start3A_85, %dma_start3A_86] : memref<20000x64xf32, #tpu.memory_space<hbm>> -> memref<20000x64xf32, #tpu.memory_space<hbm>>
    tpu.enqueue_indirect_dma source(%dma_start3A_87 : memref<20000x64xf32, #tpu.memory_space<hbm>>) target(%arg10 : memref<125x64xf32, #tpu.memory_space<vmem>>) offsets(%dma_start3A_84 : memref<125xi32, #tpu.memory_space<vmem>>) semaphore(%arg15 : memref<!tpu.dma_semaphore, #tpu.memory_space<semaphore_mem>>)
    %dma_start3A_88 = arith.constant 3 : i32
    %dma_start3A_89 = arith.constant 0 : i32
    %dma_start3A_90 = tpu.memref_slice %arg6[%dma_start3A_88, %dma_start3A_89] : memref<80x125xi32, #tpu.memory_space<vmem>> -> memref<1x125xi32, #tpu.memory_space<vmem>>
    %dma_start3A_91 = tpu.memref_squeeze %dma_start3A_90 : memref<1x125xi32, #tpu.memory_space<vmem>> -> memref<125xi32, #tpu.memory_space<vmem>>
    %dma_start3A_92 = arith.constant 0 : i32
    %dma_start3A_93 = arith.constant 0 : i32
    %dma_start3A_94 = tpu.memref_slice %arg2[%dma_start3A_92, %dma_start3A_93] : memref<20000x64xf32, #tpu.memory_space<hbm>> -> memref<20000x64xf32, #tpu.memory_space<hbm>>
    tpu.enqueue_indirect_dma source(%dma_start3A_94 : memref<20000x64xf32, #tpu.memory_space<hbm>>) target(%arg11 : memref<125x64xf32, #tpu.memory_space<vmem>>) offsets(%dma_start3A_91 : memref<125xi32, #tpu.memory_space<vmem>>) semaphore(%arg15 : memref<!tpu.dma_semaphore, #tpu.memory_space<semaphore_mem>>)
    %dma_start3A_95 = arith.constant 4 : i32
    %dma_start3A_96 = arith.constant 0 : i32
    %dma_start3A_97 = tpu.memref_slice %arg6[%dma_start3A_95, %dma_start3A_96] : memref<80x125xi32, #tpu.memory_space<vmem>> -> memref<1x125xi32, #tpu.memory_space<vmem>>
    %dma_start3A_98 = tpu.memref_squeeze %dma_start3A_97 : memref<1x125xi32, #tpu.memory_space<vmem>> -> memref<125xi32, #tpu.memory_space<vmem>>
    %dma_start3A_99 = arith.constant 0 : i32
    %dma_start3A_100 = arith.constant 0 : i32
    %dma_start3A_101 = tpu.memref_slice %arg2[%dma_start3A_99, %dma_start3A_100] : memref<20000x64xf32, #tpu.memory_space<hbm>> -> memref<20000x64xf32, #tpu.memory_space<hbm>>
    tpu.enqueue_indirect_dma source(%dma_start3A_101 : memref<20000x64xf32, #tpu.memory_space<hbm>>) target(%arg12 : memref<125x64xf32, #tpu.memory_space<vmem>>) offsets(%dma_start3A_98 : memref<125xi32, #tpu.memory_space<vmem>>) semaphore(%arg15 : memref<!tpu.dma_semaphore, #tpu.memory_space<semaphore_mem>>)
    %scan3A_102 = arith.constant 0 : i32
    %scan3A_103 = arith.constant 16 : i32
    %scan3A_104 = arith.addi %scan3A_102, %scan3A_103 : i32
    %scan3A_105 = arith.constant 1 : i32
    scf.for %scan3A_135 = %scan3A_102 to %scan3A_104 step %scan3A_105  : i32 {
      %mul3A_136 = arith.constant 5 : i32
      %mul3A_137 = arith.muli %mul3A_136, %scan3A_135 : i32
      %add3A_138 = arith.constant 0 : i32
      %add3A_139 = arith.addi %mul3A_137, %add3A_138 : i32
      %dma_wait3A = arith.constant 0 : i32
      %dma_wait3A_140 = tpu.memref_slice %arg6[%add3A_139, %dma_wait3A] : memref<80x125xi32, #tpu.memory_space<vmem>> -> memref<1x125xi32, #tpu.memory_space<vmem>>
      %dma_wait3A_141 = tpu.memref_squeeze %dma_wait3A_140 : memref<1x125xi32, #tpu.memory_space<vmem>> -> memref<125xi32, #tpu.memory_space<vmem>>
      %dma_wait3A_142 = arith.constant 0 : i32
      %dma_wait3A_143 = arith.constant 0 : i32
      %dma_wait3A_144 = tpu.memref_slice %arg2[%dma_wait3A_142, %dma_wait3A_143] : memref<20000x64xf32, #tpu.memory_space<hbm>> -> memref<20000x64xf32, #tpu.memory_space<hbm>>
      tpu.wait_indirect_dma semaphore(%arg15 : memref<!tpu.dma_semaphore, #tpu.memory_space<semaphore_mem>>) src(%dma_wait3A_144 : memref<20000x64xf32, #tpu.memory_space<hbm>>) dst(%arg8 : memref<125x64xf32, #tpu.memory_space<vmem>>)
      %dma_start3A_145 = arith.constant 0 : i32
      %dma_start3A_146 = tpu.memref_slice %arg7[%add3A_139, %dma_start3A_145] : memref<80x125xi32, #tpu.memory_space<vmem>> -> memref<1x125xi32, #tpu.memory_space<vmem>>
      %dma_start3A_147 = tpu.memref_squeeze %dma_start3A_146 : memref<1x125xi32, #tpu.memory_space<vmem>> -> memref<125xi32, #tpu.memory_space<vmem>>
      %dma_start3A_148 = arith.constant 0 : i32
      %dma_start3A_149 = arith.constant 0 : i32
      %dma_start3A_150 = tpu.memref_slice %arg14[%dma_start3A_148, %dma_start3A_149] : memref<10008x64xf32, #tpu.memory_space<vmem_shared>> -> memref<10008x64xf32, #tpu.memory_space<vmem_shared>>
      tpu.enqueue_indirect_dma source(%arg8 : memref<125x64xf32, #tpu.memory_space<vmem>>) target(%dma_start3A_150 : memref<10008x64xf32, #tpu.memory_space<vmem_shared>>) offsets(%dma_start3A_147 : memref<125xi32, #tpu.memory_space<vmem>>) semaphore(%arg16 : memref<!tpu.dma_semaphore, #tpu.memory_space<semaphore_mem>>) {add = true}
      %mul3A_151 = arith.constant 5 : i32
      %mul3A_152 = arith.muli %mul3A_151, %scan3A_135 : i32
      %add3A_153 = arith.constant 1 : i32
      %add3A_154 = arith.addi %mul3A_152, %add3A_153 : i32
      %dma_wait3A_155 = arith.constant 0 : i32
      %dma_wait3A_156 = tpu.memref_slice %arg6[%add3A_154, %dma_wait3A_155] : memref<80x125xi32, #tpu.memory_space<vmem>> -> memref<1x125xi32, #tpu.memory_space<vmem>>
      %dma_wait3A_157 = tpu.memref_squeeze %dma_wait3A_156 : memref<1x125xi32, #tpu.memory_space<vmem>> -> memref<125xi32, #tpu.memory_space<vmem>>
      %dma_wait3A_158 = arith.constant 0 : i32
      %dma_wait3A_159 = arith.constant 0 : i32
      %dma_wait3A_160 = tpu.memref_slice %arg2[%dma_wait3A_158, %dma_wait3A_159] : memref<20000x64xf32, #tpu.memory_space<hbm>> -> memref<20000x64xf32, #tpu.memory_space<hbm>>
      tpu.wait_indirect_dma semaphore(%arg15 : memref<!tpu.dma_semaphore, #tpu.memory_space<semaphore_mem>>) src(%dma_wait3A_160 : memref<20000x64xf32, #tpu.memory_space<hbm>>) dst(%arg9 : memref<125x64xf32, #tpu.memory_space<vmem>>)
      %dma_start3A_161 = arith.constant 0 : i32
      %dma_start3A_162 = tpu.memref_slice %arg7[%add3A_154, %dma_start3A_161] : memref<80x125xi32, #tpu.memory_space<vmem>> -> memref<1x125xi32, #tpu.memory_space<vmem>>
      %dma_start3A_163 = tpu.memref_squeeze %dma_start3A_162 : memref<1x125xi32, #tpu.memory_space<vmem>> -> memref<125xi32, #tpu.memory_space<vmem>>
      %dma_start3A_164 = arith.constant 0 : i32
      %dma_start3A_165 = arith.constant 0 : i32
      %dma_start3A_166 = tpu.memref_slice %arg14[%dma_start3A_164, %dma_start3A_165] : memref<10008x64xf32, #tpu.memory_space<vmem_shared>> -> memref<10008x64xf32, #tpu.memory_space<vmem_shared>>
      tpu.enqueue_indirect_dma source(%arg9 : memref<125x64xf32, #tpu.memory_space<vmem>>) target(%dma_start3A_166 : memref<10008x64xf32, #tpu.memory_space<vmem_shared>>) offsets(%dma_start3A_163 : memref<125xi32, #tpu.memory_space<vmem>>) semaphore(%arg16 : memref<!tpu.dma_semaphore, #tpu.memory_space<semaphore_mem>>) {add = true}
      %mul3A_167 = arith.constant 5 : i32
      %mul3A_168 = arith.muli %mul3A_167, %scan3A_135 : i32
      %add3A_169 = arith.constant 2 : i32
      %add3A_170 = arith.addi %mul3A_168, %add3A_169 : i32
      %dma_wait3A_171 = arith.constant 0 : i32
      %dma_wait3A_172 = tpu.memref_slice %arg6[%add3A_170, %dma_wait3A_171] : memref<80x125xi32, #tpu.memory_space<vmem>> -> memref<1x125xi32, #tpu.memory_space<vmem>>
      %dma_wait3A_173 = tpu.memref_squeeze %dma_wait3A_172 : memref<1x125xi32, #tpu.memory_space<vmem>> -> memref<125xi32, #tpu.memory_space<vmem>>
      %dma_wait3A_174 = arith.constant 0 : i32
      %dma_wait3A_175 = arith.constant 0 : i32
      %dma_wait3A_176 = tpu.memref_slice %arg2[%dma_wait3A_174, %dma_wait3A_175] : memref<20000x64xf32, #tpu.memory_space<hbm>> -> memref<20000x64xf32, #tpu.memory_space<hbm>>
      tpu.wait_indirect_dma semaphore(%arg15 : memref<!tpu.dma_semaphore, #tpu.memory_space<semaphore_mem>>) src(%dma_wait3A_176 : memref<20000x64xf32, #tpu.memory_space<hbm>>) dst(%arg10 : memref<125x64xf32, #tpu.memory_space<vmem>>)
      %dma_start3A_177 = arith.constant 0 : i32
      %dma_start3A_178 = tpu.memref_slice %arg7[%add3A_170, %dma_start3A_177] : memref<80x125xi32, #tpu.memory_space<vmem>> -> memref<1x125xi32, #tpu.memory_space<vmem>>
      %dma_start3A_179 = tpu.memref_squeeze %dma_start3A_178 : memref<1x125xi32, #tpu.memory_space<vmem>> -> memref<125xi32, #tpu.memory_space<vmem>>
      %dma_start3A_180 = arith.constant 0 : i32
      %dma_start3A_181 = arith.constant 0 : i32
      %dma_start3A_182 = tpu.memref_slice %arg14[%dma_start3A_180, %dma_start3A_181] : memref<10008x64xf32, #tpu.memory_space<vmem_shared>> -> memref<10008x64xf32, #tpu.memory_space<vmem_shared>>
      tpu.enqueue_indirect_dma source(%arg10 : memref<125x64xf32, #tpu.memory_space<vmem>>) target(%dma_start3A_182 : memref<10008x64xf32, #tpu.memory_space<vmem_shared>>) offsets(%dma_start3A_179 : memref<125xi32, #tpu.memory_space<vmem>>) semaphore(%arg16 : memref<!tpu.dma_semaphore, #tpu.memory_space<semaphore_mem>>) {add = true}
      %mul3A_183 = arith.constant 5 : i32
      %mul3A_184 = arith.muli %mul3A_183, %scan3A_135 : i32
      %add3A_185 = arith.constant 3 : i32
      %add3A_186 = arith.addi %mul3A_184, %add3A_185 : i32
      %dma_wait3A_187 = arith.constant 0 : i32
      %dma_wait3A_188 = tpu.memref_slice %arg6[%add3A_186, %dma_wait3A_187] : memref<80x125xi32, #tpu.memory_space<vmem>> -> memref<1x125xi32, #tpu.memory_space<vmem>>
      %dma_wait3A_189 = tpu.memref_squeeze %dma_wait3A_188 : memref<1x125xi32, #tpu.memory_space<vmem>> -> memref<125xi32, #tpu.memory_space<vmem>>
      %dma_wait3A_190 = arith.constant 0 : i32
      %dma_wait3A_191 = arith.constant 0 : i32
      %dma_wait3A_192 = tpu.memref_slice %arg2[%dma_wait3A_190, %dma_wait3A_191] : memref<20000x64xf32, #tpu.memory_space<hbm>> -> memref<20000x64xf32, #tpu.memory_space<hbm>>
      tpu.wait_indirect_dma semaphore(%arg15 : memref<!tpu.dma_semaphore, #tpu.memory_space<semaphore_mem>>) src(%dma_wait3A_192 : memref<20000x64xf32, #tpu.memory_space<hbm>>) dst(%arg11 : memref<125x64xf32, #tpu.memory_space<vmem>>)
      %dma_start3A_193 = arith.constant 0 : i32
      %dma_start3A_194 = tpu.memref_slice %arg7[%add3A_186, %dma_start3A_193] : memref<80x125xi32, #tpu.memory_space<vmem>> -> memref<1x125xi32, #tpu.memory_space<vmem>>
      %dma_start3A_195 = tpu.memref_squeeze %dma_start3A_194 : memref<1x125xi32, #tpu.memory_space<vmem>> -> memref<125xi32, #tpu.memory_space<vmem>>
      %dma_start3A_196 = arith.constant 0 : i32
      %dma_start3A_197 = arith.constant 0 : i32
      %dma_start3A_198 = tpu.memref_slice %arg14[%dma_start3A_196, %dma_start3A_197] : memref<10008x64xf32, #tpu.memory_space<vmem_shared>> -> memref<10008x64xf32, #tpu.memory_space<vmem_shared>>
      tpu.enqueue_indirect_dma source(%arg11 : memref<125x64xf32, #tpu.memory_space<vmem>>) target(%dma_start3A_198 : memref<10008x64xf32, #tpu.memory_space<vmem_shared>>) offsets(%dma_start3A_195 : memref<125xi32, #tpu.memory_space<vmem>>) semaphore(%arg16 : memref<!tpu.dma_semaphore, #tpu.memory_space<semaphore_mem>>) {add = true}
      %mul3A_199 = arith.constant 5 : i32
      %mul3A_200 = arith.muli %mul3A_199, %scan3A_135 : i32
      %add3A_201 = arith.constant 4 : i32
      %add3A_202 = arith.addi %mul3A_200, %add3A_201 : i32
      %dma_wait3A_203 = arith.constant 0 : i32
      %dma_wait3A_204 = tpu.memref_slice %arg6[%add3A_202, %dma_wait3A_203] : memref<80x125xi32, #tpu.memory_space<vmem>> -> memref<1x125xi32, #tpu.memory_space<vmem>>
      %dma_wait3A_205 = tpu.memref_squeeze %dma_wait3A_204 : memref<1x125xi32, #tpu.memory_space<vmem>> -> memref<125xi32, #tpu.memory_space<vmem>>
      %dma_wait3A_206 = arith.constant 0 : i32
      %dma_wait3A_207 = arith.constant 0 : i32
      %dma_wait3A_208 = tpu.memref_slice %arg2[%dma_wait3A_206, %dma_wait3A_207] : memref<20000x64xf32, #tpu.memory_space<hbm>> -> memref<20000x64xf32, #tpu.memory_space<hbm>>
      tpu.wait_indirect_dma semaphore(%arg15 : memref<!tpu.dma_semaphore, #tpu.memory_space<semaphore_mem>>) src(%dma_wait3A_208 : memref<20000x64xf32, #tpu.memory_space<hbm>>) dst(%arg12 : memref<125x64xf32, #tpu.memory_space<vmem>>)
      %dma_start3A_209 = arith.constant 0 : i32
      %dma_start3A_210 = tpu.memref_slice %arg7[%add3A_202, %dma_start3A_209] : memref<80x125xi32, #tpu.memory_space<vmem>> -> memref<1x125xi32, #tpu.memory_space<vmem>>
      %dma_start3A_211 = tpu.memref_squeeze %dma_start3A_210 : memref<1x125xi32, #tpu.memory_space<vmem>> -> memref<125xi32, #tpu.memory_space<vmem>>
      %dma_start3A_212 = arith.constant 0 : i32
      %dma_start3A_213 = arith.constant 0 : i32
      %dma_start3A_214 = tpu.memref_slice %arg14[%dma_start3A_212, %dma_start3A_213] : memref<10008x64xf32, #tpu.memory_space<vmem_shared>> -> memref<10008x64xf32, #tpu.memory_space<vmem_shared>>
      tpu.enqueue_indirect_dma source(%arg12 : memref<125x64xf32, #tpu.memory_space<vmem>>) target(%dma_start3A_214 : memref<10008x64xf32, #tpu.memory_space<vmem_shared>>) offsets(%dma_start3A_211 : memref<125xi32, #tpu.memory_space<vmem>>) semaphore(%arg16 : memref<!tpu.dma_semaphore, #tpu.memory_space<semaphore_mem>>) {add = true}
      %mul3A_215 = arith.constant 5 : i32
      %mul3A_216 = arith.muli %mul3A_215, %scan3A_135 : i32
      %add3A_217 = arith.constant 0 : i32
      %add3A_218 = arith.addi %mul3A_216, %add3A_217 : i32
      %dma_wait3A_219 = arith.constant 0 : i32
      %dma_wait3A_220 = tpu.memref_slice %arg7[%add3A_218, %dma_wait3A_219] : memref<80x125xi32, #tpu.memory_space<vmem>> -> memref<1x125xi32, #tpu.memory_space<vmem>>
      %dma_wait3A_221 = tpu.memref_squeeze %dma_wait3A_220 : memref<1x125xi32, #tpu.memory_space<vmem>> -> memref<125xi32, #tpu.memory_space<vmem>>
      %dma_wait3A_222 = arith.constant 0 : i32
      %dma_wait3A_223 = arith.constant 0 : i32
      %dma_wait3A_224 = tpu.memref_slice %arg14[%dma_wait3A_222, %dma_wait3A_223] : memref<10008x64xf32, #tpu.memory_space<vmem_shared>> -> memref<10008x64xf32, #tpu.memory_space<vmem_shared>>
      tpu.wait_indirect_dma semaphore(%arg16 : memref<!tpu.dma_semaphore, #tpu.memory_space<semaphore_mem>>) src(%arg8 : memref<125x64xf32, #tpu.memory_space<vmem>>) dst(%dma_wait3A_224 : memref<10008x64xf32, #tpu.memory_space<vmem_shared>>)
      %add3A_225 = arith.constant 5 : i32
      %add3A_226 = arith.addi %add3A_218, %add3A_225 : i32
      %lt3A_227 = arith.constant 80 : i32
      %lt3A_228 = arith.cmpi slt, %add3A_226, %lt3A_227 : i32
      %convert_element_type3A_229 = arith.extui %lt3A_228 : i1 to i32
      %cond3A_230 = arith.constant 0 : i32
      %cond3A_231 = arith.cmpi ne, %convert_element_type3A_229, %cond3A_230 : i32
      scf.if %cond3A_231 {
        %add3A_300 = arith.constant 5 : i32
        %add3A_301 = arith.addi %add3A_218, %add3A_300 : i32
        %dma_start3A_302 = arith.constant 0 : i32
        %dma_start3A_303 = tpu.memref_slice %arg6[%add3A_301, %dma_start3A_302] : memref<80x125xi32, #tpu.memory_space<vmem>> -> memref<1x125xi32, #tpu.memory_space<vmem>>
        %dma_start3A_304 = tpu.memref_squeeze %dma_start3A_303 : memref<1x125xi32, #tpu.memory_space<vmem>> -> memref<125xi32, #tpu.memory_space<vmem>>
        %dma_start3A_305 = arith.constant 0 : i32
        %dma_start3A_306 = arith.constant 0 : i32
        %dma_start3A_307 = tpu.memref_slice %arg2[%dma_start3A_305, %dma_start3A_306] : memref<20000x64xf32, #tpu.memory_space<hbm>> -> memref<20000x64xf32, #tpu.memory_space<hbm>>
        tpu.enqueue_indirect_dma source(%dma_start3A_307 : memref<20000x64xf32, #tpu.memory_space<hbm>>) target(%arg8 : memref<125x64xf32, #tpu.memory_space<vmem>>) offsets(%dma_start3A_304 : memref<125xi32, #tpu.memory_space<vmem>>) semaphore(%arg15 : memref<!tpu.dma_semaphore, #tpu.memory_space<semaphore_mem>>)
      } else {
      }
      %mul3A_232 = arith.constant 5 : i32
      %mul3A_233 = arith.muli %mul3A_232, %scan3A_135 : i32
      %add3A_234 = arith.constant 1 : i32
      %add3A_235 = arith.addi %mul3A_233, %add3A_234 : i32
      %dma_wait3A_236 = arith.constant 0 : i32
      %dma_wait3A_237 = tpu.memref_slice %arg7[%add3A_235, %dma_wait3A_236] : memref<80x125xi32, #tpu.memory_space<vmem>> -> memref<1x125xi32, #tpu.memory_space<vmem>>
      %dma_wait3A_238 = tpu.memref_squeeze %dma_wait3A_237 : memref<1x125xi32, #tpu.memory_space<vmem>> -> memref<125xi32, #tpu.memory_space<vmem>>
      %dma_wait3A_239 = arith.constant 0 : i32
      %dma_wait3A_240 = arith.constant 0 : i32
      %dma_wait3A_241 = tpu.memref_slice %arg14[%dma_wait3A_239, %dma_wait3A_240] : memref<10008x64xf32, #tpu.memory_space<vmem_shared>> -> memref<10008x64xf32, #tpu.memory_space<vmem_shared>>
      tpu.wait_indirect_dma semaphore(%arg16 : memref<!tpu.dma_semaphore, #tpu.memory_space<semaphore_mem>>) src(%arg9 : memref<125x64xf32, #tpu.memory_space<vmem>>) dst(%dma_wait3A_241 : memref<10008x64xf32, #tpu.memory_space<vmem_shared>>)
      %add3A_242 = arith.constant 5 : i32
      %add3A_243 = arith.addi %add3A_235, %add3A_242 : i32
      %lt3A_244 = arith.constant 80 : i32
      %lt3A_245 = arith.cmpi slt, %add3A_243, %lt3A_244 : i32
      %convert_element_type3A_246 = arith.extui %lt3A_245 : i1 to i32
      %cond3A_247 = arith.constant 0 : i32
      %cond3A_248 = arith.cmpi ne, %convert_element_type3A_246, %cond3A_247 : i32
      scf.if %cond3A_248 {
        %add3A_300 = arith.constant 5 : i32
        %add3A_301 = arith.addi %add3A_235, %add3A_300 : i32
        %dma_start3A_302 = arith.constant 0 : i32
        %dma_start3A_303 = tpu.memref_slice %arg6[%add3A_301, %dma_start3A_302] : memref<80x125xi32, #tpu.memory_space<vmem>> -> memref<1x125xi32, #tpu.memory_space<vmem>>
        %dma_start3A_304 = tpu.memref_squeeze %dma_start3A_303 : memref<1x125xi32, #tpu.memory_space<vmem>> -> memref<125xi32, #tpu.memory_space<vmem>>
        %dma_start3A_305 = arith.constant 0 : i32
        %dma_start3A_306 = arith.constant 0 : i32
        %dma_start3A_307 = tpu.memref_slice %arg2[%dma_start3A_305, %dma_start3A_306] : memref<20000x64xf32, #tpu.memory_space<hbm>> -> memref<20000x64xf32, #tpu.memory_space<hbm>>
        tpu.enqueue_indirect_dma source(%dma_start3A_307 : memref<20000x64xf32, #tpu.memory_space<hbm>>) target(%arg9 : memref<125x64xf32, #tpu.memory_space<vmem>>) offsets(%dma_start3A_304 : memref<125xi32, #tpu.memory_space<vmem>>) semaphore(%arg15 : memref<!tpu.dma_semaphore, #tpu.memory_space<semaphore_mem>>)
      } else {
      }
      %mul3A_249 = arith.constant 5 : i32
      %mul3A_250 = arith.muli %mul3A_249, %scan3A_135 : i32
      %add3A_251 = arith.constant 2 : i32
      %add3A_252 = arith.addi %mul3A_250, %add3A_251 : i32
      %dma_wait3A_253 = arith.constant 0 : i32
      %dma_wait3A_254 = tpu.memref_slice %arg7[%add3A_252, %dma_wait3A_253] : memref<80x125xi32, #tpu.memory_space<vmem>> -> memref<1x125xi32, #tpu.memory_space<vmem>>
      %dma_wait3A_255 = tpu.memref_squeeze %dma_wait3A_254 : memref<1x125xi32, #tpu.memory_space<vmem>> -> memref<125xi32, #tpu.memory_space<vmem>>
      %dma_wait3A_256 = arith.constant 0 : i32
      %dma_wait3A_257 = arith.constant 0 : i32
      %dma_wait3A_258 = tpu.memref_slice %arg14[%dma_wait3A_256, %dma_wait3A_257] : memref<10008x64xf32, #tpu.memory_space<vmem_shared>> -> memref<10008x64xf32, #tpu.memory_space<vmem_shared>>
      tpu.wait_indirect_dma semaphore(%arg16 : memref<!tpu.dma_semaphore, #tpu.memory_space<semaphore_mem>>) src(%arg10 : memref<125x64xf32, #tpu.memory_space<vmem>>) dst(%dma_wait3A_258 : memref<10008x64xf32, #tpu.memory_space<vmem_shared>>)
      %add3A_259 = arith.constant 5 : i32
      %add3A_260 = arith.addi %add3A_252, %add3A_259 : i32
      %lt3A_261 = arith.constant 80 : i32
      %lt3A_262 = arith.cmpi slt, %add3A_260, %lt3A_261 : i32
      %convert_element_type3A_263 = arith.extui %lt3A_262 : i1 to i32
      %cond3A_264 = arith.constant 0 : i32
      %cond3A_265 = arith.cmpi ne, %convert_element_type3A_263, %cond3A_264 : i32
      scf.if %cond3A_265 {
        %add3A_300 = arith.constant 5 : i32
        %add3A_301 = arith.addi %add3A_252, %add3A_300 : i32
        %dma_start3A_302 = arith.constant 0 : i32
        %dma_start3A_303 = tpu.memref_slice %arg6[%add3A_301, %dma_start3A_302] : memref<80x125xi32, #tpu.memory_space<vmem>> -> memref<1x125xi32, #tpu.memory_space<vmem>>
        %dma_start3A_304 = tpu.memref_squeeze %dma_start3A_303 : memref<1x125xi32, #tpu.memory_space<vmem>> -> memref<125xi32, #tpu.memory_space<vmem>>
        %dma_start3A_305 = arith.constant 0 : i32
        %dma_start3A_306 = arith.constant 0 : i32
        %dma_start3A_307 = tpu.memref_slice %arg2[%dma_start3A_305, %dma_start3A_306] : memref<20000x64xf32, #tpu.memory_space<hbm>> -> memref<20000x64xf32, #tpu.memory_space<hbm>>
        tpu.enqueue_indirect_dma source(%dma_start3A_307 : memref<20000x64xf32, #tpu.memory_space<hbm>>) target(%arg10 : memref<125x64xf32, #tpu.memory_space<vmem>>) offsets(%dma_start3A_304 : memref<125xi32, #tpu.memory_space<vmem>>) semaphore(%arg15 : memref<!tpu.dma_semaphore, #tpu.memory_space<semaphore_mem>>)
      } else {
      }
      %mul3A_266 = arith.constant 5 : i32
      %mul3A_267 = arith.muli %mul3A_266, %scan3A_135 : i32
      %add3A_268 = arith.constant 3 : i32
      %add3A_269 = arith.addi %mul3A_267, %add3A_268 : i32
      %dma_wait3A_270 = arith.constant 0 : i32
      %dma_wait3A_271 = tpu.memref_slice %arg7[%add3A_269, %dma_wait3A_270] : memref<80x125xi32, #tpu.memory_space<vmem>> -> memref<1x125xi32, #tpu.memory_space<vmem>>
      %dma_wait3A_272 = tpu.memref_squeeze %dma_wait3A_271 : memref<1x125xi32, #tpu.memory_space<vmem>> -> memref<125xi32, #tpu.memory_space<vmem>>
      %dma_wait3A_273 = arith.constant 0 : i32
      %dma_wait3A_274 = arith.constant 0 : i32
      %dma_wait3A_275 = tpu.memref_slice %arg14[%dma_wait3A_273, %dma_wait3A_274] : memref<10008x64xf32, #tpu.memory_space<vmem_shared>> -> memref<10008x64xf32, #tpu.memory_space<vmem_shared>>
      tpu.wait_indirect_dma semaphore(%arg16 : memref<!tpu.dma_semaphore, #tpu.memory_space<semaphore_mem>>) src(%arg11 : memref<125x64xf32, #tpu.memory_space<vmem>>) dst(%dma_wait3A_275 : memref<10008x64xf32, #tpu.memory_space<vmem_shared>>)
      %add3A_276 = arith.constant 5 : i32
      %add3A_277 = arith.addi %add3A_269, %add3A_276 : i32
      %lt3A_278 = arith.constant 80 : i32
      %lt3A_279 = arith.cmpi slt, %add3A_277, %lt3A_278 : i32
      %convert_element_type3A_280 = arith.extui %lt3A_279 : i1 to i32
      %cond3A_281 = arith.constant 0 : i32
      %cond3A_282 = arith.cmpi ne, %convert_element_type3A_280, %cond3A_281 : i32
      scf.if %cond3A_282 {
        %add3A_300 = arith.constant 5 : i32
        %add3A_301 = arith.addi %add3A_269, %add3A_300 : i32
        %dma_start3A_302 = arith.constant 0 : i32
        %dma_start3A_303 = tpu.memref_slice %arg6[%add3A_301, %dma_start3A_302] : memref<80x125xi32, #tpu.memory_space<vmem>> -> memref<1x125xi32, #tpu.memory_space<vmem>>
        %dma_start3A_304 = tpu.memref_squeeze %dma_start3A_303 : memref<1x125xi32, #tpu.memory_space<vmem>> -> memref<125xi32, #tpu.memory_space<vmem>>
        %dma_start3A_305 = arith.constant 0 : i32
        %dma_start3A_306 = arith.constant 0 : i32
        %dma_start3A_307 = tpu.memref_slice %arg2[%dma_start3A_305, %dma_start3A_306] : memref<20000x64xf32, #tpu.memory_space<hbm>> -> memref<20000x64xf32, #tpu.memory_space<hbm>>
        tpu.enqueue_indirect_dma source(%dma_start3A_307 : memref<20000x64xf32, #tpu.memory_space<hbm>>) target(%arg11 : memref<125x64xf32, #tpu.memory_space<vmem>>) offsets(%dma_start3A_304 : memref<125xi32, #tpu.memory_space<vmem>>) semaphore(%arg15 : memref<!tpu.dma_semaphore, #tpu.memory_space<semaphore_mem>>)
      } else {
      }
      %mul3A_283 = arith.constant 5 : i32
      %mul3A_284 = arith.muli %mul3A_283, %scan3A_135 : i32
      %add3A_285 = arith.constant 4 : i32
      %add3A_286 = arith.addi %mul3A_284, %add3A_285 : i32
      %dma_wait3A_287 = arith.constant 0 : i32
      %dma_wait3A_288 = tpu.memref_slice %arg7[%add3A_286, %dma_wait3A_287] : memref<80x125xi32, #tpu.memory_space<vmem>> -> memref<1x125xi32, #tpu.memory_space<vmem>>
      %dma_wait3A_289 = tpu.memref_squeeze %dma_wait3A_288 : memref<1x125xi32, #tpu.memory_space<vmem>> -> memref<125xi32, #tpu.memory_space<vmem>>
      %dma_wait3A_290 = arith.constant 0 : i32
      %dma_wait3A_291 = arith.constant 0 : i32
      %dma_wait3A_292 = tpu.memref_slice %arg14[%dma_wait3A_290, %dma_wait3A_291] : memref<10008x64xf32, #tpu.memory_space<vmem_shared>> -> memref<10008x64xf32, #tpu.memory_space<vmem_shared>>
      tpu.wait_indirect_dma semaphore(%arg16 : memref<!tpu.dma_semaphore, #tpu.memory_space<semaphore_mem>>) src(%arg12 : memref<125x64xf32, #tpu.memory_space<vmem>>) dst(%dma_wait3A_292 : memref<10008x64xf32, #tpu.memory_space<vmem_shared>>)
      %add3A_293 = arith.constant 5 : i32
      %add3A_294 = arith.addi %add3A_286, %add3A_293 : i32
      %lt3A_295 = arith.constant 80 : i32
      %lt3A_296 = arith.cmpi slt, %add3A_294, %lt3A_295 : i32
      %convert_element_type3A_297 = arith.extui %lt3A_296 : i1 to i32
      %cond3A_298 = arith.constant 0 : i32
      %cond3A_299 = arith.cmpi ne, %convert_element_type3A_297, %cond3A_298 : i32
      scf.if %cond3A_299 {
        %add3A_300 = arith.constant 5 : i32
        %add3A_301 = arith.addi %add3A_286, %add3A_300 : i32
        %dma_start3A_302 = arith.constant 0 : i32
        %dma_start3A_303 = tpu.memref_slice %arg6[%add3A_301, %dma_start3A_302] : memref<80x125xi32, #tpu.memory_space<vmem>> -> memref<1x125xi32, #tpu.memory_space<vmem>>
        %dma_start3A_304 = tpu.memref_squeeze %dma_start3A_303 : memref<1x125xi32, #tpu.memory_space<vmem>> -> memref<125xi32, #tpu.memory_space<vmem>>
        %dma_start3A_305 = arith.constant 0 : i32
        %dma_start3A_306 = arith.constant 0 : i32
        %dma_start3A_307 = tpu.memref_slice %arg2[%dma_start3A_305, %dma_start3A_306] : memref<20000x64xf32, #tpu.memory_space<hbm>> -> memref<20000x64xf32, #tpu.memory_space<hbm>>
        tpu.enqueue_indirect_dma source(%dma_start3A_307 : memref<20000x64xf32, #tpu.memory_space<hbm>>) target(%arg12 : memref<125x64xf32, #tpu.memory_space<vmem>>) offsets(%dma_start3A_304 : memref<125xi32, #tpu.memory_space<vmem>>) semaphore(%arg15 : memref<!tpu.dma_semaphore, #tpu.memory_space<semaphore_mem>>)
      } else {
      }
    }
    %scan3A_106 = arith.constant 16 : i32
    %barrier3A_107 = arith.constant 0 : index
    tpu.barrier barrier_id(%barrier3A_107)
    %add3A_108 = arith.constant 0 : i32
    %add3A_109 = arith.addi %arg1, %add3A_108 : i32
    %lt3A = arith.constant 50 : i32
    %lt3A_110 = arith.cmpi slt, %add3A_109, %lt3A : i32
    %convert_element_type3A_111 = arith.extui %lt3A_110 : i1 to i32
    %cond3A_112 = arith.constant 0 : i32
    %cond3A_113 = arith.cmpi ne, %convert_element_type3A_111, %cond3A_112 : i32
    scf.if %cond3A_113 {
      %mul3A_135 = arith.constant 200 : i32
      %mul3A_136 = arith.muli %add3A_109, %mul3A_135 : i32
      %mul3A_137 = arith.constant 200 : i32
      %mul3A_138 = arith.muli %add3A_109, %mul3A_137 : i32
      "tpu.region"() ({
        %run_scoped3A = tpu.sem_alloc : memref<!tpu.dma_semaphore, #tpu.memory_space<semaphore_mem>>
        %dma_start3A_139 = arith.constant 0 : i32
        %dma_start3A_140 = tpu.memref_slice %arg5[%arg0, %mul3A_138, %dma_start3A_139] : memref<2x10000x64xf32, #tpu.memory_space<hbm>> -> memref<1x200x64xf32, #tpu.memory_space<hbm>>
        %dma_start3A_141 = tpu.memref_squeeze %dma_start3A_140 : memref<1x200x64xf32, #tpu.memory_space<hbm>> -> memref<200x64xf32, #tpu.memory_space<hbm>>
        %dma_start3A_142 = arith.constant 0 : i32
        %dma_start3A_143 = tpu.memref_slice %arg14[%mul3A_136, %dma_start3A_142] : memref<10008x64xf32, #tpu.memory_space<vmem_shared>> -> memref<200x64xf32, #tpu.memory_space<vmem_shared>>
        tpu.enqueue_dma source(%dma_start3A_143 : memref<200x64xf32, #tpu.memory_space<vmem_shared>>) target(%dma_start3A_141 : memref<200x64xf32, #tpu.memory_space<hbm>>) target_semaphore(%run_scoped3A : memref<!tpu.dma_semaphore, #tpu.memory_space<semaphore_mem>>)
        %dma_wait3A = arith.constant 0 : i32
        %dma_wait3A_144 = tpu.memref_slice %arg5[%arg0, %mul3A_138, %dma_wait3A] : memref<2x10000x64xf32, #tpu.memory_space<hbm>> -> memref<1x200x64xf32, #tpu.memory_space<hbm>>
        %dma_wait3A_145 = tpu.memref_squeeze %dma_wait3A_144 : memref<1x200x64xf32, #tpu.memory_space<hbm>> -> memref<200x64xf32, #tpu.memory_space<hbm>>
        %dma_wait3A_146 = arith.constant 0 : i32
        %dma_wait3A_147 = tpu.memref_slice %arg14[%mul3A_136, %dma_wait3A_146] : memref<10008x64xf32, #tpu.memory_space<vmem_shared>> -> memref<200x64xf32, #tpu.memory_space<vmem_shared>>
        tpu.wait_dma2 semaphore(%run_scoped3A : memref<!tpu.dma_semaphore, #tpu.memory_space<semaphore_mem>>) src(%dma_wait3A_147 : memref<200x64xf32, #tpu.memory_space<vmem_shared>>) dst(%dma_wait3A_145 : memref<200x64xf32, #tpu.memory_space<hbm>>)
        tpu.yield
      }) : () -> ()
    } else {
    }
    %add3A_114 = arith.constant 16 : i32
    %add3A_115 = arith.addi %arg1, %add3A_114 : i32
    %lt3A_116 = arith.constant 50 : i32
    %lt3A_117 = arith.cmpi slt, %add3A_115, %lt3A_116 : i32
    %convert_element_type3A_118 = arith.extui %lt3A_117 : i1 to i32
    %cond3A_119 = arith.constant 0 : i32
    %cond3A_120 = arith.cmpi ne, %convert_element_type3A_118, %cond3A_119 : i32
    scf.if %cond3A_120 {
      %mul3A_135 = arith.constant 200 : i32
      %mul3A_136 = arith.muli %add3A_115, %mul3A_135 : i32
      %mul3A_137 = arith.constant 200 : i32
      %mul3A_138 = arith.muli %add3A_115, %mul3A_137 : i32
      "tpu.region"() ({
        %run_scoped3A = tpu.sem_alloc : memref<!tpu.dma_semaphore, #tpu.memory_space<semaphore_mem>>
        %dma_start3A_139 = arith.constant 0 : i32
        %dma_start3A_140 = tpu.memref_slice %arg5[%arg0, %mul3A_138, %dma_start3A_139] : memref<2x10000x64xf32, #tpu.memory_space<hbm>> -> memref<1x200x64xf32, #tpu.memory_space<hbm>>
        %dma_start3A_141 = tpu.memref_squeeze %dma_start3A_140 : memref<1x200x64xf32, #tpu.memory_space<hbm>> -> memref<200x64xf32, #tpu.memory_space<hbm>>
        %dma_start3A_142 = arith.constant 0 : i32
        %dma_start3A_143 = tpu.memref_slice %arg14[%mul3A_136, %dma_start3A_142] : memref<10008x64xf32, #tpu.memory_space<vmem_shared>> -> memref<200x64xf32, #tpu.memory_space<vmem_shared>>
        tpu.enqueue_dma source(%dma_start3A_143 : memref<200x64xf32, #tpu.memory_space<vmem_shared>>) target(%dma_start3A_141 : memref<200x64xf32, #tpu.memory_space<hbm>>) target_semaphore(%run_scoped3A : memref<!tpu.dma_semaphore, #tpu.memory_space<semaphore_mem>>)
        %dma_wait3A = arith.constant 0 : i32
        %dma_wait3A_144 = tpu.memref_slice %arg5[%arg0, %mul3A_138, %dma_wait3A] : memref<2x10000x64xf32, #tpu.memory_space<hbm>> -> memref<1x200x64xf32, #tpu.memory_space<hbm>>
        %dma_wait3A_145 = tpu.memref_squeeze %dma_wait3A_144 : memref<1x200x64xf32, #tpu.memory_space<hbm>> -> memref<200x64xf32, #tpu.memory_space<hbm>>
        %dma_wait3A_146 = arith.constant 0 : i32
        %dma_wait3A_147 = tpu.memref_slice %arg14[%mul3A_136, %dma_wait3A_146] : memref<10008x64xf32, #tpu.memory_space<vmem_shared>> -> memref<200x64xf32, #tpu.memory_space<vmem_shared>>
        tpu.wait_dma2 semaphore(%run_scoped3A : memref<!tpu.dma_semaphore, #tpu.memory_space<semaphore_mem>>) src(%dma_wait3A_147 : memref<200x64xf32, #tpu.memory_space<vmem_shared>>) dst(%dma_wait3A_145 : memref<200x64xf32, #tpu.memory_space<hbm>>)
        tpu.yield
      }) : () -> ()
    } else {
    }
    %add3A_121 = arith.constant 32 : i32
    %add3A_122 = arith.addi %arg1, %add3A_121 : i32
    %lt3A_123 = arith.constant 50 : i32
    %lt3A_124 = arith.cmpi slt, %add3A_122, %lt3A_123 : i32
    %convert_element_type3A_125 = arith.extui %lt3A_124 : i1 to i32
    %cond3A_126 = arith.constant 0 : i32
    %cond3A_127 = arith.cmpi ne, %convert_element_type3A_125, %cond3A_126 : i32
    scf.if %cond3A_127 {
      %mul3A_135 = arith.constant 200 : i32
      %mul3A_136 = arith.muli %add3A_122, %mul3A_135 : i32
      %mul3A_137 = arith.constant 200 : i32
      %mul3A_138 = arith.muli %add3A_122, %mul3A_137 : i32
      "tpu.region"() ({
        %run_scoped3A = tpu.sem_alloc : memref<!tpu.dma_semaphore, #tpu.memory_space<semaphore_mem>>
        %dma_start3A_139 = arith.constant 0 : i32
        %dma_start3A_140 = tpu.memref_slice %arg5[%arg0, %mul3A_138, %dma_start3A_139] : memref<2x10000x64xf32, #tpu.memory_space<hbm>> -> memref<1x200x64xf32, #tpu.memory_space<hbm>>
        %dma_start3A_141 = tpu.memref_squeeze %dma_start3A_140 : memref<1x200x64xf32, #tpu.memory_space<hbm>> -> memref<200x64xf32, #tpu.memory_space<hbm>>
        %dma_start3A_142 = arith.constant 0 : i32
        %dma_start3A_143 = tpu.memref_slice %arg14[%mul3A_136, %dma_start3A_142] : memref<10008x64xf32, #tpu.memory_space<vmem_shared>> -> memref<200x64xf32, #tpu.memory_space<vmem_shared>>
        tpu.enqueue_dma source(%dma_start3A_143 : memref<200x64xf32, #tpu.memory_space<vmem_shared>>) target(%dma_start3A_141 : memref<200x64xf32, #tpu.memory_space<hbm>>) target_semaphore(%run_scoped3A : memref<!tpu.dma_semaphore, #tpu.memory_space<semaphore_mem>>)
        %dma_wait3A = arith.constant 0 : i32
        %dma_wait3A_144 = tpu.memref_slice %arg5[%arg0, %mul3A_138, %dma_wait3A] : memref<2x10000x64xf32, #tpu.memory_space<hbm>> -> memref<1x200x64xf32, #tpu.memory_space<hbm>>
        %dma_wait3A_145 = tpu.memref_squeeze %dma_wait3A_144 : memref<1x200x64xf32, #tpu.memory_space<hbm>> -> memref<200x64xf32, #tpu.memory_space<hbm>>
        %dma_wait3A_146 = arith.constant 0 : i32
        %dma_wait3A_147 = tpu.memref_slice %arg14[%mul3A_136, %dma_wait3A_146] : memref<10008x64xf32, #tpu.memory_space<vmem_shared>> -> memref<200x64xf32, #tpu.memory_space<vmem_shared>>
        tpu.wait_dma2 semaphore(%run_scoped3A : memref<!tpu.dma_semaphore, #tpu.memory_space<semaphore_mem>>) src(%dma_wait3A_147 : memref<200x64xf32, #tpu.memory_space<vmem_shared>>) dst(%dma_wait3A_145 : memref<200x64xf32, #tpu.memory_space<hbm>>)
        tpu.yield
      }) : () -> ()
    } else {
    }
    %add3A_128 = arith.constant 48 : i32
    %add3A_129 = arith.addi %arg1, %add3A_128 : i32
    %lt3A_130 = arith.constant 50 : i32
    %lt3A_131 = arith.cmpi slt, %add3A_129, %lt3A_130 : i32
    %convert_element_type3A_132 = arith.extui %lt3A_131 : i1 to i32
    %cond3A_133 = arith.constant 0 : i32
    %cond3A_134 = arith.cmpi ne, %convert_element_type3A_132, %cond3A_133 : i32
    scf.if %cond3A_134 {
      %mul3A_135 = arith.constant 200 : i32
      %mul3A_136 = arith.muli %add3A_129, %mul3A_135 : i32
      %mul3A_137 = arith.constant 200 : i32
      %mul3A_138 = arith.muli %add3A_129, %mul3A_137 : i32
      "tpu.region"() ({
        %run_scoped3A = tpu.sem_alloc : memref<!tpu.dma_semaphore, #tpu.memory_space<semaphore_mem>>
        %dma_start3A_139 = arith.constant 0 : i32
        %dma_start3A_140 = tpu.memref_slice %arg5[%arg0, %mul3A_138, %dma_start3A_139] : memref<2x10000x64xf32, #tpu.memory_space<hbm>> -> memref<1x200x64xf32, #tpu.memory_space<hbm>>
        %dma_start3A_141 = tpu.memref_squeeze %dma_start3A_140 : memref<1x200x64xf32, #tpu.memory_space<hbm>> -> memref<200x64xf32, #tpu.memory_space<hbm>>
        %dma_start3A_142 = arith.constant 0 : i32
        %dma_start3A_143 = tpu.memref_slice %arg14[%mul3A_136, %dma_start3A_142] : memref<10008x64xf32, #tpu.memory_space<vmem_shared>> -> memref<200x64xf32, #tpu.memory_space<vmem_shared>>
        tpu.enqueue_dma source(%dma_start3A_143 : memref<200x64xf32, #tpu.memory_space<vmem_shared>>) target(%dma_start3A_141 : memref<200x64xf32, #tpu.memory_space<hbm>>) target_semaphore(%run_scoped3A : memref<!tpu.dma_semaphore, #tpu.memory_space<semaphore_mem>>)
        %dma_wait3A = arith.constant 0 : i32
        %dma_wait3A_144 = tpu.memref_slice %arg5[%arg0, %mul3A_138, %dma_wait3A] : memref<2x10000x64xf32, #tpu.memory_space<hbm>> -> memref<1x200x64xf32, #tpu.memory_space<hbm>>
        %dma_wait3A_145 = tpu.memref_squeeze %dma_wait3A_144 : memref<1x200x64xf32, #tpu.memory_space<hbm>> -> memref<200x64xf32, #tpu.memory_space<hbm>>
        %dma_wait3A_146 = arith.constant 0 : i32
        %dma_wait3A_147 = tpu.memref_slice %arg14[%mul3A_136, %dma_wait3A_146] : memref<10008x64xf32, #tpu.memory_space<vmem_shared>> -> memref<200x64xf32, #tpu.memory_space<vmem_shared>>
        tpu.wait_dma2 semaphore(%run_scoped3A : memref<!tpu.dma_semaphore, #tpu.memory_space<semaphore_mem>>) src(%dma_wait3A_147 : memref<200x64xf32, #tpu.memory_space<vmem_shared>>) dst(%dma_wait3A_145 : memref<200x64xf32, #tpu.memory_space<hbm>>)
        tpu.yield
      }) : () -> ()
    } else {
    }
    return
  }
}

#map = affine_map<(d0, d1) -> (0, 0)>
#map1 = affine_map<(d0, d1) -> (0, 0, 0, 0)>
#map2 = affine_map<(d0, d1) -> (0, 0, 0)>
module attributes {stable_mosaic.version = 14 : i64} {
  func.func @_spmm_body(%arg0: i32, %arg1: i32, %arg2: memref<20000x64xf32, #tpu.memory_space<hbm>>, %arg3: memref<2x16x160x125xi32, #tpu.memory_space<hbm>>, %arg4: memref<16x160x125xi32, #tpu.memory_space<hbm>>, %arg5: memref<2x10000x64xf32, #tpu.memory_space<hbm>>, %arg6: memref<80x125xi32, #tpu.memory_space<vmem>>, %arg7: memref<80x125xi32, #tpu.memory_space<vmem>>, %arg8: memref<125x64xf32, #tpu.memory_space<vmem>>, %arg9: memref<125x64xf32, #tpu.memory_space<vmem>>, %arg10: memref<125x64xf32, #tpu.memory_space<vmem>>, %arg11: memref<125x64xf32, #tpu.memory_space<vmem>>, %arg12: memref<125x64xf32, #tpu.memory_space<vmem>>, %arg13: memref<104x64xf32, #tpu.memory_space<vmem>>, %arg14: memref<10008x64xf32, #tpu.memory_space<vmem_shared>>, %arg15: memref<!tpu.dma_semaphore, #tpu.memory_space<semaphore_mem>>, %arg16: memref<!tpu.dma_semaphore, #tpu.memory_space<semaphore_mem>>) attributes {dimension_semantics = [#tpu.dimension_semantics<core_parallel>, #tpu.dimension_semantics<subcore_parallel>], iteration_bounds = array<i64: 2, 16>, scalar_prefetch = 0 : i64, scratch_operands = 11 : i64, tpu.core_type = #tpu.core_type<sc_vector_subcore>, window_params = [{transform_indices = #map}, {transform_indices = #map1}, {transform_indices = #map2}, {transform_indices = #map2}]} {
    "tpu.region"() ({
      %run_scoped3A = tpu.sem_alloc : memref<!tpu.dma_semaphore, #tpu.memory_space<semaphore_mem>>
      %dma_start3A_135 = arith.constant 0 : i32
      %dma_start3A_136 = arith.constant 0 : i32
      %dma_start3A_137 = tpu.memref_slice %arg3[%arg0, %arg1, %dma_start3A_135, %dma_start3A_136] : memref<2x16x160x125xi32, #tpu.memory_space<hbm>> -> memref<1x1x80x125xi32, #tpu.memory_space<hbm>>
      %dma_start3A_138 = tpu.memref_squeeze %dma_start3A_137 : memref<1x1x80x125xi32, #tpu.memory_space<hbm>> -> memref<80x125xi32, #tpu.memory_space<hbm>>
      %dma_start3A_139 = arith.constant 0 : i32
      %dma_start3A_140 = arith.constant 0 : i32
      %dma_start3A_141 = tpu.memref_slice %arg3[%arg0, %arg1, %dma_start3A_139, %dma_start3A_140] : memref<2x16x160x125xi32, #tpu.memory_space<hbm>> -> memref<1x1x80x125xi32, #tpu.memory_space<hbm>>
      %dma_start3A_142 = tpu.memref_squeeze %dma_start3A_141 : memref<1x1x80x125xi32, #tpu.memory_space<hbm>> -> memref<80x125xi32, #tpu.memory_space<hbm>>
      tpu.enqueue_dma source(%dma_start3A_142 : memref<80x125xi32, #tpu.memory_space<hbm>>) target(%arg6 : memref<80x125xi32, #tpu.memory_space<vmem>>) target_semaphore(%run_scoped3A : memref<!tpu.dma_semaphore, #tpu.memory_space<semaphore_mem>>)
      %dma_wait3A = arith.constant 0 : i32
      %dma_wait3A_143 = arith.constant 0 : i32
      %dma_wait3A_144 = tpu.memref_slice %arg3[%arg0, %arg1, %dma_wait3A, %dma_wait3A_143] : memref<2x16x160x125xi32, #tpu.memory_space<hbm>> -> memref<1x1x80x125xi32, #tpu.memory_space<hbm>>
      %dma_wait3A_145 = tpu.memref_squeeze %dma_wait3A_144 : memref<1x1x80x125xi32, #tpu.memory_space<hbm>> -> memref<80x125xi32, #tpu.memory_space<hbm>>
      %dma_wait3A_146 = arith.constant 0 : i32
      %dma_wait3A_147 = arith.constant 0 : i32
      %dma_wait3A_148 = tpu.memref_slice %arg3[%arg0, %arg1, %dma_wait3A_146, %dma_wait3A_147] : memref<2x16x160x125xi32, #tpu.memory_space<hbm>> -> memref<1x1x80x125xi32, #tpu.memory_space<hbm>>
      %dma_wait3A_149 = tpu.memref_squeeze %dma_wait3A_148 : memref<1x1x80x125xi32, #tpu.memory_space<hbm>> -> memref<80x125xi32, #tpu.memory_space<hbm>>
      tpu.wait_dma2 semaphore(%run_scoped3A : memref<!tpu.dma_semaphore, #tpu.memory_space<semaphore_mem>>) src(%dma_wait3A_149 : memref<80x125xi32, #tpu.memory_space<hbm>>) dst(%arg6 : memref<80x125xi32, #tpu.memory_space<vmem>>)
      tpu.yield
    }) : () -> ()
    "tpu.region"() ({
      %run_scoped3A = tpu.sem_alloc : memref<!tpu.dma_semaphore, #tpu.memory_space<semaphore_mem>>
      %dma_start3A_135 = arith.constant 0 : i32
      %dma_start3A_136 = arith.constant 0 : i32
      %dma_start3A_137 = tpu.memref_slice %arg4[%arg1, %dma_start3A_135, %dma_start3A_136] : memref<16x160x125xi32, #tpu.memory_space<hbm>> -> memref<1x80x125xi32, #tpu.memory_space<hbm>>
      %dma_start3A_138 = tpu.memref_squeeze %dma_start3A_137 : memref<1x80x125xi32, #tpu.memory_space<hbm>> -> memref<80x125xi32, #tpu.memory_space<hbm>>
      %dma_start3A_139 = arith.constant 0 : i32
      %dma_start3A_140 = arith.constant 0 : i32
      %dma_start3A_141 = tpu.memref_slice %arg4[%arg1, %dma_start3A_139, %dma_start3A_140] : memref<16x160x125xi32, #tpu.memory_space<hbm>> -> memref<1x80x125xi32, #tpu.memory_space<hbm>>
      %dma_start3A_142 = tpu.memref_squeeze %dma_start3A_141 : memref<1x80x125xi32, #tpu.memory_space<hbm>> -> memref<80x125xi32, #tpu.memory_space<hbm>>
      tpu.enqueue_dma source(%dma_start3A_142 : memref<80x125xi32, #tpu.memory_space<hbm>>) target(%arg7 : memref<80x125xi32, #tpu.memory_space<vmem>>) target_semaphore(%run_scoped3A : memref<!tpu.dma_semaphore, #tpu.memory_space<semaphore_mem>>)
      %dma_wait3A = arith.constant 0 : i32
      %dma_wait3A_143 = arith.constant 0 : i32
      %dma_wait3A_144 = tpu.memref_slice %arg4[%arg1, %dma_wait3A, %dma_wait3A_143] : memref<16x160x125xi32, #tpu.memory_space<hbm>> -> memref<1x80x125xi32, #tpu.memory_space<hbm>>
      %dma_wait3A_145 = tpu.memref_squeeze %dma_wait3A_144 : memref<1x80x125xi32, #tpu.memory_space<hbm>> -> memref<80x125xi32, #tpu.memory_space<hbm>>
      %dma_wait3A_146 = arith.constant 0 : i32
      %dma_wait3A_147 = arith.constant 0 : i32
      %dma_wait3A_148 = tpu.memref_slice %arg4[%arg1, %dma_wait3A_146, %dma_wait3A_147] : memref<16x160x125xi32, #tpu.memory_space<hbm>> -> memref<1x80x125xi32, #tpu.memory_space<hbm>>
      %dma_wait3A_149 = tpu.memref_squeeze %dma_wait3A_148 : memref<1x80x125xi32, #tpu.memory_space<hbm>> -> memref<80x125xi32, #tpu.memory_space<hbm>>
      tpu.wait_dma2 semaphore(%run_scoped3A : memref<!tpu.dma_semaphore, #tpu.memory_space<semaphore_mem>>) src(%dma_wait3A_149 : memref<80x125xi32, #tpu.memory_space<hbm>>) dst(%arg7 : memref<80x125xi32, #tpu.memory_space<vmem>>)
      tpu.yield
    }) : () -> ()
    %dma_start3A = arith.constant 0 : i32
    %dma_start3A_0 = arith.constant 0 : i32
    %dma_start3A_1 = tpu.memref_slice %arg6[%dma_start3A, %dma_start3A_0] : memref<80x125xi32, #tpu.memory_space<vmem>> -> memref<1x125xi32, #tpu.memory_space<vmem>>
    %dma_start3A_2 = tpu.memref_squeeze %dma_start3A_1 : memref<1x125xi32, #tpu.memory_space<vmem>> -> memref<125xi32, #tpu.memory_space<vmem>>
    %dma_start3A_3 = arith.constant 0 : i32
    %dma_start3A_4 = arith.constant 0 : i32
    %dma_start3A_5 = tpu.memref_slice %arg2[%dma_start3A_3, %dma_start3A_4] : memref<20000x64xf32, #tpu.memory_space<hbm>> -> memref<20000x64xf32, #tpu.memory_space<hbm>>
    tpu.enqueue_indirect_dma source(%dma_start3A_5 : memref<20000x64xf32, #tpu.memory_space<hbm>>) target(%arg8 : memref<125x64xf32, #tpu.memory_space<vmem>>) offsets(%dma_start3A_2 : memref<125xi32, #tpu.memory_space<vmem>>) semaphore(%arg15 : memref<!tpu.dma_semaphore, #tpu.memory_space<semaphore_mem>>)
    %dma_start3A_6 = arith.constant 1 : i32
    %dma_start3A_7 = arith.constant 0 : i32
    %dma_start3A_8 = tpu.memref_slice %arg6[%dma_start3A_6, %dma_start3A_7] : memref<80x125xi32, #tpu.memory_space<vmem>> -> memref<1x125xi32, #tpu.memory_space<vmem>>
    %dma_start3A_9 = tpu.memref_squeeze %dma_start3A_8 : memref<1x125xi32, #tpu.memory_space<vmem>> -> memref<125xi32, #tpu.memory_space<vmem>>
    %dma_start3A_10 = arith.constant 0 : i32
    %dma_start3A_11 = arith.constant 0 : i32
    %dma_start3A_12 = tpu.memref_slice %arg2[%dma_start3A_10, %dma_start3A_11] : memref<20000x64xf32, #tpu.memory_space<hbm>> -> memref<20000x64xf32, #tpu.memory_space<hbm>>
    tpu.enqueue_indirect_dma source(%dma_start3A_12 : memref<20000x64xf32, #tpu.memory_space<hbm>>) target(%arg9 : memref<125x64xf32, #tpu.memory_space<vmem>>) offsets(%dma_start3A_9 : memref<125xi32, #tpu.memory_space<vmem>>) semaphore(%arg15 : memref<!tpu.dma_semaphore, #tpu.memory_space<semaphore_mem>>)
    %dma_start3A_13 = arith.constant 2 : i32
    %dma_start3A_14 = arith.constant 0 : i32
    %dma_start3A_15 = tpu.memref_slice %arg6[%dma_start3A_13, %dma_start3A_14] : memref<80x125xi32, #tpu.memory_space<vmem>> -> memref<1x125xi32, #tpu.memory_space<vmem>>
    %dma_start3A_16 = tpu.memref_squeeze %dma_start3A_15 : memref<1x125xi32, #tpu.memory_space<vmem>> -> memref<125xi32, #tpu.memory_space<vmem>>
    %dma_start3A_17 = arith.constant 0 : i32
    %dma_start3A_18 = arith.constant 0 : i32
    %dma_start3A_19 = tpu.memref_slice %arg2[%dma_start3A_17, %dma_start3A_18] : memref<20000x64xf32, #tpu.memory_space<hbm>> -> memref<20000x64xf32, #tpu.memory_space<hbm>>
    tpu.enqueue_indirect_dma source(%dma_start3A_19 : memref<20000x64xf32, #tpu.memory_space<hbm>>) target(%arg10 : memref<125x64xf32, #tpu.memory_space<vmem>>) offsets(%dma_start3A_16 : memref<125xi32, #tpu.memory_space<vmem>>) semaphore(%arg15 : memref<!tpu.dma_semaphore, #tpu.memory_space<semaphore_mem>>)
    %dma_start3A_20 = arith.constant 3 : i32
    %dma_start3A_21 = arith.constant 0 : i32
    %dma_start3A_22 = tpu.memref_slice %arg6[%dma_start3A_20, %dma_start3A_21] : memref<80x125xi32, #tpu.memory_space<vmem>> -> memref<1x125xi32, #tpu.memory_space<vmem>>
    %dma_start3A_23 = tpu.memref_squeeze %dma_start3A_22 : memref<1x125xi32, #tpu.memory_space<vmem>> -> memref<125xi32, #tpu.memory_space<vmem>>
    %dma_start3A_24 = arith.constant 0 : i32
    %dma_start3A_25 = arith.constant 0 : i32
    %dma_start3A_26 = tpu.memref_slice %arg2[%dma_start3A_24, %dma_start3A_25] : memref<20000x64xf32, #tpu.memory_space<hbm>> -> memref<20000x64xf32, #tpu.memory_space<hbm>>
    tpu.enqueue_indirect_dma source(%dma_start3A_26 : memref<20000x64xf32, #tpu.memory_space<hbm>>) target(%arg11 : memref<125x64xf32, #tpu.memory_space<vmem>>) offsets(%dma_start3A_23 : memref<125xi32, #tpu.memory_space<vmem>>) semaphore(%arg15 : memref<!tpu.dma_semaphore, #tpu.memory_space<semaphore_mem>>)
    %dma_start3A_27 = arith.constant 4 : i32
    %dma_start3A_28 = arith.constant 0 : i32
    %dma_start3A_29 = tpu.memref_slice %arg6[%dma_start3A_27, %dma_start3A_28] : memref<80x125xi32, #tpu.memory_space<vmem>> -> memref<1x125xi32, #tpu.memory_space<vmem>>
    %dma_start3A_30 = tpu.memref_squeeze %dma_start3A_29 : memref<1x125xi32, #tpu.memory_space<vmem>> -> memref<125xi32, #tpu.memory_space<vmem>>
    %dma_start3A_31 = arith.constant 0 : i32
    %dma_start3A_32 = arith.constant 0 : i32
    %dma_start3A_33 = tpu.memref_slice %arg2[%dma_start3A_31, %dma_start3A_32] : memref<20000x64xf32, #tpu.memory_space<hbm>> -> memref<20000x64xf32, #tpu.memory_space<hbm>>
    tpu.enqueue_indirect_dma source(%dma_start3A_33 : memref<20000x64xf32, #tpu.memory_space<hbm>>) target(%arg12 : memref<125x64xf32, #tpu.memory_space<vmem>>) offsets(%dma_start3A_30 : memref<125xi32, #tpu.memory_space<vmem>>) semaphore(%arg15 : memref<!tpu.dma_semaphore, #tpu.memory_space<semaphore_mem>>)
    %scan3A = arith.constant 0 : i32
    %scan3A_34 = arith.constant 416 : i32
    %scan3A_35 = arith.addi %scan3A, %scan3A_34 : i32
    %scan3A_36 = arith.constant 1 : i32
    scf.for %scan3A_135 = %scan3A to %scan3A_35 step %scan3A_36  : i32 {
      %broadcast_in_dim3A = arith.constant 0.000000e+00 : f32
      %broadcast_in_dim3A_136 = vector.broadcast %broadcast_in_dim3A : f32 to vector<16xf32>
      %jit3A = arith.constant 4 : i32
      %div3A = arith.divsi %scan3A_135, %jit3A : i32
      %sign3A = arith.constant 0 : i32
      %sign3A_137 = arith.cmpi sgt, %scan3A_135, %sign3A : i32
      %sign3A_138 = arith.extui %sign3A_137 : i1 to i32
      %sign3A_139 = arith.constant 0 : i32
      %sign3A_140 = arith.cmpi slt, %scan3A_135, %sign3A_139 : i32
      %sign3A_141 = arith.extui %sign3A_140 : i1 to i32
      %sign3A_142 = arith.subi %sign3A_138, %sign3A_141 : i32
      %sign3A_143 = arith.constant 0 : i32
      %sign3A_144 = arith.cmpi sgt, %jit3A, %sign3A_143 : i32
      %sign3A_145 = arith.extui %sign3A_144 : i1 to i32
      %sign3A_146 = arith.constant 0 : i32
      %sign3A_147 = arith.cmpi slt, %jit3A, %sign3A_146 : i32
      %sign3A_148 = arith.extui %sign3A_147 : i1 to i32
      %sign3A_149 = arith.subi %sign3A_145, %sign3A_148 : i32
      %ne3A = arith.cmpi ne, %sign3A_142, %sign3A_149 : i32
      %rem3A = arith.remsi %scan3A_135, %jit3A : i32
      %ne3A_150 = arith.constant 0 : i32
      %ne3A_151 = arith.cmpi ne, %rem3A, %ne3A_150 : i32
      %and3A = arith.andi %ne3A, %ne3A_151 : i1
      %sub3A = arith.constant 1 : i32
      %sub3A_152 = arith.subi %div3A, %sub3A : i32
      %select_n3A = arith.select %and3A, %sub3A_152, %div3A : i32
      %jit3A_153 = arith.constant 4 : i32
      %eq3A_154 = arith.constant 0 : i32
      %eq3A_155 = arith.cmpi eq, %jit3A_153, %eq3A_154 : i32
      %jit3A_156 = arith.constant 1 : i32
      %select_n3A_157 = arith.select %eq3A_155, %jit3A_156, %jit3A_153 : i32
      %rem3A_158 = arith.remsi %scan3A_135, %select_n3A_157 : i32
      %ne3A_159 = arith.constant 0 : i32
      %ne3A_160 = arith.cmpi ne, %rem3A_158, %ne3A_159 : i32
      %lt3A_161 = arith.constant 0 : i32
      %lt3A_162 = arith.cmpi slt, %rem3A_158, %lt3A_161 : i32
      %lt3A_163 = arith.constant 0 : i32
      %lt3A_164 = arith.cmpi slt, %select_n3A_157, %lt3A_163 : i32
      %ne3A_165 = arith.xori %lt3A_162, %lt3A_164 : i1
      %and3A_166 = arith.andi %ne3A_165, %ne3A_160 : i1
      %add3A_167 = arith.addi %rem3A_158, %select_n3A_157 : i32
      %select_n3A_168 = arith.select %and3A_166, %add3A_167, %rem3A_158 : i32
      %mul3A_169 = arith.constant 16 : i32
      %mul3A_170 = arith.muli %select_n3A_168, %mul3A_169 : i32
      %swap3A = arith.index_cast %select_n3A : i32 to index
      %swap3A_171 = arith.index_cast %mul3A_170 : i32 to index
      %swap3A_172 = tpu.vector_load %arg13[%swap3A, %swap3A_171] {strides = array<i32>} : memref<104x64xf32, #tpu.memory_space<vmem>>, vector<1x16xf32>,
      %swap3A_173 = vector.shape_cast %swap3A_172 : vector<1x16xf32> to vector<16xf32>
      %swap3A_174 = vector.shape_cast %broadcast_in_dim3A_136 : vector<16xf32> to vector<1x16xf32>
      tpu.vector_store %arg13[%swap3A, %swap3A_171], %swap3A_174 {strides = array<i32>} : memref<104x64xf32, #tpu.memory_space<vmem>>, vector<1x16xf32>,
    }
    %scan3A_37 = arith.constant 416 : i32
    %add3A = arith.constant 0 : i32
    %add3A_38 = arith.addi %arg1, %add3A : i32
    %mul3A = arith.constant 104 : i32
    %mul3A_39 = arith.muli %add3A_38, %mul3A : i32
    "tpu.region"() ({
      %run_scoped3A = tpu.sem_alloc : memref<!tpu.dma_semaphore, #tpu.memory_space<semaphore_mem>>
      %dma_start3A_135 = arith.constant 0 : i32
      %dma_start3A_136 = tpu.memref_slice %arg14[%mul3A_39, %dma_start3A_135] : memref<10008x64xf32, #tpu.memory_space<vmem_shared>> -> memref<104x64xf32, #tpu.memory_space<vmem_shared>>
      %dma_start3A_137 = arith.constant 0 : i32
      %dma_start3A_138 = tpu.memref_slice %arg14[%mul3A_39, %dma_start3A_137] : memref<10008x64xf32, #tpu.memory_space<vmem_shared>> -> memref<104x64xf32, #tpu.memory_space<vmem_shared>>
      tpu.enqueue_dma source(%arg13 : memref<104x64xf32, #tpu.memory_space<vmem>>) target(%dma_start3A_138 : memref<104x64xf32, #tpu.memory_space<vmem_shared>>) target_semaphore(%run_scoped3A : memref<!tpu.dma_semaphore, #tpu.memory_space<semaphore_mem>>)
      %dma_wait3A = arith.constant 0 : i32
      %dma_wait3A_139 = tpu.memref_slice %arg14[%mul3A_39, %dma_wait3A] : memref<10008x64xf32, #tpu.memory_space<vmem_shared>> -> memref<104x64xf32, #tpu.memory_space<vmem_shared>>
      %dma_wait3A_140 = arith.constant 0 : i32
      %dma_wait3A_141 = tpu.memref_slice %arg14[%mul3A_39, %dma_wait3A_140] : memref<10008x64xf32, #tpu.memory_space<vmem_shared>> -> memref<104x64xf32, #tpu.memory_space<vmem_shared>>
      tpu.wait_dma2 semaphore(%run_scoped3A : memref<!tpu.dma_semaphore, #tpu.memory_space<semaphore_mem>>) src(%arg13 : memref<104x64xf32, #tpu.memory_space<vmem>>) dst(%dma_wait3A_141 : memref<104x64xf32, #tpu.memory_space<vmem_shared>>)
      tpu.yield
    }) : () -> ()
    %add3A_40 = arith.constant 16 : i32
    %add3A_41 = arith.addi %arg1, %add3A_40 : i32
    %mul3A_42 = arith.constant 104 : i32
    %mul3A_43 = arith.muli %add3A_41, %mul3A_42 : i32
    "tpu.region"() ({
      %run_scoped3A = tpu.sem_alloc : memref<!tpu.dma_semaphore, #tpu.memory_space<semaphore_mem>>
      %dma_start3A_135 = arith.constant 0 : i32
      %dma_start3A_136 = tpu.memref_slice %arg14[%mul3A_43, %dma_start3A_135] : memref<10008x64xf32, #tpu.memory_space<vmem_shared>> -> memref<104x64xf32, #tpu.memory_space<vmem_shared>>
      %dma_start3A_137 = arith.constant 0 : i32
      %dma_start3A_138 = tpu.memref_slice %arg14[%mul3A_43, %dma_start3A_137] : memref<10008x64xf32, #tpu.memory_space<vmem_shared>> -> memref<104x64xf32, #tpu.memory_space<vmem_shared>>
      tpu.enqueue_dma source(%arg13 : memref<104x64xf32, #tpu.memory_space<vmem>>) target(%dma_start3A_138 : memref<104x64xf32, #tpu.memory_space<vmem_shared>>) target_semaphore(%run_scoped3A : memref<!tpu.dma_semaphore, #tpu.memory_space<semaphore_mem>>)
      %dma_wait3A = arith.constant 0 : i32
      %dma_wait3A_139 = tpu.memref_slice %arg14[%mul3A_43, %dma_wait3A] : memref<10008x64xf32, #tpu.memory_space<vmem_shared>> -> memref<104x64xf32, #tpu.memory_space<vmem_shared>>
      %dma_wait3A_140 = arith.constant 0 : i32
      %dma_wait3A_141 = tpu.memref_slice %arg14[%mul3A_43, %dma_wait3A_140] : memref<10008x64xf32, #tpu.memory_space<vmem_shared>> -> memref<104x64xf32, #tpu.memory_space<vmem_shared>>
      tpu.wait_dma2 semaphore(%run_scoped3A : memref<!tpu.dma_semaphore, #tpu.memory_space<semaphore_mem>>) src(%arg13 : memref<104x64xf32, #tpu.memory_space<vmem>>) dst(%dma_wait3A_141 : memref<104x64xf32, #tpu.memory_space<vmem_shared>>)
      tpu.yield
    }) : () -> ()
    %add3A_44 = arith.constant 32 : i32
    %add3A_45 = arith.addi %arg1, %add3A_44 : i32
    %mul3A_46 = arith.constant 104 : i32
    %mul3A_47 = arith.muli %add3A_45, %mul3A_46 : i32
    "tpu.region"() ({
      %run_scoped3A = tpu.sem_alloc : memref<!tpu.dma_semaphore, #tpu.memory_space<semaphore_mem>>
      %dma_start3A_135 = arith.constant 0 : i32
      %dma_start3A_136 = tpu.memref_slice %arg14[%mul3A_47, %dma_start3A_135] : memref<10008x64xf32, #tpu.memory_space<vmem_shared>> -> memref<104x64xf32, #tpu.memory_space<vmem_shared>>
      %dma_start3A_137 = arith.constant 0 : i32
      %dma_start3A_138 = tpu.memref_slice %arg14[%mul3A_47, %dma_start3A_137] : memref<10008x64xf32, #tpu.memory_space<vmem_shared>> -> memref<104x64xf32, #tpu.memory_space<vmem_shared>>
      tpu.enqueue_dma source(%arg13 : memref<104x64xf32, #tpu.memory_space<vmem>>) target(%dma_start3A_138 : memref<104x64xf32, #tpu.memory_space<vmem_shared>>) target_semaphore(%run_scoped3A : memref<!tpu.dma_semaphore, #tpu.memory_space<semaphore_mem>>)
      %dma_wait3A = arith.constant 0 : i32
      %dma_wait3A_139 = tpu.memref_slice %arg14[%mul3A_47, %dma_wait3A] : memref<10008x64xf32, #tpu.memory_space<vmem_shared>> -> memref<104x64xf32, #tpu.memory_space<vmem_shared>>
      %dma_wait3A_140 = arith.constant 0 : i32
      %dma_wait3A_141 = tpu.memref_slice %arg14[%mul3A_47, %dma_wait3A_140] : memref<10008x64xf32, #tpu.memory_space<vmem_shared>> -> memref<104x64xf32, #tpu.memory_space<vmem_shared>>
      tpu.wait_dma2 semaphore(%run_scoped3A : memref<!tpu.dma_semaphore, #tpu.memory_space<semaphore_mem>>) src(%arg13 : memref<104x64xf32, #tpu.memory_space<vmem>>) dst(%dma_wait3A_141 : memref<104x64xf32, #tpu.memory_space<vmem_shared>>)
      tpu.yield
    }) : () -> ()
    %add3A_48 = arith.constant 48 : i32
    %add3A_49 = arith.addi %arg1, %add3A_48 : i32
    %mul3A_50 = arith.constant 104 : i32
    %mul3A_51 = arith.muli %add3A_49, %mul3A_50 : i32
    "tpu.region"() ({
      %run_scoped3A = tpu.sem_alloc : memref<!tpu.dma_semaphore, #tpu.memory_space<semaphore_mem>>
      %dma_start3A_135 = arith.constant 0 : i32
      %dma_start3A_136 = tpu.memref_slice %arg14[%mul3A_51, %dma_start3A_135] : memref<10008x64xf32, #tpu.memory_space<vmem_shared>> -> memref<104x64xf32, #tpu.memory_space<vmem_shared>>
      %dma_start3A_137 = arith.constant 0 : i32
      %dma_start3A_138 = tpu.memref_slice %arg14[%mul3A_51, %dma_start3A_137] : memref<10008x64xf32, #tpu.memory_space<vmem_shared>> -> memref<104x64xf32, #tpu.memory_space<vmem_shared>>
      tpu.enqueue_dma source(%arg13 : memref<104x64xf32, #tpu.memory_space<vmem>>) target(%dma_start3A_138 : memref<104x64xf32, #tpu.memory_space<vmem_shared>>) target_semaphore(%run_scoped3A : memref<!tpu.dma_semaphore, #tpu.memory_space<semaphore_mem>>)
      %dma_wait3A = arith.constant 0 : i32
      %dma_wait3A_139 = tpu.memref_slice %arg14[%mul3A_51, %dma_wait3A] : memref<10008x64xf32, #tpu.memory_space<vmem_shared>> -> memref<104x64xf32, #tpu.memory_space<vmem_shared>>
      %dma_wait3A_140 = arith.constant 0 : i32
      %dma_wait3A_141 = tpu.memref_slice %arg14[%mul3A_51, %dma_wait3A_140] : memref<10008x64xf32, #tpu.memory_space<vmem_shared>> -> memref<104x64xf32, #tpu.memory_space<vmem_shared>>
      tpu.wait_dma2 semaphore(%run_scoped3A : memref<!tpu.dma_semaphore, #tpu.memory_space<semaphore_mem>>) src(%arg13 : memref<104x64xf32, #tpu.memory_space<vmem>>) dst(%dma_wait3A_141 : memref<104x64xf32, #tpu.memory_space<vmem_shared>>)
      tpu.yield
    }) : () -> ()
    %add3A_52 = arith.constant 64 : i32
    %add3A_53 = arith.addi %arg1, %add3A_52 : i32
    %mul3A_54 = arith.constant 104 : i32
    %mul3A_55 = arith.muli %add3A_53, %mul3A_54 : i32
    "tpu.region"() ({
      %run_scoped3A = tpu.sem_alloc : memref<!tpu.dma_semaphore, #tpu.memory_space<semaphore_mem>>
      %dma_start3A_135 = arith.constant 0 : i32
      %dma_start3A_136 = tpu.memref_slice %arg14[%mul3A_55, %dma_start3A_135] : memref<10008x64xf32, #tpu.memory_space<vmem_shared>> -> memref<104x64xf32, #tpu.memory_space<vmem_shared>>
      %dma_start3A_137 = arith.constant 0 : i32
      %dma_start3A_138 = tpu.memref_slice %arg14[%mul3A_55, %dma_start3A_137] : memref<10008x64xf32, #tpu.memory_space<vmem_shared>> -> memref<104x64xf32, #tpu.memory_space<vmem_shared>>
      tpu.enqueue_dma source(%arg13 : memref<104x64xf32, #tpu.memory_space<vmem>>) target(%dma_start3A_138 : memref<104x64xf32, #tpu.memory_space<vmem_shared>>) target_semaphore(%run_scoped3A : memref<!tpu.dma_semaphore, #tpu.memory_space<semaphore_mem>>)
      %dma_wait3A = arith.constant 0 : i32
      %dma_wait3A_139 = tpu.memref_slice %arg14[%mul3A_55, %dma_wait3A] : memref<10008x64xf32, #tpu.memory_space<vmem_shared>> -> memref<104x64xf32, #tpu.memory_space<vmem_shared>>
      %dma_wait3A_140 = arith.constant 0 : i32
      %dma_wait3A_141 = tpu.memref_slice %arg14[%mul3A_55, %dma_wait3A_140] : memref<10008x64xf32, #tpu.memory_space<vmem_shared>> -> memref<104x64xf32, #tpu.memory_space<vmem_shared>>
      tpu.wait_dma2 semaphore(%run_scoped3A : memref<!tpu.dma_semaphore, #tpu.memory_space<semaphore_mem>>) src(%arg13 : memref<104x64xf32, #tpu.memory_space<vmem>>) dst(%dma_wait3A_141 : memref<104x64xf32, #tpu.memory_space<vmem_shared>>)
      tpu.yield
    }) : () -> ()
    %add3A_56 = arith.constant 80 : i32
    %add3A_57 = arith.addi %arg1, %add3A_56 : i32
    %mul3A_58 = arith.constant 104 : i32
    %mul3A_59 = arith.muli %add3A_57, %mul3A_58 : i32
    "tpu.region"() ({
      %run_scoped3A = tpu.sem_alloc : memref<!tpu.dma_semaphore, #tpu.memory_space<semaphore_mem>>
      %dma_start3A_135 = arith.constant 0 : i32
      %dma_start3A_136 = tpu.memref_slice %arg14[%mul3A_59, %dma_start3A_135] : memref<10008x64xf32, #tpu.memory_space<vmem_shared>> -> memref<104x64xf32, #tpu.memory_space<vmem_shared>>
      %dma_start3A_137 = arith.constant 0 : i32
      %dma_start3A_138 = tpu.memref_slice %arg14[%mul3A_59, %dma_start3A_137] : memref<10008x64xf32, #tpu.memory_space<vmem_shared>> -> memref<104x64xf32, #tpu.memory_space<vmem_shared>>
      tpu.enqueue_dma source(%arg13 : memref<104x64xf32, #tpu.memory_space<vmem>>) target(%dma_start3A_138 : memref<104x64xf32, #tpu.memory_space<vmem_shared>>) target_semaphore(%run_scoped3A : memref<!tpu.dma_semaphore, #tpu.memory_space<semaphore_mem>>)
      %dma_wait3A = arith.constant 0 : i32
      %dma_wait3A_139 = tpu.memref_slice %arg14[%mul3A_59, %dma_wait3A] : memref<10008x64xf32, #tpu.memory_space<vmem_shared>> -> memref<104x64xf32, #tpu.memory_space<vmem_shared>>
      %dma_wait3A_140 = arith.constant 0 : i32
      %dma_wait3A_141 = tpu.memref_slice %arg14[%mul3A_59, %dma_wait3A_140] : memref<10008x64xf32, #tpu.memory_space<vmem_shared>> -> memref<104x64xf32, #tpu.memory_space<vmem_shared>>
      tpu.wait_dma2 semaphore(%run_scoped3A : memref<!tpu.dma_semaphore, #tpu.memory_space<semaphore_mem>>) src(%arg13 : memref<104x64xf32, #tpu.memory_space<vmem>>) dst(%dma_wait3A_141 : memref<104x64xf32, #tpu.memory_space<vmem_shared>>)
      tpu.yield
    }) : () -> ()
    %eq3A = arith.constant 0 : i32
    %eq3A_60 = arith.cmpi eq, %arg1, %eq3A : i32
    %convert_element_type3A = arith.extui %eq3A_60 : i1 to i32
    %cond3A = arith.constant 0 : i32
    %cond3A_61 = arith.cmpi ne, %convert_element_type3A, %cond3A : i32
    scf.if %cond3A_61 {
      "tpu.region"() ({
        %run_scoped3A = tpu.sem_alloc : memref<!tpu.dma_semaphore, #tpu.memory_space<semaphore_mem>>
        %dma_start3A_135 = arith.constant 0 : i32
        %dma_start3A_136 = arith.constant 0 : i32
        %dma_start3A_137 = tpu.memref_slice %arg13[%dma_start3A_135, %dma_start3A_136] : memref<104x64xf32, #tpu.memory_space<vmem>> -> memref<16x64xf32, #tpu.memory_space<vmem>>
        %dma_start3A_138 = arith.constant 9984 : i32
        %dma_start3A_139 = arith.constant 0 : i32
        %dma_start3A_140 = tpu.memref_slice %arg14[%dma_start3A_138, %dma_start3A_139] : memref<10008x64xf32, #tpu.memory_space<vmem_shared>> -> memref<16x64xf32, #tpu.memory_space<vmem_shared>>
        %dma_start3A_141 = arith.constant 9984 : i32
        %dma_start3A_142 = arith.constant 0 : i32
        %dma_start3A_143 = tpu.memref_slice %arg14[%dma_start3A_141, %dma_start3A_142] : memref<10008x64xf32, #tpu.memory_space<vmem_shared>> -> memref<16x64xf32, #tpu.memory_space<vmem_shared>>
        %dma_start3A_144 = arith.constant 0 : i32
        %dma_start3A_145 = arith.constant 0 : i32
        %dma_start3A_146 = tpu.memref_slice %arg13[%dma_start3A_144, %dma_start3A_145] : memref<104x64xf32, #tpu.memory_space<vmem>> -> memref<16x64xf32, #tpu.memory_space<vmem>>
        tpu.enqueue_dma source(%dma_start3A_146 : memref<16x64xf32, #tpu.memory_space<vmem>>) target(%dma_start3A_143 : memref<16x64xf32, #tpu.memory_space<vmem_shared>>) target_semaphore(%run_scoped3A : memref<!tpu.dma_semaphore, #tpu.memory_space<semaphore_mem>>)
        %dma_wait3A = arith.constant 0 : i32
        %dma_wait3A_147 = arith.constant 0 : i32
        %dma_wait3A_148 = tpu.memref_slice %arg13[%dma_wait3A, %dma_wait3A_147] : memref<104x64xf32, #tpu.memory_space<vmem>> -> memref<16x64xf32, #tpu.memory_space<vmem>>
        %dma_wait3A_149 = arith.constant 9984 : i32
        %dma_wait3A_150 = arith.constant 0 : i32
        %dma_wait3A_151 = tpu.memref_slice %arg14[%dma_wait3A_149, %dma_wait3A_150] : memref<10008x64xf32, #tpu.memory_space<vmem_shared>> -> memref<16x64xf32, #tpu.memory_space<vmem_shared>>
        %dma_wait3A_152 = arith.constant 9984 : i32
        %dma_wait3A_153 = arith.constant 0 : i32
        %dma_wait3A_154 = tpu.memref_slice %arg14[%dma_wait3A_152, %dma_wait3A_153] : memref<10008x64xf32, #tpu.memory_space<vmem_shared>> -> memref<16x64xf32, #tpu.memory_space<vmem_shared>>
        %dma_wait3A_155 = arith.constant 0 : i32
        %dma_wait3A_156 = arith.constant 0 : i32
        %dma_wait3A_157 = tpu.memref_slice %arg13[%dma_wait3A_155, %dma_wait3A_156] : memref<104x64xf32, #tpu.memory_space<vmem>> -> memref<16x64xf32, #tpu.memory_space<vmem>>
        tpu.wait_dma2 semaphore(%run_scoped3A : memref<!tpu.dma_semaphore, #tpu.memory_space<semaphore_mem>>) src(%dma_wait3A_157 : memref<16x64xf32, #tpu.memory_space<vmem>>) dst(%dma_wait3A_154 : memref<16x64xf32, #tpu.memory_space<vmem_shared>>)
        tpu.yield
      }) : () -> ()
    } else {
    }
    %barrier3A = arith.constant 0 : index
    tpu.barrier barrier_id(%barrier3A)
    %scan3A_62 = arith.constant 0 : i32
    %scan3A_63 = arith.constant 16 : i32
    %scan3A_64 = arith.addi %scan3A_62, %scan3A_63 : i32
    %scan3A_65 = arith.constant 1 : i32
    scf.for %scan3A_135 = %scan3A_62 to %scan3A_64 step %scan3A_65  : i32 {
      %mul3A_136 = arith.constant 5 : i32
      %mul3A_137 = arith.muli %mul3A_136, %scan3A_135 : i32
      %add3A_138 = arith.constant 0 : i32
      %add3A_139 = arith.addi %mul3A_137, %add3A_138 : i32
      %dma_wait3A = arith.constant 0 : i32
      %dma_wait3A_140 = tpu.memref_slice %arg6[%add3A_139, %dma_wait3A] : memref<80x125xi32, #tpu.memory_space<vmem>> -> memref<1x125xi32, #tpu.memory_space<vmem>>
      %dma_wait3A_141 = tpu.memref_squeeze %dma_wait3A_140 : memref<1x125xi32, #tpu.memory_space<vmem>> -> memref<125xi32, #tpu.memory_space<vmem>>
      %dma_wait3A_142 = arith.constant 0 : i32
      %dma_wait3A_143 = arith.constant 0 : i32
      %dma_wait3A_144 = tpu.memref_slice %arg2[%dma_wait3A_142, %dma_wait3A_143] : memref<20000x64xf32, #tpu.memory_space<hbm>> -> memref<20000x64xf32, #tpu.memory_space<hbm>>
      tpu.wait_indirect_dma semaphore(%arg15 : memref<!tpu.dma_semaphore, #tpu.memory_space<semaphore_mem>>) src(%dma_wait3A_144 : memref<20000x64xf32, #tpu.memory_space<hbm>>) dst(%arg8 : memref<125x64xf32, #tpu.memory_space<vmem>>)
      %dma_start3A_145 = arith.constant 0 : i32
      %dma_start3A_146 = tpu.memref_slice %arg7[%add3A_139, %dma_start3A_145] : memref<80x125xi32, #tpu.memory_space<vmem>> -> memref<1x125xi32, #tpu.memory_space<vmem>>
      %dma_start3A_147 = tpu.memref_squeeze %dma_start3A_146 : memref<1x125xi32, #tpu.memory_space<vmem>> -> memref<125xi32, #tpu.memory_space<vmem>>
      %dma_start3A_148 = arith.constant 0 : i32
      %dma_start3A_149 = arith.constant 0 : i32
      %dma_start3A_150 = tpu.memref_slice %arg14[%dma_start3A_148, %dma_start3A_149] : memref<10008x64xf32, #tpu.memory_space<vmem_shared>> -> memref<10008x64xf32, #tpu.memory_space<vmem_shared>>
      tpu.enqueue_indirect_dma source(%arg8 : memref<125x64xf32, #tpu.memory_space<vmem>>) target(%dma_start3A_150 : memref<10008x64xf32, #tpu.memory_space<vmem_shared>>) offsets(%dma_start3A_147 : memref<125xi32, #tpu.memory_space<vmem>>) semaphore(%arg16 : memref<!tpu.dma_semaphore, #tpu.memory_space<semaphore_mem>>) {add = true}
      %mul3A_151 = arith.constant 5 : i32
      %mul3A_152 = arith.muli %mul3A_151, %scan3A_135 : i32
      %add3A_153 = arith.constant 1 : i32
      %add3A_154 = arith.addi %mul3A_152, %add3A_153 : i32
      %dma_wait3A_155 = arith.constant 0 : i32
      %dma_wait3A_156 = tpu.memref_slice %arg6[%add3A_154, %dma_wait3A_155] : memref<80x125xi32, #tpu.memory_space<vmem>> -> memref<1x125xi32, #tpu.memory_space<vmem>>
      %dma_wait3A_157 = tpu.memref_squeeze %dma_wait3A_156 : memref<1x125xi32, #tpu.memory_space<vmem>> -> memref<125xi32, #tpu.memory_space<vmem>>
      %dma_wait3A_158 = arith.constant 0 : i32
      %dma_wait3A_159 = arith.constant 0 : i32
      %dma_wait3A_160 = tpu.memref_slice %arg2[%dma_wait3A_158, %dma_wait3A_159] : memref<20000x64xf32, #tpu.memory_space<hbm>> -> memref<20000x64xf32, #tpu.memory_space<hbm>>
      tpu.wait_indirect_dma semaphore(%arg15 : memref<!tpu.dma_semaphore, #tpu.memory_space<semaphore_mem>>) src(%dma_wait3A_160 : memref<20000x64xf32, #tpu.memory_space<hbm>>) dst(%arg9 : memref<125x64xf32, #tpu.memory_space<vmem>>)
      %dma_start3A_161 = arith.constant 0 : i32
      %dma_start3A_162 = tpu.memref_slice %arg7[%add3A_154, %dma_start3A_161] : memref<80x125xi32, #tpu.memory_space<vmem>> -> memref<1x125xi32, #tpu.memory_space<vmem>>
      %dma_start3A_163 = tpu.memref_squeeze %dma_start3A_162 : memref<1x125xi32, #tpu.memory_space<vmem>> -> memref<125xi32, #tpu.memory_space<vmem>>
      %dma_start3A_164 = arith.constant 0 : i32
      %dma_start3A_165 = arith.constant 0 : i32
      %dma_start3A_166 = tpu.memref_slice %arg14[%dma_start3A_164, %dma_start3A_165] : memref<10008x64xf32, #tpu.memory_space<vmem_shared>> -> memref<10008x64xf32, #tpu.memory_space<vmem_shared>>
      tpu.enqueue_indirect_dma source(%arg9 : memref<125x64xf32, #tpu.memory_space<vmem>>) target(%dma_start3A_166 : memref<10008x64xf32, #tpu.memory_space<vmem_shared>>) offsets(%dma_start3A_163 : memref<125xi32, #tpu.memory_space<vmem>>) semaphore(%arg16 : memref<!tpu.dma_semaphore, #tpu.memory_space<semaphore_mem>>) {add = true}
      %mul3A_167 = arith.constant 5 : i32
      %mul3A_168 = arith.muli %mul3A_167, %scan3A_135 : i32
      %add3A_169 = arith.constant 2 : i32
      %add3A_170 = arith.addi %mul3A_168, %add3A_169 : i32
      %dma_wait3A_171 = arith.constant 0 : i32
      %dma_wait3A_172 = tpu.memref_slice %arg6[%add3A_170, %dma_wait3A_171] : memref<80x125xi32, #tpu.memory_space<vmem>> -> memref<1x125xi32, #tpu.memory_space<vmem>>
      %dma_wait3A_173 = tpu.memref_squeeze %dma_wait3A_172 : memref<1x125xi32, #tpu.memory_space<vmem>> -> memref<125xi32, #tpu.memory_space<vmem>>
      %dma_wait3A_174 = arith.constant 0 : i32
      %dma_wait3A_175 = arith.constant 0 : i32
      %dma_wait3A_176 = tpu.memref_slice %arg2[%dma_wait3A_174, %dma_wait3A_175] : memref<20000x64xf32, #tpu.memory_space<hbm>> -> memref<20000x64xf32, #tpu.memory_space<hbm>>
      tpu.wait_indirect_dma semaphore(%arg15 : memref<!tpu.dma_semaphore, #tpu.memory_space<semaphore_mem>>) src(%dma_wait3A_176 : memref<20000x64xf32, #tpu.memory_space<hbm>>) dst(%arg10 : memref<125x64xf32, #tpu.memory_space<vmem>>)
      %dma_start3A_177 = arith.constant 0 : i32
      %dma_start3A_178 = tpu.memref_slice %arg7[%add3A_170, %dma_start3A_177] : memref<80x125xi32, #tpu.memory_space<vmem>> -> memref<1x125xi32, #tpu.memory_space<vmem>>
      %dma_start3A_179 = tpu.memref_squeeze %dma_start3A_178 : memref<1x125xi32, #tpu.memory_space<vmem>> -> memref<125xi32, #tpu.memory_space<vmem>>
      %dma_start3A_180 = arith.constant 0 : i32
      %dma_start3A_181 = arith.constant 0 : i32
      %dma_start3A_182 = tpu.memref_slice %arg14[%dma_start3A_180, %dma_start3A_181] : memref<10008x64xf32, #tpu.memory_space<vmem_shared>> -> memref<10008x64xf32, #tpu.memory_space<vmem_shared>>
      tpu.enqueue_indirect_dma source(%arg10 : memref<125x64xf32, #tpu.memory_space<vmem>>) target(%dma_start3A_182 : memref<10008x64xf32, #tpu.memory_space<vmem_shared>>) offsets(%dma_start3A_179 : memref<125xi32, #tpu.memory_space<vmem>>) semaphore(%arg16 : memref<!tpu.dma_semaphore, #tpu.memory_space<semaphore_mem>>) {add = true}
      %mul3A_183 = arith.constant 5 : i32
      %mul3A_184 = arith.muli %mul3A_183, %scan3A_135 : i32
      %add3A_185 = arith.constant 3 : i32
      %add3A_186 = arith.addi %mul3A_184, %add3A_185 : i32
      %dma_wait3A_187 = arith.constant 0 : i32
      %dma_wait3A_188 = tpu.memref_slice %arg6[%add3A_186, %dma_wait3A_187] : memref<80x125xi32, #tpu.memory_space<vmem>> -> memref<1x125xi32, #tpu.memory_space<vmem>>
      %dma_wait3A_189 = tpu.memref_squeeze %dma_wait3A_188 : memref<1x125xi32, #tpu.memory_space<vmem>> -> memref<125xi32, #tpu.memory_space<vmem>>
      %dma_wait3A_190 = arith.constant 0 : i32
      %dma_wait3A_191 = arith.constant 0 : i32
      %dma_wait3A_192 = tpu.memref_slice %arg2[%dma_wait3A_190, %dma_wait3A_191] : memref<20000x64xf32, #tpu.memory_space<hbm>> -> memref<20000x64xf32, #tpu.memory_space<hbm>>
      tpu.wait_indirect_dma semaphore(%arg15 : memref<!tpu.dma_semaphore, #tpu.memory_space<semaphore_mem>>) src(%dma_wait3A_192 : memref<20000x64xf32, #tpu.memory_space<hbm>>) dst(%arg11 : memref<125x64xf32, #tpu.memory_space<vmem>>)
      %dma_start3A_193 = arith.constant 0 : i32
      %dma_start3A_194 = tpu.memref_slice %arg7[%add3A_186, %dma_start3A_193] : memref<80x125xi32, #tpu.memory_space<vmem>> -> memref<1x125xi32, #tpu.memory_space<vmem>>
      %dma_start3A_195 = tpu.memref_squeeze %dma_start3A_194 : memref<1x125xi32, #tpu.memory_space<vmem>> -> memref<125xi32, #tpu.memory_space<vmem>>
      %dma_start3A_196 = arith.constant 0 : i32
      %dma_start3A_197 = arith.constant 0 : i32
      %dma_start3A_198 = tpu.memref_slice %arg14[%dma_start3A_196, %dma_start3A_197] : memref<10008x64xf32, #tpu.memory_space<vmem_shared>> -> memref<10008x64xf32, #tpu.memory_space<vmem_shared>>
      tpu.enqueue_indirect_dma source(%arg11 : memref<125x64xf32, #tpu.memory_space<vmem>>) target(%dma_start3A_198 : memref<10008x64xf32, #tpu.memory_space<vmem_shared>>) offsets(%dma_start3A_195 : memref<125xi32, #tpu.memory_space<vmem>>) semaphore(%arg16 : memref<!tpu.dma_semaphore, #tpu.memory_space<semaphore_mem>>) {add = true}
      %mul3A_199 = arith.constant 5 : i32
      %mul3A_200 = arith.muli %mul3A_199, %scan3A_135 : i32
      %add3A_201 = arith.constant 4 : i32
      %add3A_202 = arith.addi %mul3A_200, %add3A_201 : i32
      %dma_wait3A_203 = arith.constant 0 : i32
      %dma_wait3A_204 = tpu.memref_slice %arg6[%add3A_202, %dma_wait3A_203] : memref<80x125xi32, #tpu.memory_space<vmem>> -> memref<1x125xi32, #tpu.memory_space<vmem>>
      %dma_wait3A_205 = tpu.memref_squeeze %dma_wait3A_204 : memref<1x125xi32, #tpu.memory_space<vmem>> -> memref<125xi32, #tpu.memory_space<vmem>>
      %dma_wait3A_206 = arith.constant 0 : i32
      %dma_wait3A_207 = arith.constant 0 : i32
      %dma_wait3A_208 = tpu.memref_slice %arg2[%dma_wait3A_206, %dma_wait3A_207] : memref<20000x64xf32, #tpu.memory_space<hbm>> -> memref<20000x64xf32, #tpu.memory_space<hbm>>
      tpu.wait_indirect_dma semaphore(%arg15 : memref<!tpu.dma_semaphore, #tpu.memory_space<semaphore_mem>>) src(%dma_wait3A_208 : memref<20000x64xf32, #tpu.memory_space<hbm>>) dst(%arg12 : memref<125x64xf32, #tpu.memory_space<vmem>>)
      %dma_start3A_209 = arith.constant 0 : i32
      %dma_start3A_210 = tpu.memref_slice %arg7[%add3A_202, %dma_start3A_209] : memref<80x125xi32, #tpu.memory_space<vmem>> -> memref<1x125xi32, #tpu.memory_space<vmem>>
      %dma_start3A_211 = tpu.memref_squeeze %dma_start3A_210 : memref<1x125xi32, #tpu.memory_space<vmem>> -> memref<125xi32, #tpu.memory_space<vmem>>
      %dma_start3A_212 = arith.constant 0 : i32
      %dma_start3A_213 = arith.constant 0 : i32
      %dma_start3A_214 = tpu.memref_slice %arg14[%dma_start3A_212, %dma_start3A_213] : memref<10008x64xf32, #tpu.memory_space<vmem_shared>> -> memref<10008x64xf32, #tpu.memory_space<vmem_shared>>
      tpu.enqueue_indirect_dma source(%arg12 : memref<125x64xf32, #tpu.memory_space<vmem>>) target(%dma_start3A_214 : memref<10008x64xf32, #tpu.memory_space<vmem_shared>>) offsets(%dma_start3A_211 : memref<125xi32, #tpu.memory_space<vmem>>) semaphore(%arg16 : memref<!tpu.dma_semaphore, #tpu.memory_space<semaphore_mem>>) {add = true}
      %mul3A_215 = arith.constant 5 : i32
      %mul3A_216 = arith.muli %mul3A_215, %scan3A_135 : i32
      %add3A_217 = arith.constant 0 : i32
      %add3A_218 = arith.addi %mul3A_216, %add3A_217 : i32
      %dma_wait3A_219 = arith.constant 0 : i32
      %dma_wait3A_220 = tpu.memref_slice %arg7[%add3A_218, %dma_wait3A_219] : memref<80x125xi32, #tpu.memory_space<vmem>> -> memref<1x125xi32, #tpu.memory_space<vmem>>
      %dma_wait3A_221 = tpu.memref_squeeze %dma_wait3A_220 : memref<1x125xi32, #tpu.memory_space<vmem>> -> memref<125xi32, #tpu.memory_space<vmem>>
      %dma_wait3A_222 = arith.constant 0 : i32
      %dma_wait3A_223 = arith.constant 0 : i32
      %dma_wait3A_224 = tpu.memref_slice %arg14[%dma_wait3A_222, %dma_wait3A_223] : memref<10008x64xf32, #tpu.memory_space<vmem_shared>> -> memref<10008x64xf32, #tpu.memory_space<vmem_shared>>
      tpu.wait_indirect_dma semaphore(%arg16 : memref<!tpu.dma_semaphore, #tpu.memory_space<semaphore_mem>>) src(%arg8 : memref<125x64xf32, #tpu.memory_space<vmem>>) dst(%dma_wait3A_224 : memref<10008x64xf32, #tpu.memory_space<vmem_shared>>)
      %add3A_225 = arith.constant 5 : i32
      %add3A_226 = arith.addi %add3A_218, %add3A_225 : i32
      %lt3A_227 = arith.constant 80 : i32
      %lt3A_228 = arith.cmpi slt, %add3A_226, %lt3A_227 : i32
      %convert_element_type3A_229 = arith.extui %lt3A_228 : i1 to i32
      %cond3A_230 = arith.constant 0 : i32
      %cond3A_231 = arith.cmpi ne, %convert_element_type3A_229, %cond3A_230 : i32
      scf.if %cond3A_231 {
        %add3A_300 = arith.constant 5 : i32
        %add3A_301 = arith.addi %add3A_218, %add3A_300 : i32
        %dma_start3A_302 = arith.constant 0 : i32
        %dma_start3A_303 = tpu.memref_slice %arg6[%add3A_301, %dma_start3A_302] : memref<80x125xi32, #tpu.memory_space<vmem>> -> memref<1x125xi32, #tpu.memory_space<vmem>>
        %dma_start3A_304 = tpu.memref_squeeze %dma_start3A_303 : memref<1x125xi32, #tpu.memory_space<vmem>> -> memref<125xi32, #tpu.memory_space<vmem>>
        %dma_start3A_305 = arith.constant 0 : i32
        %dma_start3A_306 = arith.constant 0 : i32
        %dma_start3A_307 = tpu.memref_slice %arg2[%dma_start3A_305, %dma_start3A_306] : memref<20000x64xf32, #tpu.memory_space<hbm>> -> memref<20000x64xf32, #tpu.memory_space<hbm>>
        tpu.enqueue_indirect_dma source(%dma_start3A_307 : memref<20000x64xf32, #tpu.memory_space<hbm>>) target(%arg8 : memref<125x64xf32, #tpu.memory_space<vmem>>) offsets(%dma_start3A_304 : memref<125xi32, #tpu.memory_space<vmem>>) semaphore(%arg15 : memref<!tpu.dma_semaphore, #tpu.memory_space<semaphore_mem>>)
      } else {
      }
      %mul3A_232 = arith.constant 5 : i32
      %mul3A_233 = arith.muli %mul3A_232, %scan3A_135 : i32
      %add3A_234 = arith.constant 1 : i32
      %add3A_235 = arith.addi %mul3A_233, %add3A_234 : i32
      %dma_wait3A_236 = arith.constant 0 : i32
      %dma_wait3A_237 = tpu.memref_slice %arg7[%add3A_235, %dma_wait3A_236] : memref<80x125xi32, #tpu.memory_space<vmem>> -> memref<1x125xi32, #tpu.memory_space<vmem>>
      %dma_wait3A_238 = tpu.memref_squeeze %dma_wait3A_237 : memref<1x125xi32, #tpu.memory_space<vmem>> -> memref<125xi32, #tpu.memory_space<vmem>>
      %dma_wait3A_239 = arith.constant 0 : i32
      %dma_wait3A_240 = arith.constant 0 : i32
      %dma_wait3A_241 = tpu.memref_slice %arg14[%dma_wait3A_239, %dma_wait3A_240] : memref<10008x64xf32, #tpu.memory_space<vmem_shared>> -> memref<10008x64xf32, #tpu.memory_space<vmem_shared>>
      tpu.wait_indirect_dma semaphore(%arg16 : memref<!tpu.dma_semaphore, #tpu.memory_space<semaphore_mem>>) src(%arg9 : memref<125x64xf32, #tpu.memory_space<vmem>>) dst(%dma_wait3A_241 : memref<10008x64xf32, #tpu.memory_space<vmem_shared>>)
      %add3A_242 = arith.constant 5 : i32
      %add3A_243 = arith.addi %add3A_235, %add3A_242 : i32
      %lt3A_244 = arith.constant 80 : i32
      %lt3A_245 = arith.cmpi slt, %add3A_243, %lt3A_244 : i32
      %convert_element_type3A_246 = arith.extui %lt3A_245 : i1 to i32
      %cond3A_247 = arith.constant 0 : i32
      %cond3A_248 = arith.cmpi ne, %convert_element_type3A_246, %cond3A_247 : i32
      scf.if %cond3A_248 {
        %add3A_300 = arith.constant 5 : i32
        %add3A_301 = arith.addi %add3A_235, %add3A_300 : i32
        %dma_start3A_302 = arith.constant 0 : i32
        %dma_start3A_303 = tpu.memref_slice %arg6[%add3A_301, %dma_start3A_302] : memref<80x125xi32, #tpu.memory_space<vmem>> -> memref<1x125xi32, #tpu.memory_space<vmem>>
        %dma_start3A_304 = tpu.memref_squeeze %dma_start3A_303 : memref<1x125xi32, #tpu.memory_space<vmem>> -> memref<125xi32, #tpu.memory_space<vmem>>
        %dma_start3A_305 = arith.constant 0 : i32
        %dma_start3A_306 = arith.constant 0 : i32
        %dma_start3A_307 = tpu.memref_slice %arg2[%dma_start3A_305, %dma_start3A_306] : memref<20000x64xf32, #tpu.memory_space<hbm>> -> memref<20000x64xf32, #tpu.memory_space<hbm>>
        tpu.enqueue_indirect_dma source(%dma_start3A_307 : memref<20000x64xf32, #tpu.memory_space<hbm>>) target(%arg9 : memref<125x64xf32, #tpu.memory_space<vmem>>) offsets(%dma_start3A_304 : memref<125xi32, #tpu.memory_space<vmem>>) semaphore(%arg15 : memref<!tpu.dma_semaphore, #tpu.memory_space<semaphore_mem>>)
      } else {
      }
      %mul3A_249 = arith.constant 5 : i32
      %mul3A_250 = arith.muli %mul3A_249, %scan3A_135 : i32
      %add3A_251 = arith.constant 2 : i32
      %add3A_252 = arith.addi %mul3A_250, %add3A_251 : i32
      %dma_wait3A_253 = arith.constant 0 : i32
      %dma_wait3A_254 = tpu.memref_slice %arg7[%add3A_252, %dma_wait3A_253] : memref<80x125xi32, #tpu.memory_space<vmem>> -> memref<1x125xi32, #tpu.memory_space<vmem>>
      %dma_wait3A_255 = tpu.memref_squeeze %dma_wait3A_254 : memref<1x125xi32, #tpu.memory_space<vmem>> -> memref<125xi32, #tpu.memory_space<vmem>>
      %dma_wait3A_256 = arith.constant 0 : i32
      %dma_wait3A_257 = arith.constant 0 : i32
      %dma_wait3A_258 = tpu.memref_slice %arg14[%dma_wait3A_256, %dma_wait3A_257] : memref<10008x64xf32, #tpu.memory_space<vmem_shared>> -> memref<10008x64xf32, #tpu.memory_space<vmem_shared>>
      tpu.wait_indirect_dma semaphore(%arg16 : memref<!tpu.dma_semaphore, #tpu.memory_space<semaphore_mem>>) src(%arg10 : memref<125x64xf32, #tpu.memory_space<vmem>>) dst(%dma_wait3A_258 : memref<10008x64xf32, #tpu.memory_space<vmem_shared>>)
      %add3A_259 = arith.constant 5 : i32
      %add3A_260 = arith.addi %add3A_252, %add3A_259 : i32
      %lt3A_261 = arith.constant 80 : i32
      %lt3A_262 = arith.cmpi slt, %add3A_260, %lt3A_261 : i32
      %convert_element_type3A_263 = arith.extui %lt3A_262 : i1 to i32
      %cond3A_264 = arith.constant 0 : i32
      %cond3A_265 = arith.cmpi ne, %convert_element_type3A_263, %cond3A_264 : i32
      scf.if %cond3A_265 {
        %add3A_300 = arith.constant 5 : i32
        %add3A_301 = arith.addi %add3A_252, %add3A_300 : i32
        %dma_start3A_302 = arith.constant 0 : i32
        %dma_start3A_303 = tpu.memref_slice %arg6[%add3A_301, %dma_start3A_302] : memref<80x125xi32, #tpu.memory_space<vmem>> -> memref<1x125xi32, #tpu.memory_space<vmem>>
        %dma_start3A_304 = tpu.memref_squeeze %dma_start3A_303 : memref<1x125xi32, #tpu.memory_space<vmem>> -> memref<125xi32, #tpu.memory_space<vmem>>
        %dma_start3A_305 = arith.constant 0 : i32
        %dma_start3A_306 = arith.constant 0 : i32
        %dma_start3A_307 = tpu.memref_slice %arg2[%dma_start3A_305, %dma_start3A_306] : memref<20000x64xf32, #tpu.memory_space<hbm>> -> memref<20000x64xf32, #tpu.memory_space<hbm>>
        tpu.enqueue_indirect_dma source(%dma_start3A_307 : memref<20000x64xf32, #tpu.memory_space<hbm>>) target(%arg10 : memref<125x64xf32, #tpu.memory_space<vmem>>) offsets(%dma_start3A_304 : memref<125xi32, #tpu.memory_space<vmem>>) semaphore(%arg15 : memref<!tpu.dma_semaphore, #tpu.memory_space<semaphore_mem>>)
      } else {
      }
      %mul3A_266 = arith.constant 5 : i32
      %mul3A_267 = arith.muli %mul3A_266, %scan3A_135 : i32
      %add3A_268 = arith.constant 3 : i32
      %add3A_269 = arith.addi %mul3A_267, %add3A_268 : i32
      %dma_wait3A_270 = arith.constant 0 : i32
      %dma_wait3A_271 = tpu.memref_slice %arg7[%add3A_269, %dma_wait3A_270] : memref<80x125xi32, #tpu.memory_space<vmem>> -> memref<1x125xi32, #tpu.memory_space<vmem>>
      %dma_wait3A_272 = tpu.memref_squeeze %dma_wait3A_271 : memref<1x125xi32, #tpu.memory_space<vmem>> -> memref<125xi32, #tpu.memory_space<vmem>>
      %dma_wait3A_273 = arith.constant 0 : i32
      %dma_wait3A_274 = arith.constant 0 : i32
      %dma_wait3A_275 = tpu.memref_slice %arg14[%dma_wait3A_273, %dma_wait3A_274] : memref<10008x64xf32, #tpu.memory_space<vmem_shared>> -> memref<10008x64xf32, #tpu.memory_space<vmem_shared>>
      tpu.wait_indirect_dma semaphore(%arg16 : memref<!tpu.dma_semaphore, #tpu.memory_space<semaphore_mem>>) src(%arg11 : memref<125x64xf32, #tpu.memory_space<vmem>>) dst(%dma_wait3A_275 : memref<10008x64xf32, #tpu.memory_space<vmem_shared>>)
      %add3A_276 = arith.constant 5 : i32
      %add3A_277 = arith.addi %add3A_269, %add3A_276 : i32
      %lt3A_278 = arith.constant 80 : i32
      %lt3A_279 = arith.cmpi slt, %add3A_277, %lt3A_278 : i32
      %convert_element_type3A_280 = arith.extui %lt3A_279 : i1 to i32
      %cond3A_281 = arith.constant 0 : i32
      %cond3A_282 = arith.cmpi ne, %convert_element_type3A_280, %cond3A_281 : i32
      scf.if %cond3A_282 {
        %add3A_300 = arith.constant 5 : i32
        %add3A_301 = arith.addi %add3A_269, %add3A_300 : i32
        %dma_start3A_302 = arith.constant 0 : i32
        %dma_start3A_303 = tpu.memref_slice %arg6[%add3A_301, %dma_start3A_302] : memref<80x125xi32, #tpu.memory_space<vmem>> -> memref<1x125xi32, #tpu.memory_space<vmem>>
        %dma_start3A_304 = tpu.memref_squeeze %dma_start3A_303 : memref<1x125xi32, #tpu.memory_space<vmem>> -> memref<125xi32, #tpu.memory_space<vmem>>
        %dma_start3A_305 = arith.constant 0 : i32
        %dma_start3A_306 = arith.constant 0 : i32
        %dma_start3A_307 = tpu.memref_slice %arg2[%dma_start3A_305, %dma_start3A_306] : memref<20000x64xf32, #tpu.memory_space<hbm>> -> memref<20000x64xf32, #tpu.memory_space<hbm>>
        tpu.enqueue_indirect_dma source(%dma_start3A_307 : memref<20000x64xf32, #tpu.memory_space<hbm>>) target(%arg11 : memref<125x64xf32, #tpu.memory_space<vmem>>) offsets(%dma_start3A_304 : memref<125xi32, #tpu.memory_space<vmem>>) semaphore(%arg15 : memref<!tpu.dma_semaphore, #tpu.memory_space<semaphore_mem>>)
      } else {
      }
      %mul3A_283 = arith.constant 5 : i32
      %mul3A_284 = arith.muli %mul3A_283, %scan3A_135 : i32
      %add3A_285 = arith.constant 4 : i32
      %add3A_286 = arith.addi %mul3A_284, %add3A_285 : i32
      %dma_wait3A_287 = arith.constant 0 : i32
      %dma_wait3A_288 = tpu.memref_slice %arg7[%add3A_286, %dma_wait3A_287] : memref<80x125xi32, #tpu.memory_space<vmem>> -> memref<1x125xi32, #tpu.memory_space<vmem>>
      %dma_wait3A_289 = tpu.memref_squeeze %dma_wait3A_288 : memref<1x125xi32, #tpu.memory_space<vmem>> -> memref<125xi32, #tpu.memory_space<vmem>>
      %dma_wait3A_290 = arith.constant 0 : i32
      %dma_wait3A_291 = arith.constant 0 : i32
      %dma_wait3A_292 = tpu.memref_slice %arg14[%dma_wait3A_290, %dma_wait3A_291] : memref<10008x64xf32, #tpu.memory_space<vmem_shared>> -> memref<10008x64xf32, #tpu.memory_space<vmem_shared>>
      tpu.wait_indirect_dma semaphore(%arg16 : memref<!tpu.dma_semaphore, #tpu.memory_space<semaphore_mem>>) src(%arg12 : memref<125x64xf32, #tpu.memory_space<vmem>>) dst(%dma_wait3A_292 : memref<10008x64xf32, #tpu.memory_space<vmem_shared>>)
      %add3A_293 = arith.constant 5 : i32
      %add3A_294 = arith.addi %add3A_286, %add3A_293 : i32
      %lt3A_295 = arith.constant 80 : i32
      %lt3A_296 = arith.cmpi slt, %add3A_294, %lt3A_295 : i32
      %convert_element_type3A_297 = arith.extui %lt3A_296 : i1 to i32
      %cond3A_298 = arith.constant 0 : i32
      %cond3A_299 = arith.cmpi ne, %convert_element_type3A_297, %cond3A_298 : i32
      scf.if %cond3A_299 {
        %add3A_300 = arith.constant 5 : i32
        %add3A_301 = arith.addi %add3A_286, %add3A_300 : i32
        %dma_start3A_302 = arith.constant 0 : i32
        %dma_start3A_303 = tpu.memref_slice %arg6[%add3A_301, %dma_start3A_302] : memref<80x125xi32, #tpu.memory_space<vmem>> -> memref<1x125xi32, #tpu.memory_space<vmem>>
        %dma_start3A_304 = tpu.memref_squeeze %dma_start3A_303 : memref<1x125xi32, #tpu.memory_space<vmem>> -> memref<125xi32, #tpu.memory_space<vmem>>
        %dma_start3A_305 = arith.constant 0 : i32
        %dma_start3A_306 = arith.constant 0 : i32
        %dma_start3A_307 = tpu.memref_slice %arg2[%dma_start3A_305, %dma_start3A_306] : memref<20000x64xf32, #tpu.memory_space<hbm>> -> memref<20000x64xf32, #tpu.memory_space<hbm>>
        tpu.enqueue_indirect_dma source(%dma_start3A_307 : memref<20000x64xf32, #tpu.memory_space<hbm>>) target(%arg12 : memref<125x64xf32, #tpu.memory_space<vmem>>) offsets(%dma_start3A_304 : memref<125xi32, #tpu.memory_space<vmem>>) semaphore(%arg15 : memref<!tpu.dma_semaphore, #tpu.memory_space<semaphore_mem>>)
      } else {
      }
    }
    %scan3A_66 = arith.constant 16 : i32
    "tpu.region"() ({
      %run_scoped3A = tpu.sem_alloc : memref<!tpu.dma_semaphore, #tpu.memory_space<semaphore_mem>>
      %dma_start3A_135 = arith.constant 80 : i32
      %dma_start3A_136 = arith.constant 0 : i32
      %dma_start3A_137 = tpu.memref_slice %arg3[%arg0, %arg1, %dma_start3A_135, %dma_start3A_136] : memref<2x16x160x125xi32, #tpu.memory_space<hbm>> -> memref<1x1x80x125xi32, #tpu.memory_space<hbm>>
      %dma_start3A_138 = tpu.memref_squeeze %dma_start3A_137 : memref<1x1x80x125xi32, #tpu.memory_space<hbm>> -> memref<80x125xi32, #tpu.memory_space<hbm>>
      %dma_start3A_139 = arith.constant 80 : i32
      %dma_start3A_140 = arith.constant 0 : i32
      %dma_start3A_141 = tpu.memref_slice %arg3[%arg0, %arg1, %dma_start3A_139, %dma_start3A_140] : memref<2x16x160x125xi32, #tpu.memory_space<hbm>> -> memref<1x1x80x125xi32, #tpu.memory_space<hbm>>
      %dma_start3A_142 = tpu.memref_squeeze %dma_start3A_141 : memref<1x1x80x125xi32, #tpu.memory_space<hbm>> -> memref<80x125xi32, #tpu.memory_space<hbm>>
      tpu.enqueue_dma source(%dma_start3A_142 : memref<80x125xi32, #tpu.memory_space<hbm>>) target(%arg6 : memref<80x125xi32, #tpu.memory_space<vmem>>) target_semaphore(%run_scoped3A : memref<!tpu.dma_semaphore, #tpu.memory_space<semaphore_mem>>)
      %dma_wait3A = arith.constant 80 : i32
      %dma_wait3A_143 = arith.constant 0 : i32
      %dma_wait3A_144 = tpu.memref_slice %arg3[%arg0, %arg1, %dma_wait3A, %dma_wait3A_143] : memref<2x16x160x125xi32, #tpu.memory_space<hbm>> -> memref<1x1x80x125xi32, #tpu.memory_space<hbm>>
      %dma_wait3A_145 = tpu.memref_squeeze %dma_wait3A_144 : memref<1x1x80x125xi32, #tpu.memory_space<hbm>> -> memref<80x125xi32, #tpu.memory_space<hbm>>
      %dma_wait3A_146 = arith.constant 80 : i32
      %dma_wait3A_147 = arith.constant 0 : i32
      %dma_wait3A_148 = tpu.memref_slice %arg3[%arg0, %arg1, %dma_wait3A_146, %dma_wait3A_147] : memref<2x16x160x125xi32, #tpu.memory_space<hbm>> -> memref<1x1x80x125xi32, #tpu.memory_space<hbm>>
      %dma_wait3A_149 = tpu.memref_squeeze %dma_wait3A_148 : memref<1x1x80x125xi32, #tpu.memory_space<hbm>> -> memref<80x125xi32, #tpu.memory_space<hbm>>
      tpu.wait_dma2 semaphore(%run_scoped3A : memref<!tpu.dma_semaphore, #tpu.memory_space<semaphore_mem>>) src(%dma_wait3A_149 : memref<80x125xi32, #tpu.memory_space<hbm>>) dst(%arg6 : memref<80x125xi32, #tpu.memory_space<vmem>>)
      tpu.yield
    }) : () -> ()
    "tpu.region"() ({
      %run_scoped3A = tpu.sem_alloc : memref<!tpu.dma_semaphore, #tpu.memory_space<semaphore_mem>>
      %dma_start3A_135 = arith.constant 80 : i32
      %dma_start3A_136 = arith.constant 0 : i32
      %dma_start3A_137 = tpu.memref_slice %arg4[%arg1, %dma_start3A_135, %dma_start3A_136] : memref<16x160x125xi32, #tpu.memory_space<hbm>> -> memref<1x80x125xi32, #tpu.memory_space<hbm>>
      %dma_start3A_138 = tpu.memref_squeeze %dma_start3A_137 : memref<1x80x125xi32, #tpu.memory_space<hbm>> -> memref<80x125xi32, #tpu.memory_space<hbm>>
      %dma_start3A_139 = arith.constant 80 : i32
      %dma_start3A_140 = arith.constant 0 : i32
      %dma_start3A_141 = tpu.memref_slice %arg4[%arg1, %dma_start3A_139, %dma_start3A_140] : memref<16x160x125xi32, #tpu.memory_space<hbm>> -> memref<1x80x125xi32, #tpu.memory_space<hbm>>
      %dma_start3A_142 = tpu.memref_squeeze %dma_start3A_141 : memref<1x80x125xi32, #tpu.memory_space<hbm>> -> memref<80x125xi32, #tpu.memory_space<hbm>>
      tpu.enqueue_dma source(%dma_start3A_142 : memref<80x125xi32, #tpu.memory_space<hbm>>) target(%arg7 : memref<80x125xi32, #tpu.memory_space<vmem>>) target_semaphore(%run_scoped3A : memref<!tpu.dma_semaphore, #tpu.memory_space<semaphore_mem>>)
      %dma_wait3A = arith.constant 80 : i32
      %dma_wait3A_143 = arith.constant 0 : i32
      %dma_wait3A_144 = tpu.memref_slice %arg4[%arg1, %dma_wait3A, %dma_wait3A_143] : memref<16x160x125xi32, #tpu.memory_space<hbm>> -> memref<1x80x125xi32, #tpu.memory_space<hbm>>
      %dma_wait3A_145 = tpu.memref_squeeze %dma_wait3A_144 : memref<1x80x125xi32, #tpu.memory_space<hbm>> -> memref<80x125xi32, #tpu.memory_space<hbm>>
      %dma_wait3A_146 = arith.constant 80 : i32
      %dma_wait3A_147 = arith.constant 0 : i32
      %dma_wait3A_148 = tpu.memref_slice %arg4[%arg1, %dma_wait3A_146, %dma_wait3A_147] : memref<16x160x125xi32, #tpu.memory_space<hbm>> -> memref<1x80x125xi32, #tpu.memory_space<hbm>>
      %dma_wait3A_149 = tpu.memref_squeeze %dma_wait3A_148 : memref<1x80x125xi32, #tpu.memory_space<hbm>> -> memref<80x125xi32, #tpu.memory_space<hbm>>
      tpu.wait_dma2 semaphore(%run_scoped3A : memref<!tpu.dma_semaphore, #tpu.memory_space<semaphore_mem>>) src(%dma_wait3A_149 : memref<80x125xi32, #tpu.memory_space<hbm>>) dst(%arg7 : memref<80x125xi32, #tpu.memory_space<vmem>>)
      tpu.yield
    }) : () -> ()
    %dma_start3A_67 = arith.constant 0 : i32
    %dma_start3A_68 = arith.constant 0 : i32
    %dma_start3A_69 = tpu.memref_slice %arg6[%dma_start3A_67, %dma_start3A_68] : memref<80x125xi32, #tpu.memory_space<vmem>> -> memref<1x125xi32, #tpu.memory_space<vmem>>
    %dma_start3A_70 = tpu.memref_squeeze %dma_start3A_69 : memref<1x125xi32, #tpu.memory_space<vmem>> -> memref<125xi32, #tpu.memory_space<vmem>>
    %dma_start3A_71 = arith.constant 0 : i32
    %dma_start3A_72 = arith.constant 0 : i32
    %dma_start3A_73 = tpu.memref_slice %arg2[%dma_start3A_71, %dma_start3A_72] : memref<20000x64xf32, #tpu.memory_space<hbm>> -> memref<20000x64xf32, #tpu.memory_space<hbm>>
    tpu.enqueue_indirect_dma source(%dma_start3A_73 : memref<20000x64xf32, #tpu.memory_space<hbm>>) target(%arg8 : memref<125x64xf32, #tpu.memory_space<vmem>>) offsets(%dma_start3A_70 : memref<125xi32, #tpu.memory_space<vmem>>) semaphore(%arg15 : memref<!tpu.dma_semaphore, #tpu.memory_space<semaphore_mem>>)
    %dma_start3A_74 = arith.constant 1 : i32
    %dma_start3A_75 = arith.constant 0 : i32
    %dma_start3A_76 = tpu.memref_slice %arg6[%dma_start3A_74, %dma_start3A_75] : memref<80x125xi32, #tpu.memory_space<vmem>> -> memref<1x125xi32, #tpu.memory_space<vmem>>
    %dma_start3A_77 = tpu.memref_squeeze %dma_start3A_76 : memref<1x125xi32, #tpu.memory_space<vmem>> -> memref<125xi32, #tpu.memory_space<vmem>>
    %dma_start3A_78 = arith.constant 0 : i32
    %dma_start3A_79 = arith.constant 0 : i32
    %dma_start3A_80 = tpu.memref_slice %arg2[%dma_start3A_78, %dma_start3A_79] : memref<20000x64xf32, #tpu.memory_space<hbm>> -> memref<20000x64xf32, #tpu.memory_space<hbm>>
    tpu.enqueue_indirect_dma source(%dma_start3A_80 : memref<20000x64xf32, #tpu.memory_space<hbm>>) target(%arg9 : memref<125x64xf32, #tpu.memory_space<vmem>>) offsets(%dma_start3A_77 : memref<125xi32, #tpu.memory_space<vmem>>) semaphore(%arg15 : memref<!tpu.dma_semaphore, #tpu.memory_space<semaphore_mem>>)
    %dma_start3A_81 = arith.constant 2 : i32
    %dma_start3A_82 = arith.constant 0 : i32
    %dma_start3A_83 = tpu.memref_slice %arg6[%dma_start3A_81, %dma_start3A_82] : memref<80x125xi32, #tpu.memory_space<vmem>> -> memref<1x125xi32, #tpu.memory_space<vmem>>
    %dma_start3A_84 = tpu.memref_squeeze %dma_start3A_83 : memref<1x125xi32, #tpu.memory_space<vmem>> -> memref<125xi32, #tpu.memory_space<vmem>>
    %dma_start3A_85 = arith.constant 0 : i32
    %dma_start3A_86 = arith.constant 0 : i32
    %dma_start3A_87 = tpu.memref_slice %arg2[%dma_start3A_85, %dma_start3A_86] : memref<20000x64xf32, #tpu.memory_space<hbm>> -> memref<20000x64xf32, #tpu.memory_space<hbm>>
    tpu.enqueue_indirect_dma source(%dma_start3A_87 : memref<20000x64xf32, #tpu.memory_space<hbm>>) target(%arg10 : memref<125x64xf32, #tpu.memory_space<vmem>>) offsets(%dma_start3A_84 : memref<125xi32, #tpu.memory_space<vmem>>) semaphore(%arg15 : memref<!tpu.dma_semaphore, #tpu.memory_space<semaphore_mem>>)
    %dma_start3A_88 = arith.constant 3 : i32
    %dma_start3A_89 = arith.constant 0 : i32
    %dma_start3A_90 = tpu.memref_slice %arg6[%dma_start3A_88, %dma_start3A_89] : memref<80x125xi32, #tpu.memory_space<vmem>> -> memref<1x125xi32, #tpu.memory_space<vmem>>
    %dma_start3A_91 = tpu.memref_squeeze %dma_start3A_90 : memref<1x125xi32, #tpu.memory_space<vmem>> -> memref<125xi32, #tpu.memory_space<vmem>>
    %dma_start3A_92 = arith.constant 0 : i32
    %dma_start3A_93 = arith.constant 0 : i32
    %dma_start3A_94 = tpu.memref_slice %arg2[%dma_start3A_92, %dma_start3A_93] : memref<20000x64xf32, #tpu.memory_space<hbm>> -> memref<20000x64xf32, #tpu.memory_space<hbm>>
    tpu.enqueue_indirect_dma source(%dma_start3A_94 : memref<20000x64xf32, #tpu.memory_space<hbm>>) target(%arg11 : memref<125x64xf32, #tpu.memory_space<vmem>>) offsets(%dma_start3A_91 : memref<125xi32, #tpu.memory_space<vmem>>) semaphore(%arg15 : memref<!tpu.dma_semaphore, #tpu.memory_space<semaphore_mem>>)
    %dma_start3A_95 = arith.constant 4 : i32
    %dma_start3A_96 = arith.constant 0 : i32
    %dma_start3A_97 = tpu.memref_slice %arg6[%dma_start3A_95, %dma_start3A_96] : memref<80x125xi32, #tpu.memory_space<vmem>> -> memref<1x125xi32, #tpu.memory_space<vmem>>
    %dma_start3A_98 = tpu.memref_squeeze %dma_start3A_97 : memref<1x125xi32, #tpu.memory_space<vmem>> -> memref<125xi32, #tpu.memory_space<vmem>>
    %dma_start3A_99 = arith.constant 0 : i32
    %dma_start3A_100 = arith.constant 0 : i32
    %dma_start3A_101 = tpu.memref_slice %arg2[%dma_start3A_99, %dma_start3A_100] : memref<20000x64xf32, #tpu.memory_space<hbm>> -> memref<20000x64xf32, #tpu.memory_space<hbm>>
    tpu.enqueue_indirect_dma source(%dma_start3A_101 : memref<20000x64xf32, #tpu.memory_space<hbm>>) target(%arg12 : memref<125x64xf32, #tpu.memory_space<vmem>>) offsets(%dma_start3A_98 : memref<125xi32, #tpu.memory_space<vmem>>) semaphore(%arg15 : memref<!tpu.dma_semaphore, #tpu.memory_space<semaphore_mem>>)
    %scan3A_102 = arith.constant 0 : i32
    %scan3A_103 = arith.constant 16 : i32
    %scan3A_104 = arith.addi %scan3A_102, %scan3A_103 : i32
    %scan3A_105 = arith.constant 1 : i32
    scf.for %scan3A_135 = %scan3A_102 to %scan3A_104 step %scan3A_105  : i32 {
      %mul3A_136 = arith.constant 5 : i32
      %mul3A_137 = arith.muli %mul3A_136, %scan3A_135 : i32
      %add3A_138 = arith.constant 0 : i32
      %add3A_139 = arith.addi %mul3A_137, %add3A_138 : i32
      %dma_wait3A = arith.constant 0 : i32
      %dma_wait3A_140 = tpu.memref_slice %arg6[%add3A_139, %dma_wait3A] : memref<80x125xi32, #tpu.memory_space<vmem>> -> memref<1x125xi32, #tpu.memory_space<vmem>>
      %dma_wait3A_141 = tpu.memref_squeeze %dma_wait3A_140 : memref<1x125xi32, #tpu.memory_space<vmem>> -> memref<125xi32, #tpu.memory_space<vmem>>
      %dma_wait3A_142 = arith.constant 0 : i32
      %dma_wait3A_143 = arith.constant 0 : i32
      %dma_wait3A_144 = tpu.memref_slice %arg2[%dma_wait3A_142, %dma_wait3A_143] : memref<20000x64xf32, #tpu.memory_space<hbm>> -> memref<20000x64xf32, #tpu.memory_space<hbm>>
      tpu.wait_indirect_dma semaphore(%arg15 : memref<!tpu.dma_semaphore, #tpu.memory_space<semaphore_mem>>) src(%dma_wait3A_144 : memref<20000x64xf32, #tpu.memory_space<hbm>>) dst(%arg8 : memref<125x64xf32, #tpu.memory_space<vmem>>)
      %dma_start3A_145 = arith.constant 0 : i32
      %dma_start3A_146 = tpu.memref_slice %arg7[%add3A_139, %dma_start3A_145] : memref<80x125xi32, #tpu.memory_space<vmem>> -> memref<1x125xi32, #tpu.memory_space<vmem>>
      %dma_start3A_147 = tpu.memref_squeeze %dma_start3A_146 : memref<1x125xi32, #tpu.memory_space<vmem>> -> memref<125xi32, #tpu.memory_space<vmem>>
      %dma_start3A_148 = arith.constant 0 : i32
      %dma_start3A_149 = arith.constant 0 : i32
      %dma_start3A_150 = tpu.memref_slice %arg14[%dma_start3A_148, %dma_start3A_149] : memref<10008x64xf32, #tpu.memory_space<vmem_shared>> -> memref<10008x64xf32, #tpu.memory_space<vmem_shared>>
      tpu.enqueue_indirect_dma source(%arg8 : memref<125x64xf32, #tpu.memory_space<vmem>>) target(%dma_start3A_150 : memref<10008x64xf32, #tpu.memory_space<vmem_shared>>) offsets(%dma_start3A_147 : memref<125xi32, #tpu.memory_space<vmem>>) semaphore(%arg16 : memref<!tpu.dma_semaphore, #tpu.memory_space<semaphore_mem>>) {add = true}
      %mul3A_151 = arith.constant 5 : i32
      %mul3A_152 = arith.muli %mul3A_151, %scan3A_135 : i32
      %add3A_153 = arith.constant 1 : i32
      %add3A_154 = arith.addi %mul3A_152, %add3A_153 : i32
      %dma_wait3A_155 = arith.constant 0 : i32
      %dma_wait3A_156 = tpu.memref_slice %arg6[%add3A_154, %dma_wait3A_155] : memref<80x125xi32, #tpu.memory_space<vmem>> -> memref<1x125xi32, #tpu.memory_space<vmem>>
      %dma_wait3A_157 = tpu.memref_squeeze %dma_wait3A_156 : memref<1x125xi32, #tpu.memory_space<vmem>> -> memref<125xi32, #tpu.memory_space<vmem>>
      %dma_wait3A_158 = arith.constant 0 : i32
      %dma_wait3A_159 = arith.constant 0 : i32
      %dma_wait3A_160 = tpu.memref_slice %arg2[%dma_wait3A_158, %dma_wait3A_159] : memref<20000x64xf32, #tpu.memory_space<hbm>> -> memref<20000x64xf32, #tpu.memory_space<hbm>>
      tpu.wait_indirect_dma semaphore(%arg15 : memref<!tpu.dma_semaphore, #tpu.memory_space<semaphore_mem>>) src(%dma_wait3A_160 : memref<20000x64xf32, #tpu.memory_space<hbm>>) dst(%arg9 : memref<125x64xf32, #tpu.memory_space<vmem>>)
      %dma_start3A_161 = arith.constant 0 : i32
      %dma_start3A_162 = tpu.memref_slice %arg7[%add3A_154, %dma_start3A_161] : memref<80x125xi32, #tpu.memory_space<vmem>> -> memref<1x125xi32, #tpu.memory_space<vmem>>
      %dma_start3A_163 = tpu.memref_squeeze %dma_start3A_162 : memref<1x125xi32, #tpu.memory_space<vmem>> -> memref<125xi32, #tpu.memory_space<vmem>>
      %dma_start3A_164 = arith.constant 0 : i32
      %dma_start3A_165 = arith.constant 0 : i32
      %dma_start3A_166 = tpu.memref_slice %arg14[%dma_start3A_164, %dma_start3A_165] : memref<10008x64xf32, #tpu.memory_space<vmem_shared>> -> memref<10008x64xf32, #tpu.memory_space<vmem_shared>>
      tpu.enqueue_indirect_dma source(%arg9 : memref<125x64xf32, #tpu.memory_space<vmem>>) target(%dma_start3A_166 : memref<10008x64xf32, #tpu.memory_space<vmem_shared>>) offsets(%dma_start3A_163 : memref<125xi32, #tpu.memory_space<vmem>>) semaphore(%arg16 : memref<!tpu.dma_semaphore, #tpu.memory_space<semaphore_mem>>) {add = true}
      %mul3A_167 = arith.constant 5 : i32
      %mul3A_168 = arith.muli %mul3A_167, %scan3A_135 : i32
      %add3A_169 = arith.constant 2 : i32
      %add3A_170 = arith.addi %mul3A_168, %add3A_169 : i32
      %dma_wait3A_171 = arith.constant 0 : i32
      %dma_wait3A_172 = tpu.memref_slice %arg6[%add3A_170, %dma_wait3A_171] : memref<80x125xi32, #tpu.memory_space<vmem>> -> memref<1x125xi32, #tpu.memory_space<vmem>>
      %dma_wait3A_173 = tpu.memref_squeeze %dma_wait3A_172 : memref<1x125xi32, #tpu.memory_space<vmem>> -> memref<125xi32, #tpu.memory_space<vmem>>
      %dma_wait3A_174 = arith.constant 0 : i32
      %dma_wait3A_175 = arith.constant 0 : i32
      %dma_wait3A_176 = tpu.memref_slice %arg2[%dma_wait3A_174, %dma_wait3A_175] : memref<20000x64xf32, #tpu.memory_space<hbm>> -> memref<20000x64xf32, #tpu.memory_space<hbm>>
      tpu.wait_indirect_dma semaphore(%arg15 : memref<!tpu.dma_semaphore, #tpu.memory_space<semaphore_mem>>) src(%dma_wait3A_176 : memref<20000x64xf32, #tpu.memory_space<hbm>>) dst(%arg10 : memref<125x64xf32, #tpu.memory_space<vmem>>)
      %dma_start3A_177 = arith.constant 0 : i32
      %dma_start3A_178 = tpu.memref_slice %arg7[%add3A_170, %dma_start3A_177] : memref<80x125xi32, #tpu.memory_space<vmem>> -> memref<1x125xi32, #tpu.memory_space<vmem>>
      %dma_start3A_179 = tpu.memref_squeeze %dma_start3A_178 : memref<1x125xi32, #tpu.memory_space<vmem>> -> memref<125xi32, #tpu.memory_space<vmem>>
      %dma_start3A_180 = arith.constant 0 : i32
      %dma_start3A_181 = arith.constant 0 : i32
      %dma_start3A_182 = tpu.memref_slice %arg14[%dma_start3A_180, %dma_start3A_181] : memref<10008x64xf32, #tpu.memory_space<vmem_shared>> -> memref<10008x64xf32, #tpu.memory_space<vmem_shared>>
      tpu.enqueue_indirect_dma source(%arg10 : memref<125x64xf32, #tpu.memory_space<vmem>>) target(%dma_start3A_182 : memref<10008x64xf32, #tpu.memory_space<vmem_shared>>) offsets(%dma_start3A_179 : memref<125xi32, #tpu.memory_space<vmem>>) semaphore(%arg16 : memref<!tpu.dma_semaphore, #tpu.memory_space<semaphore_mem>>) {add = true}
      %mul3A_183 = arith.constant 5 : i32
      %mul3A_184 = arith.muli %mul3A_183, %scan3A_135 : i32
      %add3A_185 = arith.constant 3 : i32
      %add3A_186 = arith.addi %mul3A_184, %add3A_185 : i32
      %dma_wait3A_187 = arith.constant 0 : i32
      %dma_wait3A_188 = tpu.memref_slice %arg6[%add3A_186, %dma_wait3A_187] : memref<80x125xi32, #tpu.memory_space<vmem>> -> memref<1x125xi32, #tpu.memory_space<vmem>>
      %dma_wait3A_189 = tpu.memref_squeeze %dma_wait3A_188 : memref<1x125xi32, #tpu.memory_space<vmem>> -> memref<125xi32, #tpu.memory_space<vmem>>
      %dma_wait3A_190 = arith.constant 0 : i32
      %dma_wait3A_191 = arith.constant 0 : i32
      %dma_wait3A_192 = tpu.memref_slice %arg2[%dma_wait3A_190, %dma_wait3A_191] : memref<20000x64xf32, #tpu.memory_space<hbm>> -> memref<20000x64xf32, #tpu.memory_space<hbm>>
      tpu.wait_indirect_dma semaphore(%arg15 : memref<!tpu.dma_semaphore, #tpu.memory_space<semaphore_mem>>) src(%dma_wait3A_192 : memref<20000x64xf32, #tpu.memory_space<hbm>>) dst(%arg11 : memref<125x64xf32, #tpu.memory_space<vmem>>)
      %dma_start3A_193 = arith.constant 0 : i32
      %dma_start3A_194 = tpu.memref_slice %arg7[%add3A_186, %dma_start3A_193] : memref<80x125xi32, #tpu.memory_space<vmem>> -> memref<1x125xi32, #tpu.memory_space<vmem>>
      %dma_start3A_195 = tpu.memref_squeeze %dma_start3A_194 : memref<1x125xi32, #tpu.memory_space<vmem>> -> memref<125xi32, #tpu.memory_space<vmem>>
      %dma_start3A_196 = arith.constant 0 : i32
      %dma_start3A_197 = arith.constant 0 : i32
      %dma_start3A_198 = tpu.memref_slice %arg14[%dma_start3A_196, %dma_start3A_197] : memref<10008x64xf32, #tpu.memory_space<vmem_shared>> -> memref<10008x64xf32, #tpu.memory_space<vmem_shared>>
      tpu.enqueue_indirect_dma source(%arg11 : memref<125x64xf32, #tpu.memory_space<vmem>>) target(%dma_start3A_198 : memref<10008x64xf32, #tpu.memory_space<vmem_shared>>) offsets(%dma_start3A_195 : memref<125xi32, #tpu.memory_space<vmem>>) semaphore(%arg16 : memref<!tpu.dma_semaphore, #tpu.memory_space<semaphore_mem>>) {add = true}
      %mul3A_199 = arith.constant 5 : i32
      %mul3A_200 = arith.muli %mul3A_199, %scan3A_135 : i32
      %add3A_201 = arith.constant 4 : i32
      %add3A_202 = arith.addi %mul3A_200, %add3A_201 : i32
      %dma_wait3A_203 = arith.constant 0 : i32
      %dma_wait3A_204 = tpu.memref_slice %arg6[%add3A_202, %dma_wait3A_203] : memref<80x125xi32, #tpu.memory_space<vmem>> -> memref<1x125xi32, #tpu.memory_space<vmem>>
      %dma_wait3A_205 = tpu.memref_squeeze %dma_wait3A_204 : memref<1x125xi32, #tpu.memory_space<vmem>> -> memref<125xi32, #tpu.memory_space<vmem>>
      %dma_wait3A_206 = arith.constant 0 : i32
      %dma_wait3A_207 = arith.constant 0 : i32
      %dma_wait3A_208 = tpu.memref_slice %arg2[%dma_wait3A_206, %dma_wait3A_207] : memref<20000x64xf32, #tpu.memory_space<hbm>> -> memref<20000x64xf32, #tpu.memory_space<hbm>>
      tpu.wait_indirect_dma semaphore(%arg15 : memref<!tpu.dma_semaphore, #tpu.memory_space<semaphore_mem>>) src(%dma_wait3A_208 : memref<20000x64xf32, #tpu.memory_space<hbm>>) dst(%arg12 : memref<125x64xf32, #tpu.memory_space<vmem>>)
      %dma_start3A_209 = arith.constant 0 : i32
      %dma_start3A_210 = tpu.memref_slice %arg7[%add3A_202, %dma_start3A_209] : memref<80x125xi32, #tpu.memory_space<vmem>> -> memref<1x125xi32, #tpu.memory_space<vmem>>
      %dma_start3A_211 = tpu.memref_squeeze %dma_start3A_210 : memref<1x125xi32, #tpu.memory_space<vmem>> -> memref<125xi32, #tpu.memory_space<vmem>>
      %dma_start3A_212 = arith.constant 0 : i32
      %dma_start3A_213 = arith.constant 0 : i32
      %dma_start3A_214 = tpu.memref_slice %arg14[%dma_start3A_212, %dma_start3A_213] : memref<10008x64xf32, #tpu.memory_space<vmem_shared>> -> memref<10008x64xf32, #tpu.memory_space<vmem_shared>>
      tpu.enqueue_indirect_dma source(%arg12 : memref<125x64xf32, #tpu.memory_space<vmem>>) target(%dma_start3A_214 : memref<10008x64xf32, #tpu.memory_space<vmem_shared>>) offsets(%dma_start3A_211 : memref<125xi32, #tpu.memory_space<vmem>>) semaphore(%arg16 : memref<!tpu.dma_semaphore, #tpu.memory_space<semaphore_mem>>) {add = true}
      %mul3A_215 = arith.constant 5 : i32
      %mul3A_216 = arith.muli %mul3A_215, %scan3A_135 : i32
      %add3A_217 = arith.constant 0 : i32
      %add3A_218 = arith.addi %mul3A_216, %add3A_217 : i32
      %dma_wait3A_219 = arith.constant 0 : i32
      %dma_wait3A_220 = tpu.memref_slice %arg7[%add3A_218, %dma_wait3A_219] : memref<80x125xi32, #tpu.memory_space<vmem>> -> memref<1x125xi32, #tpu.memory_space<vmem>>
      %dma_wait3A_221 = tpu.memref_squeeze %dma_wait3A_220 : memref<1x125xi32, #tpu.memory_space<vmem>> -> memref<125xi32, #tpu.memory_space<vmem>>
      %dma_wait3A_222 = arith.constant 0 : i32
      %dma_wait3A_223 = arith.constant 0 : i32
      %dma_wait3A_224 = tpu.memref_slice %arg14[%dma_wait3A_222, %dma_wait3A_223] : memref<10008x64xf32, #tpu.memory_space<vmem_shared>> -> memref<10008x64xf32, #tpu.memory_space<vmem_shared>>
      tpu.wait_indirect_dma semaphore(%arg16 : memref<!tpu.dma_semaphore, #tpu.memory_space<semaphore_mem>>) src(%arg8 : memref<125x64xf32, #tpu.memory_space<vmem>>) dst(%dma_wait3A_224 : memref<10008x64xf32, #tpu.memory_space<vmem_shared>>)
      %add3A_225 = arith.constant 5 : i32
      %add3A_226 = arith.addi %add3A_218, %add3A_225 : i32
      %lt3A_227 = arith.constant 80 : i32
      %lt3A_228 = arith.cmpi slt, %add3A_226, %lt3A_227 : i32
      %convert_element_type3A_229 = arith.extui %lt3A_228 : i1 to i32
      %cond3A_230 = arith.constant 0 : i32
      %cond3A_231 = arith.cmpi ne, %convert_element_type3A_229, %cond3A_230 : i32
      scf.if %cond3A_231 {
        %add3A_300 = arith.constant 5 : i32
        %add3A_301 = arith.addi %add3A_218, %add3A_300 : i32
        %dma_start3A_302 = arith.constant 0 : i32
        %dma_start3A_303 = tpu.memref_slice %arg6[%add3A_301, %dma_start3A_302] : memref<80x125xi32, #tpu.memory_space<vmem>> -> memref<1x125xi32, #tpu.memory_space<vmem>>
        %dma_start3A_304 = tpu.memref_squeeze %dma_start3A_303 : memref<1x125xi32, #tpu.memory_space<vmem>> -> memref<125xi32, #tpu.memory_space<vmem>>
        %dma_start3A_305 = arith.constant 0 : i32
        %dma_start3A_306 = arith.constant 0 : i32
        %dma_start3A_307 = tpu.memref_slice %arg2[%dma_start3A_305, %dma_start3A_306] : memref<20000x64xf32, #tpu.memory_space<hbm>> -> memref<20000x64xf32, #tpu.memory_space<hbm>>
        tpu.enqueue_indirect_dma source(%dma_start3A_307 : memref<20000x64xf32, #tpu.memory_space<hbm>>) target(%arg8 : memref<125x64xf32, #tpu.memory_space<vmem>>) offsets(%dma_start3A_304 : memref<125xi32, #tpu.memory_space<vmem>>) semaphore(%arg15 : memref<!tpu.dma_semaphore, #tpu.memory_space<semaphore_mem>>)
      } else {
      }
      %mul3A_232 = arith.constant 5 : i32
      %mul3A_233 = arith.muli %mul3A_232, %scan3A_135 : i32
      %add3A_234 = arith.constant 1 : i32
      %add3A_235 = arith.addi %mul3A_233, %add3A_234 : i32
      %dma_wait3A_236 = arith.constant 0 : i32
      %dma_wait3A_237 = tpu.memref_slice %arg7[%add3A_235, %dma_wait3A_236] : memref<80x125xi32, #tpu.memory_space<vmem>> -> memref<1x125xi32, #tpu.memory_space<vmem>>
      %dma_wait3A_238 = tpu.memref_squeeze %dma_wait3A_237 : memref<1x125xi32, #tpu.memory_space<vmem>> -> memref<125xi32, #tpu.memory_space<vmem>>
      %dma_wait3A_239 = arith.constant 0 : i32
      %dma_wait3A_240 = arith.constant 0 : i32
      %dma_wait3A_241 = tpu.memref_slice %arg14[%dma_wait3A_239, %dma_wait3A_240] : memref<10008x64xf32, #tpu.memory_space<vmem_shared>> -> memref<10008x64xf32, #tpu.memory_space<vmem_shared>>
      tpu.wait_indirect_dma semaphore(%arg16 : memref<!tpu.dma_semaphore, #tpu.memory_space<semaphore_mem>>) src(%arg9 : memref<125x64xf32, #tpu.memory_space<vmem>>) dst(%dma_wait3A_241 : memref<10008x64xf32, #tpu.memory_space<vmem_shared>>)
      %add3A_242 = arith.constant 5 : i32
      %add3A_243 = arith.addi %add3A_235, %add3A_242 : i32
      %lt3A_244 = arith.constant 80 : i32
      %lt3A_245 = arith.cmpi slt, %add3A_243, %lt3A_244 : i32
      %convert_element_type3A_246 = arith.extui %lt3A_245 : i1 to i32
      %cond3A_247 = arith.constant 0 : i32
      %cond3A_248 = arith.cmpi ne, %convert_element_type3A_246, %cond3A_247 : i32
      scf.if %cond3A_248 {
        %add3A_300 = arith.constant 5 : i32
        %add3A_301 = arith.addi %add3A_235, %add3A_300 : i32
        %dma_start3A_302 = arith.constant 0 : i32
        %dma_start3A_303 = tpu.memref_slice %arg6[%add3A_301, %dma_start3A_302] : memref<80x125xi32, #tpu.memory_space<vmem>> -> memref<1x125xi32, #tpu.memory_space<vmem>>
        %dma_start3A_304 = tpu.memref_squeeze %dma_start3A_303 : memref<1x125xi32, #tpu.memory_space<vmem>> -> memref<125xi32, #tpu.memory_space<vmem>>
        %dma_start3A_305 = arith.constant 0 : i32
        %dma_start3A_306 = arith.constant 0 : i32
        %dma_start3A_307 = tpu.memref_slice %arg2[%dma_start3A_305, %dma_start3A_306] : memref<20000x64xf32, #tpu.memory_space<hbm>> -> memref<20000x64xf32, #tpu.memory_space<hbm>>
        tpu.enqueue_indirect_dma source(%dma_start3A_307 : memref<20000x64xf32, #tpu.memory_space<hbm>>) target(%arg9 : memref<125x64xf32, #tpu.memory_space<vmem>>) offsets(%dma_start3A_304 : memref<125xi32, #tpu.memory_space<vmem>>) semaphore(%arg15 : memref<!tpu.dma_semaphore, #tpu.memory_space<semaphore_mem>>)
      } else {
      }
      %mul3A_249 = arith.constant 5 : i32
      %mul3A_250 = arith.muli %mul3A_249, %scan3A_135 : i32
      %add3A_251 = arith.constant 2 : i32
      %add3A_252 = arith.addi %mul3A_250, %add3A_251 : i32
      %dma_wait3A_253 = arith.constant 0 : i32
      %dma_wait3A_254 = tpu.memref_slice %arg7[%add3A_252, %dma_wait3A_253] : memref<80x125xi32, #tpu.memory_space<vmem>> -> memref<1x125xi32, #tpu.memory_space<vmem>>
      %dma_wait3A_255 = tpu.memref_squeeze %dma_wait3A_254 : memref<1x125xi32, #tpu.memory_space<vmem>> -> memref<125xi32, #tpu.memory_space<vmem>>
      %dma_wait3A_256 = arith.constant 0 : i32
      %dma_wait3A_257 = arith.constant 0 : i32
      %dma_wait3A_258 = tpu.memref_slice %arg14[%dma_wait3A_256, %dma_wait3A_257] : memref<10008x64xf32, #tpu.memory_space<vmem_shared>> -> memref<10008x64xf32, #tpu.memory_space<vmem_shared>>
      tpu.wait_indirect_dma semaphore(%arg16 : memref<!tpu.dma_semaphore, #tpu.memory_space<semaphore_mem>>) src(%arg10 : memref<125x64xf32, #tpu.memory_space<vmem>>) dst(%dma_wait3A_258 : memref<10008x64xf32, #tpu.memory_space<vmem_shared>>)
      %add3A_259 = arith.constant 5 : i32
      %add3A_260 = arith.addi %add3A_252, %add3A_259 : i32
      %lt3A_261 = arith.constant 80 : i32
      %lt3A_262 = arith.cmpi slt, %add3A_260, %lt3A_261 : i32
      %convert_element_type3A_263 = arith.extui %lt3A_262 : i1 to i32
      %cond3A_264 = arith.constant 0 : i32
      %cond3A_265 = arith.cmpi ne, %convert_element_type3A_263, %cond3A_264 : i32
      scf.if %cond3A_265 {
        %add3A_300 = arith.constant 5 : i32
        %add3A_301 = arith.addi %add3A_252, %add3A_300 : i32
        %dma_start3A_302 = arith.constant 0 : i32
        %dma_start3A_303 = tpu.memref_slice %arg6[%add3A_301, %dma_start3A_302] : memref<80x125xi32, #tpu.memory_space<vmem>> -> memref<1x125xi32, #tpu.memory_space<vmem>>
        %dma_start3A_304 = tpu.memref_squeeze %dma_start3A_303 : memref<1x125xi32, #tpu.memory_space<vmem>> -> memref<125xi32, #tpu.memory_space<vmem>>
        %dma_start3A_305 = arith.constant 0 : i32
        %dma_start3A_306 = arith.constant 0 : i32
        %dma_start3A_307 = tpu.memref_slice %arg2[%dma_start3A_305, %dma_start3A_306] : memref<20000x64xf32, #tpu.memory_space<hbm>> -> memref<20000x64xf32, #tpu.memory_space<hbm>>
        tpu.enqueue_indirect_dma source(%dma_start3A_307 : memref<20000x64xf32, #tpu.memory_space<hbm>>) target(%arg10 : memref<125x64xf32, #tpu.memory_space<vmem>>) offsets(%dma_start3A_304 : memref<125xi32, #tpu.memory_space<vmem>>) semaphore(%arg15 : memref<!tpu.dma_semaphore, #tpu.memory_space<semaphore_mem>>)
      } else {
      }
      %mul3A_266 = arith.constant 5 : i32
      %mul3A_267 = arith.muli %mul3A_266, %scan3A_135 : i32
      %add3A_268 = arith.constant 3 : i32
      %add3A_269 = arith.addi %mul3A_267, %add3A_268 : i32
      %dma_wait3A_270 = arith.constant 0 : i32
      %dma_wait3A_271 = tpu.memref_slice %arg7[%add3A_269, %dma_wait3A_270] : memref<80x125xi32, #tpu.memory_space<vmem>> -> memref<1x125xi32, #tpu.memory_space<vmem>>
      %dma_wait3A_272 = tpu.memref_squeeze %dma_wait3A_271 : memref<1x125xi32, #tpu.memory_space<vmem>> -> memref<125xi32, #tpu.memory_space<vmem>>
      %dma_wait3A_273 = arith.constant 0 : i32
      %dma_wait3A_274 = arith.constant 0 : i32
      %dma_wait3A_275 = tpu.memref_slice %arg14[%dma_wait3A_273, %dma_wait3A_274] : memref<10008x64xf32, #tpu.memory_space<vmem_shared>> -> memref<10008x64xf32, #tpu.memory_space<vmem_shared>>
      tpu.wait_indirect_dma semaphore(%arg16 : memref<!tpu.dma_semaphore, #tpu.memory_space<semaphore_mem>>) src(%arg11 : memref<125x64xf32, #tpu.memory_space<vmem>>) dst(%dma_wait3A_275 : memref<10008x64xf32, #tpu.memory_space<vmem_shared>>)
      %add3A_276 = arith.constant 5 : i32
      %add3A_277 = arith.addi %add3A_269, %add3A_276 : i32
      %lt3A_278 = arith.constant 80 : i32
      %lt3A_279 = arith.cmpi slt, %add3A_277, %lt3A_278 : i32
      %convert_element_type3A_280 = arith.extui %lt3A_279 : i1 to i32
      %cond3A_281 = arith.constant 0 : i32
      %cond3A_282 = arith.cmpi ne, %convert_element_type3A_280, %cond3A_281 : i32
      scf.if %cond3A_282 {
        %add3A_300 = arith.constant 5 : i32
        %add3A_301 = arith.addi %add3A_269, %add3A_300 : i32
        %dma_start3A_302 = arith.constant 0 : i32
        %dma_start3A_303 = tpu.memref_slice %arg6[%add3A_301, %dma_start3A_302] : memref<80x125xi32, #tpu.memory_space<vmem>> -> memref<1x125xi32, #tpu.memory_space<vmem>>
        %dma_start3A_304 = tpu.memref_squeeze %dma_start3A_303 : memref<1x125xi32, #tpu.memory_space<vmem>> -> memref<125xi32, #tpu.memory_space<vmem>>
        %dma_start3A_305 = arith.constant 0 : i32
        %dma_start3A_306 = arith.constant 0 : i32
        %dma_start3A_307 = tpu.memref_slice %arg2[%dma_start3A_305, %dma_start3A_306] : memref<20000x64xf32, #tpu.memory_space<hbm>> -> memref<20000x64xf32, #tpu.memory_space<hbm>>
        tpu.enqueue_indirect_dma source(%dma_start3A_307 : memref<20000x64xf32, #tpu.memory_space<hbm>>) target(%arg11 : memref<125x64xf32, #tpu.memory_space<vmem>>) offsets(%dma_start3A_304 : memref<125xi32, #tpu.memory_space<vmem>>) semaphore(%arg15 : memref<!tpu.dma_semaphore, #tpu.memory_space<semaphore_mem>>)
      } else {
      }
      %mul3A_283 = arith.constant 5 : i32
      %mul3A_284 = arith.muli %mul3A_283, %scan3A_135 : i32
      %add3A_285 = arith.constant 4 : i32
      %add3A_286 = arith.addi %mul3A_284, %add3A_285 : i32
      %dma_wait3A_287 = arith.constant 0 : i32
      %dma_wait3A_288 = tpu.memref_slice %arg7[%add3A_286, %dma_wait3A_287] : memref<80x125xi32, #tpu.memory_space<vmem>> -> memref<1x125xi32, #tpu.memory_space<vmem>>
      %dma_wait3A_289 = tpu.memref_squeeze %dma_wait3A_288 : memref<1x125xi32, #tpu.memory_space<vmem>> -> memref<125xi32, #tpu.memory_space<vmem>>
      %dma_wait3A_290 = arith.constant 0 : i32
      %dma_wait3A_291 = arith.constant 0 : i32
      %dma_wait3A_292 = tpu.memref_slice %arg14[%dma_wait3A_290, %dma_wait3A_291] : memref<10008x64xf32, #tpu.memory_space<vmem_shared>> -> memref<10008x64xf32, #tpu.memory_space<vmem_shared>>
      tpu.wait_indirect_dma semaphore(%arg16 : memref<!tpu.dma_semaphore, #tpu.memory_space<semaphore_mem>>) src(%arg12 : memref<125x64xf32, #tpu.memory_space<vmem>>) dst(%dma_wait3A_292 : memref<10008x64xf32, #tpu.memory_space<vmem_shared>>)
      %add3A_293 = arith.constant 5 : i32
      %add3A_294 = arith.addi %add3A_286, %add3A_293 : i32
      %lt3A_295 = arith.constant 80 : i32
      %lt3A_296 = arith.cmpi slt, %add3A_294, %lt3A_295 : i32
      %convert_element_type3A_297 = arith.extui %lt3A_296 : i1 to i32
      %cond3A_298 = arith.constant 0 : i32
      %cond3A_299 = arith.cmpi ne, %convert_element_type3A_297, %cond3A_298 : i32
      scf.if %cond3A_299 {
        %add3A_300 = arith.constant 5 : i32
        %add3A_301 = arith.addi %add3A_286, %add3A_300 : i32
        %dma_start3A_302 = arith.constant 0 : i32
        %dma_start3A_303 = tpu.memref_slice %arg6[%add3A_301, %dma_start3A_302] : memref<80x125xi32, #tpu.memory_space<vmem>> -> memref<1x125xi32, #tpu.memory_space<vmem>>
        %dma_start3A_304 = tpu.memref_squeeze %dma_start3A_303 : memref<1x125xi32, #tpu.memory_space<vmem>> -> memref<125xi32, #tpu.memory_space<vmem>>
        %dma_start3A_305 = arith.constant 0 : i32
        %dma_start3A_306 = arith.constant 0 : i32
        %dma_start3A_307 = tpu.memref_slice %arg2[%dma_start3A_305, %dma_start3A_306] : memref<20000x64xf32, #tpu.memory_space<hbm>> -> memref<20000x64xf32, #tpu.memory_space<hbm>>
        tpu.enqueue_indirect_dma source(%dma_start3A_307 : memref<20000x64xf32, #tpu.memory_space<hbm>>) target(%arg12 : memref<125x64xf32, #tpu.memory_space<vmem>>) offsets(%dma_start3A_304 : memref<125xi32, #tpu.memory_space<vmem>>) semaphore(%arg15 : memref<!tpu.dma_semaphore, #tpu.memory_space<semaphore_mem>>)
      } else {
      }
    }
    %scan3A_106 = arith.constant 16 : i32
    %barrier3A_107 = arith.constant 0 : index
    tpu.barrier barrier_id(%barrier3A_107)
    %add3A_108 = arith.constant 0 : i32
    %add3A_109 = arith.addi %arg1, %add3A_108 : i32
    %lt3A = arith.constant 50 : i32
    %lt3A_110 = arith.cmpi slt, %add3A_109, %lt3A : i32
    %convert_element_type3A_111 = arith.extui %lt3A_110 : i1 to i32
    %cond3A_112 = arith.constant 0 : i32
    %cond3A_113 = arith.cmpi ne, %convert_element_type3A_111, %cond3A_112 : i32
    scf.if %cond3A_113 {
      %mul3A_135 = arith.constant 200 : i32
      %mul3A_136 = arith.muli %add3A_109, %mul3A_135 : i32
      %mul3A_137 = arith.constant 200 : i32
      %mul3A_138 = arith.muli %add3A_109, %mul3A_137 : i32
      "tpu.region"() ({
        %run_scoped3A = tpu.sem_alloc : memref<!tpu.dma_semaphore, #tpu.memory_space<semaphore_mem>>
        %dma_start3A_139 = arith.constant 0 : i32
        %dma_start3A_140 = tpu.memref_slice %arg5[%arg0, %mul3A_138, %dma_start3A_139] : memref<2x10000x64xf32, #tpu.memory_space<hbm>> -> memref<1x200x64xf32, #tpu.memory_space<hbm>>
        %dma_start3A_141 = tpu.memref_squeeze %dma_start3A_140 : memref<1x200x64xf32, #tpu.memory_space<hbm>> -> memref<200x64xf32, #tpu.memory_space<hbm>>
        %dma_start3A_142 = arith.constant 0 : i32
        %dma_start3A_143 = tpu.memref_slice %arg14[%mul3A_136, %dma_start3A_142] : memref<10008x64xf32, #tpu.memory_space<vmem_shared>> -> memref<200x64xf32, #tpu.memory_space<vmem_shared>>
        tpu.enqueue_dma source(%dma_start3A_143 : memref<200x64xf32, #tpu.memory_space<vmem_shared>>) target(%dma_start3A_141 : memref<200x64xf32, #tpu.memory_space<hbm>>) target_semaphore(%run_scoped3A : memref<!tpu.dma_semaphore, #tpu.memory_space<semaphore_mem>>)
        %dma_wait3A = arith.constant 0 : i32
        %dma_wait3A_144 = tpu.memref_slice %arg5[%arg0, %mul3A_138, %dma_wait3A] : memref<2x10000x64xf32, #tpu.memory_space<hbm>> -> memref<1x200x64xf32, #tpu.memory_space<hbm>>
        %dma_wait3A_145 = tpu.memref_squeeze %dma_wait3A_144 : memref<1x200x64xf32, #tpu.memory_space<hbm>> -> memref<200x64xf32, #tpu.memory_space<hbm>>
        %dma_wait3A_146 = arith.constant 0 : i32
        %dma_wait3A_147 = tpu.memref_slice %arg14[%mul3A_136, %dma_wait3A_146] : memref<10008x64xf32, #tpu.memory_space<vmem_shared>> -> memref<200x64xf32, #tpu.memory_space<vmem_shared>>
        tpu.wait_dma2 semaphore(%run_scoped3A : memref<!tpu.dma_semaphore, #tpu.memory_space<semaphore_mem>>) src(%dma_wait3A_147 : memref<200x64xf32, #tpu.memory_space<vmem_shared>>) dst(%dma_wait3A_145 : memref<200x64xf32, #tpu.memory_space<hbm>>)
        tpu.yield
      }) : () -> ()
    } else {
    }
    %add3A_114 = arith.constant 16 : i32
    %add3A_115 = arith.addi %arg1, %add3A_114 : i32
    %lt3A_116 = arith.constant 50 : i32
    %lt3A_117 = arith.cmpi slt, %add3A_115, %lt3A_116 : i32
    %convert_element_type3A_118 = arith.extui %lt3A_117 : i1 to i32
    %cond3A_119 = arith.constant 0 : i32
    %cond3A_120 = arith.cmpi ne, %convert_element_type3A_118, %cond3A_119 : i32
    scf.if %cond3A_120 {
      %mul3A_135 = arith.constant 200 : i32
      %mul3A_136 = arith.muli %add3A_115, %mul3A_135 : i32
      %mul3A_137 = arith.constant 200 : i32
      %mul3A_138 = arith.muli %add3A_115, %mul3A_137 : i32
      "tpu.region"() ({
        %run_scoped3A = tpu.sem_alloc : memref<!tpu.dma_semaphore, #tpu.memory_space<semaphore_mem>>
        %dma_start3A_139 = arith.constant 0 : i32
        %dma_start3A_140 = tpu.memref_slice %arg5[%arg0, %mul3A_138, %dma_start3A_139] : memref<2x10000x64xf32, #tpu.memory_space<hbm>> -> memref<1x200x64xf32, #tpu.memory_space<hbm>>
        %dma_start3A_141 = tpu.memref_squeeze %dma_start3A_140 : memref<1x200x64xf32, #tpu.memory_space<hbm>> -> memref<200x64xf32, #tpu.memory_space<hbm>>
        %dma_start3A_142 = arith.constant 0 : i32
        %dma_start3A_143 = tpu.memref_slice %arg14[%mul3A_136, %dma_start3A_142] : memref<10008x64xf32, #tpu.memory_space<vmem_shared>> -> memref<200x64xf32, #tpu.memory_space<vmem_shared>>
        tpu.enqueue_dma source(%dma_start3A_143 : memref<200x64xf32, #tpu.memory_space<vmem_shared>>) target(%dma_start3A_141 : memref<200x64xf32, #tpu.memory_space<hbm>>) target_semaphore(%run_scoped3A : memref<!tpu.dma_semaphore, #tpu.memory_space<semaphore_mem>>)
        %dma_wait3A = arith.constant 0 : i32
        %dma_wait3A_144 = tpu.memref_slice %arg5[%arg0, %mul3A_138, %dma_wait3A] : memref<2x10000x64xf32, #tpu.memory_space<hbm>> -> memref<1x200x64xf32, #tpu.memory_space<hbm>>
        %dma_wait3A_145 = tpu.memref_squeeze %dma_wait3A_144 : memref<1x200x64xf32, #tpu.memory_space<hbm>> -> memref<200x64xf32, #tpu.memory_space<hbm>>
        %dma_wait3A_146 = arith.constant 0 : i32
        %dma_wait3A_147 = tpu.memref_slice %arg14[%mul3A_136, %dma_wait3A_146] : memref<10008x64xf32, #tpu.memory_space<vmem_shared>> -> memref<200x64xf32, #tpu.memory_space<vmem_shared>>
        tpu.wait_dma2 semaphore(%run_scoped3A : memref<!tpu.dma_semaphore, #tpu.memory_space<semaphore_mem>>) src(%dma_wait3A_147 : memref<200x64xf32, #tpu.memory_space<vmem_shared>>) dst(%dma_wait3A_145 : memref<200x64xf32, #tpu.memory_space<hbm>>)
        tpu.yield
      }) : () -> ()
    } else {
    }
    %add3A_121 = arith.constant 32 : i32
    %add3A_122 = arith.addi %arg1, %add3A_121 : i32
    %lt3A_123 = arith.constant 50 : i32
    %lt3A_124 = arith.cmpi slt, %add3A_122, %lt3A_123 : i32
    %convert_element_type3A_125 = arith.extui %lt3A_124 : i1 to i32
    %cond3A_126 = arith.constant 0 : i32
    %cond3A_127 = arith.cmpi ne, %convert_element_type3A_125, %cond3A_126 : i32
    scf.if %cond3A_127 {
      %mul3A_135 = arith.constant 200 : i32
      %mul3A_136 = arith.muli %add3A_122, %mul3A_135 : i32
      %mul3A_137 = arith.constant 200 : i32
      %mul3A_138 = arith.muli %add3A_122, %mul3A_137 : i32
      "tpu.region"() ({
        %run_scoped3A = tpu.sem_alloc : memref<!tpu.dma_semaphore, #tpu.memory_space<semaphore_mem>>
        %dma_start3A_139 = arith.constant 0 : i32
        %dma_start3A_140 = tpu.memref_slice %arg5[%arg0, %mul3A_138, %dma_start3A_139] : memref<2x10000x64xf32, #tpu.memory_space<hbm>> -> memref<1x200x64xf32, #tpu.memory_space<hbm>>
        %dma_start3A_141 = tpu.memref_squeeze %dma_start3A_140 : memref<1x200x64xf32, #tpu.memory_space<hbm>> -> memref<200x64xf32, #tpu.memory_space<hbm>>
        %dma_start3A_142 = arith.constant 0 : i32
        %dma_start3A_143 = tpu.memref_slice %arg14[%mul3A_136, %dma_start3A_142] : memref<10008x64xf32, #tpu.memory_space<vmem_shared>> -> memref<200x64xf32, #tpu.memory_space<vmem_shared>>
        tpu.enqueue_dma source(%dma_start3A_143 : memref<200x64xf32, #tpu.memory_space<vmem_shared>>) target(%dma_start3A_141 : memref<200x64xf32, #tpu.memory_space<hbm>>) target_semaphore(%run_scoped3A : memref<!tpu.dma_semaphore, #tpu.memory_space<semaphore_mem>>)
        %dma_wait3A = arith.constant 0 : i32
        %dma_wait3A_144 = tpu.memref_slice %arg5[%arg0, %mul3A_138, %dma_wait3A] : memref<2x10000x64xf32, #tpu.memory_space<hbm>> -> memref<1x200x64xf32, #tpu.memory_space<hbm>>
        %dma_wait3A_145 = tpu.memref_squeeze %dma_wait3A_144 : memref<1x200x64xf32, #tpu.memory_space<hbm>> -> memref<200x64xf32, #tpu.memory_space<hbm>>
        %dma_wait3A_146 = arith.constant 0 : i32
        %dma_wait3A_147 = tpu.memref_slice %arg14[%mul3A_136, %dma_wait3A_146] : memref<10008x64xf32, #tpu.memory_space<vmem_shared>> -> memref<200x64xf32, #tpu.memory_space<vmem_shared>>
        tpu.wait_dma2 semaphore(%run_scoped3A : memref<!tpu.dma_semaphore, #tpu.memory_space<semaphore_mem>>) src(%dma_wait3A_147 : memref<200x64xf32, #tpu.memory_space<vmem_shared>>) dst(%dma_wait3A_145 : memref<200x64xf32, #tpu.memory_space<hbm>>)
        tpu.yield
      }) : () -> ()
    } else {
    }
    %add3A_128 = arith.constant 48 : i32
    %add3A_129 = arith.addi %arg1, %add3A_128 : i32
    %lt3A_130 = arith.constant 50 : i32
    %lt3A_131 = arith.cmpi slt, %add3A_129, %lt3A_130 : i32
    %convert_element_type3A_132 = arith.extui %lt3A_131 : i1 to i32
    %cond3A_133 = arith.constant 0 : i32
    %cond3A_134 = arith.cmpi ne, %convert_element_type3A_132, %cond3A_133 : i32
    scf.if %cond3A_134 {
      %mul3A_135 = arith.constant 200 : i32
      %mul3A_136 = arith.muli %add3A_129, %mul3A_135 : i32
      %mul3A_137 = arith.constant 200 : i32
      %mul3A_138 = arith.muli %add3A_129, %mul3A_137 : i32
      "tpu.region"() ({
        %run_scoped3A = tpu.sem_alloc : memref<!tpu.dma_semaphore, #tpu.memory_space<semaphore_mem>>
        %dma_start3A_139 = arith.constant 0 : i32
        %dma_start3A_140 = tpu.memref_slice %arg5[%arg0, %mul3A_138, %dma_start3A_139] : memref<2x10000x64xf32, #tpu.memory_space<hbm>> -> memref<1x200x64xf32, #tpu.memory_space<hbm>>
        %dma_start3A_141 = tpu.memref_squeeze %dma_start3A_140 : memref<1x200x64xf32, #tpu.memory_space<hbm>> -> memref<200x64xf32, #tpu.memory_space<hbm>>
        %dma_start3A_142 = arith.constant 0 : i32
        %dma_start3A_143 = tpu.memref_slice %arg14[%mul3A_136, %dma_start3A_142] : memref<10008x64xf32, #tpu.memory_space<vmem_shared>> -> memref<200x64xf32, #tpu.memory_space<vmem_shared>>
        tpu.enqueue_dma source(%dma_start3A_143 : memref<200x64xf32, #tpu.memory_space<vmem_shared>>) target(%dma_start3A_141 : memref<200x64xf32, #tpu.memory_space<hbm>>) target_semaphore(%run_scoped3A : memref<!tpu.dma_semaphore, #tpu.memory_space<semaphore_mem>>)
        %dma_wait3A = arith.constant 0 : i32
        %dma_wait3A_144 = tpu.memref_slice %arg5[%arg0, %mul3A_138, %dma_wait3A] : memref<2x10000x64xf32, #tpu.memory_space<hbm>> -> memref<1x200x64xf32, #tpu.memory_space<hbm>>
        %dma_wait3A_145 = tpu.memref_squeeze %dma_wait3A_144 : memref<1x200x64xf32, #tpu.memory_space<hbm>> -> memref<200x64xf32, #tpu.memory_space<hbm>>
        %dma_wait3A_146 = arith.constant 0 : i32
        %dma_wait3A_147 = tpu.memref_slice %arg14[%mul3A_136, %dma_wait3A_146] : memref<10008x64xf32, #tpu.memory_space<vmem_shared>> -> memref<200x64xf32, #tpu.memory_space<vmem_shared>>
        tpu.wait_dma2 semaphore(%run_scoped3A : memref<!tpu.dma_semaphore, #tpu.memory_space<semaphore_mem>>) src(%dma_wait3A_147 : memref<200x64xf32, #tpu.memory_space<vmem_shared>>) dst(%dma_wait3A_145 : memref<200x64xf32, #tpu.memory_space<hbm>>)
        tpu.yield
      }) : () -> ()
    } else {
    }
    return
  }
}

#map = affine_map<(d0, d1) -> (0, 0)>
#map1 = affine_map<(d0, d1) -> (0, 0, 0, 0)>
#map2 = affine_map<(d0, d1) -> (0, 0, 0)>
module attributes {stable_mosaic.version = 14 : i64} {
  func.func @_spmm_body(%arg0: i32, %arg1: i32, %arg2: memref<20000x64xf32, #tpu.memory_space<hbm>>, %arg3: memref<2x16x160x125xi32, #tpu.memory_space<hbm>>, %arg4: memref<16x160x125xi32, #tpu.memory_space<hbm>>, %arg5: memref<2x10000x64xf32, #tpu.memory_space<hbm>>, %arg6: memref<80x125xi32, #tpu.memory_space<vmem>>, %arg7: memref<80x125xi32, #tpu.memory_space<vmem>>, %arg8: memref<125x64xf32, #tpu.memory_space<vmem>>, %arg9: memref<125x64xf32, #tpu.memory_space<vmem>>, %arg10: memref<125x64xf32, #tpu.memory_space<vmem>>, %arg11: memref<125x64xf32, #tpu.memory_space<vmem>>, %arg12: memref<125x64xf32, #tpu.memory_space<vmem>>, %arg13: memref<104x64xf32, #tpu.memory_space<vmem>>, %arg14: memref<10008x64xf32, #tpu.memory_space<vmem_shared>>, %arg15: memref<!tpu.dma_semaphore, #tpu.memory_space<semaphore_mem>>, %arg16: memref<!tpu.dma_semaphore, #tpu.memory_space<semaphore_mem>>) attributes {dimension_semantics = [#tpu.dimension_semantics<core_parallel>, #tpu.dimension_semantics<subcore_parallel>], iteration_bounds = array<i64: 2, 16>, scalar_prefetch = 0 : i64, scratch_operands = 11 : i64, tpu.core_type = #tpu.core_type<sc_vector_subcore>, window_params = [{transform_indices = #map}, {transform_indices = #map1}, {transform_indices = #map2}, {transform_indices = #map2}]} {
    "tpu.region"() ({
      %run_scoped3A = tpu.sem_alloc : memref<!tpu.dma_semaphore, #tpu.memory_space<semaphore_mem>>
      %dma_start3A_135 = arith.constant 0 : i32
      %dma_start3A_136 = arith.constant 0 : i32
      %dma_start3A_137 = tpu.memref_slice %arg3[%arg0, %arg1, %dma_start3A_135, %dma_start3A_136] : memref<2x16x160x125xi32, #tpu.memory_space<hbm>> -> memref<1x1x80x125xi32, #tpu.memory_space<hbm>>
      %dma_start3A_138 = tpu.memref_squeeze %dma_start3A_137 : memref<1x1x80x125xi32, #tpu.memory_space<hbm>> -> memref<80x125xi32, #tpu.memory_space<hbm>>
      %dma_start3A_139 = arith.constant 0 : i32
      %dma_start3A_140 = arith.constant 0 : i32
      %dma_start3A_141 = tpu.memref_slice %arg3[%arg0, %arg1, %dma_start3A_139, %dma_start3A_140] : memref<2x16x160x125xi32, #tpu.memory_space<hbm>> -> memref<1x1x80x125xi32, #tpu.memory_space<hbm>>
      %dma_start3A_142 = tpu.memref_squeeze %dma_start3A_141 : memref<1x1x80x125xi32, #tpu.memory_space<hbm>> -> memref<80x125xi32, #tpu.memory_space<hbm>>
      tpu.enqueue_dma source(%dma_start3A_142 : memref<80x125xi32, #tpu.memory_space<hbm>>) target(%arg6 : memref<80x125xi32, #tpu.memory_space<vmem>>) target_semaphore(%run_scoped3A : memref<!tpu.dma_semaphore, #tpu.memory_space<semaphore_mem>>)
      %dma_wait3A = arith.constant 0 : i32
      %dma_wait3A_143 = arith.constant 0 : i32
      %dma_wait3A_144 = tpu.memref_slice %arg3[%arg0, %arg1, %dma_wait3A, %dma_wait3A_143] : memref<2x16x160x125xi32, #tpu.memory_space<hbm>> -> memref<1x1x80x125xi32, #tpu.memory_space<hbm>>
      %dma_wait3A_145 = tpu.memref_squeeze %dma_wait3A_144 : memref<1x1x80x125xi32, #tpu.memory_space<hbm>> -> memref<80x125xi32, #tpu.memory_space<hbm>>
      %dma_wait3A_146 = arith.constant 0 : i32
      %dma_wait3A_147 = arith.constant 0 : i32
      %dma_wait3A_148 = tpu.memref_slice %arg3[%arg0, %arg1, %dma_wait3A_146, %dma_wait3A_147] : memref<2x16x160x125xi32, #tpu.memory_space<hbm>> -> memref<1x1x80x125xi32, #tpu.memory_space<hbm>>
      %dma_wait3A_149 = tpu.memref_squeeze %dma_wait3A_148 : memref<1x1x80x125xi32, #tpu.memory_space<hbm>> -> memref<80x125xi32, #tpu.memory_space<hbm>>
      tpu.wait_dma2 semaphore(%run_scoped3A : memref<!tpu.dma_semaphore, #tpu.memory_space<semaphore_mem>>) src(%dma_wait3A_149 : memref<80x125xi32, #tpu.memory_space<hbm>>) dst(%arg6 : memref<80x125xi32, #tpu.memory_space<vmem>>)
      tpu.yield
    }) : () -> ()
    "tpu.region"() ({
      %run_scoped3A = tpu.sem_alloc : memref<!tpu.dma_semaphore, #tpu.memory_space<semaphore_mem>>
      %dma_start3A_135 = arith.constant 0 : i32
      %dma_start3A_136 = arith.constant 0 : i32
      %dma_start3A_137 = tpu.memref_slice %arg4[%arg1, %dma_start3A_135, %dma_start3A_136] : memref<16x160x125xi32, #tpu.memory_space<hbm>> -> memref<1x80x125xi32, #tpu.memory_space<hbm>>
      %dma_start3A_138 = tpu.memref_squeeze %dma_start3A_137 : memref<1x80x125xi32, #tpu.memory_space<hbm>> -> memref<80x125xi32, #tpu.memory_space<hbm>>
      %dma_start3A_139 = arith.constant 0 : i32
      %dma_start3A_140 = arith.constant 0 : i32
      %dma_start3A_141 = tpu.memref_slice %arg4[%arg1, %dma_start3A_139, %dma_start3A_140] : memref<16x160x125xi32, #tpu.memory_space<hbm>> -> memref<1x80x125xi32, #tpu.memory_space<hbm>>
      %dma_start3A_142 = tpu.memref_squeeze %dma_start3A_141 : memref<1x80x125xi32, #tpu.memory_space<hbm>> -> memref<80x125xi32, #tpu.memory_space<hbm>>
      tpu.enqueue_dma source(%dma_start3A_142 : memref<80x125xi32, #tpu.memory_space<hbm>>) target(%arg7 : memref<80x125xi32, #tpu.memory_space<vmem>>) target_semaphore(%run_scoped3A : memref<!tpu.dma_semaphore, #tpu.memory_space<semaphore_mem>>)
      %dma_wait3A = arith.constant 0 : i32
      %dma_wait3A_143 = arith.constant 0 : i32
      %dma_wait3A_144 = tpu.memref_slice %arg4[%arg1, %dma_wait3A, %dma_wait3A_143] : memref<16x160x125xi32, #tpu.memory_space<hbm>> -> memref<1x80x125xi32, #tpu.memory_space<hbm>>
      %dma_wait3A_145 = tpu.memref_squeeze %dma_wait3A_144 : memref<1x80x125xi32, #tpu.memory_space<hbm>> -> memref<80x125xi32, #tpu.memory_space<hbm>>
      %dma_wait3A_146 = arith.constant 0 : i32
      %dma_wait3A_147 = arith.constant 0 : i32
      %dma_wait3A_148 = tpu.memref_slice %arg4[%arg1, %dma_wait3A_146, %dma_wait3A_147] : memref<16x160x125xi32, #tpu.memory_space<hbm>> -> memref<1x80x125xi32, #tpu.memory_space<hbm>>
      %dma_wait3A_149 = tpu.memref_squeeze %dma_wait3A_148 : memref<1x80x125xi32, #tpu.memory_space<hbm>> -> memref<80x125xi32, #tpu.memory_space<hbm>>
      tpu.wait_dma2 semaphore(%run_scoped3A : memref<!tpu.dma_semaphore, #tpu.memory_space<semaphore_mem>>) src(%dma_wait3A_149 : memref<80x125xi32, #tpu.memory_space<hbm>>) dst(%arg7 : memref<80x125xi32, #tpu.memory_space<vmem>>)
      tpu.yield
    }) : () -> ()
    %dma_start3A = arith.constant 0 : i32
    %dma_start3A_0 = arith.constant 0 : i32
    %dma_start3A_1 = tpu.memref_slice %arg6[%dma_start3A, %dma_start3A_0] : memref<80x125xi32, #tpu.memory_space<vmem>> -> memref<1x125xi32, #tpu.memory_space<vmem>>
    %dma_start3A_2 = tpu.memref_squeeze %dma_start3A_1 : memref<1x125xi32, #tpu.memory_space<vmem>> -> memref<125xi32, #tpu.memory_space<vmem>>
    %dma_start3A_3 = arith.constant 0 : i32
    %dma_start3A_4 = arith.constant 0 : i32
    %dma_start3A_5 = tpu.memref_slice %arg2[%dma_start3A_3, %dma_start3A_4] : memref<20000x64xf32, #tpu.memory_space<hbm>> -> memref<20000x64xf32, #tpu.memory_space<hbm>>
    tpu.enqueue_indirect_dma source(%dma_start3A_5 : memref<20000x64xf32, #tpu.memory_space<hbm>>) target(%arg8 : memref<125x64xf32, #tpu.memory_space<vmem>>) offsets(%dma_start3A_2 : memref<125xi32, #tpu.memory_space<vmem>>) semaphore(%arg15 : memref<!tpu.dma_semaphore, #tpu.memory_space<semaphore_mem>>)
    %dma_start3A_6 = arith.constant 1 : i32
    %dma_start3A_7 = arith.constant 0 : i32
    %dma_start3A_8 = tpu.memref_slice %arg6[%dma_start3A_6, %dma_start3A_7] : memref<80x125xi32, #tpu.memory_space<vmem>> -> memref<1x125xi32, #tpu.memory_space<vmem>>
    %dma_start3A_9 = tpu.memref_squeeze %dma_start3A_8 : memref<1x125xi32, #tpu.memory_space<vmem>> -> memref<125xi32, #tpu.memory_space<vmem>>
    %dma_start3A_10 = arith.constant 0 : i32
    %dma_start3A_11 = arith.constant 0 : i32
    %dma_start3A_12 = tpu.memref_slice %arg2[%dma_start3A_10, %dma_start3A_11] : memref<20000x64xf32, #tpu.memory_space<hbm>> -> memref<20000x64xf32, #tpu.memory_space<hbm>>
    tpu.enqueue_indirect_dma source(%dma_start3A_12 : memref<20000x64xf32, #tpu.memory_space<hbm>>) target(%arg9 : memref<125x64xf32, #tpu.memory_space<vmem>>) offsets(%dma_start3A_9 : memref<125xi32, #tpu.memory_space<vmem>>) semaphore(%arg15 : memref<!tpu.dma_semaphore, #tpu.memory_space<semaphore_mem>>)
    %dma_start3A_13 = arith.constant 2 : i32
    %dma_start3A_14 = arith.constant 0 : i32
    %dma_start3A_15 = tpu.memref_slice %arg6[%dma_start3A_13, %dma_start3A_14] : memref<80x125xi32, #tpu.memory_space<vmem>> -> memref<1x125xi32, #tpu.memory_space<vmem>>
    %dma_start3A_16 = tpu.memref_squeeze %dma_start3A_15 : memref<1x125xi32, #tpu.memory_space<vmem>> -> memref<125xi32, #tpu.memory_space<vmem>>
    %dma_start3A_17 = arith.constant 0 : i32
    %dma_start3A_18 = arith.constant 0 : i32
    %dma_start3A_19 = tpu.memref_slice %arg2[%dma_start3A_17, %dma_start3A_18] : memref<20000x64xf32, #tpu.memory_space<hbm>> -> memref<20000x64xf32, #tpu.memory_space<hbm>>
    tpu.enqueue_indirect_dma source(%dma_start3A_19 : memref<20000x64xf32, #tpu.memory_space<hbm>>) target(%arg10 : memref<125x64xf32, #tpu.memory_space<vmem>>) offsets(%dma_start3A_16 : memref<125xi32, #tpu.memory_space<vmem>>) semaphore(%arg15 : memref<!tpu.dma_semaphore, #tpu.memory_space<semaphore_mem>>)
    %dma_start3A_20 = arith.constant 3 : i32
    %dma_start3A_21 = arith.constant 0 : i32
    %dma_start3A_22 = tpu.memref_slice %arg6[%dma_start3A_20, %dma_start3A_21] : memref<80x125xi32, #tpu.memory_space<vmem>> -> memref<1x125xi32, #tpu.memory_space<vmem>>
    %dma_start3A_23 = tpu.memref_squeeze %dma_start3A_22 : memref<1x125xi32, #tpu.memory_space<vmem>> -> memref<125xi32, #tpu.memory_space<vmem>>
    %dma_start3A_24 = arith.constant 0 : i32
    %dma_start3A_25 = arith.constant 0 : i32
    %dma_start3A_26 = tpu.memref_slice %arg2[%dma_start3A_24, %dma_start3A_25] : memref<20000x64xf32, #tpu.memory_space<hbm>> -> memref<20000x64xf32, #tpu.memory_space<hbm>>
    tpu.enqueue_indirect_dma source(%dma_start3A_26 : memref<20000x64xf32, #tpu.memory_space<hbm>>) target(%arg11 : memref<125x64xf32, #tpu.memory_space<vmem>>) offsets(%dma_start3A_23 : memref<125xi32, #tpu.memory_space<vmem>>) semaphore(%arg15 : memref<!tpu.dma_semaphore, #tpu.memory_space<semaphore_mem>>)
    %dma_start3A_27 = arith.constant 4 : i32
    %dma_start3A_28 = arith.constant 0 : i32
    %dma_start3A_29 = tpu.memref_slice %arg6[%dma_start3A_27, %dma_start3A_28] : memref<80x125xi32, #tpu.memory_space<vmem>> -> memref<1x125xi32, #tpu.memory_space<vmem>>
    %dma_start3A_30 = tpu.memref_squeeze %dma_start3A_29 : memref<1x125xi32, #tpu.memory_space<vmem>> -> memref<125xi32, #tpu.memory_space<vmem>>
    %dma_start3A_31 = arith.constant 0 : i32
    %dma_start3A_32 = arith.constant 0 : i32
    %dma_start3A_33 = tpu.memref_slice %arg2[%dma_start3A_31, %dma_start3A_32] : memref<20000x64xf32, #tpu.memory_space<hbm>> -> memref<20000x64xf32, #tpu.memory_space<hbm>>
    tpu.enqueue_indirect_dma source(%dma_start3A_33 : memref<20000x64xf32, #tpu.memory_space<hbm>>) target(%arg12 : memref<125x64xf32, #tpu.memory_space<vmem>>) offsets(%dma_start3A_30 : memref<125xi32, #tpu.memory_space<vmem>>) semaphore(%arg15 : memref<!tpu.dma_semaphore, #tpu.memory_space<semaphore_mem>>)
    %scan3A = arith.constant 0 : i32
    %scan3A_34 = arith.constant 416 : i32
    %scan3A_35 = arith.addi %scan3A, %scan3A_34 : i32
    %scan3A_36 = arith.constant 1 : i32
    scf.for %scan3A_135 = %scan3A to %scan3A_35 step %scan3A_36  : i32 {
      %broadcast_in_dim3A = arith.constant 0.000000e+00 : f32
      %broadcast_in_dim3A_136 = vector.broadcast %broadcast_in_dim3A : f32 to vector<16xf32>
      %jit3A = arith.constant 4 : i32
      %div3A = arith.divsi %scan3A_135, %jit3A : i32
      %sign3A = arith.constant 0 : i32
      %sign3A_137 = arith.cmpi sgt, %scan3A_135, %sign3A : i32
      %sign3A_138 = arith.extui %sign3A_137 : i1 to i32
      %sign3A_139 = arith.constant 0 : i32
      %sign3A_140 = arith.cmpi slt, %scan3A_135, %sign3A_139 : i32
      %sign3A_141 = arith.extui %sign3A_140 : i1 to i32
      %sign3A_142 = arith.subi %sign3A_138, %sign3A_141 : i32
      %sign3A_143 = arith.constant 0 : i32
      %sign3A_144 = arith.cmpi sgt, %jit3A, %sign3A_143 : i32
      %sign3A_145 = arith.extui %sign3A_144 : i1 to i32
      %sign3A_146 = arith.constant 0 : i32
      %sign3A_147 = arith.cmpi slt, %jit3A, %sign3A_146 : i32
      %sign3A_148 = arith.extui %sign3A_147 : i1 to i32
      %sign3A_149 = arith.subi %sign3A_145, %sign3A_148 : i32
      %ne3A = arith.cmpi ne, %sign3A_142, %sign3A_149 : i32
      %rem3A = arith.remsi %scan3A_135, %jit3A : i32
      %ne3A_150 = arith.constant 0 : i32
      %ne3A_151 = arith.cmpi ne, %rem3A, %ne3A_150 : i32
      %and3A = arith.andi %ne3A, %ne3A_151 : i1
      %sub3A = arith.constant 1 : i32
      %sub3A_152 = arith.subi %div3A, %sub3A : i32
      %select_n3A = arith.select %and3A, %sub3A_152, %div3A : i32
      %jit3A_153 = arith.constant 4 : i32
      %eq3A_154 = arith.constant 0 : i32
      %eq3A_155 = arith.cmpi eq, %jit3A_153, %eq3A_154 : i32
      %jit3A_156 = arith.constant 1 : i32
      %select_n3A_157 = arith.select %eq3A_155, %jit3A_156, %jit3A_153 : i32
      %rem3A_158 = arith.remsi %scan3A_135, %select_n3A_157 : i32
      %ne3A_159 = arith.constant 0 : i32
      %ne3A_160 = arith.cmpi ne, %rem3A_158, %ne3A_159 : i32
      %lt3A_161 = arith.constant 0 : i32
      %lt3A_162 = arith.cmpi slt, %rem3A_158, %lt3A_161 : i32
      %lt3A_163 = arith.constant 0 : i32
      %lt3A_164 = arith.cmpi slt, %select_n3A_157, %lt3A_163 : i32
      %ne3A_165 = arith.xori %lt3A_162, %lt3A_164 : i1
      %and3A_166 = arith.andi %ne3A_165, %ne3A_160 : i1
      %add3A_167 = arith.addi %rem3A_158, %select_n3A_157 : i32
      %select_n3A_168 = arith.select %and3A_166, %add3A_167, %rem3A_158 : i32
      %mul3A_169 = arith.constant 16 : i32
      %mul3A_170 = arith.muli %select_n3A_168, %mul3A_169 : i32
      %swap3A = arith.index_cast %select_n3A : i32 to index
      %swap3A_171 = arith.index_cast %mul3A_170 : i32 to index
      %swap3A_172 = tpu.vector_load %arg13[%swap3A, %swap3A_171] {strides = array<i32>} : memref<104x64xf32, #tpu.memory_space<vmem>>, vector<1x16xf32>,
      %swap3A_173 = vector.shape_cast %swap3A_172 : vector<1x16xf32> to vector<16xf32>
      %swap3A_174 = vector.shape_cast %broadcast_in_dim3A_136 : vector<16xf32> to vector<1x16xf32>
      tpu.vector_store %arg13[%swap3A, %swap3A_171], %swap3A_174 {strides = array<i32>} : memref<104x64xf32, #tpu.memory_space<vmem>>, vector<1x16xf32>,
    }
    %scan3A_37 = arith.constant 416 : i32
    %add3A = arith.constant 0 : i32
    %add3A_38 = arith.addi %arg1, %add3A : i32
    %mul3A = arith.constant 104 : i32
    %mul3A_39 = arith.muli %add3A_38, %mul3A : i32
    "tpu.region"() ({
      %run_scoped3A = tpu.sem_alloc : memref<!tpu.dma_semaphore, #tpu.memory_space<semaphore_mem>>
      %dma_start3A_135 = arith.constant 0 : i32
      %dma_start3A_136 = tpu.memref_slice %arg14[%mul3A_39, %dma_start3A_135] : memref<10008x64xf32, #tpu.memory_space<vmem_shared>> -> memref<104x64xf32, #tpu.memory_space<vmem_shared>>
      %dma_start3A_137 = arith.constant 0 : i32
      %dma_start3A_138 = tpu.memref_slice %arg14[%mul3A_39, %dma_start3A_137] : memref<10008x64xf32, #tpu.memory_space<vmem_shared>> -> memref<104x64xf32, #tpu.memory_space<vmem_shared>>
      tpu.enqueue_dma source(%arg13 : memref<104x64xf32, #tpu.memory_space<vmem>>) target(%dma_start3A_138 : memref<104x64xf32, #tpu.memory_space<vmem_shared>>) target_semaphore(%run_scoped3A : memref<!tpu.dma_semaphore, #tpu.memory_space<semaphore_mem>>)
      %dma_wait3A = arith.constant 0 : i32
      %dma_wait3A_139 = tpu.memref_slice %arg14[%mul3A_39, %dma_wait3A] : memref<10008x64xf32, #tpu.memory_space<vmem_shared>> -> memref<104x64xf32, #tpu.memory_space<vmem_shared>>
      %dma_wait3A_140 = arith.constant 0 : i32
      %dma_wait3A_141 = tpu.memref_slice %arg14[%mul3A_39, %dma_wait3A_140] : memref<10008x64xf32, #tpu.memory_space<vmem_shared>> -> memref<104x64xf32, #tpu.memory_space<vmem_shared>>
      tpu.wait_dma2 semaphore(%run_scoped3A : memref<!tpu.dma_semaphore, #tpu.memory_space<semaphore_mem>>) src(%arg13 : memref<104x64xf32, #tpu.memory_space<vmem>>) dst(%dma_wait3A_141 : memref<104x64xf32, #tpu.memory_space<vmem_shared>>)
      tpu.yield
    }) : () -> ()
    %add3A_40 = arith.constant 16 : i32
    %add3A_41 = arith.addi %arg1, %add3A_40 : i32
    %mul3A_42 = arith.constant 104 : i32
    %mul3A_43 = arith.muli %add3A_41, %mul3A_42 : i32
    "tpu.region"() ({
      %run_scoped3A = tpu.sem_alloc : memref<!tpu.dma_semaphore, #tpu.memory_space<semaphore_mem>>
      %dma_start3A_135 = arith.constant 0 : i32
      %dma_start3A_136 = tpu.memref_slice %arg14[%mul3A_43, %dma_start3A_135] : memref<10008x64xf32, #tpu.memory_space<vmem_shared>> -> memref<104x64xf32, #tpu.memory_space<vmem_shared>>
      %dma_start3A_137 = arith.constant 0 : i32
      %dma_start3A_138 = tpu.memref_slice %arg14[%mul3A_43, %dma_start3A_137] : memref<10008x64xf32, #tpu.memory_space<vmem_shared>> -> memref<104x64xf32, #tpu.memory_space<vmem_shared>>
      tpu.enqueue_dma source(%arg13 : memref<104x64xf32, #tpu.memory_space<vmem>>) target(%dma_start3A_138 : memref<104x64xf32, #tpu.memory_space<vmem_shared>>) target_semaphore(%run_scoped3A : memref<!tpu.dma_semaphore, #tpu.memory_space<semaphore_mem>>)
      %dma_wait3A = arith.constant 0 : i32
      %dma_wait3A_139 = tpu.memref_slice %arg14[%mul3A_43, %dma_wait3A] : memref<10008x64xf32, #tpu.memory_space<vmem_shared>> -> memref<104x64xf32, #tpu.memory_space<vmem_shared>>
      %dma_wait3A_140 = arith.constant 0 : i32
      %dma_wait3A_141 = tpu.memref_slice %arg14[%mul3A_43, %dma_wait3A_140] : memref<10008x64xf32, #tpu.memory_space<vmem_shared>> -> memref<104x64xf32, #tpu.memory_space<vmem_shared>>
      tpu.wait_dma2 semaphore(%run_scoped3A : memref<!tpu.dma_semaphore, #tpu.memory_space<semaphore_mem>>) src(%arg13 : memref<104x64xf32, #tpu.memory_space<vmem>>) dst(%dma_wait3A_141 : memref<104x64xf32, #tpu.memory_space<vmem_shared>>)
      tpu.yield
    }) : () -> ()
    %add3A_44 = arith.constant 32 : i32
    %add3A_45 = arith.addi %arg1, %add3A_44 : i32
    %mul3A_46 = arith.constant 104 : i32
    %mul3A_47 = arith.muli %add3A_45, %mul3A_46 : i32
    "tpu.region"() ({
      %run_scoped3A = tpu.sem_alloc : memref<!tpu.dma_semaphore, #tpu.memory_space<semaphore_mem>>
      %dma_start3A_135 = arith.constant 0 : i32
      %dma_start3A_136 = tpu.memref_slice %arg14[%mul3A_47, %dma_start3A_135] : memref<10008x64xf32, #tpu.memory_space<vmem_shared>> -> memref<104x64xf32, #tpu.memory_space<vmem_shared>>
      %dma_start3A_137 = arith.constant 0 : i32
      %dma_start3A_138 = tpu.memref_slice %arg14[%mul3A_47, %dma_start3A_137] : memref<10008x64xf32, #tpu.memory_space<vmem_shared>> -> memref<104x64xf32, #tpu.memory_space<vmem_shared>>
      tpu.enqueue_dma source(%arg13 : memref<104x64xf32, #tpu.memory_space<vmem>>) target(%dma_start3A_138 : memref<104x64xf32, #tpu.memory_space<vmem_shared>>) target_semaphore(%run_scoped3A : memref<!tpu.dma_semaphore, #tpu.memory_space<semaphore_mem>>)
      %dma_wait3A = arith.constant 0 : i32
      %dma_wait3A_139 = tpu.memref_slice %arg14[%mul3A_47, %dma_wait3A] : memref<10008x64xf32, #tpu.memory_space<vmem_shared>> -> memref<104x64xf32, #tpu.memory_space<vmem_shared>>
      %dma_wait3A_140 = arith.constant 0 : i32
      %dma_wait3A_141 = tpu.memref_slice %arg14[%mul3A_47, %dma_wait3A_140] : memref<10008x64xf32, #tpu.memory_space<vmem_shared>> -> memref<104x64xf32, #tpu.memory_space<vmem_shared>>
      tpu.wait_dma2 semaphore(%run_scoped3A : memref<!tpu.dma_semaphore, #tpu.memory_space<semaphore_mem>>) src(%arg13 : memref<104x64xf32, #tpu.memory_space<vmem>>) dst(%dma_wait3A_141 : memref<104x64xf32, #tpu.memory_space<vmem_shared>>)
      tpu.yield
    }) : () -> ()
    %add3A_48 = arith.constant 48 : i32
    %add3A_49 = arith.addi %arg1, %add3A_48 : i32
    %mul3A_50 = arith.constant 104 : i32
    %mul3A_51 = arith.muli %add3A_49, %mul3A_50 : i32
    "tpu.region"() ({
      %run_scoped3A = tpu.sem_alloc : memref<!tpu.dma_semaphore, #tpu.memory_space<semaphore_mem>>
      %dma_start3A_135 = arith.constant 0 : i32
      %dma_start3A_136 = tpu.memref_slice %arg14[%mul3A_51, %dma_start3A_135] : memref<10008x64xf32, #tpu.memory_space<vmem_shared>> -> memref<104x64xf32, #tpu.memory_space<vmem_shared>>
      %dma_start3A_137 = arith.constant 0 : i32
      %dma_start3A_138 = tpu.memref_slice %arg14[%mul3A_51, %dma_start3A_137] : memref<10008x64xf32, #tpu.memory_space<vmem_shared>> -> memref<104x64xf32, #tpu.memory_space<vmem_shared>>
      tpu.enqueue_dma source(%arg13 : memref<104x64xf32, #tpu.memory_space<vmem>>) target(%dma_start3A_138 : memref<104x64xf32, #tpu.memory_space<vmem_shared>>) target_semaphore(%run_scoped3A : memref<!tpu.dma_semaphore, #tpu.memory_space<semaphore_mem>>)
      %dma_wait3A = arith.constant 0 : i32
      %dma_wait3A_139 = tpu.memref_slice %arg14[%mul3A_51, %dma_wait3A] : memref<10008x64xf32, #tpu.memory_space<vmem_shared>> -> memref<104x64xf32, #tpu.memory_space<vmem_shared>>
      %dma_wait3A_140 = arith.constant 0 : i32
      %dma_wait3A_141 = tpu.memref_slice %arg14[%mul3A_51, %dma_wait3A_140] : memref<10008x64xf32, #tpu.memory_space<vmem_shared>> -> memref<104x64xf32, #tpu.memory_space<vmem_shared>>
      tpu.wait_dma2 semaphore(%run_scoped3A : memref<!tpu.dma_semaphore, #tpu.memory_space<semaphore_mem>>) src(%arg13 : memref<104x64xf32, #tpu.memory_space<vmem>>) dst(%dma_wait3A_141 : memref<104x64xf32, #tpu.memory_space<vmem_shared>>)
      tpu.yield
    }) : () -> ()
    %add3A_52 = arith.constant 64 : i32
    %add3A_53 = arith.addi %arg1, %add3A_52 : i32
    %mul3A_54 = arith.constant 104 : i32
    %mul3A_55 = arith.muli %add3A_53, %mul3A_54 : i32
    "tpu.region"() ({
      %run_scoped3A = tpu.sem_alloc : memref<!tpu.dma_semaphore, #tpu.memory_space<semaphore_mem>>
      %dma_start3A_135 = arith.constant 0 : i32
      %dma_start3A_136 = tpu.memref_slice %arg14[%mul3A_55, %dma_start3A_135] : memref<10008x64xf32, #tpu.memory_space<vmem_shared>> -> memref<104x64xf32, #tpu.memory_space<vmem_shared>>
      %dma_start3A_137 = arith.constant 0 : i32
      %dma_start3A_138 = tpu.memref_slice %arg14[%mul3A_55, %dma_start3A_137] : memref<10008x64xf32, #tpu.memory_space<vmem_shared>> -> memref<104x64xf32, #tpu.memory_space<vmem_shared>>
      tpu.enqueue_dma source(%arg13 : memref<104x64xf32, #tpu.memory_space<vmem>>) target(%dma_start3A_138 : memref<104x64xf32, #tpu.memory_space<vmem_shared>>) target_semaphore(%run_scoped3A : memref<!tpu.dma_semaphore, #tpu.memory_space<semaphore_mem>>)
      %dma_wait3A = arith.constant 0 : i32
      %dma_wait3A_139 = tpu.memref_slice %arg14[%mul3A_55, %dma_wait3A] : memref<10008x64xf32, #tpu.memory_space<vmem_shared>> -> memref<104x64xf32, #tpu.memory_space<vmem_shared>>
      %dma_wait3A_140 = arith.constant 0 : i32
      %dma_wait3A_141 = tpu.memref_slice %arg14[%mul3A_55, %dma_wait3A_140] : memref<10008x64xf32, #tpu.memory_space<vmem_shared>> -> memref<104x64xf32, #tpu.memory_space<vmem_shared>>
      tpu.wait_dma2 semaphore(%run_scoped3A : memref<!tpu.dma_semaphore, #tpu.memory_space<semaphore_mem>>) src(%arg13 : memref<104x64xf32, #tpu.memory_space<vmem>>) dst(%dma_wait3A_141 : memref<104x64xf32, #tpu.memory_space<vmem_shared>>)
      tpu.yield
    }) : () -> ()
    %add3A_56 = arith.constant 80 : i32
    %add3A_57 = arith.addi %arg1, %add3A_56 : i32
    %mul3A_58 = arith.constant 104 : i32
    %mul3A_59 = arith.muli %add3A_57, %mul3A_58 : i32
    "tpu.region"() ({
      %run_scoped3A = tpu.sem_alloc : memref<!tpu.dma_semaphore, #tpu.memory_space<semaphore_mem>>
      %dma_start3A_135 = arith.constant 0 : i32
      %dma_start3A_136 = tpu.memref_slice %arg14[%mul3A_59, %dma_start3A_135] : memref<10008x64xf32, #tpu.memory_space<vmem_shared>> -> memref<104x64xf32, #tpu.memory_space<vmem_shared>>
      %dma_start3A_137 = arith.constant 0 : i32
      %dma_start3A_138 = tpu.memref_slice %arg14[%mul3A_59, %dma_start3A_137] : memref<10008x64xf32, #tpu.memory_space<vmem_shared>> -> memref<104x64xf32, #tpu.memory_space<vmem_shared>>
      tpu.enqueue_dma source(%arg13 : memref<104x64xf32, #tpu.memory_space<vmem>>) target(%dma_start3A_138 : memref<104x64xf32, #tpu.memory_space<vmem_shared>>) target_semaphore(%run_scoped3A : memref<!tpu.dma_semaphore, #tpu.memory_space<semaphore_mem>>)
      %dma_wait3A = arith.constant 0 : i32
      %dma_wait3A_139 = tpu.memref_slice %arg14[%mul3A_59, %dma_wait3A] : memref<10008x64xf32, #tpu.memory_space<vmem_shared>> -> memref<104x64xf32, #tpu.memory_space<vmem_shared>>
      %dma_wait3A_140 = arith.constant 0 : i32
      %dma_wait3A_141 = tpu.memref_slice %arg14[%mul3A_59, %dma_wait3A_140] : memref<10008x64xf32, #tpu.memory_space<vmem_shared>> -> memref<104x64xf32, #tpu.memory_space<vmem_shared>>
      tpu.wait_dma2 semaphore(%run_scoped3A : memref<!tpu.dma_semaphore, #tpu.memory_space<semaphore_mem>>) src(%arg13 : memref<104x64xf32, #tpu.memory_space<vmem>>) dst(%dma_wait3A_141 : memref<104x64xf32, #tpu.memory_space<vmem_shared>>)
      tpu.yield
    }) : () -> ()
    %eq3A = arith.constant 0 : i32
    %eq3A_60 = arith.cmpi eq, %arg1, %eq3A : i32
    %convert_element_type3A = arith.extui %eq3A_60 : i1 to i32
    %cond3A = arith.constant 0 : i32
    %cond3A_61 = arith.cmpi ne, %convert_element_type3A, %cond3A : i32
    scf.if %cond3A_61 {
      "tpu.region"() ({
        %run_scoped3A = tpu.sem_alloc : memref<!tpu.dma_semaphore, #tpu.memory_space<semaphore_mem>>
        %dma_start3A_135 = arith.constant 0 : i32
        %dma_start3A_136 = arith.constant 0 : i32
        %dma_start3A_137 = tpu.memref_slice %arg13[%dma_start3A_135, %dma_start3A_136] : memref<104x64xf32, #tpu.memory_space<vmem>> -> memref<16x64xf32, #tpu.memory_space<vmem>>
        %dma_start3A_138 = arith.constant 9984 : i32
        %dma_start3A_139 = arith.constant 0 : i32
        %dma_start3A_140 = tpu.memref_slice %arg14[%dma_start3A_138, %dma_start3A_139] : memref<10008x64xf32, #tpu.memory_space<vmem_shared>> -> memref<16x64xf32, #tpu.memory_space<vmem_shared>>
        %dma_start3A_141 = arith.constant 9984 : i32
        %dma_start3A_142 = arith.constant 0 : i32
        %dma_start3A_143 = tpu.memref_slice %arg14[%dma_start3A_141, %dma_start3A_142] : memref<10008x64xf32, #tpu.memory_space<vmem_shared>> -> memref<16x64xf32, #tpu.memory_space<vmem_shared>>
        %dma_start3A_144 = arith.constant 0 : i32
        %dma_start3A_145 = arith.constant 0 : i32
        %dma_start3A_146 = tpu.memref_slice %arg13[%dma_start3A_144, %dma_start3A_145] : memref<104x64xf32, #tpu.memory_space<vmem>> -> memref<16x64xf32, #tpu.memory_space<vmem>>
        tpu.enqueue_dma source(%dma_start3A_146 : memref<16x64xf32, #tpu.memory_space<vmem>>) target(%dma_start3A_143 : memref<16x64xf32, #tpu.memory_space<vmem_shared>>) target_semaphore(%run_scoped3A : memref<!tpu.dma_semaphore, #tpu.memory_space<semaphore_mem>>)
        %dma_wait3A = arith.constant 0 : i32
        %dma_wait3A_147 = arith.constant 0 : i32
        %dma_wait3A_148 = tpu.memref_slice %arg13[%dma_wait3A, %dma_wait3A_147] : memref<104x64xf32, #tpu.memory_space<vmem>> -> memref<16x64xf32, #tpu.memory_space<vmem>>
        %dma_wait3A_149 = arith.constant 9984 : i32
        %dma_wait3A_150 = arith.constant 0 : i32
        %dma_wait3A_151 = tpu.memref_slice %arg14[%dma_wait3A_149, %dma_wait3A_150] : memref<10008x64xf32, #tpu.memory_space<vmem_shared>> -> memref<16x64xf32, #tpu.memory_space<vmem_shared>>
        %dma_wait3A_152 = arith.constant 9984 : i32
        %dma_wait3A_153 = arith.constant 0 : i32
        %dma_wait3A_154 = tpu.memref_slice %arg14[%dma_wait3A_152, %dma_wait3A_153] : memref<10008x64xf32, #tpu.memory_space<vmem_shared>> -> memref<16x64xf32, #tpu.memory_space<vmem_shared>>
        %dma_wait3A_155 = arith.constant 0 : i32
        %dma_wait3A_156 = arith.constant 0 : i32
        %dma_wait3A_157 = tpu.memref_slice %arg13[%dma_wait3A_155, %dma_wait3A_156] : memref<104x64xf32, #tpu.memory_space<vmem>> -> memref<16x64xf32, #tpu.memory_space<vmem>>
        tpu.wait_dma2 semaphore(%run_scoped3A : memref<!tpu.dma_semaphore, #tpu.memory_space<semaphore_mem>>) src(%dma_wait3A_157 : memref<16x64xf32, #tpu.memory_space<vmem>>) dst(%dma_wait3A_154 : memref<16x64xf32, #tpu.memory_space<vmem_shared>>)
        tpu.yield
      }) : () -> ()
    } else {
    }
    %barrier3A = arith.constant 0 : index
    tpu.barrier barrier_id(%barrier3A)
    %scan3A_62 = arith.constant 0 : i32
    %scan3A_63 = arith.constant 16 : i32
    %scan3A_64 = arith.addi %scan3A_62, %scan3A_63 : i32
    %scan3A_65 = arith.constant 1 : i32
    scf.for %scan3A_135 = %scan3A_62 to %scan3A_64 step %scan3A_65  : i32 {
      %mul3A_136 = arith.constant 5 : i32
      %mul3A_137 = arith.muli %mul3A_136, %scan3A_135 : i32
      %add3A_138 = arith.constant 0 : i32
      %add3A_139 = arith.addi %mul3A_137, %add3A_138 : i32
      %dma_wait3A = arith.constant 0 : i32
      %dma_wait3A_140 = tpu.memref_slice %arg6[%add3A_139, %dma_wait3A] : memref<80x125xi32, #tpu.memory_space<vmem>> -> memref<1x125xi32, #tpu.memory_space<vmem>>
      %dma_wait3A_141 = tpu.memref_squeeze %dma_wait3A_140 : memref<1x125xi32, #tpu.memory_space<vmem>> -> memref<125xi32, #tpu.memory_space<vmem>>
      %dma_wait3A_142 = arith.constant 0 : i32
      %dma_wait3A_143 = arith.constant 0 : i32
      %dma_wait3A_144 = tpu.memref_slice %arg2[%dma_wait3A_142, %dma_wait3A_143] : memref<20000x64xf32, #tpu.memory_space<hbm>> -> memref<20000x64xf32, #tpu.memory_space<hbm>>
      tpu.wait_indirect_dma semaphore(%arg15 : memref<!tpu.dma_semaphore, #tpu.memory_space<semaphore_mem>>) src(%dma_wait3A_144 : memref<20000x64xf32, #tpu.memory_space<hbm>>) dst(%arg8 : memref<125x64xf32, #tpu.memory_space<vmem>>)
      %dma_start3A_145 = arith.constant 0 : i32
      %dma_start3A_146 = tpu.memref_slice %arg7[%add3A_139, %dma_start3A_145] : memref<80x125xi32, #tpu.memory_space<vmem>> -> memref<1x125xi32, #tpu.memory_space<vmem>>
      %dma_start3A_147 = tpu.memref_squeeze %dma_start3A_146 : memref<1x125xi32, #tpu.memory_space<vmem>> -> memref<125xi32, #tpu.memory_space<vmem>>
      %dma_start3A_148 = arith.constant 0 : i32
      %dma_start3A_149 = arith.constant 0 : i32
      %dma_start3A_150 = tpu.memref_slice %arg14[%dma_start3A_148, %dma_start3A_149] : memref<10008x64xf32, #tpu.memory_space<vmem_shared>> -> memref<10008x64xf32, #tpu.memory_space<vmem_shared>>
      tpu.enqueue_indirect_dma source(%arg8 : memref<125x64xf32, #tpu.memory_space<vmem>>) target(%dma_start3A_150 : memref<10008x64xf32, #tpu.memory_space<vmem_shared>>) offsets(%dma_start3A_147 : memref<125xi32, #tpu.memory_space<vmem>>) semaphore(%arg16 : memref<!tpu.dma_semaphore, #tpu.memory_space<semaphore_mem>>) {add = true}
      %mul3A_151 = arith.constant 5 : i32
      %mul3A_152 = arith.muli %mul3A_151, %scan3A_135 : i32
      %add3A_153 = arith.constant 1 : i32
      %add3A_154 = arith.addi %mul3A_152, %add3A_153 : i32
      %dma_wait3A_155 = arith.constant 0 : i32
      %dma_wait3A_156 = tpu.memref_slice %arg6[%add3A_154, %dma_wait3A_155] : memref<80x125xi32, #tpu.memory_space<vmem>> -> memref<1x125xi32, #tpu.memory_space<vmem>>
      %dma_wait3A_157 = tpu.memref_squeeze %dma_wait3A_156 : memref<1x125xi32, #tpu.memory_space<vmem>> -> memref<125xi32, #tpu.memory_space<vmem>>
      %dma_wait3A_158 = arith.constant 0 : i32
      %dma_wait3A_159 = arith.constant 0 : i32
      %dma_wait3A_160 = tpu.memref_slice %arg2[%dma_wait3A_158, %dma_wait3A_159] : memref<20000x64xf32, #tpu.memory_space<hbm>> -> memref<20000x64xf32, #tpu.memory_space<hbm>>
      tpu.wait_indirect_dma semaphore(%arg15 : memref<!tpu.dma_semaphore, #tpu.memory_space<semaphore_mem>>) src(%dma_wait3A_160 : memref<20000x64xf32, #tpu.memory_space<hbm>>) dst(%arg9 : memref<125x64xf32, #tpu.memory_space<vmem>>)
      %dma_start3A_161 = arith.constant 0 : i32
      %dma_start3A_162 = tpu.memref_slice %arg7[%add3A_154, %dma_start3A_161] : memref<80x125xi32, #tpu.memory_space<vmem>> -> memref<1x125xi32, #tpu.memory_space<vmem>>
      %dma_start3A_163 = tpu.memref_squeeze %dma_start3A_162 : memref<1x125xi32, #tpu.memory_space<vmem>> -> memref<125xi32, #tpu.memory_space<vmem>>
      %dma_start3A_164 = arith.constant 0 : i32
      %dma_start3A_165 = arith.constant 0 : i32
      %dma_start3A_166 = tpu.memref_slice %arg14[%dma_start3A_164, %dma_start3A_165] : memref<10008x64xf32, #tpu.memory_space<vmem_shared>> -> memref<10008x64xf32, #tpu.memory_space<vmem_shared>>
      tpu.enqueue_indirect_dma source(%arg9 : memref<125x64xf32, #tpu.memory_space<vmem>>) target(%dma_start3A_166 : memref<10008x64xf32, #tpu.memory_space<vmem_shared>>) offsets(%dma_start3A_163 : memref<125xi32, #tpu.memory_space<vmem>>) semaphore(%arg16 : memref<!tpu.dma_semaphore, #tpu.memory_space<semaphore_mem>>) {add = true}
      %mul3A_167 = arith.constant 5 : i32
      %mul3A_168 = arith.muli %mul3A_167, %scan3A_135 : i32
      %add3A_169 = arith.constant 2 : i32
      %add3A_170 = arith.addi %mul3A_168, %add3A_169 : i32
      %dma_wait3A_171 = arith.constant 0 : i32
      %dma_wait3A_172 = tpu.memref_slice %arg6[%add3A_170, %dma_wait3A_171] : memref<80x125xi32, #tpu.memory_space<vmem>> -> memref<1x125xi32, #tpu.memory_space<vmem>>
      %dma_wait3A_173 = tpu.memref_squeeze %dma_wait3A_172 : memref<1x125xi32, #tpu.memory_space<vmem>> -> memref<125xi32, #tpu.memory_space<vmem>>
      %dma_wait3A_174 = arith.constant 0 : i32
      %dma_wait3A_175 = arith.constant 0 : i32
      %dma_wait3A_176 = tpu.memref_slice %arg2[%dma_wait3A_174, %dma_wait3A_175] : memref<20000x64xf32, #tpu.memory_space<hbm>> -> memref<20000x64xf32, #tpu.memory_space<hbm>>
      tpu.wait_indirect_dma semaphore(%arg15 : memref<!tpu.dma_semaphore, #tpu.memory_space<semaphore_mem>>) src(%dma_wait3A_176 : memref<20000x64xf32, #tpu.memory_space<hbm>>) dst(%arg10 : memref<125x64xf32, #tpu.memory_space<vmem>>)
      %dma_start3A_177 = arith.constant 0 : i32
      %dma_start3A_178 = tpu.memref_slice %arg7[%add3A_170, %dma_start3A_177] : memref<80x125xi32, #tpu.memory_space<vmem>> -> memref<1x125xi32, #tpu.memory_space<vmem>>
      %dma_start3A_179 = tpu.memref_squeeze %dma_start3A_178 : memref<1x125xi32, #tpu.memory_space<vmem>> -> memref<125xi32, #tpu.memory_space<vmem>>
      %dma_start3A_180 = arith.constant 0 : i32
      %dma_start3A_181 = arith.constant 0 : i32
      %dma_start3A_182 = tpu.memref_slice %arg14[%dma_start3A_180, %dma_start3A_181] : memref<10008x64xf32, #tpu.memory_space<vmem_shared>> -> memref<10008x64xf32, #tpu.memory_space<vmem_shared>>
      tpu.enqueue_indirect_dma source(%arg10 : memref<125x64xf32, #tpu.memory_space<vmem>>) target(%dma_start3A_182 : memref<10008x64xf32, #tpu.memory_space<vmem_shared>>) offsets(%dma_start3A_179 : memref<125xi32, #tpu.memory_space<vmem>>) semaphore(%arg16 : memref<!tpu.dma_semaphore, #tpu.memory_space<semaphore_mem>>) {add = true}
      %mul3A_183 = arith.constant 5 : i32
      %mul3A_184 = arith.muli %mul3A_183, %scan3A_135 : i32
      %add3A_185 = arith.constant 3 : i32
      %add3A_186 = arith.addi %mul3A_184, %add3A_185 : i32
      %dma_wait3A_187 = arith.constant 0 : i32
      %dma_wait3A_188 = tpu.memref_slice %arg6[%add3A_186, %dma_wait3A_187] : memref<80x125xi32, #tpu.memory_space<vmem>> -> memref<1x125xi32, #tpu.memory_space<vmem>>
      %dma_wait3A_189 = tpu.memref_squeeze %dma_wait3A_188 : memref<1x125xi32, #tpu.memory_space<vmem>> -> memref<125xi32, #tpu.memory_space<vmem>>
      %dma_wait3A_190 = arith.constant 0 : i32
      %dma_wait3A_191 = arith.constant 0 : i32
      %dma_wait3A_192 = tpu.memref_slice %arg2[%dma_wait3A_190, %dma_wait3A_191] : memref<20000x64xf32, #tpu.memory_space<hbm>> -> memref<20000x64xf32, #tpu.memory_space<hbm>>
      tpu.wait_indirect_dma semaphore(%arg15 : memref<!tpu.dma_semaphore, #tpu.memory_space<semaphore_mem>>) src(%dma_wait3A_192 : memref<20000x64xf32, #tpu.memory_space<hbm>>) dst(%arg11 : memref<125x64xf32, #tpu.memory_space<vmem>>)
      %dma_start3A_193 = arith.constant 0 : i32
      %dma_start3A_194 = tpu.memref_slice %arg7[%add3A_186, %dma_start3A_193] : memref<80x125xi32, #tpu.memory_space<vmem>> -> memref<1x125xi32, #tpu.memory_space<vmem>>
      %dma_start3A_195 = tpu.memref_squeeze %dma_start3A_194 : memref<1x125xi32, #tpu.memory_space<vmem>> -> memref<125xi32, #tpu.memory_space<vmem>>
      %dma_start3A_196 = arith.constant 0 : i32
      %dma_start3A_197 = arith.constant 0 : i32
      %dma_start3A_198 = tpu.memref_slice %arg14[%dma_start3A_196, %dma_start3A_197] : memref<10008x64xf32, #tpu.memory_space<vmem_shared>> -> memref<10008x64xf32, #tpu.memory_space<vmem_shared>>
      tpu.enqueue_indirect_dma source(%arg11 : memref<125x64xf32, #tpu.memory_space<vmem>>) target(%dma_start3A_198 : memref<10008x64xf32, #tpu.memory_space<vmem_shared>>) offsets(%dma_start3A_195 : memref<125xi32, #tpu.memory_space<vmem>>) semaphore(%arg16 : memref<!tpu.dma_semaphore, #tpu.memory_space<semaphore_mem>>) {add = true}
      %mul3A_199 = arith.constant 5 : i32
      %mul3A_200 = arith.muli %mul3A_199, %scan3A_135 : i32
      %add3A_201 = arith.constant 4 : i32
      %add3A_202 = arith.addi %mul3A_200, %add3A_201 : i32
      %dma_wait3A_203 = arith.constant 0 : i32
      %dma_wait3A_204 = tpu.memref_slice %arg6[%add3A_202, %dma_wait3A_203] : memref<80x125xi32, #tpu.memory_space<vmem>> -> memref<1x125xi32, #tpu.memory_space<vmem>>
      %dma_wait3A_205 = tpu.memref_squeeze %dma_wait3A_204 : memref<1x125xi32, #tpu.memory_space<vmem>> -> memref<125xi32, #tpu.memory_space<vmem>>
      %dma_wait3A_206 = arith.constant 0 : i32
      %dma_wait3A_207 = arith.constant 0 : i32
      %dma_wait3A_208 = tpu.memref_slice %arg2[%dma_wait3A_206, %dma_wait3A_207] : memref<20000x64xf32, #tpu.memory_space<hbm>> -> memref<20000x64xf32, #tpu.memory_space<hbm>>
      tpu.wait_indirect_dma semaphore(%arg15 : memref<!tpu.dma_semaphore, #tpu.memory_space<semaphore_mem>>) src(%dma_wait3A_208 : memref<20000x64xf32, #tpu.memory_space<hbm>>) dst(%arg12 : memref<125x64xf32, #tpu.memory_space<vmem>>)
      %dma_start3A_209 = arith.constant 0 : i32
      %dma_start3A_210 = tpu.memref_slice %arg7[%add3A_202, %dma_start3A_209] : memref<80x125xi32, #tpu.memory_space<vmem>> -> memref<1x125xi32, #tpu.memory_space<vmem>>
      %dma_start3A_211 = tpu.memref_squeeze %dma_start3A_210 : memref<1x125xi32, #tpu.memory_space<vmem>> -> memref<125xi32, #tpu.memory_space<vmem>>
      %dma_start3A_212 = arith.constant 0 : i32
      %dma_start3A_213 = arith.constant 0 : i32
      %dma_start3A_214 = tpu.memref_slice %arg14[%dma_start3A_212, %dma_start3A_213] : memref<10008x64xf32, #tpu.memory_space<vmem_shared>> -> memref<10008x64xf32, #tpu.memory_space<vmem_shared>>
      tpu.enqueue_indirect_dma source(%arg12 : memref<125x64xf32, #tpu.memory_space<vmem>>) target(%dma_start3A_214 : memref<10008x64xf32, #tpu.memory_space<vmem_shared>>) offsets(%dma_start3A_211 : memref<125xi32, #tpu.memory_space<vmem>>) semaphore(%arg16 : memref<!tpu.dma_semaphore, #tpu.memory_space<semaphore_mem>>) {add = true}
      %mul3A_215 = arith.constant 5 : i32
      %mul3A_216 = arith.muli %mul3A_215, %scan3A_135 : i32
      %add3A_217 = arith.constant 0 : i32
      %add3A_218 = arith.addi %mul3A_216, %add3A_217 : i32
      %dma_wait3A_219 = arith.constant 0 : i32
      %dma_wait3A_220 = tpu.memref_slice %arg7[%add3A_218, %dma_wait3A_219] : memref<80x125xi32, #tpu.memory_space<vmem>> -> memref<1x125xi32, #tpu.memory_space<vmem>>
      %dma_wait3A_221 = tpu.memref_squeeze %dma_wait3A_220 : memref<1x125xi32, #tpu.memory_space<vmem>> -> memref<125xi32, #tpu.memory_space<vmem>>
      %dma_wait3A_222 = arith.constant 0 : i32
      %dma_wait3A_223 = arith.constant 0 : i32
      %dma_wait3A_224 = tpu.memref_slice %arg14[%dma_wait3A_222, %dma_wait3A_223] : memref<10008x64xf32, #tpu.memory_space<vmem_shared>> -> memref<10008x64xf32, #tpu.memory_space<vmem_shared>>
      tpu.wait_indirect_dma semaphore(%arg16 : memref<!tpu.dma_semaphore, #tpu.memory_space<semaphore_mem>>) src(%arg8 : memref<125x64xf32, #tpu.memory_space<vmem>>) dst(%dma_wait3A_224 : memref<10008x64xf32, #tpu.memory_space<vmem_shared>>)
      %add3A_225 = arith.constant 5 : i32
      %add3A_226 = arith.addi %add3A_218, %add3A_225 : i32
      %lt3A_227 = arith.constant 80 : i32
      %lt3A_228 = arith.cmpi slt, %add3A_226, %lt3A_227 : i32
      %convert_element_type3A_229 = arith.extui %lt3A_228 : i1 to i32
      %cond3A_230 = arith.constant 0 : i32
      %cond3A_231 = arith.cmpi ne, %convert_element_type3A_229, %cond3A_230 : i32
      scf.if %cond3A_231 {
        %add3A_300 = arith.constant 5 : i32
        %add3A_301 = arith.addi %add3A_218, %add3A_300 : i32
        %dma_start3A_302 = arith.constant 0 : i32
        %dma_start3A_303 = tpu.memref_slice %arg6[%add3A_301, %dma_start3A_302] : memref<80x125xi32, #tpu.memory_space<vmem>> -> memref<1x125xi32, #tpu.memory_space<vmem>>
        %dma_start3A_304 = tpu.memref_squeeze %dma_start3A_303 : memref<1x125xi32, #tpu.memory_space<vmem>> -> memref<125xi32, #tpu.memory_space<vmem>>
        %dma_start3A_305 = arith.constant 0 : i32
        %dma_start3A_306 = arith.constant 0 : i32
        %dma_start3A_307 = tpu.memref_slice %arg2[%dma_start3A_305, %dma_start3A_306] : memref<20000x64xf32, #tpu.memory_space<hbm>> -> memref<20000x64xf32, #tpu.memory_space<hbm>>
        tpu.enqueue_indirect_dma source(%dma_start3A_307 : memref<20000x64xf32, #tpu.memory_space<hbm>>) target(%arg8 : memref<125x64xf32, #tpu.memory_space<vmem>>) offsets(%dma_start3A_304 : memref<125xi32, #tpu.memory_space<vmem>>) semaphore(%arg15 : memref<!tpu.dma_semaphore, #tpu.memory_space<semaphore_mem>>)
      } else {
      }
      %mul3A_232 = arith.constant 5 : i32
      %mul3A_233 = arith.muli %mul3A_232, %scan3A_135 : i32
      %add3A_234 = arith.constant 1 : i32
      %add3A_235 = arith.addi %mul3A_233, %add3A_234 : i32
      %dma_wait3A_236 = arith.constant 0 : i32
      %dma_wait3A_237 = tpu.memref_slice %arg7[%add3A_235, %dma_wait3A_236] : memref<80x125xi32, #tpu.memory_space<vmem>> -> memref<1x125xi32, #tpu.memory_space<vmem>>
      %dma_wait3A_238 = tpu.memref_squeeze %dma_wait3A_237 : memref<1x125xi32, #tpu.memory_space<vmem>> -> memref<125xi32, #tpu.memory_space<vmem>>
      %dma_wait3A_239 = arith.constant 0 : i32
      %dma_wait3A_240 = arith.constant 0 : i32
      %dma_wait3A_241 = tpu.memref_slice %arg14[%dma_wait3A_239, %dma_wait3A_240] : memref<10008x64xf32, #tpu.memory_space<vmem_shared>> -> memref<10008x64xf32, #tpu.memory_space<vmem_shared>>
      tpu.wait_indirect_dma semaphore(%arg16 : memref<!tpu.dma_semaphore, #tpu.memory_space<semaphore_mem>>) src(%arg9 : memref<125x64xf32, #tpu.memory_space<vmem>>) dst(%dma_wait3A_241 : memref<10008x64xf32, #tpu.memory_space<vmem_shared>>)
      %add3A_242 = arith.constant 5 : i32
      %add3A_243 = arith.addi %add3A_235, %add3A_242 : i32
      %lt3A_244 = arith.constant 80 : i32
      %lt3A_245 = arith.cmpi slt, %add3A_243, %lt3A_244 : i32
      %convert_element_type3A_246 = arith.extui %lt3A_245 : i1 to i32
      %cond3A_247 = arith.constant 0 : i32
      %cond3A_248 = arith.cmpi ne, %convert_element_type3A_246, %cond3A_247 : i32
      scf.if %cond3A_248 {
        %add3A_300 = arith.constant 5 : i32
        %add3A_301 = arith.addi %add3A_235, %add3A_300 : i32
        %dma_start3A_302 = arith.constant 0 : i32
        %dma_start3A_303 = tpu.memref_slice %arg6[%add3A_301, %dma_start3A_302] : memref<80x125xi32, #tpu.memory_space<vmem>> -> memref<1x125xi32, #tpu.memory_space<vmem>>
        %dma_start3A_304 = tpu.memref_squeeze %dma_start3A_303 : memref<1x125xi32, #tpu.memory_space<vmem>> -> memref<125xi32, #tpu.memory_space<vmem>>
        %dma_start3A_305 = arith.constant 0 : i32
        %dma_start3A_306 = arith.constant 0 : i32
        %dma_start3A_307 = tpu.memref_slice %arg2[%dma_start3A_305, %dma_start3A_306] : memref<20000x64xf32, #tpu.memory_space<hbm>> -> memref<20000x64xf32, #tpu.memory_space<hbm>>
        tpu.enqueue_indirect_dma source(%dma_start3A_307 : memref<20000x64xf32, #tpu.memory_space<hbm>>) target(%arg9 : memref<125x64xf32, #tpu.memory_space<vmem>>) offsets(%dma_start3A_304 : memref<125xi32, #tpu.memory_space<vmem>>) semaphore(%arg15 : memref<!tpu.dma_semaphore, #tpu.memory_space<semaphore_mem>>)
      } else {
      }
      %mul3A_249 = arith.constant 5 : i32
      %mul3A_250 = arith.muli %mul3A_249, %scan3A_135 : i32
      %add3A_251 = arith.constant 2 : i32
      %add3A_252 = arith.addi %mul3A_250, %add3A_251 : i32
      %dma_wait3A_253 = arith.constant 0 : i32
      %dma_wait3A_254 = tpu.memref_slice %arg7[%add3A_252, %dma_wait3A_253] : memref<80x125xi32, #tpu.memory_space<vmem>> -> memref<1x125xi32, #tpu.memory_space<vmem>>
      %dma_wait3A_255 = tpu.memref_squeeze %dma_wait3A_254 : memref<1x125xi32, #tpu.memory_space<vmem>> -> memref<125xi32, #tpu.memory_space<vmem>>
      %dma_wait3A_256 = arith.constant 0 : i32
      %dma_wait3A_257 = arith.constant 0 : i32
      %dma_wait3A_258 = tpu.memref_slice %arg14[%dma_wait3A_256, %dma_wait3A_257] : memref<10008x64xf32, #tpu.memory_space<vmem_shared>> -> memref<10008x64xf32, #tpu.memory_space<vmem_shared>>
      tpu.wait_indirect_dma semaphore(%arg16 : memref<!tpu.dma_semaphore, #tpu.memory_space<semaphore_mem>>) src(%arg10 : memref<125x64xf32, #tpu.memory_space<vmem>>) dst(%dma_wait3A_258 : memref<10008x64xf32, #tpu.memory_space<vmem_shared>>)
      %add3A_259 = arith.constant 5 : i32
      %add3A_260 = arith.addi %add3A_252, %add3A_259 : i32
      %lt3A_261 = arith.constant 80 : i32
      %lt3A_262 = arith.cmpi slt, %add3A_260, %lt3A_261 : i32
      %convert_element_type3A_263 = arith.extui %lt3A_262 : i1 to i32
      %cond3A_264 = arith.constant 0 : i32
      %cond3A_265 = arith.cmpi ne, %convert_element_type3A_263, %cond3A_264 : i32
      scf.if %cond3A_265 {
        %add3A_300 = arith.constant 5 : i32
        %add3A_301 = arith.addi %add3A_252, %add3A_300 : i32
        %dma_start3A_302 = arith.constant 0 : i32
        %dma_start3A_303 = tpu.memref_slice %arg6[%add3A_301, %dma_start3A_302] : memref<80x125xi32, #tpu.memory_space<vmem>> -> memref<1x125xi32, #tpu.memory_space<vmem>>
        %dma_start3A_304 = tpu.memref_squeeze %dma_start3A_303 : memref<1x125xi32, #tpu.memory_space<vmem>> -> memref<125xi32, #tpu.memory_space<vmem>>
        %dma_start3A_305 = arith.constant 0 : i32
        %dma_start3A_306 = arith.constant 0 : i32
        %dma_start3A_307 = tpu.memref_slice %arg2[%dma_start3A_305, %dma_start3A_306] : memref<20000x64xf32, #tpu.memory_space<hbm>> -> memref<20000x64xf32, #tpu.memory_space<hbm>>
        tpu.enqueue_indirect_dma source(%dma_start3A_307 : memref<20000x64xf32, #tpu.memory_space<hbm>>) target(%arg10 : memref<125x64xf32, #tpu.memory_space<vmem>>) offsets(%dma_start3A_304 : memref<125xi32, #tpu.memory_space<vmem>>) semaphore(%arg15 : memref<!tpu.dma_semaphore, #tpu.memory_space<semaphore_mem>>)
      } else {
      }
      %mul3A_266 = arith.constant 5 : i32
      %mul3A_267 = arith.muli %mul3A_266, %scan3A_135 : i32
      %add3A_268 = arith.constant 3 : i32
      %add3A_269 = arith.addi %mul3A_267, %add3A_268 : i32
      %dma_wait3A_270 = arith.constant 0 : i32
      %dma_wait3A_271 = tpu.memref_slice %arg7[%add3A_269, %dma_wait3A_270] : memref<80x125xi32, #tpu.memory_space<vmem>> -> memref<1x125xi32, #tpu.memory_space<vmem>>
      %dma_wait3A_272 = tpu.memref_squeeze %dma_wait3A_271 : memref<1x125xi32, #tpu.memory_space<vmem>> -> memref<125xi32, #tpu.memory_space<vmem>>
      %dma_wait3A_273 = arith.constant 0 : i32
      %dma_wait3A_274 = arith.constant 0 : i32
      %dma_wait3A_275 = tpu.memref_slice %arg14[%dma_wait3A_273, %dma_wait3A_274] : memref<10008x64xf32, #tpu.memory_space<vmem_shared>> -> memref<10008x64xf32, #tpu.memory_space<vmem_shared>>
      tpu.wait_indirect_dma semaphore(%arg16 : memref<!tpu.dma_semaphore, #tpu.memory_space<semaphore_mem>>) src(%arg11 : memref<125x64xf32, #tpu.memory_space<vmem>>) dst(%dma_wait3A_275 : memref<10008x64xf32, #tpu.memory_space<vmem_shared>>)
      %add3A_276 = arith.constant 5 : i32
      %add3A_277 = arith.addi %add3A_269, %add3A_276 : i32
      %lt3A_278 = arith.constant 80 : i32
      %lt3A_279 = arith.cmpi slt, %add3A_277, %lt3A_278 : i32
      %convert_element_type3A_280 = arith.extui %lt3A_279 : i1 to i32
      %cond3A_281 = arith.constant 0 : i32
      %cond3A_282 = arith.cmpi ne, %convert_element_type3A_280, %cond3A_281 : i32
      scf.if %cond3A_282 {
        %add3A_300 = arith.constant 5 : i32
        %add3A_301 = arith.addi %add3A_269, %add3A_300 : i32
        %dma_start3A_302 = arith.constant 0 : i32
        %dma_start3A_303 = tpu.memref_slice %arg6[%add3A_301, %dma_start3A_302] : memref<80x125xi32, #tpu.memory_space<vmem>> -> memref<1x125xi32, #tpu.memory_space<vmem>>
        %dma_start3A_304 = tpu.memref_squeeze %dma_start3A_303 : memref<1x125xi32, #tpu.memory_space<vmem>> -> memref<125xi32, #tpu.memory_space<vmem>>
        %dma_start3A_305 = arith.constant 0 : i32
        %dma_start3A_306 = arith.constant 0 : i32
        %dma_start3A_307 = tpu.memref_slice %arg2[%dma_start3A_305, %dma_start3A_306] : memref<20000x64xf32, #tpu.memory_space<hbm>> -> memref<20000x64xf32, #tpu.memory_space<hbm>>
        tpu.enqueue_indirect_dma source(%dma_start3A_307 : memref<20000x64xf32, #tpu.memory_space<hbm>>) target(%arg11 : memref<125x64xf32, #tpu.memory_space<vmem>>) offsets(%dma_start3A_304 : memref<125xi32, #tpu.memory_space<vmem>>) semaphore(%arg15 : memref<!tpu.dma_semaphore, #tpu.memory_space<semaphore_mem>>)
      } else {
      }
      %mul3A_283 = arith.constant 5 : i32
      %mul3A_284 = arith.muli %mul3A_283, %scan3A_135 : i32
      %add3A_285 = arith.constant 4 : i32
      %add3A_286 = arith.addi %mul3A_284, %add3A_285 : i32
      %dma_wait3A_287 = arith.constant 0 : i32
      %dma_wait3A_288 = tpu.memref_slice %arg7[%add3A_286, %dma_wait3A_287] : memref<80x125xi32, #tpu.memory_space<vmem>> -> memref<1x125xi32, #tpu.memory_space<vmem>>
      %dma_wait3A_289 = tpu.memref_squeeze %dma_wait3A_288 : memref<1x125xi32, #tpu.memory_space<vmem>> -> memref<125xi32, #tpu.memory_space<vmem>>
      %dma_wait3A_290 = arith.constant 0 : i32
      %dma_wait3A_291 = arith.constant 0 : i32
      %dma_wait3A_292 = tpu.memref_slice %arg14[%dma_wait3A_290, %dma_wait3A_291] : memref<10008x64xf32, #tpu.memory_space<vmem_shared>> -> memref<10008x64xf32, #tpu.memory_space<vmem_shared>>
      tpu.wait_indirect_dma semaphore(%arg16 : memref<!tpu.dma_semaphore, #tpu.memory_space<semaphore_mem>>) src(%arg12 : memref<125x64xf32, #tpu.memory_space<vmem>>) dst(%dma_wait3A_292 : memref<10008x64xf32, #tpu.memory_space<vmem_shared>>)
      %add3A_293 = arith.constant 5 : i32
      %add3A_294 = arith.addi %add3A_286, %add3A_293 : i32
      %lt3A_295 = arith.constant 80 : i32
      %lt3A_296 = arith.cmpi slt, %add3A_294, %lt3A_295 : i32
      %convert_element_type3A_297 = arith.extui %lt3A_296 : i1 to i32
      %cond3A_298 = arith.constant 0 : i32
      %cond3A_299 = arith.cmpi ne, %convert_element_type3A_297, %cond3A_298 : i32
      scf.if %cond3A_299 {
        %add3A_300 = arith.constant 5 : i32
        %add3A_301 = arith.addi %add3A_286, %add3A_300 : i32
        %dma_start3A_302 = arith.constant 0 : i32
        %dma_start3A_303 = tpu.memref_slice %arg6[%add3A_301, %dma_start3A_302] : memref<80x125xi32, #tpu.memory_space<vmem>> -> memref<1x125xi32, #tpu.memory_space<vmem>>
        %dma_start3A_304 = tpu.memref_squeeze %dma_start3A_303 : memref<1x125xi32, #tpu.memory_space<vmem>> -> memref<125xi32, #tpu.memory_space<vmem>>
        %dma_start3A_305 = arith.constant 0 : i32
        %dma_start3A_306 = arith.constant 0 : i32
        %dma_start3A_307 = tpu.memref_slice %arg2[%dma_start3A_305, %dma_start3A_306] : memref<20000x64xf32, #tpu.memory_space<hbm>> -> memref<20000x64xf32, #tpu.memory_space<hbm>>
        tpu.enqueue_indirect_dma source(%dma_start3A_307 : memref<20000x64xf32, #tpu.memory_space<hbm>>) target(%arg12 : memref<125x64xf32, #tpu.memory_space<vmem>>) offsets(%dma_start3A_304 : memref<125xi32, #tpu.memory_space<vmem>>) semaphore(%arg15 : memref<!tpu.dma_semaphore, #tpu.memory_space<semaphore_mem>>)
      } else {
      }
    }
    %scan3A_66 = arith.constant 16 : i32
    "tpu.region"() ({
      %run_scoped3A = tpu.sem_alloc : memref<!tpu.dma_semaphore, #tpu.memory_space<semaphore_mem>>
      %dma_start3A_135 = arith.constant 80 : i32
      %dma_start3A_136 = arith.constant 0 : i32
      %dma_start3A_137 = tpu.memref_slice %arg3[%arg0, %arg1, %dma_start3A_135, %dma_start3A_136] : memref<2x16x160x125xi32, #tpu.memory_space<hbm>> -> memref<1x1x80x125xi32, #tpu.memory_space<hbm>>
      %dma_start3A_138 = tpu.memref_squeeze %dma_start3A_137 : memref<1x1x80x125xi32, #tpu.memory_space<hbm>> -> memref<80x125xi32, #tpu.memory_space<hbm>>
      %dma_start3A_139 = arith.constant 80 : i32
      %dma_start3A_140 = arith.constant 0 : i32
      %dma_start3A_141 = tpu.memref_slice %arg3[%arg0, %arg1, %dma_start3A_139, %dma_start3A_140] : memref<2x16x160x125xi32, #tpu.memory_space<hbm>> -> memref<1x1x80x125xi32, #tpu.memory_space<hbm>>
      %dma_start3A_142 = tpu.memref_squeeze %dma_start3A_141 : memref<1x1x80x125xi32, #tpu.memory_space<hbm>> -> memref<80x125xi32, #tpu.memory_space<hbm>>
      tpu.enqueue_dma source(%dma_start3A_142 : memref<80x125xi32, #tpu.memory_space<hbm>>) target(%arg6 : memref<80x125xi32, #tpu.memory_space<vmem>>) target_semaphore(%run_scoped3A : memref<!tpu.dma_semaphore, #tpu.memory_space<semaphore_mem>>)
      %dma_wait3A = arith.constant 80 : i32
      %dma_wait3A_143 = arith.constant 0 : i32
      %dma_wait3A_144 = tpu.memref_slice %arg3[%arg0, %arg1, %dma_wait3A, %dma_wait3A_143] : memref<2x16x160x125xi32, #tpu.memory_space<hbm>> -> memref<1x1x80x125xi32, #tpu.memory_space<hbm>>
      %dma_wait3A_145 = tpu.memref_squeeze %dma_wait3A_144 : memref<1x1x80x125xi32, #tpu.memory_space<hbm>> -> memref<80x125xi32, #tpu.memory_space<hbm>>
      %dma_wait3A_146 = arith.constant 80 : i32
      %dma_wait3A_147 = arith.constant 0 : i32
      %dma_wait3A_148 = tpu.memref_slice %arg3[%arg0, %arg1, %dma_wait3A_146, %dma_wait3A_147] : memref<2x16x160x125xi32, #tpu.memory_space<hbm>> -> memref<1x1x80x125xi32, #tpu.memory_space<hbm>>
      %dma_wait3A_149 = tpu.memref_squeeze %dma_wait3A_148 : memref<1x1x80x125xi32, #tpu.memory_space<hbm>> -> memref<80x125xi32, #tpu.memory_space<hbm>>
      tpu.wait_dma2 semaphore(%run_scoped3A : memref<!tpu.dma_semaphore, #tpu.memory_space<semaphore_mem>>) src(%dma_wait3A_149 : memref<80x125xi32, #tpu.memory_space<hbm>>) dst(%arg6 : memref<80x125xi32, #tpu.memory_space<vmem>>)
      tpu.yield
    }) : () -> ()
    "tpu.region"() ({
      %run_scoped3A = tpu.sem_alloc : memref<!tpu.dma_semaphore, #tpu.memory_space<semaphore_mem>>
      %dma_start3A_135 = arith.constant 80 : i32
      %dma_start3A_136 = arith.constant 0 : i32
      %dma_start3A_137 = tpu.memref_slice %arg4[%arg1, %dma_start3A_135, %dma_start3A_136] : memref<16x160x125xi32, #tpu.memory_space<hbm>> -> memref<1x80x125xi32, #tpu.memory_space<hbm>>
      %dma_start3A_138 = tpu.memref_squeeze %dma_start3A_137 : memref<1x80x125xi32, #tpu.memory_space<hbm>> -> memref<80x125xi32, #tpu.memory_space<hbm>>
      %dma_start3A_139 = arith.constant 80 : i32
      %dma_start3A_140 = arith.constant 0 : i32
      %dma_start3A_141 = tpu.memref_slice %arg4[%arg1, %dma_start3A_139, %dma_start3A_140] : memref<16x160x125xi32, #tpu.memory_space<hbm>> -> memref<1x80x125xi32, #tpu.memory_space<hbm>>
      %dma_start3A_142 = tpu.memref_squeeze %dma_start3A_141 : memref<1x80x125xi32, #tpu.memory_space<hbm>> -> memref<80x125xi32, #tpu.memory_space<hbm>>
      tpu.enqueue_dma source(%dma_start3A_142 : memref<80x125xi32, #tpu.memory_space<hbm>>) target(%arg7 : memref<80x125xi32, #tpu.memory_space<vmem>>) target_semaphore(%run_scoped3A : memref<!tpu.dma_semaphore, #tpu.memory_space<semaphore_mem>>)
      %dma_wait3A = arith.constant 80 : i32
      %dma_wait3A_143 = arith.constant 0 : i32
      %dma_wait3A_144 = tpu.memref_slice %arg4[%arg1, %dma_wait3A, %dma_wait3A_143] : memref<16x160x125xi32, #tpu.memory_space<hbm>> -> memref<1x80x125xi32, #tpu.memory_space<hbm>>
      %dma_wait3A_145 = tpu.memref_squeeze %dma_wait3A_144 : memref<1x80x125xi32, #tpu.memory_space<hbm>> -> memref<80x125xi32, #tpu.memory_space<hbm>>
      %dma_wait3A_146 = arith.constant 80 : i32
      %dma_wait3A_147 = arith.constant 0 : i32
      %dma_wait3A_148 = tpu.memref_slice %arg4[%arg1, %dma_wait3A_146, %dma_wait3A_147] : memref<16x160x125xi32, #tpu.memory_space<hbm>> -> memref<1x80x125xi32, #tpu.memory_space<hbm>>
      %dma_wait3A_149 = tpu.memref_squeeze %dma_wait3A_148 : memref<1x80x125xi32, #tpu.memory_space<hbm>> -> memref<80x125xi32, #tpu.memory_space<hbm>>
      tpu.wait_dma2 semaphore(%run_scoped3A : memref<!tpu.dma_semaphore, #tpu.memory_space<semaphore_mem>>) src(%dma_wait3A_149 : memref<80x125xi32, #tpu.memory_space<hbm>>) dst(%arg7 : memref<80x125xi32, #tpu.memory_space<vmem>>)
      tpu.yield
    }) : () -> ()
    %dma_start3A_67 = arith.constant 0 : i32
    %dma_start3A_68 = arith.constant 0 : i32
    %dma_start3A_69 = tpu.memref_slice %arg6[%dma_start3A_67, %dma_start3A_68] : memref<80x125xi32, #tpu.memory_space<vmem>> -> memref<1x125xi32, #tpu.memory_space<vmem>>
    %dma_start3A_70 = tpu.memref_squeeze %dma_start3A_69 : memref<1x125xi32, #tpu.memory_space<vmem>> -> memref<125xi32, #tpu.memory_space<vmem>>
    %dma_start3A_71 = arith.constant 0 : i32
    %dma_start3A_72 = arith.constant 0 : i32
    %dma_start3A_73 = tpu.memref_slice %arg2[%dma_start3A_71, %dma_start3A_72] : memref<20000x64xf32, #tpu.memory_space<hbm>> -> memref<20000x64xf32, #tpu.memory_space<hbm>>
    tpu.enqueue_indirect_dma source(%dma_start3A_73 : memref<20000x64xf32, #tpu.memory_space<hbm>>) target(%arg8 : memref<125x64xf32, #tpu.memory_space<vmem>>) offsets(%dma_start3A_70 : memref<125xi32, #tpu.memory_space<vmem>>) semaphore(%arg15 : memref<!tpu.dma_semaphore, #tpu.memory_space<semaphore_mem>>)
    %dma_start3A_74 = arith.constant 1 : i32
    %dma_start3A_75 = arith.constant 0 : i32
    %dma_start3A_76 = tpu.memref_slice %arg6[%dma_start3A_74, %dma_start3A_75] : memref<80x125xi32, #tpu.memory_space<vmem>> -> memref<1x125xi32, #tpu.memory_space<vmem>>
    %dma_start3A_77 = tpu.memref_squeeze %dma_start3A_76 : memref<1x125xi32, #tpu.memory_space<vmem>> -> memref<125xi32, #tpu.memory_space<vmem>>
    %dma_start3A_78 = arith.constant 0 : i32
    %dma_start3A_79 = arith.constant 0 : i32
    %dma_start3A_80 = tpu.memref_slice %arg2[%dma_start3A_78, %dma_start3A_79] : memref<20000x64xf32, #tpu.memory_space<hbm>> -> memref<20000x64xf32, #tpu.memory_space<hbm>>
    tpu.enqueue_indirect_dma source(%dma_start3A_80 : memref<20000x64xf32, #tpu.memory_space<hbm>>) target(%arg9 : memref<125x64xf32, #tpu.memory_space<vmem>>) offsets(%dma_start3A_77 : memref<125xi32, #tpu.memory_space<vmem>>) semaphore(%arg15 : memref<!tpu.dma_semaphore, #tpu.memory_space<semaphore_mem>>)
    %dma_start3A_81 = arith.constant 2 : i32
    %dma_start3A_82 = arith.constant 0 : i32
    %dma_start3A_83 = tpu.memref_slice %arg6[%dma_start3A_81, %dma_start3A_82] : memref<80x125xi32, #tpu.memory_space<vmem>> -> memref<1x125xi32, #tpu.memory_space<vmem>>
    %dma_start3A_84 = tpu.memref_squeeze %dma_start3A_83 : memref<1x125xi32, #tpu.memory_space<vmem>> -> memref<125xi32, #tpu.memory_space<vmem>>
    %dma_start3A_85 = arith.constant 0 : i32
    %dma_start3A_86 = arith.constant 0 : i32
    %dma_start3A_87 = tpu.memref_slice %arg2[%dma_start3A_85, %dma_start3A_86] : memref<20000x64xf32, #tpu.memory_space<hbm>> -> memref<20000x64xf32, #tpu.memory_space<hbm>>
    tpu.enqueue_indirect_dma source(%dma_start3A_87 : memref<20000x64xf32, #tpu.memory_space<hbm>>) target(%arg10 : memref<125x64xf32, #tpu.memory_space<vmem>>) offsets(%dma_start3A_84 : memref<125xi32, #tpu.memory_space<vmem>>) semaphore(%arg15 : memref<!tpu.dma_semaphore, #tpu.memory_space<semaphore_mem>>)
    %dma_start3A_88 = arith.constant 3 : i32
    %dma_start3A_89 = arith.constant 0 : i32
    %dma_start3A_90 = tpu.memref_slice %arg6[%dma_start3A_88, %dma_start3A_89] : memref<80x125xi32, #tpu.memory_space<vmem>> -> memref<1x125xi32, #tpu.memory_space<vmem>>
    %dma_start3A_91 = tpu.memref_squeeze %dma_start3A_90 : memref<1x125xi32, #tpu.memory_space<vmem>> -> memref<125xi32, #tpu.memory_space<vmem>>
    %dma_start3A_92 = arith.constant 0 : i32
    %dma_start3A_93 = arith.constant 0 : i32
    %dma_start3A_94 = tpu.memref_slice %arg2[%dma_start3A_92, %dma_start3A_93] : memref<20000x64xf32, #tpu.memory_space<hbm>> -> memref<20000x64xf32, #tpu.memory_space<hbm>>
    tpu.enqueue_indirect_dma source(%dma_start3A_94 : memref<20000x64xf32, #tpu.memory_space<hbm>>) target(%arg11 : memref<125x64xf32, #tpu.memory_space<vmem>>) offsets(%dma_start3A_91 : memref<125xi32, #tpu.memory_space<vmem>>) semaphore(%arg15 : memref<!tpu.dma_semaphore, #tpu.memory_space<semaphore_mem>>)
    %dma_start3A_95 = arith.constant 4 : i32
    %dma_start3A_96 = arith.constant 0 : i32
    %dma_start3A_97 = tpu.memref_slice %arg6[%dma_start3A_95, %dma_start3A_96] : memref<80x125xi32, #tpu.memory_space<vmem>> -> memref<1x125xi32, #tpu.memory_space<vmem>>
    %dma_start3A_98 = tpu.memref_squeeze %dma_start3A_97 : memref<1x125xi32, #tpu.memory_space<vmem>> -> memref<125xi32, #tpu.memory_space<vmem>>
    %dma_start3A_99 = arith.constant 0 : i32
    %dma_start3A_100 = arith.constant 0 : i32
    %dma_start3A_101 = tpu.memref_slice %arg2[%dma_start3A_99, %dma_start3A_100] : memref<20000x64xf32, #tpu.memory_space<hbm>> -> memref<20000x64xf32, #tpu.memory_space<hbm>>
    tpu.enqueue_indirect_dma source(%dma_start3A_101 : memref<20000x64xf32, #tpu.memory_space<hbm>>) target(%arg12 : memref<125x64xf32, #tpu.memory_space<vmem>>) offsets(%dma_start3A_98 : memref<125xi32, #tpu.memory_space<vmem>>) semaphore(%arg15 : memref<!tpu.dma_semaphore, #tpu.memory_space<semaphore_mem>>)
    %scan3A_102 = arith.constant 0 : i32
    %scan3A_103 = arith.constant 16 : i32
    %scan3A_104 = arith.addi %scan3A_102, %scan3A_103 : i32
    %scan3A_105 = arith.constant 1 : i32
    scf.for %scan3A_135 = %scan3A_102 to %scan3A_104 step %scan3A_105  : i32 {
      %mul3A_136 = arith.constant 5 : i32
      %mul3A_137 = arith.muli %mul3A_136, %scan3A_135 : i32
      %add3A_138 = arith.constant 0 : i32
      %add3A_139 = arith.addi %mul3A_137, %add3A_138 : i32
      %dma_wait3A = arith.constant 0 : i32
      %dma_wait3A_140 = tpu.memref_slice %arg6[%add3A_139, %dma_wait3A] : memref<80x125xi32, #tpu.memory_space<vmem>> -> memref<1x125xi32, #tpu.memory_space<vmem>>
      %dma_wait3A_141 = tpu.memref_squeeze %dma_wait3A_140 : memref<1x125xi32, #tpu.memory_space<vmem>> -> memref<125xi32, #tpu.memory_space<vmem>>
      %dma_wait3A_142 = arith.constant 0 : i32
      %dma_wait3A_143 = arith.constant 0 : i32
      %dma_wait3A_144 = tpu.memref_slice %arg2[%dma_wait3A_142, %dma_wait3A_143] : memref<20000x64xf32, #tpu.memory_space<hbm>> -> memref<20000x64xf32, #tpu.memory_space<hbm>>
      tpu.wait_indirect_dma semaphore(%arg15 : memref<!tpu.dma_semaphore, #tpu.memory_space<semaphore_mem>>) src(%dma_wait3A_144 : memref<20000x64xf32, #tpu.memory_space<hbm>>) dst(%arg8 : memref<125x64xf32, #tpu.memory_space<vmem>>)
      %dma_start3A_145 = arith.constant 0 : i32
      %dma_start3A_146 = tpu.memref_slice %arg7[%add3A_139, %dma_start3A_145] : memref<80x125xi32, #tpu.memory_space<vmem>> -> memref<1x125xi32, #tpu.memory_space<vmem>>
      %dma_start3A_147 = tpu.memref_squeeze %dma_start3A_146 : memref<1x125xi32, #tpu.memory_space<vmem>> -> memref<125xi32, #tpu.memory_space<vmem>>
      %dma_start3A_148 = arith.constant 0 : i32
      %dma_start3A_149 = arith.constant 0 : i32
      %dma_start3A_150 = tpu.memref_slice %arg14[%dma_start3A_148, %dma_start3A_149] : memref<10008x64xf32, #tpu.memory_space<vmem_shared>> -> memref<10008x64xf32, #tpu.memory_space<vmem_shared>>
      tpu.enqueue_indirect_dma source(%arg8 : memref<125x64xf32, #tpu.memory_space<vmem>>) target(%dma_start3A_150 : memref<10008x64xf32, #tpu.memory_space<vmem_shared>>) offsets(%dma_start3A_147 : memref<125xi32, #tpu.memory_space<vmem>>) semaphore(%arg16 : memref<!tpu.dma_semaphore, #tpu.memory_space<semaphore_mem>>) {add = true}
      %mul3A_151 = arith.constant 5 : i32
      %mul3A_152 = arith.muli %mul3A_151, %scan3A_135 : i32
      %add3A_153 = arith.constant 1 : i32
      %add3A_154 = arith.addi %mul3A_152, %add3A_153 : i32
      %dma_wait3A_155 = arith.constant 0 : i32
      %dma_wait3A_156 = tpu.memref_slice %arg6[%add3A_154, %dma_wait3A_155] : memref<80x125xi32, #tpu.memory_space<vmem>> -> memref<1x125xi32, #tpu.memory_space<vmem>>
      %dma_wait3A_157 = tpu.memref_squeeze %dma_wait3A_156 : memref<1x125xi32, #tpu.memory_space<vmem>> -> memref<125xi32, #tpu.memory_space<vmem>>
      %dma_wait3A_158 = arith.constant 0 : i32
      %dma_wait3A_159 = arith.constant 0 : i32
      %dma_wait3A_160 = tpu.memref_slice %arg2[%dma_wait3A_158, %dma_wait3A_159] : memref<20000x64xf32, #tpu.memory_space<hbm>> -> memref<20000x64xf32, #tpu.memory_space<hbm>>
      tpu.wait_indirect_dma semaphore(%arg15 : memref<!tpu.dma_semaphore, #tpu.memory_space<semaphore_mem>>) src(%dma_wait3A_160 : memref<20000x64xf32, #tpu.memory_space<hbm>>) dst(%arg9 : memref<125x64xf32, #tpu.memory_space<vmem>>)
      %dma_start3A_161 = arith.constant 0 : i32
      %dma_start3A_162 = tpu.memref_slice %arg7[%add3A_154, %dma_start3A_161] : memref<80x125xi32, #tpu.memory_space<vmem>> -> memref<1x125xi32, #tpu.memory_space<vmem>>
      %dma_start3A_163 = tpu.memref_squeeze %dma_start3A_162 : memref<1x125xi32, #tpu.memory_space<vmem>> -> memref<125xi32, #tpu.memory_space<vmem>>
      %dma_start3A_164 = arith.constant 0 : i32
      %dma_start3A_165 = arith.constant 0 : i32
      %dma_start3A_166 = tpu.memref_slice %arg14[%dma_start3A_164, %dma_start3A_165] : memref<10008x64xf32, #tpu.memory_space<vmem_shared>> -> memref<10008x64xf32, #tpu.memory_space<vmem_shared>>
      tpu.enqueue_indirect_dma source(%arg9 : memref<125x64xf32, #tpu.memory_space<vmem>>) target(%dma_start3A_166 : memref<10008x64xf32, #tpu.memory_space<vmem_shared>>) offsets(%dma_start3A_163 : memref<125xi32, #tpu.memory_space<vmem>>) semaphore(%arg16 : memref<!tpu.dma_semaphore, #tpu.memory_space<semaphore_mem>>) {add = true}
      %mul3A_167 = arith.constant 5 : i32
      %mul3A_168 = arith.muli %mul3A_167, %scan3A_135 : i32
      %add3A_169 = arith.constant 2 : i32
      %add3A_170 = arith.addi %mul3A_168, %add3A_169 : i32
      %dma_wait3A_171 = arith.constant 0 : i32
      %dma_wait3A_172 = tpu.memref_slice %arg6[%add3A_170, %dma_wait3A_171] : memref<80x125xi32, #tpu.memory_space<vmem>> -> memref<1x125xi32, #tpu.memory_space<vmem>>
      %dma_wait3A_173 = tpu.memref_squeeze %dma_wait3A_172 : memref<1x125xi32, #tpu.memory_space<vmem>> -> memref<125xi32, #tpu.memory_space<vmem>>
      %dma_wait3A_174 = arith.constant 0 : i32
      %dma_wait3A_175 = arith.constant 0 : i32
      %dma_wait3A_176 = tpu.memref_slice %arg2[%dma_wait3A_174, %dma_wait3A_175] : memref<20000x64xf32, #tpu.memory_space<hbm>> -> memref<20000x64xf32, #tpu.memory_space<hbm>>
      tpu.wait_indirect_dma semaphore(%arg15 : memref<!tpu.dma_semaphore, #tpu.memory_space<semaphore_mem>>) src(%dma_wait3A_176 : memref<20000x64xf32, #tpu.memory_space<hbm>>) dst(%arg10 : memref<125x64xf32, #tpu.memory_space<vmem>>)
      %dma_start3A_177 = arith.constant 0 : i32
      %dma_start3A_178 = tpu.memref_slice %arg7[%add3A_170, %dma_start3A_177] : memref<80x125xi32, #tpu.memory_space<vmem>> -> memref<1x125xi32, #tpu.memory_space<vmem>>
      %dma_start3A_179 = tpu.memref_squeeze %dma_start3A_178 : memref<1x125xi32, #tpu.memory_space<vmem>> -> memref<125xi32, #tpu.memory_space<vmem>>
      %dma_start3A_180 = arith.constant 0 : i32
      %dma_start3A_181 = arith.constant 0 : i32
      %dma_start3A_182 = tpu.memref_slice %arg14[%dma_start3A_180, %dma_start3A_181] : memref<10008x64xf32, #tpu.memory_space<vmem_shared>> -> memref<10008x64xf32, #tpu.memory_space<vmem_shared>>
      tpu.enqueue_indirect_dma source(%arg10 : memref<125x64xf32, #tpu.memory_space<vmem>>) target(%dma_start3A_182 : memref<10008x64xf32, #tpu.memory_space<vmem_shared>>) offsets(%dma_start3A_179 : memref<125xi32, #tpu.memory_space<vmem>>) semaphore(%arg16 : memref<!tpu.dma_semaphore, #tpu.memory_space<semaphore_mem>>) {add = true}
      %mul3A_183 = arith.constant 5 : i32
      %mul3A_184 = arith.muli %mul3A_183, %scan3A_135 : i32
      %add3A_185 = arith.constant 3 : i32
      %add3A_186 = arith.addi %mul3A_184, %add3A_185 : i32
      %dma_wait3A_187 = arith.constant 0 : i32
      %dma_wait3A_188 = tpu.memref_slice %arg6[%add3A_186, %dma_wait3A_187] : memref<80x125xi32, #tpu.memory_space<vmem>> -> memref<1x125xi32, #tpu.memory_space<vmem>>
      %dma_wait3A_189 = tpu.memref_squeeze %dma_wait3A_188 : memref<1x125xi32, #tpu.memory_space<vmem>> -> memref<125xi32, #tpu.memory_space<vmem>>
      %dma_wait3A_190 = arith.constant 0 : i32
      %dma_wait3A_191 = arith.constant 0 : i32
      %dma_wait3A_192 = tpu.memref_slice %arg2[%dma_wait3A_190, %dma_wait3A_191] : memref<20000x64xf32, #tpu.memory_space<hbm>> -> memref<20000x64xf32, #tpu.memory_space<hbm>>
      tpu.wait_indirect_dma semaphore(%arg15 : memref<!tpu.dma_semaphore, #tpu.memory_space<semaphore_mem>>) src(%dma_wait3A_192 : memref<20000x64xf32, #tpu.memory_space<hbm>>) dst(%arg11 : memref<125x64xf32, #tpu.memory_space<vmem>>)
      %dma_start3A_193 = arith.constant 0 : i32
      %dma_start3A_194 = tpu.memref_slice %arg7[%add3A_186, %dma_start3A_193] : memref<80x125xi32, #tpu.memory_space<vmem>> -> memref<1x125xi32, #tpu.memory_space<vmem>>
      %dma_start3A_195 = tpu.memref_squeeze %dma_start3A_194 : memref<1x125xi32, #tpu.memory_space<vmem>> -> memref<125xi32, #tpu.memory_space<vmem>>
      %dma_start3A_196 = arith.constant 0 : i32
      %dma_start3A_197 = arith.constant 0 : i32
      %dma_start3A_198 = tpu.memref_slice %arg14[%dma_start3A_196, %dma_start3A_197] : memref<10008x64xf32, #tpu.memory_space<vmem_shared>> -> memref<10008x64xf32, #tpu.memory_space<vmem_shared>>
      tpu.enqueue_indirect_dma source(%arg11 : memref<125x64xf32, #tpu.memory_space<vmem>>) target(%dma_start3A_198 : memref<10008x64xf32, #tpu.memory_space<vmem_shared>>) offsets(%dma_start3A_195 : memref<125xi32, #tpu.memory_space<vmem>>) semaphore(%arg16 : memref<!tpu.dma_semaphore, #tpu.memory_space<semaphore_mem>>) {add = true}
      %mul3A_199 = arith.constant 5 : i32
      %mul3A_200 = arith.muli %mul3A_199, %scan3A_135 : i32
      %add3A_201 = arith.constant 4 : i32
      %add3A_202 = arith.addi %mul3A_200, %add3A_201 : i32
      %dma_wait3A_203 = arith.constant 0 : i32
      %dma_wait3A_204 = tpu.memref_slice %arg6[%add3A_202, %dma_wait3A_203] : memref<80x125xi32, #tpu.memory_space<vmem>> -> memref<1x125xi32, #tpu.memory_space<vmem>>
      %dma_wait3A_205 = tpu.memref_squeeze %dma_wait3A_204 : memref<1x125xi32, #tpu.memory_space<vmem>> -> memref<125xi32, #tpu.memory_space<vmem>>
      %dma_wait3A_206 = arith.constant 0 : i32
      %dma_wait3A_207 = arith.constant 0 : i32
      %dma_wait3A_208 = tpu.memref_slice %arg2[%dma_wait3A_206, %dma_wait3A_207] : memref<20000x64xf32, #tpu.memory_space<hbm>> -> memref<20000x64xf32, #tpu.memory_space<hbm>>
      tpu.wait_indirect_dma semaphore(%arg15 : memref<!tpu.dma_semaphore, #tpu.memory_space<semaphore_mem>>) src(%dma_wait3A_208 : memref<20000x64xf32, #tpu.memory_space<hbm>>) dst(%arg12 : memref<125x64xf32, #tpu.memory_space<vmem>>)
      %dma_start3A_209 = arith.constant 0 : i32
      %dma_start3A_210 = tpu.memref_slice %arg7[%add3A_202, %dma_start3A_209] : memref<80x125xi32, #tpu.memory_space<vmem>> -> memref<1x125xi32, #tpu.memory_space<vmem>>
      %dma_start3A_211 = tpu.memref_squeeze %dma_start3A_210 : memref<1x125xi32, #tpu.memory_space<vmem>> -> memref<125xi32, #tpu.memory_space<vmem>>
      %dma_start3A_212 = arith.constant 0 : i32
      %dma_start3A_213 = arith.constant 0 : i32
      %dma_start3A_214 = tpu.memref_slice %arg14[%dma_start3A_212, %dma_start3A_213] : memref<10008x64xf32, #tpu.memory_space<vmem_shared>> -> memref<10008x64xf32, #tpu.memory_space<vmem_shared>>
      tpu.enqueue_indirect_dma source(%arg12 : memref<125x64xf32, #tpu.memory_space<vmem>>) target(%dma_start3A_214 : memref<10008x64xf32, #tpu.memory_space<vmem_shared>>) offsets(%dma_start3A_211 : memref<125xi32, #tpu.memory_space<vmem>>) semaphore(%arg16 : memref<!tpu.dma_semaphore, #tpu.memory_space<semaphore_mem>>) {add = true}
      %mul3A_215 = arith.constant 5 : i32
      %mul3A_216 = arith.muli %mul3A_215, %scan3A_135 : i32
      %add3A_217 = arith.constant 0 : i32
      %add3A_218 = arith.addi %mul3A_216, %add3A_217 : i32
      %dma_wait3A_219 = arith.constant 0 : i32
      %dma_wait3A_220 = tpu.memref_slice %arg7[%add3A_218, %dma_wait3A_219] : memref<80x125xi32, #tpu.memory_space<vmem>> -> memref<1x125xi32, #tpu.memory_space<vmem>>
      %dma_wait3A_221 = tpu.memref_squeeze %dma_wait3A_220 : memref<1x125xi32, #tpu.memory_space<vmem>> -> memref<125xi32, #tpu.memory_space<vmem>>
      %dma_wait3A_222 = arith.constant 0 : i32
      %dma_wait3A_223 = arith.constant 0 : i32
      %dma_wait3A_224 = tpu.memref_slice %arg14[%dma_wait3A_222, %dma_wait3A_223] : memref<10008x64xf32, #tpu.memory_space<vmem_shared>> -> memref<10008x64xf32, #tpu.memory_space<vmem_shared>>
      tpu.wait_indirect_dma semaphore(%arg16 : memref<!tpu.dma_semaphore, #tpu.memory_space<semaphore_mem>>) src(%arg8 : memref<125x64xf32, #tpu.memory_space<vmem>>) dst(%dma_wait3A_224 : memref<10008x64xf32, #tpu.memory_space<vmem_shared>>)
      %add3A_225 = arith.constant 5 : i32
      %add3A_226 = arith.addi %add3A_218, %add3A_225 : i32
      %lt3A_227 = arith.constant 80 : i32
      %lt3A_228 = arith.cmpi slt, %add3A_226, %lt3A_227 : i32
      %convert_element_type3A_229 = arith.extui %lt3A_228 : i1 to i32
      %cond3A_230 = arith.constant 0 : i32
      %cond3A_231 = arith.cmpi ne, %convert_element_type3A_229, %cond3A_230 : i32
      scf.if %cond3A_231 {
        %add3A_300 = arith.constant 5 : i32
        %add3A_301 = arith.addi %add3A_218, %add3A_300 : i32
        %dma_start3A_302 = arith.constant 0 : i32
        %dma_start3A_303 = tpu.memref_slice %arg6[%add3A_301, %dma_start3A_302] : memref<80x125xi32, #tpu.memory_space<vmem>> -> memref<1x125xi32, #tpu.memory_space<vmem>>
        %dma_start3A_304 = tpu.memref_squeeze %dma_start3A_303 : memref<1x125xi32, #tpu.memory_space<vmem>> -> memref<125xi32, #tpu.memory_space<vmem>>
        %dma_start3A_305 = arith.constant 0 : i32
        %dma_start3A_306 = arith.constant 0 : i32
        %dma_start3A_307 = tpu.memref_slice %arg2[%dma_start3A_305, %dma_start3A_306] : memref<20000x64xf32, #tpu.memory_space<hbm>> -> memref<20000x64xf32, #tpu.memory_space<hbm>>
        tpu.enqueue_indirect_dma source(%dma_start3A_307 : memref<20000x64xf32, #tpu.memory_space<hbm>>) target(%arg8 : memref<125x64xf32, #tpu.memory_space<vmem>>) offsets(%dma_start3A_304 : memref<125xi32, #tpu.memory_space<vmem>>) semaphore(%arg15 : memref<!tpu.dma_semaphore, #tpu.memory_space<semaphore_mem>>)
      } else {
      }
      %mul3A_232 = arith.constant 5 : i32
      %mul3A_233 = arith.muli %mul3A_232, %scan3A_135 : i32
      %add3A_234 = arith.constant 1 : i32
      %add3A_235 = arith.addi %mul3A_233, %add3A_234 : i32
      %dma_wait3A_236 = arith.constant 0 : i32
      %dma_wait3A_237 = tpu.memref_slice %arg7[%add3A_235, %dma_wait3A_236] : memref<80x125xi32, #tpu.memory_space<vmem>> -> memref<1x125xi32, #tpu.memory_space<vmem>>
      %dma_wait3A_238 = tpu.memref_squeeze %dma_wait3A_237 : memref<1x125xi32, #tpu.memory_space<vmem>> -> memref<125xi32, #tpu.memory_space<vmem>>
      %dma_wait3A_239 = arith.constant 0 : i32
      %dma_wait3A_240 = arith.constant 0 : i32
      %dma_wait3A_241 = tpu.memref_slice %arg14[%dma_wait3A_239, %dma_wait3A_240] : memref<10008x64xf32, #tpu.memory_space<vmem_shared>> -> memref<10008x64xf32, #tpu.memory_space<vmem_shared>>
      tpu.wait_indirect_dma semaphore(%arg16 : memref<!tpu.dma_semaphore, #tpu.memory_space<semaphore_mem>>) src(%arg9 : memref<125x64xf32, #tpu.memory_space<vmem>>) dst(%dma_wait3A_241 : memref<10008x64xf32, #tpu.memory_space<vmem_shared>>)
      %add3A_242 = arith.constant 5 : i32
      %add3A_243 = arith.addi %add3A_235, %add3A_242 : i32
      %lt3A_244 = arith.constant 80 : i32
      %lt3A_245 = arith.cmpi slt, %add3A_243, %lt3A_244 : i32
      %convert_element_type3A_246 = arith.extui %lt3A_245 : i1 to i32
      %cond3A_247 = arith.constant 0 : i32
      %cond3A_248 = arith.cmpi ne, %convert_element_type3A_246, %cond3A_247 : i32
      scf.if %cond3A_248 {
        %add3A_300 = arith.constant 5 : i32
        %add3A_301 = arith.addi %add3A_235, %add3A_300 : i32
        %dma_start3A_302 = arith.constant 0 : i32
        %dma_start3A_303 = tpu.memref_slice %arg6[%add3A_301, %dma_start3A_302] : memref<80x125xi32, #tpu.memory_space<vmem>> -> memref<1x125xi32, #tpu.memory_space<vmem>>
        %dma_start3A_304 = tpu.memref_squeeze %dma_start3A_303 : memref<1x125xi32, #tpu.memory_space<vmem>> -> memref<125xi32, #tpu.memory_space<vmem>>
        %dma_start3A_305 = arith.constant 0 : i32
        %dma_start3A_306 = arith.constant 0 : i32
        %dma_start3A_307 = tpu.memref_slice %arg2[%dma_start3A_305, %dma_start3A_306] : memref<20000x64xf32, #tpu.memory_space<hbm>> -> memref<20000x64xf32, #tpu.memory_space<hbm>>
        tpu.enqueue_indirect_dma source(%dma_start3A_307 : memref<20000x64xf32, #tpu.memory_space<hbm>>) target(%arg9 : memref<125x64xf32, #tpu.memory_space<vmem>>) offsets(%dma_start3A_304 : memref<125xi32, #tpu.memory_space<vmem>>) semaphore(%arg15 : memref<!tpu.dma_semaphore, #tpu.memory_space<semaphore_mem>>)
      } else {
      }
      %mul3A_249 = arith.constant 5 : i32
      %mul3A_250 = arith.muli %mul3A_249, %scan3A_135 : i32
      %add3A_251 = arith.constant 2 : i32
      %add3A_252 = arith.addi %mul3A_250, %add3A_251 : i32
      %dma_wait3A_253 = arith.constant 0 : i32
      %dma_wait3A_254 = tpu.memref_slice %arg7[%add3A_252, %dma_wait3A_253] : memref<80x125xi32, #tpu.memory_space<vmem>> -> memref<1x125xi32, #tpu.memory_space<vmem>>
      %dma_wait3A_255 = tpu.memref_squeeze %dma_wait3A_254 : memref<1x125xi32, #tpu.memory_space<vmem>> -> memref<125xi32, #tpu.memory_space<vmem>>
      %dma_wait3A_256 = arith.constant 0 : i32
      %dma_wait3A_257 = arith.constant 0 : i32
      %dma_wait3A_258 = tpu.memref_slice %arg14[%dma_wait3A_256, %dma_wait3A_257] : memref<10008x64xf32, #tpu.memory_space<vmem_shared>> -> memref<10008x64xf32, #tpu.memory_space<vmem_shared>>
      tpu.wait_indirect_dma semaphore(%arg16 : memref<!tpu.dma_semaphore, #tpu.memory_space<semaphore_mem>>) src(%arg10 : memref<125x64xf32, #tpu.memory_space<vmem>>) dst(%dma_wait3A_258 : memref<10008x64xf32, #tpu.memory_space<vmem_shared>>)
      %add3A_259 = arith.constant 5 : i32
      %add3A_260 = arith.addi %add3A_252, %add3A_259 : i32
      %lt3A_261 = arith.constant 80 : i32
      %lt3A_262 = arith.cmpi slt, %add3A_260, %lt3A_261 : i32
      %convert_element_type3A_263 = arith.extui %lt3A_262 : i1 to i32
      %cond3A_264 = arith.constant 0 : i32
      %cond3A_265 = arith.cmpi ne, %convert_element_type3A_263, %cond3A_264 : i32
      scf.if %cond3A_265 {
        %add3A_300 = arith.constant 5 : i32
        %add3A_301 = arith.addi %add3A_252, %add3A_300 : i32
        %dma_start3A_302 = arith.constant 0 : i32
        %dma_start3A_303 = tpu.memref_slice %arg6[%add3A_301, %dma_start3A_302] : memref<80x125xi32, #tpu.memory_space<vmem>> -> memref<1x125xi32, #tpu.memory_space<vmem>>
        %dma_start3A_304 = tpu.memref_squeeze %dma_start3A_303 : memref<1x125xi32, #tpu.memory_space<vmem>> -> memref<125xi32, #tpu.memory_space<vmem>>
        %dma_start3A_305 = arith.constant 0 : i32
        %dma_start3A_306 = arith.constant 0 : i32
        %dma_start3A_307 = tpu.memref_slice %arg2[%dma_start3A_305, %dma_start3A_306] : memref<20000x64xf32, #tpu.memory_space<hbm>> -> memref<20000x64xf32, #tpu.memory_space<hbm>>
        tpu.enqueue_indirect_dma source(%dma_start3A_307 : memref<20000x64xf32, #tpu.memory_space<hbm>>) target(%arg10 : memref<125x64xf32, #tpu.memory_space<vmem>>) offsets(%dma_start3A_304 : memref<125xi32, #tpu.memory_space<vmem>>) semaphore(%arg15 : memref<!tpu.dma_semaphore, #tpu.memory_space<semaphore_mem>>)
      } else {
      }
      %mul3A_266 = arith.constant 5 : i32
      %mul3A_267 = arith.muli %mul3A_266, %scan3A_135 : i32
      %add3A_268 = arith.constant 3 : i32
      %add3A_269 = arith.addi %mul3A_267, %add3A_268 : i32
      %dma_wait3A_270 = arith.constant 0 : i32
      %dma_wait3A_271 = tpu.memref_slice %arg7[%add3A_269, %dma_wait3A_270] : memref<80x125xi32, #tpu.memory_space<vmem>> -> memref<1x125xi32, #tpu.memory_space<vmem>>
      %dma_wait3A_272 = tpu.memref_squeeze %dma_wait3A_271 : memref<1x125xi32, #tpu.memory_space<vmem>> -> memref<125xi32, #tpu.memory_space<vmem>>
      %dma_wait3A_273 = arith.constant 0 : i32
      %dma_wait3A_274 = arith.constant 0 : i32
      %dma_wait3A_275 = tpu.memref_slice %arg14[%dma_wait3A_273, %dma_wait3A_274] : memref<10008x64xf32, #tpu.memory_space<vmem_shared>> -> memref<10008x64xf32, #tpu.memory_space<vmem_shared>>
      tpu.wait_indirect_dma semaphore(%arg16 : memref<!tpu.dma_semaphore, #tpu.memory_space<semaphore_mem>>) src(%arg11 : memref<125x64xf32, #tpu.memory_space<vmem>>) dst(%dma_wait3A_275 : memref<10008x64xf32, #tpu.memory_space<vmem_shared>>)
      %add3A_276 = arith.constant 5 : i32
      %add3A_277 = arith.addi %add3A_269, %add3A_276 : i32
      %lt3A_278 = arith.constant 80 : i32
      %lt3A_279 = arith.cmpi slt, %add3A_277, %lt3A_278 : i32
      %convert_element_type3A_280 = arith.extui %lt3A_279 : i1 to i32
      %cond3A_281 = arith.constant 0 : i32
      %cond3A_282 = arith.cmpi ne, %convert_element_type3A_280, %cond3A_281 : i32
      scf.if %cond3A_282 {
        %add3A_300 = arith.constant 5 : i32
        %add3A_301 = arith.addi %add3A_269, %add3A_300 : i32
        %dma_start3A_302 = arith.constant 0 : i32
        %dma_start3A_303 = tpu.memref_slice %arg6[%add3A_301, %dma_start3A_302] : memref<80x125xi32, #tpu.memory_space<vmem>> -> memref<1x125xi32, #tpu.memory_space<vmem>>
        %dma_start3A_304 = tpu.memref_squeeze %dma_start3A_303 : memref<1x125xi32, #tpu.memory_space<vmem>> -> memref<125xi32, #tpu.memory_space<vmem>>
        %dma_start3A_305 = arith.constant 0 : i32
        %dma_start3A_306 = arith.constant 0 : i32
        %dma_start3A_307 = tpu.memref_slice %arg2[%dma_start3A_305, %dma_start3A_306] : memref<20000x64xf32, #tpu.memory_space<hbm>> -> memref<20000x64xf32, #tpu.memory_space<hbm>>
        tpu.enqueue_indirect_dma source(%dma_start3A_307 : memref<20000x64xf32, #tpu.memory_space<hbm>>) target(%arg11 : memref<125x64xf32, #tpu.memory_space<vmem>>) offsets(%dma_start3A_304 : memref<125xi32, #tpu.memory_space<vmem>>) semaphore(%arg15 : memref<!tpu.dma_semaphore, #tpu.memory_space<semaphore_mem>>)
      } else {
      }
      %mul3A_283 = arith.constant 5 : i32
      %mul3A_284 = arith.muli %mul3A_283, %scan3A_135 : i32
      %add3A_285 = arith.constant 4 : i32
      %add3A_286 = arith.addi %mul3A_284, %add3A_285 : i32
      %dma_wait3A_287 = arith.constant 0 : i32
      %dma_wait3A_288 = tpu.memref_slice %arg7[%add3A_286, %dma_wait3A_287] : memref<80x125xi32, #tpu.memory_space<vmem>> -> memref<1x125xi32, #tpu.memory_space<vmem>>
      %dma_wait3A_289 = tpu.memref_squeeze %dma_wait3A_288 : memref<1x125xi32, #tpu.memory_space<vmem>> -> memref<125xi32, #tpu.memory_space<vmem>>
      %dma_wait3A_290 = arith.constant 0 : i32
      %dma_wait3A_291 = arith.constant 0 : i32
      %dma_wait3A_292 = tpu.memref_slice %arg14[%dma_wait3A_290, %dma_wait3A_291] : memref<10008x64xf32, #tpu.memory_space<vmem_shared>> -> memref<10008x64xf32, #tpu.memory_space<vmem_shared>>
      tpu.wait_indirect_dma semaphore(%arg16 : memref<!tpu.dma_semaphore, #tpu.memory_space<semaphore_mem>>) src(%arg12 : memref<125x64xf32, #tpu.memory_space<vmem>>) dst(%dma_wait3A_292 : memref<10008x64xf32, #tpu.memory_space<vmem_shared>>)
      %add3A_293 = arith.constant 5 : i32
      %add3A_294 = arith.addi %add3A_286, %add3A_293 : i32
      %lt3A_295 = arith.constant 80 : i32
      %lt3A_296 = arith.cmpi slt, %add3A_294, %lt3A_295 : i32
      %convert_element_type3A_297 = arith.extui %lt3A_296 : i1 to i32
      %cond3A_298 = arith.constant 0 : i32
      %cond3A_299 = arith.cmpi ne, %convert_element_type3A_297, %cond3A_298 : i32
      scf.if %cond3A_299 {
        %add3A_300 = arith.constant 5 : i32
        %add3A_301 = arith.addi %add3A_286, %add3A_300 : i32
        %dma_start3A_302 = arith.constant 0 : i32
        %dma_start3A_303 = tpu.memref_slice %arg6[%add3A_301, %dma_start3A_302] : memref<80x125xi32, #tpu.memory_space<vmem>> -> memref<1x125xi32, #tpu.memory_space<vmem>>
        %dma_start3A_304 = tpu.memref_squeeze %dma_start3A_303 : memref<1x125xi32, #tpu.memory_space<vmem>> -> memref<125xi32, #tpu.memory_space<vmem>>
        %dma_start3A_305 = arith.constant 0 : i32
        %dma_start3A_306 = arith.constant 0 : i32
        %dma_start3A_307 = tpu.memref_slice %arg2[%dma_start3A_305, %dma_start3A_306] : memref<20000x64xf32, #tpu.memory_space<hbm>> -> memref<20000x64xf32, #tpu.memory_space<hbm>>
        tpu.enqueue_indirect_dma source(%dma_start3A_307 : memref<20000x64xf32, #tpu.memory_space<hbm>>) target(%arg12 : memref<125x64xf32, #tpu.memory_space<vmem>>) offsets(%dma_start3A_304 : memref<125xi32, #tpu.memory_space<vmem>>) semaphore(%arg15 : memref<!tpu.dma_semaphore, #tpu.memory_space<semaphore_mem>>)
      } else {
      }
    }
    %scan3A_106 = arith.constant 16 : i32
    %barrier3A_107 = arith.constant 0 : index
    tpu.barrier barrier_id(%barrier3A_107)
    %add3A_108 = arith.constant 0 : i32
    %add3A_109 = arith.addi %arg1, %add3A_108 : i32
    %lt3A = arith.constant 50 : i32
    %lt3A_110 = arith.cmpi slt, %add3A_109, %lt3A : i32
    %convert_element_type3A_111 = arith.extui %lt3A_110 : i1 to i32
    %cond3A_112 = arith.constant 0 : i32
    %cond3A_113 = arith.cmpi ne, %convert_element_type3A_111, %cond3A_112 : i32
    scf.if %cond3A_113 {
      %mul3A_135 = arith.constant 200 : i32
      %mul3A_136 = arith.muli %add3A_109, %mul3A_135 : i32
      %mul3A_137 = arith.constant 200 : i32
      %mul3A_138 = arith.muli %add3A_109, %mul3A_137 : i32
      "tpu.region"() ({
        %run_scoped3A = tpu.sem_alloc : memref<!tpu.dma_semaphore, #tpu.memory_space<semaphore_mem>>
        %dma_start3A_139 = arith.constant 0 : i32
        %dma_start3A_140 = tpu.memref_slice %arg5[%arg0, %mul3A_138, %dma_start3A_139] : memref<2x10000x64xf32, #tpu.memory_space<hbm>> -> memref<1x200x64xf32, #tpu.memory_space<hbm>>
        %dma_start3A_141 = tpu.memref_squeeze %dma_start3A_140 : memref<1x200x64xf32, #tpu.memory_space<hbm>> -> memref<200x64xf32, #tpu.memory_space<hbm>>
        %dma_start3A_142 = arith.constant 0 : i32
        %dma_start3A_143 = tpu.memref_slice %arg14[%mul3A_136, %dma_start3A_142] : memref<10008x64xf32, #tpu.memory_space<vmem_shared>> -> memref<200x64xf32, #tpu.memory_space<vmem_shared>>
        tpu.enqueue_dma source(%dma_start3A_143 : memref<200x64xf32, #tpu.memory_space<vmem_shared>>) target(%dma_start3A_141 : memref<200x64xf32, #tpu.memory_space<hbm>>) target_semaphore(%run_scoped3A : memref<!tpu.dma_semaphore, #tpu.memory_space<semaphore_mem>>)
        %dma_wait3A = arith.constant 0 : i32
        %dma_wait3A_144 = tpu.memref_slice %arg5[%arg0, %mul3A_138, %dma_wait3A] : memref<2x10000x64xf32, #tpu.memory_space<hbm>> -> memref<1x200x64xf32, #tpu.memory_space<hbm>>
        %dma_wait3A_145 = tpu.memref_squeeze %dma_wait3A_144 : memref<1x200x64xf32, #tpu.memory_space<hbm>> -> memref<200x64xf32, #tpu.memory_space<hbm>>
        %dma_wait3A_146 = arith.constant 0 : i32
        %dma_wait3A_147 = tpu.memref_slice %arg14[%mul3A_136, %dma_wait3A_146] : memref<10008x64xf32, #tpu.memory_space<vmem_shared>> -> memref<200x64xf32, #tpu.memory_space<vmem_shared>>
        tpu.wait_dma2 semaphore(%run_scoped3A : memref<!tpu.dma_semaphore, #tpu.memory_space<semaphore_mem>>) src(%dma_wait3A_147 : memref<200x64xf32, #tpu.memory_space<vmem_shared>>) dst(%dma_wait3A_145 : memref<200x64xf32, #tpu.memory_space<hbm>>)
        tpu.yield
      }) : () -> ()
    } else {
    }
    %add3A_114 = arith.constant 16 : i32
    %add3A_115 = arith.addi %arg1, %add3A_114 : i32
    %lt3A_116 = arith.constant 50 : i32
    %lt3A_117 = arith.cmpi slt, %add3A_115, %lt3A_116 : i32
    %convert_element_type3A_118 = arith.extui %lt3A_117 : i1 to i32
    %cond3A_119 = arith.constant 0 : i32
    %cond3A_120 = arith.cmpi ne, %convert_element_type3A_118, %cond3A_119 : i32
    scf.if %cond3A_120 {
      %mul3A_135 = arith.constant 200 : i32
      %mul3A_136 = arith.muli %add3A_115, %mul3A_135 : i32
      %mul3A_137 = arith.constant 200 : i32
      %mul3A_138 = arith.muli %add3A_115, %mul3A_137 : i32
      "tpu.region"() ({
        %run_scoped3A = tpu.sem_alloc : memref<!tpu.dma_semaphore, #tpu.memory_space<semaphore_mem>>
        %dma_start3A_139 = arith.constant 0 : i32
        %dma_start3A_140 = tpu.memref_slice %arg5[%arg0, %mul3A_138, %dma_start3A_139] : memref<2x10000x64xf32, #tpu.memory_space<hbm>> -> memref<1x200x64xf32, #tpu.memory_space<hbm>>
        %dma_start3A_141 = tpu.memref_squeeze %dma_start3A_140 : memref<1x200x64xf32, #tpu.memory_space<hbm>> -> memref<200x64xf32, #tpu.memory_space<hbm>>
        %dma_start3A_142 = arith.constant 0 : i32
        %dma_start3A_143 = tpu.memref_slice %arg14[%mul3A_136, %dma_start3A_142] : memref<10008x64xf32, #tpu.memory_space<vmem_shared>> -> memref<200x64xf32, #tpu.memory_space<vmem_shared>>
        tpu.enqueue_dma source(%dma_start3A_143 : memref<200x64xf32, #tpu.memory_space<vmem_shared>>) target(%dma_start3A_141 : memref<200x64xf32, #tpu.memory_space<hbm>>) target_semaphore(%run_scoped3A : memref<!tpu.dma_semaphore, #tpu.memory_space<semaphore_mem>>)
        %dma_wait3A = arith.constant 0 : i32
        %dma_wait3A_144 = tpu.memref_slice %arg5[%arg0, %mul3A_138, %dma_wait3A] : memref<2x10000x64xf32, #tpu.memory_space<hbm>> -> memref<1x200x64xf32, #tpu.memory_space<hbm>>
        %dma_wait3A_145 = tpu.memref_squeeze %dma_wait3A_144 : memref<1x200x64xf32, #tpu.memory_space<hbm>> -> memref<200x64xf32, #tpu.memory_space<hbm>>
        %dma_wait3A_146 = arith.constant 0 : i32
        %dma_wait3A_147 = tpu.memref_slice %arg14[%mul3A_136, %dma_wait3A_146] : memref<10008x64xf32, #tpu.memory_space<vmem_shared>> -> memref<200x64xf32, #tpu.memory_space<vmem_shared>>
        tpu.wait_dma2 semaphore(%run_scoped3A : memref<!tpu.dma_semaphore, #tpu.memory_space<semaphore_mem>>) src(%dma_wait3A_147 : memref<200x64xf32, #tpu.memory_space<vmem_shared>>) dst(%dma_wait3A_145 : memref<200x64xf32, #tpu.memory_space<hbm>>)
        tpu.yield
      }) : () -> ()
    } else {
    }
    %add3A_121 = arith.constant 32 : i32
    %add3A_122 = arith.addi %arg1, %add3A_121 : i32
    %lt3A_123 = arith.constant 50 : i32
    %lt3A_124 = arith.cmpi slt, %add3A_122, %lt3A_123 : i32
    %convert_element_type3A_125 = arith.extui %lt3A_124 : i1 to i32
    %cond3A_126 = arith.constant 0 : i32
    %cond3A_127 = arith.cmpi ne, %convert_element_type3A_125, %cond3A_126 : i32
    scf.if %cond3A_127 {
      %mul3A_135 = arith.constant 200 : i32
      %mul3A_136 = arith.muli %add3A_122, %mul3A_135 : i32
      %mul3A_137 = arith.constant 200 : i32
      %mul3A_138 = arith.muli %add3A_122, %mul3A_137 : i32
      "tpu.region"() ({
        %run_scoped3A = tpu.sem_alloc : memref<!tpu.dma_semaphore, #tpu.memory_space<semaphore_mem>>
        %dma_start3A_139 = arith.constant 0 : i32
        %dma_start3A_140 = tpu.memref_slice %arg5[%arg0, %mul3A_138, %dma_start3A_139] : memref<2x10000x64xf32, #tpu.memory_space<hbm>> -> memref<1x200x64xf32, #tpu.memory_space<hbm>>
        %dma_start3A_141 = tpu.memref_squeeze %dma_start3A_140 : memref<1x200x64xf32, #tpu.memory_space<hbm>> -> memref<200x64xf32, #tpu.memory_space<hbm>>
        %dma_start3A_142 = arith.constant 0 : i32
        %dma_start3A_143 = tpu.memref_slice %arg14[%mul3A_136, %dma_start3A_142] : memref<10008x64xf32, #tpu.memory_space<vmem_shared>> -> memref<200x64xf32, #tpu.memory_space<vmem_shared>>
        tpu.enqueue_dma source(%dma_start3A_143 : memref<200x64xf32, #tpu.memory_space<vmem_shared>>) target(%dma_start3A_141 : memref<200x64xf32, #tpu.memory_space<hbm>>) target_semaphore(%run_scoped3A : memref<!tpu.dma_semaphore, #tpu.memory_space<semaphore_mem>>)
        %dma_wait3A = arith.constant 0 : i32
        %dma_wait3A_144 = tpu.memref_slice %arg5[%arg0, %mul3A_138, %dma_wait3A] : memref<2x10000x64xf32, #tpu.memory_space<hbm>> -> memref<1x200x64xf32, #tpu.memory_space<hbm>>
        %dma_wait3A_145 = tpu.memref_squeeze %dma_wait3A_144 : memref<1x200x64xf32, #tpu.memory_space<hbm>> -> memref<200x64xf32, #tpu.memory_space<hbm>>
        %dma_wait3A_146 = arith.constant 0 : i32
        %dma_wait3A_147 = tpu.memref_slice %arg14[%mul3A_136, %dma_wait3A_146] : memref<10008x64xf32, #tpu.memory_space<vmem_shared>> -> memref<200x64xf32, #tpu.memory_space<vmem_shared>>
        tpu.wait_dma2 semaphore(%run_scoped3A : memref<!tpu.dma_semaphore, #tpu.memory_space<semaphore_mem>>) src(%dma_wait3A_147 : memref<200x64xf32, #tpu.memory_space<vmem_shared>>) dst(%dma_wait3A_145 : memref<200x64xf32, #tpu.memory_space<hbm>>)
        tpu.yield
      }) : () -> ()
    } else {
    }
    %add3A_128 = arith.constant 48 : i32
    %add3A_129 = arith.addi %arg1, %add3A_128 : i32
    %lt3A_130 = arith.constant 50 : i32
    %lt3A_131 = arith.cmpi slt, %add3A_129, %lt3A_130 : i32
    %convert_element_type3A_132 = arith.extui %lt3A_131 : i1 to i32
    %cond3A_133 = arith.constant 0 : i32
    %cond3A_134 = arith.cmpi ne, %convert_element_type3A_132, %cond3A_133 : i32
    scf.if %cond3A_134 {
      %mul3A_135 = arith.constant 200 : i32
      %mul3A_136 = arith.muli %add3A_129, %mul3A_135 : i32
      %mul3A_137 = arith.constant 200 : i32
      %mul3A_138 = arith.muli %add3A_129, %mul3A_137 : i32
      "tpu.region"() ({
        %run_scoped3A = tpu.sem_alloc : memref<!tpu.dma_semaphore, #tpu.memory_space<semaphore_mem>>
        %dma_start3A_139 = arith.constant 0 : i32
        %dma_start3A_140 = tpu.memref_slice %arg5[%arg0, %mul3A_138, %dma_start3A_139] : memref<2x10000x64xf32, #tpu.memory_space<hbm>> -> memref<1x200x64xf32, #tpu.memory_space<hbm>>
        %dma_start3A_141 = tpu.memref_squeeze %dma_start3A_140 : memref<1x200x64xf32, #tpu.memory_space<hbm>> -> memref<200x64xf32, #tpu.memory_space<hbm>>
        %dma_start3A_142 = arith.constant 0 : i32
        %dma_start3A_143 = tpu.memref_slice %arg14[%mul3A_136, %dma_start3A_142] : memref<10008x64xf32, #tpu.memory_space<vmem_shared>> -> memref<200x64xf32, #tpu.memory_space<vmem_shared>>
        tpu.enqueue_dma source(%dma_start3A_143 : memref<200x64xf32, #tpu.memory_space<vmem_shared>>) target(%dma_start3A_141 : memref<200x64xf32, #tpu.memory_space<hbm>>) target_semaphore(%run_scoped3A : memref<!tpu.dma_semaphore, #tpu.memory_space<semaphore_mem>>)
        %dma_wait3A = arith.constant 0 : i32
        %dma_wait3A_144 = tpu.memref_slice %arg5[%arg0, %mul3A_138, %dma_wait3A] : memref<2x10000x64xf32, #tpu.memory_space<hbm>> -> memref<1x200x64xf32, #tpu.memory_space<hbm>>
        %dma_wait3A_145 = tpu.memref_squeeze %dma_wait3A_144 : memref<1x200x64xf32, #tpu.memory_space<hbm>> -> memref<200x64xf32, #tpu.memory_space<hbm>>
        %dma_wait3A_146 = arith.constant 0 : i32
        %dma_wait3A_147 = tpu.memref_slice %arg14[%mul3A_136, %dma_wait3A_146] : memref<10008x64xf32, #tpu.memory_space<vmem_shared>> -> memref<200x64xf32, #tpu.memory_space<vmem_shared>>
        tpu.wait_dma2 semaphore(%run_scoped3A : memref<!tpu.dma_semaphore, #tpu.memory_space<semaphore_mem>>) src(%dma_wait3A_147 : memref<200x64xf32, #tpu.memory_space<vmem_shared>>) dst(%dma_wait3A_145 : memref<200x64xf32, #tpu.memory_space<hbm>>)
        tpu.yield
      }) : () -> ()
    } else {
    }
    return
  }
}

#map = affine_map<(d0, d1) -> (0, 0, 0)>
module attributes {stable_mosaic.version = 14 : i64} {
  func.func @_cnt_body(%arg0: i32, %arg1: i32, %arg2: memref<32x80x128xi32, #tpu.memory_space<hbm>>, %arg3: memref<2x10000x16xf32, #tpu.memory_space<hbm>>, %arg4: memref<80x128xi32, #tpu.memory_space<vmem>>, %arg5: memref<128x16xf32, #tpu.memory_space<vmem>>, %arg6: memref<200x16xf32, #tpu.memory_space<vmem>>, %arg7: memref<10008x16xf32, #tpu.memory_space<vmem_shared>>, %arg8: memref<!tpu.dma_semaphore, #tpu.memory_space<semaphore_mem>>) attributes {dimension_semantics = [#tpu.dimension_semantics<core_parallel>, #tpu.dimension_semantics<subcore_parallel>], iteration_bounds = array<i64: 2, 16>, scalar_prefetch = 0 : i64, scratch_operands = 5 : i64, tpu.core_type = #tpu.core_type<sc_vector_subcore>, window_params = [{transform_indices = #map}, {transform_indices = #map}]} {
    %mul3A = arith.constant 16 : i32
    %mul3A_0 = arith.muli %arg0, %mul3A : i32
    %add3A = arith.addi %mul3A_0, %arg1 : i32
    "tpu.region"() ({
      %run_scoped3A = tpu.sem_alloc : memref<!tpu.dma_semaphore, #tpu.memory_space<semaphore_mem>>
      %dma_start3A = arith.constant 0 : i32
      %dma_start3A_124 = arith.constant 0 : i32
      %dma_start3A_125 = tpu.memref_slice %arg2[%add3A, %dma_start3A, %dma_start3A_124] : memref<32x80x128xi32, #tpu.memory_space<hbm>> -> memref<1x80x128xi32, #tpu.memory_space<hbm>>
      %dma_start3A_126 = tpu.memref_squeeze %dma_start3A_125 : memref<1x80x128xi32, #tpu.memory_space<hbm>> -> memref<80x128xi32, #tpu.memory_space<hbm>>
      %dma_start3A_127 = arith.constant 0 : i32
      %dma_start3A_128 = arith.constant 0 : i32
      %dma_start3A_129 = tpu.memref_slice %arg2[%add3A, %dma_start3A_127, %dma_start3A_128] : memref<32x80x128xi32, #tpu.memory_space<hbm>> -> memref<1x80x128xi32, #tpu.memory_space<hbm>>
      %dma_start3A_130 = tpu.memref_squeeze %dma_start3A_129 : memref<1x80x128xi32, #tpu.memory_space<hbm>> -> memref<80x128xi32, #tpu.memory_space<hbm>>
      tpu.enqueue_dma source(%dma_start3A_130 : memref<80x128xi32, #tpu.memory_space<hbm>>) target(%arg4 : memref<80x128xi32, #tpu.memory_space<vmem>>) target_semaphore(%run_scoped3A : memref<!tpu.dma_semaphore, #tpu.memory_space<semaphore_mem>>)
      %dma_wait3A_131 = arith.constant 0 : i32
      %dma_wait3A_132 = arith.constant 0 : i32
      %dma_wait3A_133 = tpu.memref_slice %arg2[%add3A, %dma_wait3A_131, %dma_wait3A_132] : memref<32x80x128xi32, #tpu.memory_space<hbm>> -> memref<1x80x128xi32, #tpu.memory_space<hbm>>
      %dma_wait3A_134 = tpu.memref_squeeze %dma_wait3A_133 : memref<1x80x128xi32, #tpu.memory_space<hbm>> -> memref<80x128xi32, #tpu.memory_space<hbm>>
      %dma_wait3A_135 = arith.constant 0 : i32
      %dma_wait3A_136 = arith.constant 0 : i32
      %dma_wait3A_137 = tpu.memref_slice %arg2[%add3A, %dma_wait3A_135, %dma_wait3A_136] : memref<32x80x128xi32, #tpu.memory_space<hbm>> -> memref<1x80x128xi32, #tpu.memory_space<hbm>>
      %dma_wait3A_138 = tpu.memref_squeeze %dma_wait3A_137 : memref<1x80x128xi32, #tpu.memory_space<hbm>> -> memref<80x128xi32, #tpu.memory_space<hbm>>
      tpu.wait_dma2 semaphore(%run_scoped3A : memref<!tpu.dma_semaphore, #tpu.memory_space<semaphore_mem>>) src(%dma_wait3A_138 : memref<80x128xi32, #tpu.memory_space<hbm>>) dst(%arg4 : memref<80x128xi32, #tpu.memory_space<vmem>>)
      tpu.yield
    }) : () -> ()
    %scan3A = arith.constant 0 : i32
    %scan3A_1 = arith.constant 200 : i32
    %scan3A_2 = arith.addi %scan3A, %scan3A_1 : i32
    %scan3A_3 = arith.constant 1 : i32
    scf.for %scan3A_124 = %scan3A to %scan3A_2 step %scan3A_3  : i32 {
      %broadcast_in_dim3A = arith.constant 0.000000e+00 : f32
      %broadcast_in_dim3A_125 = vector.broadcast %broadcast_in_dim3A : f32 to vector<16xf32>
      %jit3A = arith.constant 1 : i32
      %div3A = arith.divsi %scan3A_124, %jit3A : i32
      %sign3A = arith.constant 0 : i32
      %sign3A_126 = arith.cmpi sgt, %scan3A_124, %sign3A : i32
      %sign3A_127 = arith.extui %sign3A_126 : i1 to i32
      %sign3A_128 = arith.constant 0 : i32
      %sign3A_129 = arith.cmpi slt, %scan3A_124, %sign3A_128 : i32
      %sign3A_130 = arith.extui %sign3A_129 : i1 to i32
      %sign3A_131 = arith.subi %sign3A_127, %sign3A_130 : i32
      %sign3A_132 = arith.constant 0 : i32
      %sign3A_133 = arith.cmpi sgt, %jit3A, %sign3A_132 : i32
      %sign3A_134 = arith.extui %sign3A_133 : i1 to i32
      %sign3A_135 = arith.constant 0 : i32
      %sign3A_136 = arith.cmpi slt, %jit3A, %sign3A_135 : i32
      %sign3A_137 = arith.extui %sign3A_136 : i1 to i32
      %sign3A_138 = arith.subi %sign3A_134, %sign3A_137 : i32
      %ne3A = arith.cmpi ne, %sign3A_131, %sign3A_138 : i32
      %rem3A = arith.remsi %scan3A_124, %jit3A : i32
      %ne3A_139 = arith.constant 0 : i32
      %ne3A_140 = arith.cmpi ne, %rem3A, %ne3A_139 : i32
      %and3A = arith.andi %ne3A, %ne3A_140 : i1
      %sub3A = arith.constant 1 : i32
      %sub3A_141 = arith.subi %div3A, %sub3A : i32
      %select_n3A = arith.select %and3A, %sub3A_141, %div3A : i32
      %jit3A_142 = arith.constant 1 : i32
      %eq3A = arith.constant 0 : i32
      %eq3A_143 = arith.cmpi eq, %jit3A_142, %eq3A : i32
      %jit3A_144 = arith.constant 1 : i32
      %select_n3A_145 = arith.select %eq3A_143, %jit3A_144, %jit3A_142 : i32
      %rem3A_146 = arith.remsi %scan3A_124, %select_n3A_145 : i32
      %ne3A_147 = arith.constant 0 : i32
      %ne3A_148 = arith.cmpi ne, %rem3A_146, %ne3A_147 : i32
      %lt3A_149 = arith.constant 0 : i32
      %lt3A_150 = arith.cmpi slt, %rem3A_146, %lt3A_149 : i32
      %lt3A_151 = arith.constant 0 : i32
      %lt3A_152 = arith.cmpi slt, %select_n3A_145, %lt3A_151 : i32
      %ne3A_153 = arith.xori %lt3A_150, %lt3A_152 : i1
      %and3A_154 = arith.andi %ne3A_153, %ne3A_148 : i1
      %add3A_155 = arith.addi %rem3A_146, %select_n3A_145 : i32
      %select_n3A_156 = arith.select %and3A_154, %add3A_155, %rem3A_146 : i32
      %mul3A_157 = arith.constant 16 : i32
      %mul3A_158 = arith.muli %select_n3A_156, %mul3A_157 : i32
      %swap3A = arith.index_cast %select_n3A : i32 to index
      %swap3A_159 = arith.index_cast %mul3A_158 : i32 to index
      %swap3A_160 = tpu.vector_load %arg6[%swap3A, %swap3A_159] {strides = array<i32>} : memref<200x16xf32, #tpu.memory_space<vmem>>, vector<1x16xf32>,
      %swap3A_161 = vector.shape_cast %swap3A_160 : vector<1x16xf32> to vector<16xf32>
      %swap3A_162 = vector.shape_cast %broadcast_in_dim3A_125 : vector<16xf32> to vector<1x16xf32>
      tpu.vector_store %arg6[%swap3A, %swap3A_159], %swap3A_162 {strides = array<i32>} : memref<200x16xf32, #tpu.memory_space<vmem>>, vector<1x16xf32>,
    }
    %scan3A_4 = arith.constant 200 : i32
    %scan3A_5 = arith.constant 0 : i32
    %scan3A_6 = arith.constant 128 : i32
    %scan3A_7 = arith.addi %scan3A_5, %scan3A_6 : i32
    %scan3A_8 = arith.constant 1 : i32
    scf.for %scan3A_124 = %scan3A_5 to %scan3A_7 step %scan3A_8  : i32 {
      %broadcast_in_dim3A = arith.constant 1.000000e+00 : f32
      %broadcast_in_dim3A_125 = vector.broadcast %broadcast_in_dim3A : f32 to vector<16xf32>
      %swap3A = arith.index_cast %scan3A_124 : i32 to index
      %swap3A_126 = arith.constant 0 : index
      %swap3A_127 = tpu.vector_load %arg5[%swap3A, %swap3A_126] {strides = array<i32>} : memref<128x16xf32, #tpu.memory_space<vmem>>, vector<1x16xf32>,
      %swap3A_128 = vector.shape_cast %swap3A_127 : vector<1x16xf32> to vector<16xf32>
      %swap3A_129 = vector.shape_cast %broadcast_in_dim3A_125 : vector<16xf32> to vector<1x16xf32>
      tpu.vector_store %arg5[%swap3A, %swap3A_126], %swap3A_129 {strides = array<i32>} : memref<128x16xf32, #tpu.memory_space<vmem>>, vector<1x16xf32>,
    }
    %scan3A_9 = arith.constant 128 : i32
    %add3A_10 = arith.constant 0 : i32
    %add3A_11 = arith.addi %arg1, %add3A_10 : i32
    %lt3A = arith.constant 50 : i32
    %lt3A_12 = arith.cmpi slt, %add3A_11, %lt3A : i32
    %convert_element_type3A = arith.extui %lt3A_12 : i1 to i32
    %cond3A = arith.constant 0 : i32
    %cond3A_13 = arith.cmpi ne, %convert_element_type3A, %cond3A : i32
    scf.if %cond3A_13 {
      %mul3A_124 = arith.constant 200 : i32
      %mul3A_125 = arith.muli %add3A_11, %mul3A_124 : i32
      "tpu.region"() ({
        %run_scoped3A = tpu.sem_alloc : memref<!tpu.dma_semaphore, #tpu.memory_space<semaphore_mem>>
        %dma_start3A = arith.constant 0 : i32
        %dma_start3A_126 = tpu.memref_slice %arg7[%mul3A_125, %dma_start3A] : memref<10008x16xf32, #tpu.memory_space<vmem_shared>> -> memref<200x16xf32, #tpu.memory_space<vmem_shared>>
        %dma_start3A_127 = arith.constant 0 : i32
        %dma_start3A_128 = tpu.memref_slice %arg7[%mul3A_125, %dma_start3A_127] : memref<10008x16xf32, #tpu.memory_space<vmem_shared>> -> memref<200x16xf32, #tpu.memory_space<vmem_shared>>
        tpu.enqueue_dma source(%arg6 : memref<200x16xf32, #tpu.memory_space<vmem>>) target(%dma_start3A_128 : memref<200x16xf32, #tpu.memory_space<vmem_shared>>) target_semaphore(%run_scoped3A : memref<!tpu.dma_semaphore, #tpu.memory_space<semaphore_mem>>)
        %dma_wait3A_129 = arith.constant 0 : i32
        %dma_wait3A_130 = tpu.memref_slice %arg7[%mul3A_125, %dma_wait3A_129] : memref<10008x16xf32, #tpu.memory_space<vmem_shared>> -> memref<200x16xf32, #tpu.memory_space<vmem_shared>>
        %dma_wait3A_131 = arith.constant 0 : i32
        %dma_wait3A_132 = tpu.memref_slice %arg7[%mul3A_125, %dma_wait3A_131] : memref<10008x16xf32, #tpu.memory_space<vmem_shared>> -> memref<200x16xf32, #tpu.memory_space<vmem_shared>>
        tpu.wait_dma2 semaphore(%run_scoped3A : memref<!tpu.dma_semaphore, #tpu.memory_space<semaphore_mem>>) src(%arg6 : memref<200x16xf32, #tpu.memory_space<vmem>>) dst(%dma_wait3A_132 : memref<200x16xf32, #tpu.memory_space<vmem_shared>>)
        tpu.yield
      }) : () -> ()
    } else {
    }
    %add3A_14 = arith.constant 16 : i32
    %add3A_15 = arith.addi %arg1, %add3A_14 : i32
    %lt3A_16 = arith.constant 50 : i32
    %lt3A_17 = arith.cmpi slt, %add3A_15, %lt3A_16 : i32
    %convert_element_type3A_18 = arith.extui %lt3A_17 : i1 to i32
    %cond3A_19 = arith.constant 0 : i32
    %cond3A_20 = arith.cmpi ne, %convert_element_type3A_18, %cond3A_19 : i32
    scf.if %cond3A_20 {
      %mul3A_124 = arith.constant 200 : i32
      %mul3A_125 = arith.muli %add3A_15, %mul3A_124 : i32
      "tpu.region"() ({
        %run_scoped3A = tpu.sem_alloc : memref<!tpu.dma_semaphore, #tpu.memory_space<semaphore_mem>>
        %dma_start3A = arith.constant 0 : i32
        %dma_start3A_126 = tpu.memref_slice %arg7[%mul3A_125, %dma_start3A] : memref<10008x16xf32, #tpu.memory_space<vmem_shared>> -> memref<200x16xf32, #tpu.memory_space<vmem_shared>>
        %dma_start3A_127 = arith.constant 0 : i32
        %dma_start3A_128 = tpu.memref_slice %arg7[%mul3A_125, %dma_start3A_127] : memref<10008x16xf32, #tpu.memory_space<vmem_shared>> -> memref<200x16xf32, #tpu.memory_space<vmem_shared>>
        tpu.enqueue_dma source(%arg6 : memref<200x16xf32, #tpu.memory_space<vmem>>) target(%dma_start3A_128 : memref<200x16xf32, #tpu.memory_space<vmem_shared>>) target_semaphore(%run_scoped3A : memref<!tpu.dma_semaphore, #tpu.memory_space<semaphore_mem>>)
        %dma_wait3A_129 = arith.constant 0 : i32
        %dma_wait3A_130 = tpu.memref_slice %arg7[%mul3A_125, %dma_wait3A_129] : memref<10008x16xf32, #tpu.memory_space<vmem_shared>> -> memref<200x16xf32, #tpu.memory_space<vmem_shared>>
        %dma_wait3A_131 = arith.constant 0 : i32
        %dma_wait3A_132 = tpu.memref_slice %arg7[%mul3A_125, %dma_wait3A_131] : memref<10008x16xf32, #tpu.memory_space<vmem_shared>> -> memref<200x16xf32, #tpu.memory_space<vmem_shared>>
        tpu.wait_dma2 semaphore(%run_scoped3A : memref<!tpu.dma_semaphore, #tpu.memory_space<semaphore_mem>>) src(%arg6 : memref<200x16xf32, #tpu.memory_space<vmem>>) dst(%dma_wait3A_132 : memref<200x16xf32, #tpu.memory_space<vmem_shared>>)
        tpu.yield
      }) : () -> ()
    } else {
    }
    %add3A_21 = arith.constant 32 : i32
    %add3A_22 = arith.addi %arg1, %add3A_21 : i32
    %lt3A_23 = arith.constant 50 : i32
    %lt3A_24 = arith.cmpi slt, %add3A_22, %lt3A_23 : i32
    %convert_element_type3A_25 = arith.extui %lt3A_24 : i1 to i32
    %cond3A_26 = arith.constant 0 : i32
    %cond3A_27 = arith.cmpi ne, %convert_element_type3A_25, %cond3A_26 : i32
    scf.if %cond3A_27 {
      %mul3A_124 = arith.constant 200 : i32
      %mul3A_125 = arith.muli %add3A_22, %mul3A_124 : i32
      "tpu.region"() ({
        %run_scoped3A = tpu.sem_alloc : memref<!tpu.dma_semaphore, #tpu.memory_space<semaphore_mem>>
        %dma_start3A = arith.constant 0 : i32
        %dma_start3A_126 = tpu.memref_slice %arg7[%mul3A_125, %dma_start3A] : memref<10008x16xf32, #tpu.memory_space<vmem_shared>> -> memref<200x16xf32, #tpu.memory_space<vmem_shared>>
        %dma_start3A_127 = arith.constant 0 : i32
        %dma_start3A_128 = tpu.memref_slice %arg7[%mul3A_125, %dma_start3A_127] : memref<10008x16xf32, #tpu.memory_space<vmem_shared>> -> memref<200x16xf32, #tpu.memory_space<vmem_shared>>
        tpu.enqueue_dma source(%arg6 : memref<200x16xf32, #tpu.memory_space<vmem>>) target(%dma_start3A_128 : memref<200x16xf32, #tpu.memory_space<vmem_shared>>) target_semaphore(%run_scoped3A : memref<!tpu.dma_semaphore, #tpu.memory_space<semaphore_mem>>)
        %dma_wait3A_129 = arith.constant 0 : i32
        %dma_wait3A_130 = tpu.memref_slice %arg7[%mul3A_125, %dma_wait3A_129] : memref<10008x16xf32, #tpu.memory_space<vmem_shared>> -> memref<200x16xf32, #tpu.memory_space<vmem_shared>>
        %dma_wait3A_131 = arith.constant 0 : i32
        %dma_wait3A_132 = tpu.memref_slice %arg7[%mul3A_125, %dma_wait3A_131] : memref<10008x16xf32, #tpu.memory_space<vmem_shared>> -> memref<200x16xf32, #tpu.memory_space<vmem_shared>>
        tpu.wait_dma2 semaphore(%run_scoped3A : memref<!tpu.dma_semaphore, #tpu.memory_space<semaphore_mem>>) src(%arg6 : memref<200x16xf32, #tpu.memory_space<vmem>>) dst(%dma_wait3A_132 : memref<200x16xf32, #tpu.memory_space<vmem_shared>>)
        tpu.yield
      }) : () -> ()
    } else {
    }
    %add3A_28 = arith.constant 48 : i32
    %add3A_29 = arith.addi %arg1, %add3A_28 : i32
    %lt3A_30 = arith.constant 50 : i32
    %lt3A_31 = arith.cmpi slt, %add3A_29, %lt3A_30 : i32
    %convert_element_type3A_32 = arith.extui %lt3A_31 : i1 to i32
    %cond3A_33 = arith.constant 0 : i32
    %cond3A_34 = arith.cmpi ne, %convert_element_type3A_32, %cond3A_33 : i32
    scf.if %cond3A_34 {
      %mul3A_124 = arith.constant 200 : i32
      %mul3A_125 = arith.muli %add3A_29, %mul3A_124 : i32
      "tpu.region"() ({
        %run_scoped3A = tpu.sem_alloc : memref<!tpu.dma_semaphore, #tpu.memory_space<semaphore_mem>>
        %dma_start3A = arith.constant 0 : i32
        %dma_start3A_126 = tpu.memref_slice %arg7[%mul3A_125, %dma_start3A] : memref<10008x16xf32, #tpu.memory_space<vmem_shared>> -> memref<200x16xf32, #tpu.memory_space<vmem_shared>>
        %dma_start3A_127 = arith.constant 0 : i32
        %dma_start3A_128 = tpu.memref_slice %arg7[%mul3A_125, %dma_start3A_127] : memref<10008x16xf32, #tpu.memory_space<vmem_shared>> -> memref<200x16xf32, #tpu.memory_space<vmem_shared>>
        tpu.enqueue_dma source(%arg6 : memref<200x16xf32, #tpu.memory_space<vmem>>) target(%dma_start3A_128 : memref<200x16xf32, #tpu.memory_space<vmem_shared>>) target_semaphore(%run_scoped3A : memref<!tpu.dma_semaphore, #tpu.memory_space<semaphore_mem>>)
        %dma_wait3A_129 = arith.constant 0 : i32
        %dma_wait3A_130 = tpu.memref_slice %arg7[%mul3A_125, %dma_wait3A_129] : memref<10008x16xf32, #tpu.memory_space<vmem_shared>> -> memref<200x16xf32, #tpu.memory_space<vmem_shared>>
        %dma_wait3A_131 = arith.constant 0 : i32
        %dma_wait3A_132 = tpu.memref_slice %arg7[%mul3A_125, %dma_wait3A_131] : memref<10008x16xf32, #tpu.memory_space<vmem_shared>> -> memref<200x16xf32, #tpu.memory_space<vmem_shared>>
        tpu.wait_dma2 semaphore(%run_scoped3A : memref<!tpu.dma_semaphore, #tpu.memory_space<semaphore_mem>>) src(%arg6 : memref<200x16xf32, #tpu.memory_space<vmem>>) dst(%dma_wait3A_132 : memref<200x16xf32, #tpu.memory_space<vmem_shared>>)
        tpu.yield
      }) : () -> ()
    } else {
    }
    %barrier3A = arith.constant 0 : index
    tpu.barrier barrier_id(%barrier3A)
    %scan3A_35 = arith.constant 0 : i32
    %scan3A_36 = arith.constant 80 : i32
    %scan3A_37 = arith.addi %scan3A_35, %scan3A_36 : i32
    %scan3A_38 = arith.constant 1 : i32
    scf.for %scan3A_124 = %scan3A_35 to %scan3A_37 step %scan3A_38  : i32 {
      %dma_start3A = arith.constant 0 : i32
      %dma_start3A_125 = tpu.memref_slice %arg4[%scan3A_124, %dma_start3A] : memref<80x128xi32, #tpu.memory_space<vmem>> -> memref<1x128xi32, #tpu.memory_space<vmem>>
      %dma_start3A_126 = tpu.memref_squeeze %dma_start3A_125 : memref<1x128xi32, #tpu.memory_space<vmem>> -> memref<128xi32, #tpu.memory_space<vmem>>
      %dma_start3A_127 = arith.constant 0 : i32
      %dma_start3A_128 = arith.constant 0 : i32
      %dma_start3A_129 = tpu.memref_slice %arg7[%dma_start3A_127, %dma_start3A_128] : memref<10008x16xf32, #tpu.memory_space<vmem_shared>> -> memref<10008x16xf32, #tpu.memory_space<vmem_shared>>
      tpu.enqueue_indirect_dma source(%arg5 : memref<128x16xf32, #tpu.memory_space<vmem>>) target(%dma_start3A_129 : memref<10008x16xf32, #tpu.memory_space<vmem_shared>>) offsets(%dma_start3A_126 : memref<128xi32, #tpu.memory_space<vmem>>) semaphore(%arg8 : memref<!tpu.dma_semaphore, #tpu.memory_space<semaphore_mem>>) {add = true}
      %ge3A = arith.constant 8 : i32
      %ge3A_130 = arith.cmpi sge, %scan3A_124, %ge3A : i32
      %convert_element_type3A_131 = arith.extui %ge3A_130 : i1 to i32
      %cond3A_132 = arith.constant 0 : i32
      %cond3A_133 = arith.cmpi ne, %convert_element_type3A_131, %cond3A_132 : i32
      scf.if %cond3A_133 {
        %dma_wait3A_134 = arith.constant 0 : i32
        %dma_wait3A_135 = arith.constant 0 : i32
        %dma_wait3A_136 = tpu.memref_slice %arg4[%dma_wait3A_134, %dma_wait3A_135] : memref<80x128xi32, #tpu.memory_space<vmem>> -> memref<1x128xi32, #tpu.memory_space<vmem>>
        %dma_wait3A_137 = tpu.memref_squeeze %dma_wait3A_136 : memref<1x128xi32, #tpu.memory_space<vmem>> -> memref<128xi32, #tpu.memory_space<vmem>>
        %dma_wait3A_138 = arith.constant 0 : i32
        %dma_wait3A_139 = arith.constant 0 : i32
        %dma_wait3A_140 = tpu.memref_slice %arg7[%dma_wait3A_138, %dma_wait3A_139] : memref<10008x16xf32, #tpu.memory_space<vmem_shared>> -> memref<10008x16xf32, #tpu.memory_space<vmem_shared>>
        tpu.wait_indirect_dma semaphore(%arg8 : memref<!tpu.dma_semaphore, #tpu.memory_space<semaphore_mem>>) src(%arg5 : memref<128x16xf32, #tpu.memory_space<vmem>>) dst(%dma_wait3A_140 : memref<10008x16xf32, #tpu.memory_space<vmem_shared>>)
      } else {
      }
    }
    %scan3A_39 = arith.constant 80 : i32
    %dma_wait3A = arith.constant 0 : i32
    %dma_wait3A_40 = arith.constant 0 : i32
    %dma_wait3A_41 = tpu.memref_slice %arg4[%dma_wait3A, %dma_wait3A_40] : memref<80x128xi32, #tpu.memory_space<vmem>> -> memref<1x128xi32, #tpu.memory_space<vmem>>
    %dma_wait3A_42 = tpu.memref_squeeze %dma_wait3A_41 : memref<1x128xi32, #tpu.memory_space<vmem>> -> memref<128xi32, #tpu.memory_space<vmem>>
    %dma_wait3A_43 = arith.constant 0 : i32
    %dma_wait3A_44 = arith.constant 0 : i32
    %dma_wait3A_45 = tpu.memref_slice %arg7[%dma_wait3A_43, %dma_wait3A_44] : memref<10008x16xf32, #tpu.memory_space<vmem_shared>> -> memref<10008x16xf32, #tpu.memory_space<vmem_shared>>
    tpu.wait_indirect_dma semaphore(%arg8 : memref<!tpu.dma_semaphore, #tpu.memory_space<semaphore_mem>>) src(%arg5 : memref<128x16xf32, #tpu.memory_space<vmem>>) dst(%dma_wait3A_45 : memref<10008x16xf32, #tpu.memory_space<vmem_shared>>)
    %dma_wait3A_46 = arith.constant 0 : i32
    %dma_wait3A_47 = arith.constant 0 : i32
    %dma_wait3A_48 = tpu.memref_slice %arg4[%dma_wait3A_46, %dma_wait3A_47] : memref<80x128xi32, #tpu.memory_space<vmem>> -> memref<1x128xi32, #tpu.memory_space<vmem>>
    %dma_wait3A_49 = tpu.memref_squeeze %dma_wait3A_48 : memref<1x128xi32, #tpu.memory_space<vmem>> -> memref<128xi32, #tpu.memory_space<vmem>>
    %dma_wait3A_50 = arith.constant 0 : i32
    %dma_wait3A_51 = arith.constant 0 : i32
    %dma_wait3A_52 = tpu.memref_slice %arg7[%dma_wait3A_50, %dma_wait3A_51] : memref<10008x16xf32, #tpu.memory_space<vmem_shared>> -> memref<10008x16xf32, #tpu.memory_space<vmem_shared>>
    tpu.wait_indirect_dma semaphore(%arg8 : memref<!tpu.dma_semaphore, #tpu.memory_space<semaphore_mem>>) src(%arg5 : memref<128x16xf32, #tpu.memory_space<vmem>>) dst(%dma_wait3A_52 : memref<10008x16xf32, #tpu.memory_space<vmem_shared>>)
    %dma_wait3A_53 = arith.constant 0 : i32
    %dma_wait3A_54 = arith.constant 0 : i32
    %dma_wait3A_55 = tpu.memref_slice %arg4[%dma_wait3A_53, %dma_wait3A_54] : memref<80x128xi32, #tpu.memory_space<vmem>> -> memref<1x128xi32, #tpu.memory_space<vmem>>
    %dma_wait3A_56 = tpu.memref_squeeze %dma_wait3A_55 : memref<1x128xi32, #tpu.memory_space<vmem>> -> memref<128xi32, #tpu.memory_space<vmem>>
    %dma_wait3A_57 = arith.constant 0 : i32
    %dma_wait3A_58 = arith.constant 0 : i32
    %dma_wait3A_59 = tpu.memref_slice %arg7[%dma_wait3A_57, %dma_wait3A_58] : memref<10008x16xf32, #tpu.memory_space<vmem_shared>> -> memref<10008x16xf32, #tpu.memory_space<vmem_shared>>
    tpu.wait_indirect_dma semaphore(%arg8 : memref<!tpu.dma_semaphore, #tpu.memory_space<semaphore_mem>>) src(%arg5 : memref<128x16xf32, #tpu.memory_space<vmem>>) dst(%dma_wait3A_59 : memref<10008x16xf32, #tpu.memory_space<vmem_shared>>)
    %dma_wait3A_60 = arith.constant 0 : i32
    %dma_wait3A_61 = arith.constant 0 : i32
    %dma_wait3A_62 = tpu.memref_slice %arg4[%dma_wait3A_60, %dma_wait3A_61] : memref<80x128xi32, #tpu.memory_space<vmem>> -> memref<1x128xi32, #tpu.memory_space<vmem>>
    %dma_wait3A_63 = tpu.memref_squeeze %dma_wait3A_62 : memref<1x128xi32, #tpu.memory_space<vmem>> -> memref<128xi32, #tpu.memory_space<vmem>>
    %dma_wait3A_64 = arith.constant 0 : i32
    %dma_wait3A_65 = arith.constant 0 : i32
    %dma_wait3A_66 = tpu.memref_slice %arg7[%dma_wait3A_64, %dma_wait3A_65] : memref<10008x16xf32, #tpu.memory_space<vmem_shared>> -> memref<10008x16xf32, #tpu.memory_space<vmem_shared>>
    tpu.wait_indirect_dma semaphore(%arg8 : memref<!tpu.dma_semaphore, #tpu.memory_space<semaphore_mem>>) src(%arg5 : memref<128x16xf32, #tpu.memory_space<vmem>>) dst(%dma_wait3A_66 : memref<10008x16xf32, #tpu.memory_space<vmem_shared>>)
    %dma_wait3A_67 = arith.constant 0 : i32
    %dma_wait3A_68 = arith.constant 0 : i32
    %dma_wait3A_69 = tpu.memref_slice %arg4[%dma_wait3A_67, %dma_wait3A_68] : memref<80x128xi32, #tpu.memory_space<vmem>> -> memref<1x128xi32, #tpu.memory_space<vmem>>
    %dma_wait3A_70 = tpu.memref_squeeze %dma_wait3A_69 : memref<1x128xi32, #tpu.memory_space<vmem>> -> memref<128xi32, #tpu.memory_space<vmem>>
    %dma_wait3A_71 = arith.constant 0 : i32
    %dma_wait3A_72 = arith.constant 0 : i32
    %dma_wait3A_73 = tpu.memref_slice %arg7[%dma_wait3A_71, %dma_wait3A_72] : memref<10008x16xf32, #tpu.memory_space<vmem_shared>> -> memref<10008x16xf32, #tpu.memory_space<vmem_shared>>
    tpu.wait_indirect_dma semaphore(%arg8 : memref<!tpu.dma_semaphore, #tpu.memory_space<semaphore_mem>>) src(%arg5 : memref<128x16xf32, #tpu.memory_space<vmem>>) dst(%dma_wait3A_73 : memref<10008x16xf32, #tpu.memory_space<vmem_shared>>)
    %dma_wait3A_74 = arith.constant 0 : i32
    %dma_wait3A_75 = arith.constant 0 : i32
    %dma_wait3A_76 = tpu.memref_slice %arg4[%dma_wait3A_74, %dma_wait3A_75] : memref<80x128xi32, #tpu.memory_space<vmem>> -> memref<1x128xi32, #tpu.memory_space<vmem>>
    %dma_wait3A_77 = tpu.memref_squeeze %dma_wait3A_76 : memref<1x128xi32, #tpu.memory_space<vmem>> -> memref<128xi32, #tpu.memory_space<vmem>>
    %dma_wait3A_78 = arith.constant 0 : i32
    %dma_wait3A_79 = arith.constant 0 : i32
    %dma_wait3A_80 = tpu.memref_slice %arg7[%dma_wait3A_78, %dma_wait3A_79] : memref<10008x16xf32, #tpu.memory_space<vmem_shared>> -> memref<10008x16xf32, #tpu.memory_space<vmem_shared>>
    tpu.wait_indirect_dma semaphore(%arg8 : memref<!tpu.dma_semaphore, #tpu.memory_space<semaphore_mem>>) src(%arg5 : memref<128x16xf32, #tpu.memory_space<vmem>>) dst(%dma_wait3A_80 : memref<10008x16xf32, #tpu.memory_space<vmem_shared>>)
    %dma_wait3A_81 = arith.constant 0 : i32
    %dma_wait3A_82 = arith.constant 0 : i32
    %dma_wait3A_83 = tpu.memref_slice %arg4[%dma_wait3A_81, %dma_wait3A_82] : memref<80x128xi32, #tpu.memory_space<vmem>> -> memref<1x128xi32, #tpu.memory_space<vmem>>
    %dma_wait3A_84 = tpu.memref_squeeze %dma_wait3A_83 : memref<1x128xi32, #tpu.memory_space<vmem>> -> memref<128xi32, #tpu.memory_space<vmem>>
    %dma_wait3A_85 = arith.constant 0 : i32
    %dma_wait3A_86 = arith.constant 0 : i32
    %dma_wait3A_87 = tpu.memref_slice %arg7[%dma_wait3A_85, %dma_wait3A_86] : memref<10008x16xf32, #tpu.memory_space<vmem_shared>> -> memref<10008x16xf32, #tpu.memory_space<vmem_shared>>
    tpu.wait_indirect_dma semaphore(%arg8 : memref<!tpu.dma_semaphore, #tpu.memory_space<semaphore_mem>>) src(%arg5 : memref<128x16xf32, #tpu.memory_space<vmem>>) dst(%dma_wait3A_87 : memref<10008x16xf32, #tpu.memory_space<vmem_shared>>)
    %dma_wait3A_88 = arith.constant 0 : i32
    %dma_wait3A_89 = arith.constant 0 : i32
    %dma_wait3A_90 = tpu.memref_slice %arg4[%dma_wait3A_88, %dma_wait3A_89] : memref<80x128xi32, #tpu.memory_space<vmem>> -> memref<1x128xi32, #tpu.memory_space<vmem>>
    %dma_wait3A_91 = tpu.memref_squeeze %dma_wait3A_90 : memref<1x128xi32, #tpu.memory_space<vmem>> -> memref<128xi32, #tpu.memory_space<vmem>>
    %dma_wait3A_92 = arith.constant 0 : i32
    %dma_wait3A_93 = arith.constant 0 : i32
    %dma_wait3A_94 = tpu.memref_slice %arg7[%dma_wait3A_92, %dma_wait3A_93] : memref<10008x16xf32, #tpu.memory_space<vmem_shared>> -> memref<10008x16xf32, #tpu.memory_space<vmem_shared>>
    tpu.wait_indirect_dma semaphore(%arg8 : memref<!tpu.dma_semaphore, #tpu.memory_space<semaphore_mem>>) src(%arg5 : memref<128x16xf32, #tpu.memory_space<vmem>>) dst(%dma_wait3A_94 : memref<10008x16xf32, #tpu.memory_space<vmem_shared>>)
    %barrier3A_95 = arith.constant 0 : index
    tpu.barrier barrier_id(%barrier3A_95)
    %add3A_96 = arith.constant 0 : i32
    %add3A_97 = arith.addi %arg1, %add3A_96 : i32
    %lt3A_98 = arith.constant 50 : i32
    %lt3A_99 = arith.cmpi slt, %add3A_97, %lt3A_98 : i32
    %convert_element_type3A_100 = arith.extui %lt3A_99 : i1 to i32
    %cond3A_101 = arith.constant 0 : i32
    %cond3A_102 = arith.cmpi ne, %convert_element_type3A_100, %cond3A_101 : i32
    scf.if %cond3A_102 {
      %mul3A_124 = arith.constant 200 : i32
      %mul3A_125 = arith.muli %add3A_97, %mul3A_124 : i32
      %mul3A_126 = arith.constant 200 : i32
      %mul3A_127 = arith.muli %add3A_97, %mul3A_126 : i32
      "tpu.region"() ({
        %run_scoped3A = tpu.sem_alloc : memref<!tpu.dma_semaphore, #tpu.memory_space<semaphore_mem>>
        %dma_start3A = arith.constant 0 : i32
        %dma_start3A_128 = tpu.memref_slice %arg3[%arg0, %mul3A_127, %dma_start3A] : memref<2x10000x16xf32, #tpu.memory_space<hbm>> -> memref<1x200x16xf32, #tpu.memory_space<hbm>>
        %dma_start3A_129 = tpu.memref_squeeze %dma_start3A_128 : memref<1x200x16xf32, #tpu.memory_space<hbm>> -> memref<200x16xf32, #tpu.memory_space<hbm>>
        %dma_start3A_130 = arith.constant 0 : i32
        %dma_start3A_131 = tpu.memref_slice %arg7[%mul3A_125, %dma_start3A_130] : memref<10008x16xf32, #tpu.memory_space<vmem_shared>> -> memref<200x16xf32, #tpu.memory_space<vmem_shared>>
        tpu.enqueue_dma source(%dma_start3A_131 : memref<200x16xf32, #tpu.memory_space<vmem_shared>>) target(%dma_start3A_129 : memref<200x16xf32, #tpu.memory_space<hbm>>) target_semaphore(%run_scoped3A : memref<!tpu.dma_semaphore, #tpu.memory_space<semaphore_mem>>)
        %dma_wait3A_132 = arith.constant 0 : i32
        %dma_wait3A_133 = tpu.memref_slice %arg3[%arg0, %mul3A_127, %dma_wait3A_132] : memref<2x10000x16xf32, #tpu.memory_space<hbm>> -> memref<1x200x16xf32, #tpu.memory_space<hbm>>
        %dma_wait3A_134 = tpu.memref_squeeze %dma_wait3A_133 : memref<1x200x16xf32, #tpu.memory_space<hbm>> -> memref<200x16xf32, #tpu.memory_space<hbm>>
        %dma_wait3A_135 = arith.constant 0 : i32
        %dma_wait3A_136 = tpu.memref_slice %arg7[%mul3A_125, %dma_wait3A_135] : memref<10008x16xf32, #tpu.memory_space<vmem_shared>> -> memref<200x16xf32, #tpu.memory_space<vmem_shared>>
        tpu.wait_dma2 semaphore(%run_scoped3A : memref<!tpu.dma_semaphore, #tpu.memory_space<semaphore_mem>>) src(%dma_wait3A_136 : memref<200x16xf32, #tpu.memory_space<vmem_shared>>) dst(%dma_wait3A_134 : memref<200x16xf32, #tpu.memory_space<hbm>>)
        tpu.yield
      }) : () -> ()
    } else {
    }
    %add3A_103 = arith.constant 16 : i32
    %add3A_104 = arith.addi %arg1, %add3A_103 : i32
    %lt3A_105 = arith.constant 50 : i32
    %lt3A_106 = arith.cmpi slt, %add3A_104, %lt3A_105 : i32
    %convert_element_type3A_107 = arith.extui %lt3A_106 : i1 to i32
    %cond3A_108 = arith.constant 0 : i32
    %cond3A_109 = arith.cmpi ne, %convert_element_type3A_107, %cond3A_108 : i32
    scf.if %cond3A_109 {
      %mul3A_124 = arith.constant 200 : i32
      %mul3A_125 = arith.muli %add3A_104, %mul3A_124 : i32
      %mul3A_126 = arith.constant 200 : i32
      %mul3A_127 = arith.muli %add3A_104, %mul3A_126 : i32
      "tpu.region"() ({
        %run_scoped3A = tpu.sem_alloc : memref<!tpu.dma_semaphore, #tpu.memory_space<semaphore_mem>>
        %dma_start3A = arith.constant 0 : i32
        %dma_start3A_128 = tpu.memref_slice %arg3[%arg0, %mul3A_127, %dma_start3A] : memref<2x10000x16xf32, #tpu.memory_space<hbm>> -> memref<1x200x16xf32, #tpu.memory_space<hbm>>
        %dma_start3A_129 = tpu.memref_squeeze %dma_start3A_128 : memref<1x200x16xf32, #tpu.memory_space<hbm>> -> memref<200x16xf32, #tpu.memory_space<hbm>>
        %dma_start3A_130 = arith.constant 0 : i32
        %dma_start3A_131 = tpu.memref_slice %arg7[%mul3A_125, %dma_start3A_130] : memref<10008x16xf32, #tpu.memory_space<vmem_shared>> -> memref<200x16xf32, #tpu.memory_space<vmem_shared>>
        tpu.enqueue_dma source(%dma_start3A_131 : memref<200x16xf32, #tpu.memory_space<vmem_shared>>) target(%dma_start3A_129 : memref<200x16xf32, #tpu.memory_space<hbm>>) target_semaphore(%run_scoped3A : memref<!tpu.dma_semaphore, #tpu.memory_space<semaphore_mem>>)
        %dma_wait3A_132 = arith.constant 0 : i32
        %dma_wait3A_133 = tpu.memref_slice %arg3[%arg0, %mul3A_127, %dma_wait3A_132] : memref<2x10000x16xf32, #tpu.memory_space<hbm>> -> memref<1x200x16xf32, #tpu.memory_space<hbm>>
        %dma_wait3A_134 = tpu.memref_squeeze %dma_wait3A_133 : memref<1x200x16xf32, #tpu.memory_space<hbm>> -> memref<200x16xf32, #tpu.memory_space<hbm>>
        %dma_wait3A_135 = arith.constant 0 : i32
        %dma_wait3A_136 = tpu.memref_slice %arg7[%mul3A_125, %dma_wait3A_135] : memref<10008x16xf32, #tpu.memory_space<vmem_shared>> -> memref<200x16xf32, #tpu.memory_space<vmem_shared>>
        tpu.wait_dma2 semaphore(%run_scoped3A : memref<!tpu.dma_semaphore, #tpu.memory_space<semaphore_mem>>) src(%dma_wait3A_136 : memref<200x16xf32, #tpu.memory_space<vmem_shared>>) dst(%dma_wait3A_134 : memref<200x16xf32, #tpu.memory_space<hbm>>)
        tpu.yield
      }) : () -> ()
    } else {
    }
    %add3A_110 = arith.constant 32 : i32
    %add3A_111 = arith.addi %arg1, %add3A_110 : i32
    %lt3A_112 = arith.constant 50 : i32
    %lt3A_113 = arith.cmpi slt, %add3A_111, %lt3A_112 : i32
    %convert_element_type3A_114 = arith.extui %lt3A_113 : i1 to i32
    %cond3A_115 = arith.constant 0 : i32
    %cond3A_116 = arith.cmpi ne, %convert_element_type3A_114, %cond3A_115 : i32
    scf.if %cond3A_116 {
      %mul3A_124 = arith.constant 200 : i32
      %mul3A_125 = arith.muli %add3A_111, %mul3A_124 : i32
      %mul3A_126 = arith.constant 200 : i32
      %mul3A_127 = arith.muli %add3A_111, %mul3A_126 : i32
      "tpu.region"() ({
        %run_scoped3A = tpu.sem_alloc : memref<!tpu.dma_semaphore, #tpu.memory_space<semaphore_mem>>
        %dma_start3A = arith.constant 0 : i32
        %dma_start3A_128 = tpu.memref_slice %arg3[%arg0, %mul3A_127, %dma_start3A] : memref<2x10000x16xf32, #tpu.memory_space<hbm>> -> memref<1x200x16xf32, #tpu.memory_space<hbm>>
        %dma_start3A_129 = tpu.memref_squeeze %dma_start3A_128 : memref<1x200x16xf32, #tpu.memory_space<hbm>> -> memref<200x16xf32, #tpu.memory_space<hbm>>
        %dma_start3A_130 = arith.constant 0 : i32
        %dma_start3A_131 = tpu.memref_slice %arg7[%mul3A_125, %dma_start3A_130] : memref<10008x16xf32, #tpu.memory_space<vmem_shared>> -> memref<200x16xf32, #tpu.memory_space<vmem_shared>>
        tpu.enqueue_dma source(%dma_start3A_131 : memref<200x16xf32, #tpu.memory_space<vmem_shared>>) target(%dma_start3A_129 : memref<200x16xf32, #tpu.memory_space<hbm>>) target_semaphore(%run_scoped3A : memref<!tpu.dma_semaphore, #tpu.memory_space<semaphore_mem>>)
        %dma_wait3A_132 = arith.constant 0 : i32
        %dma_wait3A_133 = tpu.memref_slice %arg3[%arg0, %mul3A_127, %dma_wait3A_132] : memref<2x10000x16xf32, #tpu.memory_space<hbm>> -> memref<1x200x16xf32, #tpu.memory_space<hbm>>
        %dma_wait3A_134 = tpu.memref_squeeze %dma_wait3A_133 : memref<1x200x16xf32, #tpu.memory_space<hbm>> -> memref<200x16xf32, #tpu.memory_space<hbm>>
        %dma_wait3A_135 = arith.constant 0 : i32
        %dma_wait3A_136 = tpu.memref_slice %arg7[%mul3A_125, %dma_wait3A_135] : memref<10008x16xf32, #tpu.memory_space<vmem_shared>> -> memref<200x16xf32, #tpu.memory_space<vmem_shared>>
        tpu.wait_dma2 semaphore(%run_scoped3A : memref<!tpu.dma_semaphore, #tpu.memory_space<semaphore_mem>>) src(%dma_wait3A_136 : memref<200x16xf32, #tpu.memory_space<vmem_shared>>) dst(%dma_wait3A_134 : memref<200x16xf32, #tpu.memory_space<hbm>>)
        tpu.yield
      }) : () -> ()
    } else {
    }
    %add3A_117 = arith.constant 48 : i32
    %add3A_118 = arith.addi %arg1, %add3A_117 : i32
    %lt3A_119 = arith.constant 50 : i32
    %lt3A_120 = arith.cmpi slt, %add3A_118, %lt3A_119 : i32
    %convert_element_type3A_121 = arith.extui %lt3A_120 : i1 to i32
    %cond3A_122 = arith.constant 0 : i32
    %cond3A_123 = arith.cmpi ne, %convert_element_type3A_121, %cond3A_122 : i32
    scf.if %cond3A_123 {
      %mul3A_124 = arith.constant 200 : i32
      %mul3A_125 = arith.muli %add3A_118, %mul3A_124 : i32
      %mul3A_126 = arith.constant 200 : i32
      %mul3A_127 = arith.muli %add3A_118, %mul3A_126 : i32
      "tpu.region"() ({
        %run_scoped3A = tpu.sem_alloc : memref<!tpu.dma_semaphore, #tpu.memory_space<semaphore_mem>>
        %dma_start3A = arith.constant 0 : i32
        %dma_start3A_128 = tpu.memref_slice %arg3[%arg0, %mul3A_127, %dma_start3A] : memref<2x10000x16xf32, #tpu.memory_space<hbm>> -> memref<1x200x16xf32, #tpu.memory_space<hbm>>
        %dma_start3A_129 = tpu.memref_squeeze %dma_start3A_128 : memref<1x200x16xf32, #tpu.memory_space<hbm>> -> memref<200x16xf32, #tpu.memory_space<hbm>>
        %dma_start3A_130 = arith.constant 0 : i32
        %dma_start3A_131 = tpu.memref_slice %arg7[%mul3A_125, %dma_start3A_130] : memref<10008x16xf32, #tpu.memory_space<vmem_shared>> -> memref<200x16xf32, #tpu.memory_space<vmem_shared>>
        tpu.enqueue_dma source(%dma_start3A_131 : memref<200x16xf32, #tpu.memory_space<vmem_shared>>) target(%dma_start3A_129 : memref<200x16xf32, #tpu.memory_space<hbm>>) target_semaphore(%run_scoped3A : memref<!tpu.dma_semaphore, #tpu.memory_space<semaphore_mem>>)
        %dma_wait3A_132 = arith.constant 0 : i32
        %dma_wait3A_133 = tpu.memref_slice %arg3[%arg0, %mul3A_127, %dma_wait3A_132] : memref<2x10000x16xf32, #tpu.memory_space<hbm>> -> memref<1x200x16xf32, #tpu.memory_space<hbm>>
        %dma_wait3A_134 = tpu.memref_squeeze %dma_wait3A_133 : memref<1x200x16xf32, #tpu.memory_space<hbm>> -> memref<200x16xf32, #tpu.memory_space<hbm>>
        %dma_wait3A_135 = arith.constant 0 : i32
        %dma_wait3A_136 = tpu.memref_slice %arg7[%mul3A_125, %dma_wait3A_135] : memref<10008x16xf32, #tpu.memory_space<vmem_shared>> -> memref<200x16xf32, #tpu.memory_space<vmem_shared>>
        tpu.wait_dma2 semaphore(%run_scoped3A : memref<!tpu.dma_semaphore, #tpu.memory_space<semaphore_mem>>) src(%dma_wait3A_136 : memref<200x16xf32, #tpu.memory_space<vmem_shared>>) dst(%dma_wait3A_134 : memref<200x16xf32, #tpu.memory_space<hbm>>)
        tpu.yield
      }) : () -> ()
    } else {
    }
    return
  }
}

module attributes {stable_mosaic.version = 14 : i64} {
  func.func @_combine_body(%arg0: i32, %arg1: memref<2x2000x64xf32, #tpu.memory_space<vmem>>, %arg2: memref<2x2000x16xf32, #tpu.memory_space<vmem>>, %arg3: memref<2000x128xf32, #tpu.memory_space<vmem>>, %arg4: memref<128x128xf32, #tpu.memory_space<vmem>>, %arg5: memref<128x128xf32, #tpu.memory_space<vmem>>, %arg6: memref<1x128xf32, #tpu.memory_space<vmem>>, %arg7: memref<2000x128xf32, #tpu.memory_space<vmem>>) attributes {dimension_semantics = [#tpu.dimension_semantics<arbitrary>], iteration_bounds = array<i64: 5>, scalar_prefetch = 0 : i64, scratch_operands = 0 : i64, tpu.core_type = #tpu.core_type<tc>, window_params = [{transform_indices = @transform_0, window_bounds = array<i64: 2, 2000, 64>}, {transform_indices = @transform_1, window_bounds = array<i64: 2, 2000, 16>}, {transform_indices = @transform_2, window_bounds = array<i64: 2000, 128>}, {pipeline_mode = #tpu.pipeline_mode<synchronous>, transform_indices = @transform_3, window_bounds = array<i64: 128, 128>}, {pipeline_mode = #tpu.pipeline_mode<synchronous>, transform_indices = @transform_4, window_bounds = array<i64: 128, 128>}, {pipeline_mode = #tpu.pipeline_mode<synchronous>, transform_indices = @transform_5, window_bounds = array<i64: 1, 128>}, {transform_indices = @transform_6, window_bounds = array<i64: 2000, 128>}]} {
    %get3A = arith.constant 0 : index
    %get3A_0 = arith.constant 0 : index
    %get3A_1 = arith.constant 0 : index
    %get3A_2 = vector.load %arg2[%get3A, %get3A_0, %get3A_1] : memref<2x2000x16xf32, #tpu.memory_space<vmem>>, vector<1x2000x1xf32>
    %get3A_3 = vector.shape_cast %get3A_2 : vector<1x2000x1xf32> to vector<2000x1xf32>
    %get3A_4 = arith.constant 1 : index
    %get3A_5 = arith.constant 0 : index
    %get3A_6 = arith.constant 0 : index
    %get3A_7 = vector.load %arg2[%get3A_4, %get3A_5, %get3A_6] : memref<2x2000x16xf32, #tpu.memory_space<vmem>>, vector<1x2000x1xf32>
    %get3A_8 = vector.shape_cast %get3A_7 : vector<1x2000x1xf32> to vector<2000x1xf32>
    %add3A = arith.addf %get3A_3, %get3A_8 : vector<2000x1xf32>
    %max3A = arith.constant 1.000000e+00 : f32
    %max3A_9 = vector.broadcast %max3A : f32 to vector<2000x1xf32>
    %max3A_10 = arith.maximumf %add3A, %max3A_9 : vector<2000x1xf32>
    %get3A_11 = arith.constant 0 : index
    %get3A_12 = arith.constant 0 : index
    %get3A_13 = arith.constant 0 : index
    %get3A_14 = vector.load %arg1[%get3A_11, %get3A_12, %get3A_13] : memref<2x2000x64xf32, #tpu.memory_space<vmem>>, vector<1x2000x64xf32>
    %get3A_15 = vector.shape_cast %get3A_14 : vector<1x2000x64xf32> to vector<2000x64xf32>
    %get3A_16 = arith.constant 1 : index
    %get3A_17 = arith.constant 0 : index
    %get3A_18 = arith.constant 0 : index
    %get3A_19 = vector.load %arg1[%get3A_16, %get3A_17, %get3A_18] : memref<2x2000x64xf32, #tpu.memory_space<vmem>>, vector<1x2000x64xf32>
    %get3A_20 = vector.shape_cast %get3A_19 : vector<1x2000x64xf32> to vector<2000x64xf32>
    %concatenate3A = tpu.concatenate %get3A_15, %get3A_20 in 1 : vector<2000x64xf32>, vector<2000x64xf32> -> vector<2000x128xf32>
    %div3A = vector.broadcast %max3A_10 : vector<2000x1xf32> to vector<2000x128xf32>
    %div3A_21 = arith.divf %concatenate3A, %div3A : vector<2000x128xf32>
    %get3A_22 = arith.constant 0 : index
    %get3A_23 = arith.constant 0 : index
    %get3A_24 = vector.load %arg3[%get3A_22, %get3A_23] : memref<2000x128xf32, #tpu.memory_space<vmem>>, vector<2000x128xf32>
    %get3A_25 = arith.constant 0 : index
    %get3A_26 = arith.constant 0 : index
    %get3A_27 = vector.load %arg4[%get3A_25, %get3A_26] : memref<128x128xf32, #tpu.memory_space<vmem>>, vector<128x128xf32>
    %dot_general3A = arith.constant dense<0.000000e+00> : vector<2000x128xf32>
    %dot_general3A_28 = tpu.matmul %div3A_21, %get3A_27, %dot_general3A {dimension_numbers = #tpu.dot_dimension_numbers<[1], [0], [0], [1], [0, 0, 1, 1], [], []>, transpose_lhs_hint = false} : vector<2000x128xf32>, vector<128x128xf32>, vector<2000x128xf32> -> vector<2000x128xf32>
    %get3A_29 = arith.constant 0 : index
    %get3A_30 = arith.constant 0 : index
    %get3A_31 = vector.load %arg5[%get3A_29, %get3A_30] : memref<128x128xf32, #tpu.memory_space<vmem>>, vector<128x128xf32>
    %dot_general3A_32 = arith.constant dense<0.000000e+00> : vector<2000x128xf32>
    %dot_general3A_33 = tpu.matmul %get3A_24, %get3A_31, %dot_general3A_32 {dimension_numbers = #tpu.dot_dimension_numbers<[1], [0], [0], [1], [0, 0, 1, 1], [], []>, transpose_lhs_hint = false} : vector<2000x128xf32>, vector<128x128xf32>, vector<2000x128xf32> -> vector<2000x128xf32>
    %add3A_34 = arith.addf %dot_general3A_28, %dot_general3A_33 : vector<2000x128xf32>
    %get3A_35 = arith.constant 0 : index
    %get3A_36 = arith.constant 0 : index
    %get3A_37 = vector.load %arg6[%get3A_35, %get3A_36] : memref<1x128xf32, #tpu.memory_space<vmem>>, vector<1x128xf32>
    %add3A_38 = vector.broadcast %get3A_37 : vector<1x128xf32> to vector<2000x128xf32>
    %add3A_39 = arith.addf %add3A_34, %add3A_38 : vector<2000x128xf32>
    %max3A_40 = arith.constant 0.000000e+00 : f32
    %max3A_41 = vector.broadcast %max3A_40 : f32 to vector<2000x128xf32>
    %max3A_42 = arith.maximumf %add3A_39, %max3A_41 : vector<2000x128xf32>
    %swap3A = arith.constant 0 : index
    %swap3A_43 = arith.constant 0 : index
    %swap3A_44 = vector.load %arg7[%swap3A, %swap3A_43] : memref<2000x128xf32, #tpu.memory_space<vmem>>, vector<2000x128xf32>
    tpu.vector_store %arg7[%swap3A, %swap3A_43], %max3A_42 {strides = array<i32>} : memref<2000x128xf32, #tpu.memory_space<vmem>>, vector<2000x128xf32>,
    return
  }
  func.func @transform_0(%arg0: i32) -> (i32, i32, i32) {
    %c0_i32 = arith.constant 0 : i32
    %c0_i32_0 = arith.constant 0 : i32
    %c0_i32_1 = arith.constant 0 : i32
    return %c0_i32, %arg0, %c0_i32_0 : i32, i32, i32
  }
  func.func @transform_1(%arg0: i32) -> (i32, i32, i32) {
    %c0_i32 = arith.constant 0 : i32
    %c0_i32_0 = arith.constant 0 : i32
    %c0_i32_1 = arith.constant 0 : i32
    return %c0_i32, %arg0, %c0_i32_0 : i32, i32, i32
  }
  func.func @transform_2(%arg0: i32) -> (i32, i32) {
    %c0_i32 = arith.constant 0 : i32
    %c0_i32_0 = arith.constant 0 : i32
    return %arg0, %c0_i32 : i32, i32
  }
  func.func @transform_3(%arg0: i32) -> (i32, i32) {
    %c0_i32 = arith.constant 0 : i32
    %c0_i32_0 = arith.constant 0 : i32
    %c0_i32_1 = arith.constant 0 : i32
    return %c0_i32, %c0_i32_0 : i32, i32
  }
  func.func @transform_4(%arg0: i32) -> (i32, i32) {
    %c0_i32 = arith.constant 0 : i32
    %c0_i32_0 = arith.constant 0 : i32
    %c0_i32_1 = arith.constant 0 : i32
    return %c0_i32, %c0_i32_0 : i32, i32
  }
  func.func @transform_5(%arg0: i32) -> (i32, i32) {
    %c0_i32 = arith.constant 0 : i32
    %c0_i32_0 = arith.constant 0 : i32
    %c0_i32_1 = arith.constant 0 : i32
    return %c0_i32, %c0_i32_0 : i32, i32
  }
  func.func @transform_6(%arg0: i32) -> (i32, i32) {
    %c0_i32 = arith.constant 0 : i32
    %c0_i32_0 = arith.constant 0 : i32
    return %arg0, %c0_i32 : i32, i32
  }
}

module attributes {stable_mosaic.version = 14 : i64} {
  func.func @_final_body(%arg0: i32, %arg1: memref<2x2000x64xf32, #tpu.memory_space<vmem>>, %arg2: memref<2x2000x16xf32, #tpu.memory_space<vmem>>, %arg3: memref<2000x128xf32, #tpu.memory_space<vmem>>, %arg4: memref<128x128xf32, #tpu.memory_space<vmem>>, %arg5: memref<128x128xf32, #tpu.memory_space<vmem>>, %arg6: memref<1x128xf32, #tpu.memory_space<vmem>>, %arg7: memref<128x64xf32, #tpu.memory_space<vmem>>, %arg8: memref<1x64xf32, #tpu.memory_space<vmem>>, %arg9: memref<2000x64xf32, #tpu.memory_space<vmem>>) attributes {dimension_semantics = [#tpu.dimension_semantics<arbitrary>], iteration_bounds = array<i64: 5>, scalar_prefetch = 0 : i64, scratch_operands = 0 : i64, tpu.core_type = #tpu.core_type<tc>, window_params = [{transform_indices = @transform_0, window_bounds = array<i64: 2, 2000, 64>}, {transform_indices = @transform_1, window_bounds = array<i64: 2, 2000, 16>}, {transform_indices = @transform_2, window_bounds = array<i64: 2000, 128>}, {pipeline_mode = #tpu.pipeline_mode<synchronous>, transform_indices = @transform_3, window_bounds = array<i64: 128, 128>}, {pipeline_mode = #tpu.pipeline_mode<synchronous>, transform_indices = @transform_4, window_bounds = array<i64: 128, 128>}, {pipeline_mode = #tpu.pipeline_mode<synchronous>, transform_indices = @transform_5, window_bounds = array<i64: 1, 128>}, {pipeline_mode = #tpu.pipeline_mode<synchronous>, transform_indices = @transform_6, window_bounds = array<i64: 128, 64>}, {pipeline_mode = #tpu.pipeline_mode<synchronous>, transform_indices = @transform_7, window_bounds = array<i64: 1, 64>}, {transform_indices = @transform_8, window_bounds = array<i64: 2000, 64>}]} {
    %get3A = arith.constant 0 : index
    %get3A_0 = arith.constant 0 : index
    %get3A_1 = arith.constant 0 : index
    %get3A_2 = vector.load %arg2[%get3A, %get3A_0, %get3A_1] : memref<2x2000x16xf32, #tpu.memory_space<vmem>>, vector<1x2000x1xf32>
    %get3A_3 = vector.shape_cast %get3A_2 : vector<1x2000x1xf32> to vector<2000x1xf32>
    %get3A_4 = arith.constant 1 : index
    %get3A_5 = arith.constant 0 : index
    %get3A_6 = arith.constant 0 : index
    %get3A_7 = vector.load %arg2[%get3A_4, %get3A_5, %get3A_6] : memref<2x2000x16xf32, #tpu.memory_space<vmem>>, vector<1x2000x1xf32>
    %get3A_8 = vector.shape_cast %get3A_7 : vector<1x2000x1xf32> to vector<2000x1xf32>
    %add3A = arith.addf %get3A_3, %get3A_8 : vector<2000x1xf32>
    %max3A = arith.constant 1.000000e+00 : f32
    %max3A_9 = vector.broadcast %max3A : f32 to vector<2000x1xf32>
    %max3A_10 = arith.maximumf %add3A, %max3A_9 : vector<2000x1xf32>
    %get3A_11 = arith.constant 0 : index
    %get3A_12 = arith.constant 0 : index
    %get3A_13 = arith.constant 0 : index
    %get3A_14 = vector.load %arg1[%get3A_11, %get3A_12, %get3A_13] : memref<2x2000x64xf32, #tpu.memory_space<vmem>>, vector<1x2000x64xf32>
    %get3A_15 = vector.shape_cast %get3A_14 : vector<1x2000x64xf32> to vector<2000x64xf32>
    %get3A_16 = arith.constant 1 : index
    %get3A_17 = arith.constant 0 : index
    %get3A_18 = arith.constant 0 : index
    %get3A_19 = vector.load %arg1[%get3A_16, %get3A_17, %get3A_18] : memref<2x2000x64xf32, #tpu.memory_space<vmem>>, vector<1x2000x64xf32>
    %get3A_20 = vector.shape_cast %get3A_19 : vector<1x2000x64xf32> to vector<2000x64xf32>
    %concatenate3A = tpu.concatenate %get3A_15, %get3A_20 in 1 : vector<2000x64xf32>, vector<2000x64xf32> -> vector<2000x128xf32>
    %div3A = vector.broadcast %max3A_10 : vector<2000x1xf32> to vector<2000x128xf32>
    %div3A_21 = arith.divf %concatenate3A, %div3A : vector<2000x128xf32>
    %get3A_22 = arith.constant 0 : index
    %get3A_23 = arith.constant 0 : index
    %get3A_24 = vector.load %arg3[%get3A_22, %get3A_23] : memref<2000x128xf32, #tpu.memory_space<vmem>>, vector<2000x128xf32>
    %get3A_25 = arith.constant 0 : index
    %get3A_26 = arith.constant 0 : index
    %get3A_27 = vector.load %arg4[%get3A_25, %get3A_26] : memref<128x128xf32, #tpu.memory_space<vmem>>, vector<128x128xf32>
    %dot_general3A = arith.constant dense<0.000000e+00> : vector<2000x128xf32>
    %dot_general3A_28 = tpu.matmul %div3A_21, %get3A_27, %dot_general3A {dimension_numbers = #tpu.dot_dimension_numbers<[1], [0], [0], [1], [0, 0, 1, 1], [], []>, transpose_lhs_hint = false} : vector<2000x128xf32>, vector<128x128xf32>, vector<2000x128xf32> -> vector<2000x128xf32>
    %get3A_29 = arith.constant 0 : index
    %get3A_30 = arith.constant 0 : index
    %get3A_31 = vector.load %arg5[%get3A_29, %get3A_30] : memref<128x128xf32, #tpu.memory_space<vmem>>, vector<128x128xf32>
    %dot_general3A_32 = arith.constant dense<0.000000e+00> : vector<2000x128xf32>
    %dot_general3A_33 = tpu.matmul %get3A_24, %get3A_31, %dot_general3A_32 {dimension_numbers = #tpu.dot_dimension_numbers<[1], [0], [0], [1], [0, 0, 1, 1], [], []>, transpose_lhs_hint = false} : vector<2000x128xf32>, vector<128x128xf32>, vector<2000x128xf32> -> vector<2000x128xf32>
    %add3A_34 = arith.addf %dot_general3A_28, %dot_general3A_33 : vector<2000x128xf32>
    %get3A_35 = arith.constant 0 : index
    %get3A_36 = arith.constant 0 : index
    %get3A_37 = vector.load %arg6[%get3A_35, %get3A_36] : memref<1x128xf32, #tpu.memory_space<vmem>>, vector<1x128xf32>
    %add3A_38 = vector.broadcast %get3A_37 : vector<1x128xf32> to vector<2000x128xf32>
    %add3A_39 = arith.addf %add3A_34, %add3A_38 : vector<2000x128xf32>
    %get3A_40 = arith.constant 0 : index
    %get3A_41 = arith.constant 0 : index
    %get3A_42 = vector.load %arg7[%get3A_40, %get3A_41] : memref<128x64xf32, #tpu.memory_space<vmem>>, vector<128x64xf32>
    %dot_general3A_43 = arith.constant dense<0.000000e+00> : vector<2000x64xf32>
    %dot_general3A_44 = tpu.matmul %add3A_39, %get3A_42, %dot_general3A_43 {dimension_numbers = #tpu.dot_dimension_numbers<[1], [0], [0], [1], [0, 0, 1, 1], [], []>, transpose_lhs_hint = false} : vector<2000x128xf32>, vector<128x64xf32>, vector<2000x64xf32> -> vector<2000x64xf32>
    %get3A_45 = arith.constant 0 : index
    %get3A_46 = arith.constant 0 : index
    %get3A_47 = vector.load %arg8[%get3A_45, %get3A_46] : memref<1x64xf32, #tpu.memory_space<vmem>>, vector<1x64xf32>
    %add3A_48 = vector.broadcast %get3A_47 : vector<1x64xf32> to vector<2000x64xf32>
    %add3A_49 = arith.addf %dot_general3A_44, %add3A_48 : vector<2000x64xf32>
    %swap3A = arith.constant 0 : index
    %swap3A_50 = arith.constant 0 : index
    %swap3A_51 = vector.load %arg9[%swap3A, %swap3A_50] : memref<2000x64xf32, #tpu.memory_space<vmem>>, vector<2000x64xf32>
    tpu.vector_store %arg9[%swap3A, %swap3A_50], %add3A_49 {strides = array<i32>} : memref<2000x64xf32, #tpu.memory_space<vmem>>, vector<2000x64xf32>,
    return
  }
  func.func @transform_0(%arg0: i32) -> (i32, i32, i32) {
    %c0_i32 = arith.constant 0 : i32
    %c0_i32_0 = arith.constant 0 : i32
    %c0_i32_1 = arith.constant 0 : i32
    return %c0_i32, %arg0, %c0_i32_0 : i32, i32, i32
  }
  func.func @transform_1(%arg0: i32) -> (i32, i32, i32) {
    %c0_i32 = arith.constant 0 : i32
    %c0_i32_0 = arith.constant 0 : i32
    %c0_i32_1 = arith.constant 0 : i32
    return %c0_i32, %arg0, %c0_i32_0 : i32, i32, i32
  }
  func.func @transform_2(%arg0: i32) -> (i32, i32) {
    %c0_i32 = arith.constant 0 : i32
    %c0_i32_0 = arith.constant 0 : i32
    return %arg0, %c0_i32 : i32, i32
  }
  func.func @transform_3(%arg0: i32) -> (i32, i32) {
    %c0_i32 = arith.constant 0 : i32
    %c0_i32_0 = arith.constant 0 : i32
    %c0_i32_1 = arith.constant 0 : i32
    return %c0_i32, %c0_i32_0 : i32, i32
  }
  func.func @transform_4(%arg0: i32) -> (i32, i32) {
    %c0_i32 = arith.constant 0 : i32
    %c0_i32_0 = arith.constant 0 : i32
    %c0_i32_1 = arith.constant 0 : i32
    return %c0_i32, %c0_i32_0 : i32, i32
  }
  func.func @transform_5(%arg0: i32) -> (i32, i32) {
    %c0_i32 = arith.constant 0 : i32
    %c0_i32_0 = arith.constant 0 : i32
    %c0_i32_1 = arith.constant 0 : i32
    return %c0_i32, %c0_i32_0 : i32, i32
  }
  func.func @transform_6(%arg0: i32) -> (i32, i32) {
    %c0_i32 = arith.constant 0 : i32
    %c0_i32_0 = arith.constant 0 : i32
    %c0_i32_1 = arith.constant 0 : i32
    return %c0_i32, %c0_i32_0 : i32, i32
  }
  func.func @transform_7(%arg0: i32) -> (i32, i32) {
    %c0_i32 = arith.constant 0 : i32
    %c0_i32_0 = arith.constant 0 : i32
    %c0_i32_1 = arith.constant 0 : i32
    return %c0_i32, %c0_i32_0 : i32, i32
  }
  func.func @transform_8(%arg0: i32) -> (i32, i32) {
    %c0_i32 = arith.constant 0 : i32
    %c0_i32_0 = arith.constant 0 : i32
    return %arg0, %c0_i32 : i32, i32
  }
}

</mosaic_0001>

<sc_bundles>
// kernel: kernel.12.cloned.1.call-start
scs
__scs_entry_jumppad:
0x0: {  	(pc) =	sbr.rel $0x88, $3  }
0x1: {  	(tag) =	ssettag $0x0;
	lr =	simm.s32 $0x1  }
0x2: {  	[smem:$0x3F94] =	sst lr;
	_ =	strace $0xD0000000  }
0x3: {  	_ = 	snop  }
0x4: {  	_ = 	snop  }
0x5: {  	_ = 	snop  }
0x6: {  	_ = 	snop  }
0x7: {  	_ = 	snop  }
__scs_overlays_trampoline_lowered:
0x8: {  	[smem:$0x3FA3] =	sst s0  }
0x9: {  	[smem:$0x3FA4] =	sst s1  }
0xa: {  	[smem:$0x3FA5] =	sst s2  }
0xb: {  	[smem:$0x3FA6] =	sst s3  }
0xc: {  	[smem:$0x3FA7] =	sst s4  }
0xd: {  	[smem:$0x3FA8] =	sst s5  }
0xe: {  	[smem:$0x3FA9] =	sst s6  }
0xf: {  	[smem:$0x3FAA] =	sst s7  }
0x10: {  	[smem:$0x3FAB] =	sst s8  }
0x11: {  	[smem:$0x3FAC] =	sst s9;
	s0 =	simm.s32 @!p0 $0x0  }
0x12: {  	s1 =	sld [smem:$0x3F92];
	s0 =	simm.s32 @p0 $0x1  }
0x13: {  	[smem:$0x3FAD] =	sst s0;
	s0 =	simm.s32 @!p1 $0x0  }
0x14: {  	s2 =	sld [smem:$0x3F91];
	s0 =	simm.s32 @p1 $0x1  }
0x15: {  	[smem:$0x3FAE] =	sst s0;
	s0 =	simm.s32 @!p2 $0x0  }
0x16: {  	s3 =	sld [smem:$0x3FDB];
	s0 =	simm.s32 @p2 $0x1  }
0x17: {  	s4 =	simm.s32 $0x1BF5;
	[smem:$0x3FB0] =	sst s0  }
0x18: {  	s0 =	sld [smem:$0x3F93];
	_ =	swait.ge [sflag:s4], $0x0  }
0x19: {  	s7 =	sld [smem:$0x3F94]  }
0x1a: {  	s8 =	sadd.s32 $0xFFFFE003, lr  }
0x1b: {  	s9 =	sadd.s32 $0xFFFFFEF7, lr;
	s5 =	simm.s32 $0xFFFFFFFF;
	p2 =	slt.u32 s8, $0xFFFFF086  }
0x1c: {  	p1 =	slt.u32 s9, $0xF7A;
	s5 =	simm.s32 @!p2 $0x0  }
0x1d: {  	s5 =	simm.s32 @p1 $0x1;
	p0 =	seq.s32 s7, s2  }
0x1e: {  	s7 =	smul.u32 @!p0 $0xF7A, s2;
	p2 =	seq.s32 @!p0 s5, $0x0  }
0x1f: {  	s9 =	smul.u32 $0xF7A, s1;
	s8 =	simm.s32 @!p0 $0x1BF5;
	p2 =	por !p2, p0  }
0x20: {  	[sflag:s8] =	ssyncset.s32 @!p0 $0xFFFFF086;
	s6 =	sadd.s32 @!p0 s3, s7;
	s7 =	simm.s32 @!p0 $0x108  }
0x21: {  	s3 =	sadd.s32 s3, s9;
	s6 =	sadd.s32 @!p0 $0x88, s6;
	s7 =	simm.s32 @p2 $0x1082  }
0x22: {  	[simem:s7], [sflag:s8] =	dma.local @!p0 [hbm:s6], $0xF7A  }
0x23: {  	s9 =	sor.u32 $0xD0000000, s2;
	s6 =	simm.s32 $0x108;
	_ =	swait.ge @!p0 [sflag:s8], $0x0  }
0x24: {  	s3 =	sadd.s32 $0x88, s3;
	s6 =	simm.s32 @!p1 $0x1082;
	[sflag:s4] =	ssyncset.s32 $0xFFFFF086  }
0x25: {  	[simem:s6], [sflag:s4] =	dma.local [hbm:s3], $0xF7A  }
0x26: {  	[smem:$0x3F94] =	sst s1;
	(tag) =	ssettag s2;
	_ =	strace s9  }
0x27: {  	s1 =	sld [smem:$0x3FA4]  }
0x28: {  	s2 =	sld [smem:$0x3FA5]  }
0x29: {  	s4 =	sld [smem:$0x3FA7]  }
0x2a: {  	p0 =	seq.s32 s5, $0x0;
	s5 =	sld [smem:$0x3FA8]  }
0x2b: {  	s6 =	sld [smem:$0x3FA9]  }
0x2c: {  	s7 =	sld [smem:$0x3FAA]  }
0x2d: {  	s3 =	simm.s32 $0x108;
	s8 =	sld [smem:$0x3FAB]  }
0x2e: {  	s3 =	simm.s32 @!p0 $0x1082;
	s9 =	sld [smem:$0x3FAC]  }
0x2f: {  	lr =	sadd.s32 s0, s3;
	s0 =	sld [smem:$0x3FA3]  }
0x30: {  	s3 =	sld [smem:$0x3FA6]  }
0x31: {  	[smem:$0x3FAF] =	sst s10  }
0x32: {  	s10 =	sld [smem:$0x3FAD];
	_ =	sdelay $0x3  }
0x33: {  	p0 =	seq.s32 s10, $0x1;
	s10 =	sld [smem:$0x3FAF];
	_ =	sdelay $0x3  }
0x34: {  	[smem:$0x3FAF] =	sst s10  }
0x35: {  	s10 =	sld [smem:$0x3FAE];
	_ =	sdelay $0x3  }
0x36: {  	p1 =	seq.s32 s10, $0x1;
	s10 =	sld [smem:$0x3FAF];
	_ =	sdelay $0x3  }
0x37: {  	[smem:$0x3FAF] =	sst s10  }
0x38: {  	s10 =	sld [smem:$0x3FB0]  }
0x39: {  	_ = 	snop;
	(pc) =	sbr.ind lr, $3  }
0x3a: {  	_ = 	snop  }
0x3b: {  	_ = 	snop  }
0x3c: {  	p2 =	seq.s32 s10, $0x1;
	s10 =	sld [smem:$0x3FAF]  }
0x3d: {  	_ =	shalt  }
0x3e: {  	_ =	shalt  }
0x3f: {  	_ =	shalt  }
0x40: {  	_ =	shalt  }
0x41: {  	_ =	shalt  }
0x42: {  	_ =	shalt  }
0x43: {  	_ =	shalt  }
0x44: {  	_ =	shalt  }
0x45: {  	_ =	shalt  }
0x46: {  	_ =	shalt  }
0x47: {  	_ =	shalt  }
0x48: {  	_ =	shalt  }
0x49: {  	_ =	shalt  }
0x4a: {  	_ =	shalt  }
0x4b: {  	_ =	shalt  }
0x4c: {  	_ =	shalt  }
0x4d: {  	_ =	shalt  }
0x4e: {  	_ =	shalt  }
0x4f: {  	_ =	shalt  }
0x50: {  	_ =	shalt  }
0x51: {  	_ =	shalt  }
0x52: {  	_ =	shalt  }
0x53: {  	_ =	shalt  }
0x54: {  	_ =	shalt  }
0x55: {  	_ =	shalt  }
0x56: {  	_ =	shalt  }
0x57: {  	_ =	shalt  }
0x58: {  	_ =	shalt  }
0x59: {  	_ =	shalt  }
0x5a: {  	_ =	shalt  }
0x5b: {  	_ =	shalt  }
0x5c: {  	_ =	shalt  }
0x5d: {  	_ =	shalt  }
0x5e: {  	_ =	shalt  }
0x5f: {  	_ =	shalt  }
0x60: {  	_ =	shalt  }
0x61: {  	_ =	shalt  }
0x62: {  	_ =	shalt  }
0x63: {  	_ =	shalt  }
0x64: {  	_ =	shalt  }
0x65: {  	_ =	shalt  }
0x66: {  	_ =	shalt  }
0x67: {  	_ =	shalt  }
0x68: {  	_ =	shalt  }
0x69: {  	_ =	shalt  }
0x6a: {  	_ =	shalt  }
0x6b: {  	_ =	shalt  }
0x6c: {  	_ =	shalt  }
0x6d: {  	_ =	shalt  }
0x6e: {  	_ =	shalt  }
0x6f: {  	_ =	shalt  }
0x70: {  	_ =	shalt  }
0x71: {  	_ =	shalt  }
0x72: {  	_ =	shalt  }
0x73: {  	_ =	shalt  }
0x74: {  	_ =	shalt  }
0x75: {  	_ =	shalt  }
0x76: {  	_ =	shalt  }
0x77: {  	_ =	shalt  }
0x78: {  	_ =	shalt  }
0x79: {  	_ =	shalt  }
0x7a: {  	_ =	shalt  }
0x7b: {  	_ =	shalt  }
0x7c: {  	_ =	shalt  }
0x7d: {  	_ =	shalt  }
0x7e: {  	_ =	shalt  }
0x7f: {  	_ =	shalt  }
0x80: {  	_ =	shalt  }
0x81: {  	_ =	shalt  }
0x82: {  	_ =	shalt  }
0x83: {  	_ =	shalt  }
0x84: {  	_ =	shalt  }
0x85: {  	_ =	shalt  }
0x86: {  	_ =	shalt  }
0x87: {  	_ =	shalt  }
.Lfunc_end0:
.L_simem_size_0:
called_computation.1_lowered:
.L_overlay_start_0:
0x88: {  	s2 =	sld [smem:$0x3FD9]  }
0x89: {  	s3 =	sld [smem:$0x3FFE];
	_ =	sdelay $0x1  }
0x8a: {  	s1 =	srdreg.scid  }
0x8b: {  	s0 =	sand.u32 $0x1, s1  }
0x8c: {  	s17 =	sshll.u32 s0, $0xA;
	s2 =	sadd.s32 s3, s2  }
0x8d: {  	s2 =	sadd.s32 s2, s17  }
0x8e: {  	[smem:$0x3FBB] =	sst s2  }
0x8f: {  	_ = 	snop  }
0x90: {  	s2 =	sld [smem:$0x3FC9]  }
0x91: {  	s18 =	sld [smem:$0x3FD0];
	(tm) =	ssettm $0x1  }
0x92: {  	s4 =	sld [smem:$0x3FFB];
	_ =	sdelay $0x3  }
0x93: {  	_ =	strace s4  }
0x94: {  	s4 =	sld [smem:$0x3FFC];
	_ =	sdelay $0x3  }
0x95: {  	_ =	strace s4  }
0x96: {  	s4 =	sld [smem:$0x3FFD];
	_ =	sdelay $0x3  }
0x97: {  	_ =	strace s4  }
0x98: {  	_ =	strace $0x8FFFFFFF  }
0x99: {  	s19 =	sld [smem:$0x3FDB];
	_ =	sdelay $0x1  }
0x9a: {  	s5 =	simm.s32 $_scs_section_size  }
0x9b: {  	s6 =	simm.s32 $_size__tile_overlayer_lowered;
	s7 =	simm.s32 $_tile_overlayer_lowered  }
0x9c: {  	s22 =	simm.s32 $0x1BFF;
	s21 =	sshll.u32 s7, $0x1;
	s4 =	sadd.s32 s5, s19  }
0x9d: {  	s8 =	simm.s32 $0x0;
	s20 =	sshll.u32 s6, $0x1;
	s6 =	sadd.s32 s21, s4  }
0x9e: {  	[timem:s8], [sflag:s22] =	dma.local [hbm:s6], s20  }
0x9f: {  	_ =	swait.ge [sflag:s22], s20  }
0xa0: {  	s5 =	ssub.s32 $0x0, s20;
	[sflag:s22] =	ssyncset.done $0x0  }
0xa1: {  	[sflag:s22] =	ssyncadd.s32 s5;
	_ =	sdelay $0x1  }
0xa2: {  	s23 =	simm.s32 $0x1B8B  }
0xa3: {  	_ =	swait.ge [sflag:s23], $0x1  }
0xa4: {  	[sflag:s23] =	ssyncset.done $0x0  }
0xa5: {  	s25 =	simm.s32 $0x1B8E;
	s24 =	sld [smem:$0x3FFE];
	[sflag:s23] =	ssyncadd.s32 $0xFFFFFFFF  }
0xa6: {  	s26 =	simm.s32 $execute0_lowered;
	[smem:$0x3FD2] =	sst s25  }
0xa7: {  	s6 =	sshll.u32 s26, $0x1;
	_ =	strace $0x80000046;
	[dreg:$0x1] =	wrdreg $0xFFFFFFFF  }
0xa8: {  	s28 =	simm.s32 $_size_execute0_lowered;
	s4 =	sadd.s32 s4, s6;
	[dreg:$0x0] =	wrdreg $0x0  }
0xa9: {  	s6 =	sshll.u32 s28, $0x1;
	[dreg:$0x2] =	wrdreg s4  }
0xaa: {  	[dreg:$0x3] =	wrdreg s6  }
0xab: {  	[dreg:$0x4] =	wrdreg $0xC0  }
0xac: {  	_ =	task [dreg:s8], $0x5FFFF  }
0xad: {  	[dreg:$0x1] =	wrdreg $0xFFFFFFFF  }
0xae: {  	[dreg:$0x0] =	wrdreg $0x60  }
0xaf: {  	[dreg:$0x2] =	wrdreg s2  }
0xb0: {  	[dreg:$0x3] =	wrdreg s24  }
0xb1: {  	[dreg:$0x4] =	wrdreg s18  }
0xb2: {  	[dreg:$0x5] =	wrdreg $0x106400  }
0xb3: {  	[dreg:$0x6] =	wrdreg $0xA  }
0xb4: {  	_ =	task.clear_ibuf [dreg:s8], $0x7FFFF;
	_ =	strace $0x90000046  }
0xb5: {  	s29 =	simm.s32 $0xA;
	_ =	strace $0x80000048  }
0xb6: {  	_ =	swait.ge [sflag:s29], $0x1  }
0xb7: {  	[sflag:s29] =	ssyncadd.s32 $0xFFFFFFFF  }
0xb8: {  	_ =	strace $0x90000048  }
0xb9: {  	_ =	sfence  }
0xba: {  	s30 =	sld [smem:$0x0];
	_ =	sdelay $0x2  }
0xbb: {  	s31 =	sshll.u32 s1, $0xD;
	s1 =	sshrl.u32 s1, $0x2  }
0xbc: {  	s3 =	sand.u32 $0x4000, s31;
	s1 =	sadd.s32 s1, s30  }
0xbd: {  	s0 =	sor.u32 s3, s0;
	s1 =	sshll.u32 s1, $0x11  }
0xbe: {  	s0 =	sor.u32 s1, s0  }
0xbf: {  	s0 =	sadd.s32 $0x8F2B, s0  }
0xc0: {  	[sflag:s0] =	ssyncadd.remote.s32 $0x1  }
0xc1: {  	_ =	sfence.sel $0xFFFF  }
0xc2: {  	[dreg:$0x0] =	wrdreg $0xFFFFFFFF;
	(pc) =	sbr.abs _section_cstart, $3  }
0xc3: {  	[dreg:$0x1] =	wrdreg $0xFFFFFFFF  }
0xc4: {  	_ =	task.clear_ibuf [dreg:s8], $0x2FFFF;
	_ =	strace $0x9FFFFFFF  }
0xc5: {  	(tm) =	ssettm $0x7FFFFFFF  }
tec
execute0_lowered:
.L_overlay_start_1:
0x0: {  	(tag) =	ssettag $0x1  }
0x1: {  	s0 =	rddreg [dreg:$0x0]  }
0x2: {  	s1 =	rddreg [dreg:$0x1]  }
0x3: {  	s2 =	srdreg.scid;
	s5 =	rddreg [dreg:$0x2]  }
0x4: {  	s14 =	stileid.u32;
	s3 =	rddreg [dreg:$0x3];
	s4 =	simm.s32 $0x0  }
0x5: {  	s28 =	simm.s32 $0x7D;
	s29 =	simm.s32 $0x5000;
	s7 =	smul.u32 $0x5000, s14  }
0x6: {  	s30 =	simm.s32 $0x80;
	s31 =	simm.s32 $0x6F40;
	s22 =	smul.u32 $0x6800, s14  }
0x7: {  	s2 =	sand.u32 $0x1, s2;
	[smem:$0x7FF] =	sst s4;
	s16 =	smul.u32 $0x3200, s14  }
0x8: {  	s10 =	sor.u32 $0x10, s14;
	s12 =	sor.u32 $0x20, s14;
	s6 =	smul.u32 $0x50000, s2  }
0x9: {  	s13 =	sor.u32 $0x30, s14;
	s17 =	sadd.s32 $0x9C000, s3;
	s11 =	smul.u32 $0x6800, s10  }
0xa: {  	p0 =	sne.s32 s14, $0x0;
	p1 =	sgt.u32 s14, $0x1;
	s23 =	smul.u32 $0x6800, s12  }
0xb: {  	s14 =	simm.s32 $0x4E00;
	s8 =	ssub.s32 $0x2, s2;
	s26 =	smul.u32 $0x6800, s13  }
0xc: {  	_ =	strace $0x80000047;
	s2 =	smul.u32 $0x9C400, s2;
	[dreg:$0xd] =	wrdreg s17  }
0xd: {  	s18 =	smul.u32 $0x3200, s10;
	s17 =	simm.s32 $0x4F80;
	s9 =	sshrl.u32 s8, $0x1  }
0xe: {  	s24 =	sshrl.u32 s22, $0x2;
	s6 =	sadd.s32 s7, s6;
	s8 =	ssub.s32 s8, s9  }
0xf: {  	s7 =	sshrl.u32 s7, $0x3;
	s25 =	sshrl.u32 s11, $0x2;
	s20 =	sadd.s32 s16, s2  }
0x10: {  	s10 =	sadd.s32 s2, s18;
	s6 =	sshrl.u32 s6, $0x3;
	s15 =	sadd.s32 s5, s7  }
0x11: {  	s7 =	sadd.s32 s24, s3;
	s9 =	sadd.s32 s25, s3;
	s5 =	sshrl.u32 s23, $0x2  }
0x12: {  	s22 =	sshrl.u32 s10, $0x3;
	s23 =	smul.u32 $0x3200, s13;
	[dreg:$0x8] =	wrdreg s9  }
0x13: {  	s10 =	simm.s32 $0xCD00;
	s13 =	simm.s32 $0x2;
	[dreg:$0x7] =	wrdreg s7  }
0x14: {  	s6 =	sadd.s32 s6, s1;
	s5 =	sadd.s32 s5, s3;
	[dreg:$0x6] =	wrdreg s15  }
0x15: {  	s1 =	sadd.s32 $0x17400, s1;
	s11 =	sadd.s32 $0x68000, s7;
	[dreg:$0x9] =	wrdreg s5  }
0x16: {  	s9 =	sshrl.u32 s26, $0x2;
	s7 =	sadd.s32 $0x82000, s7;
	[dreg:$0xb] =	wrdreg s11  }
0x17: {  	s19 =	sadd.s32 $0x500, s15;
	s26 =	smax.u32 s8, $0x1;
	[dreg:$0xc] =	wrdreg s7  }
0x18: {  	s8 =	simm.s32 $0xADC0;
	s15 =	simm.s32 $0x4E80;
	[dreg:$0xf] =	wrdreg s19  }
0x19: {  	s21 =	sadd.s32 $0x3400, s6;
	s5 =	sadd.s32 s9, s3;
	[dreg:$0x14] =	wrdreg s26  }
0x1a: {  	s6 =	sadd.s32 $0x3900, s6;
	s9 =	sadd.s32 s18, s3;
	[dreg:$0x5] =	wrdreg s21  }
0x1b: {  	s11 =	simm.s32 $0xEC40;
	s18 =	simm.s32 $0x0;
	[dreg:$0xa] =	wrdreg s5  }
0x1c: {  	[dreg:$0xe] =	wrdreg s6;
	s6 =	sshrl.u32 s20, $0x3;
	s21 =	smul.u32 $0x3200, s12  }
0x1d: {  	s5 =	sadd.s32 s16, s3;
	s12 =	simm.s32 $0x1;
	s6 =	sadd.s32 s1, s6  }
0x1e: {  	s16 =	simm.s32 $0x4F00;
	[dreg:$0x10] =	wrdreg s6;
	s6 =	sadd.s32 s1, s22  }
0x1f: {  	s24 =	sadd.s32 s2, s21;
	s2 =	sadd.s32 s2, s23;
	s25 =	sadd.s32 s21, s3  }
0x20: {  	s21 =	simm.s32 $0x3;
	[dreg:$0x11] =	wrdreg s6;
	s6 =	sshrl.u32 s24, $0x3  }
0x21: {  	s22 =	sshrl.u32 s5, $0x3;
	s2 =	sshrl.u32 s2, $0x3;
	s6 =	sadd.s32 s1, s6  }
0x22: {  	s5 =	simm.s32 $0x180;
	s1 =	sadd.s32 s1, s2;
	[dreg:$0x12] =	wrdreg s6  }
0x23: {  	s24 =	sshrl.u32 s25, $0x3;
	s2 =	simm.s32 $0x8E80;
	[dreg:$0x13] =	wrdreg s1  }
0x24: {  	s1 =	sadd.s32 s23, s3;
	s23 =	sshrl.u32 s9, $0x3;
	s9 =	simm.s32 $0x200  }
0x25: {  	v0 =	vimm.f32 $0.0e+00;
	s6 =	simm.s32 $0x4D80;
	s25 =	sshrl.u32 @!p1 s1, $0x3;
	s1 =	simm.s32 $0x100  }
.LBB2_1:
0x26: {  	s7 =	rddreg [dreg:$0x5]  }
0x27: {  	[tilespmem:s4], [sflag:$0x3] =	stream.linear.gather [hbm4b:s7+s4], $0x2800, $0x38;
	[tilespmem:$0x1A2A0] =	vst v63  }
0x28: {  	_ =	swait.ge [sflag:s21], $0x2800  }
0x29: {  	[sflag:s21] =	ssyncset.done $0x0  }
0x2a: {  	s19 =	simm.s32 $0x2800;
	s20 =	rddreg [dreg:$0x6];
	[sflag:s21] =	ssyncadd.s32 $0xFFFFD800  }
0x2b: {  	[tilespmem:s19], [sflag:$0x3] =	stream.linear.gather [hbm4b:s20+s4], $0x2800, $0x38;
	[tilespmem:$0x1A2A0] =	vst v63  }
0x2c: {  	_ =	swait.ge [sflag:s21], $0x2800  }
0x2d: {  	[sflag:s21] =	ssyncset.done $0x0  }
0x2e: {  	[sflag:s21] =	ssyncadd.s32 $0xFFFFD800  }
0x2f: {  	[tilespmem:s29], [sflag:$0x1] =	stream.indirect.gather [hbm4b:s0+s28], $0x40, s4, s28, $0xb8;
	[tilespmem:$0x1A2A0] =	vst v63  }
0x30: {  	_ = 	snop  }
0x31: {  	[tilespmem:s31], [sflag:$0x1] =	stream.indirect.gather [hbm4b:s0+s28], $0x40, s30, s28, $0xb8;
	[tilespmem:$0x1A2A0] =	vst v63  }
0x32: {  	s26 =	sand.u32 $0x7F00, s4  }
0x33: {  	[tilespmem:s2], [sflag:$0x1] =	stream.indirect.gather [hbm4b:s0+s28], $0x40, s1, s28, $0xb8;
	[tilespmem:$0x1A2A0] =	vst v63  }
0x34: {  	s26 =	sshrl.u32 s26, $0x2;
	s20 =	sand.u32 $0x30, s4  }
0x35: {  	[tilespmem:s8], [sflag:$0x1] =	stream.indirect.gather [hbm4b:s0+s28], $0x40, s5, s28, $0xb8;
	[tilespmem:$0x1A2A0] =	vst v63  }
0x36: {  	s19 =	simm.s32 $0x40;
	s20 =	sor.u32 s20, s26;
	s26 =	simm.s32 $0x0  }
0x37: {  	[tilespmem:s10], [sflag:$0x1] =	stream.indirect.gather [hbm4b:s0+s28], $0x40, s9, s28, $0xb8;
	[tilespmem:$0x1A2A0] =	vst v63  }
.LBB2_2:
0x38: {  	p2 =	sne.s32 s19, $0x67C0  }
0x39: {  	[tilespmem:s20+$0xEC40] =	vst v0;
	s26 =	sadd.s32 $0x10, s26;
	s20 =	smov.u32 s19;
	s19 =	sadd.s32 $0x40, s19  }
.Ltmp0:
0x3a: {  	(pc) =	sbr.rel @p2 .LBB2_2-.Ltmp0, $4  }
0x3b: {  	_ = 	snop  }
0x3c: {  	s20 =	sand.u32 $0x7F00, s20  }
0x3d: {  	s7 =	sand.u32 $0x30, s26;
	s20 =	sshrl.u32 s20, $0x2  }
0x3e: {  	s20 =	sor.u32 s7, s20  }
0x3f: {  	[tilespmem:s20+$0xEC40] =	vst v0;
	s7 =	rddreg [dreg:$0x7]  }
0x40: {  	[spmem:s7] =	stream.linear.scatter [tilespmem:s11], [sflag:$0x3], $0x1A00, $0x38;
	[tilespmem:$0x1A2A0] =	vst v63  }
0x41: {  	_ =	swait.ge [sflag:s21], $0x1A00  }
0x42: {  	[sflag:s21] =	ssyncset.done $0x0  }
0x43: {  	s20 =	rddreg [dreg:$0x8];
	[sflag:s21] =	ssyncadd.s32 $0xFFFFE600  }
0x44: {  	[spmem:s20] =	stream.linear.scatter [tilespmem:s11], [sflag:$0x3], $0x1A00, $0x38;
	[tilespmem:$0x1A2A0] =	vst v63  }
0x45: {  	_ =	swait.ge [sflag:s21], $0x1A00  }
0x46: {  	[sflag:s21] =	ssyncset.done $0x0  }
0x47: {  	s26 =	rddreg [dreg:$0x9];
	[sflag:s21] =	ssyncadd.s32 $0xFFFFE600  }
0x48: {  	[spmem:s26] =	stream.linear.scatter [tilespmem:s11], [sflag:$0x3], $0x1A00, $0x38;
	[tilespmem:$0x1A2A0] =	vst v63  }
0x49: {  	_ =	swait.ge [sflag:s21], $0x1A00  }
0x4a: {  	[sflag:s21] =	ssyncset.done $0x0  }
0x4b: {  	s19 =	rddreg [dreg:$0xa];
	[sflag:s21] =	ssyncadd.s32 $0xFFFFE600  }
0x4c: {  	[spmem:s19] =	stream.linear.scatter [tilespmem:s11], [sflag:$0x3], $0x1A00, $0x38;
	[tilespmem:$0x1A2A0] =	vst v63  }
0x4d: {  	_ =	swait.ge [sflag:s21], $0x1A00  }
0x4e: {  	[sflag:s21] =	ssyncset.done $0x0  }
0x4f: {  	s20 =	rddreg [dreg:$0xb];
	[sflag:s21] =	ssyncadd.s32 $0xFFFFE600  }
0x50: {  	[spmem:s20] =	stream.linear.scatter [tilespmem:s11], [sflag:$0x3], $0x1A00, $0x38;
	[tilespmem:$0x1A2A0] =	vst v63  }
0x51: {  	_ =	swait.ge [sflag:s21], $0x1A00  }
0x52: {  	[sflag:s21] =	ssyncset.done $0x0  }
0x53: {  	s26 =	rddreg [dreg:$0xc];
	[sflag:s21] =	ssyncadd.s32 $0xFFFFE600  }
0x54: {  	[spmem:s26] =	stream.linear.scatter [tilespmem:s11], [sflag:$0x3], $0x1A00, $0x38;
	[tilespmem:$0x1A2A0] =	vst v63  }
0x55: {  	_ =	swait.ge [sflag:s21], $0x1A00  }
0x56: {  	[sflag:s21] =	ssyncset.done $0x0  }
0x57: {  	s7 =	simm.s32 @!p0 $0xEC40;
	s19 =	rddreg [dreg:$0xd];
	[sflag:s21] =	ssyncadd.s32 $0xFFFFE600  }
0x58: {  	[spmem:s19] =	stream.linear.scatter @!p0 [tilespmem:s7], [sflag:$0x3], $0x400, $0x38;
	[tilespmem:$0x1A2A0] =	vst v63  }
0x59: {  	s7 =	simm.s32 @!p0 $0x3  }
0x5a: {  	_ =	swait.ge @!p0 [sflag:s7], $0x400  }
0x5b: {  	[sflag:s7] =	ssyncset.done @!p0 $0x0  }
0x5c: {  	[sflag:s7] =	ssyncadd.s32 @!p0 $0xFFFFFC00  }
0x5d: {  	[bflag:$0x0] =	sbarrier.arrive $0xFFFF  }
0x5e: {  	_ =	swait.ge [sflag:s12], $0x1F40  }
0x5f: {  	[sflag:s12] =	ssyncset.done $0x0  }
0x60: {  	s19 =	simm.s32 $0x2800;
	[sflag:s12] =	ssyncadd.s32 $0xFFFFE0C0  }
0x61: {  	[spmem:s3] =	stream.indirect.scatter.add.f32 [tilespmem:s29], [sflag:$0x2], $0x40, s19, s28, $0xb8;
	[tilespmem:$0x1A2A0] =	vst v63  }
0x62: {  	_ =	swait.ge [sflag:s12], $0x1F40  }
0x63: {  	[sflag:s12] =	ssyncset.done $0x0  }
0x64: {  	s20 =	simm.s32 $0x2880;
	[sflag:s12] =	ssyncadd.s32 $0xFFFFE0C0  }
0x65: {  	[spmem:s3] =	stream.indirect.scatter.add.f32 [tilespmem:s31], [sflag:$0x2], $0x40, s20, s28, $0xb8;
	[tilespmem:$0x1A2A0] =	vst v63  }
0x66: {  	_ =	swait.ge [sflag:s12], $0x1F40  }
0x67: {  	[sflag:s12] =	ssyncset.done $0x0  }
0x68: {  	s26 =	simm.s32 $0x2900;
	[sflag:s12] =	ssyncadd.s32 $0xFFFFE0C0  }
0x69: {  	[spmem:s3] =	stream.indirect.scatter.add.f32 [tilespmem:s2], [sflag:$0x2], $0x40, s26, s28, $0xb8;
	[tilespmem:$0x1A2A0] =	vst v63  }
0x6a: {  	_ =	swait.ge [sflag:s12], $0x1F40  }
0x6b: {  	[sflag:s12] =	ssyncset.done $0x0  }
0x6c: {  	s19 =	simm.s32 $0x2980;
	[sflag:s12] =	ssyncadd.s32 $0xFFFFE0C0  }
0x6d: {  	[spmem:s3] =	stream.indirect.scatter.add.f32 [tilespmem:s8], [sflag:$0x2], $0x40, s19, s28, $0xb8;
	[tilespmem:$0x1A2A0] =	vst v63  }
0x6e: {  	_ =	swait.ge [sflag:s12], $0x1F40  }
0x6f: {  	[sflag:s12] =	ssyncset.done $0x0  }
0x70: {  	s20 =	simm.s32 $0x2A00;
	[sflag:s12] =	ssyncadd.s32 $0xFFFFE0C0  }
0x71: {  	[spmem:s3] =	stream.indirect.scatter.add.f32 [tilespmem:s10], [sflag:$0x2], $0x40, s20, s28, $0xb8;
	[tilespmem:$0x1A2A0] =	vst v63  }
0x72: {  	_ =	swait.ge [sflag:s13], $0x1F40  }
0x73: {  	[sflag:s13] =	ssyncset.done $0x0  }
0x74: {  	s26 =	simm.s32 $0x280;
	[sflag:s13] =	ssyncadd.s32 $0xFFFFE0C0  }
0x75: {  	[tilespmem:s29], [sflag:$0x1] =	stream.indirect.gather [hbm4b:s0+s28], $0x40, s26, s28, $0xb8;
	[tilespmem:$0x1A2A0] =	vst v63  }
0x76: {  	_ =	swait.ge [sflag:s13], $0x1F40  }
0x77: {  	[sflag:s13] =	ssyncset.done $0x0  }
0x78: {  	s19 =	simm.s32 $0x300;
	[sflag:s13] =	ssyncadd.s32 $0xFFFFE0C0  }
0x79: {  	[tilespmem:s31], [sflag:$0x1] =	stream.indirect.gather [hbm4b:s0+s28], $0x40, s19, s28, $0xb8;
	[tilespmem:$0x1A2A0] =	vst v63  }
0x7a: {  	_ =	swait.ge [sflag:s13], $0x1F40  }
0x7b: {  	[sflag:s13] =	ssyncset.done $0x0  }
0x7c: {  	s20 =	simm.s32 $0x380;
	[sflag:s13] =	ssyncadd.s32 $0xFFFFE0C0  }
0x7d: {  	[tilespmem:s2], [sflag:$0x1] =	stream.indirect.gather [hbm4b:s0+s28], $0x40, s20, s28, $0xb8;
	[tilespmem:$0x1A2A0] =	vst v63  }
0x7e: {  	_ =	swait.ge [sflag:s13], $0x1F40  }
0x7f: {  	[sflag:s13] =	ssyncset.done $0x0  }
0x80: {  	s26 =	simm.s32 $0x400;
	[sflag:s13] =	ssyncadd.s32 $0xFFFFE0C0  }
0x81: {  	[tilespmem:s8], [sflag:$0x1] =	stream.indirect.gather [hbm4b:s0+s28], $0x40, s26, s28, $0xb8;
	[tilespmem:$0x1A2A0] =	vst v63  }
0x82: {  	_ =	swait.ge [sflag:s13], $0x1F40  }
0x83: {  	[sflag:s13] =	ssyncset.done $0x0  }
0x84: {  	s19 =	simm.s32 $0xA00;
	s20 =	simm.s32 $0x480;
	[sflag:s13] =	ssyncadd.s32 $0xFFFFE0C0  }
.LBB2_4:
0x85: {  	[tilespmem:s10], [sflag:$0x1] =	stream.indirect.gather [hbm4b:s0+s28], $0x40, s20, s28, $0xb8;
	[tilespmem:$0x1A2A0] =	vst v63  }
0x86: {  	s7 =	smov.u32 s19  }
0x87: {  	p2 =	sne.s32 s19, $0x8C00;
	s19 =	sadd.s32 $0xA00, s19;
	_ =	swait.ge [sflag:s12], $0x1F40  }
0x88: {  	s26 =	sshra.s32 s7, $0x2;
	[sflag:s12] =	ssyncset.done $0x0  }
0x89: {  	s7 =	sadd.s32 $0x2800, s26;
	[sflag:s12] =	ssyncadd.s32 $0xFFFFE0C0  }
0x8a: {  	[spmem:s3] =	stream.indirect.scatter.add.f32 [tilespmem:s29], [sflag:$0x2], $0x40, s7, s28, $0xb8;
	[tilespmem:$0x1A2A0] =	vst v63  }
0x8b: {  	_ =	swait.ge [sflag:s12], $0x1F40  }
0x8c: {  	[sflag:s12] =	ssyncset.done $0x0  }
0x8d: {  	s7 =	sadd.s32 $0x2880, s26;
	[sflag:s12] =	ssyncadd.s32 $0xFFFFE0C0  }
0x8e: {  	[spmem:s3] =	stream.indirect.scatter.add.f32 [tilespmem:s31], [sflag:$0x2], $0x40, s7, s28, $0xb8;
	[tilespmem:$0x1A2A0] =	vst v63  }
0x8f: {  	_ =	swait.ge [sflag:s12], $0x1F40  }
0x90: {  	[sflag:s12] =	ssyncset.done $0x0  }
0x91: {  	s7 =	sadd.s32 $0x2900, s26;
	[sflag:s12] =	ssyncadd.s32 $0xFFFFE0C0  }
0x92: {  	[spmem:s3] =	stream.indirect.scatter.add.f32 [tilespmem:s2], [sflag:$0x2], $0x40, s7, s28, $0xb8;
	[tilespmem:$0x1A2A0] =	vst v63  }
0x93: {  	_ =	swait.ge [sflag:s12], $0x1F40  }
0x94: {  	[sflag:s12] =	ssyncset.done $0x0  }
0x95: {  	s7 =	sadd.s32 $0x2980, s26;
	[sflag:s12] =	ssyncadd.s32 $0xFFFFE0C0  }
0x96: {  	[spmem:s3] =	stream.indirect.scatter.add.f32 [tilespmem:s8], [sflag:$0x2], $0x40, s7, s28, $0xb8;
	[tilespmem:$0x1A2A0] =	vst v63  }
0x97: {  	_ =	swait.ge [sflag:s12], $0x1F40  }
0x98: {  	[sflag:s12] =	ssyncset.done $0x0  }
0x99: {  	s7 =	sadd.s32 $0x2A00, s26;
	[sflag:s12] =	ssyncadd.s32 $0xFFFFE0C0  }
0x9a: {  	[spmem:s3] =	stream.indirect.scatter.add.f32 [tilespmem:s10], [sflag:$0x2], $0x40, s7, s28, $0xb8;
	[tilespmem:$0x1A2A0] =	vst v63  }
0x9b: {  	_ =	swait.ge [sflag:s13], $0x1F40  }
0x9c: {  	[sflag:s13] =	ssyncset.done $0x0  }
0x9d: {  	s7 =	sadd.s32 $0x280, s26;
	[sflag:s13] =	ssyncadd.s32 $0xFFFFE0C0  }
0x9e: {  	[tilespmem:s29], [sflag:$0x1] =	stream.indirect.gather [hbm4b:s0+s28], $0x40, s7, s28, $0xb8;
	[tilespmem:$0x1A2A0] =	vst v63  }
0x9f: {  	_ =	swait.ge [sflag:s13], $0x1F40  }
0xa0: {  	[sflag:s13] =	ssyncset.done $0x0  }
0xa1: {  	s7 =	sadd.s32 $0x300, s26;
	[sflag:s13] =	ssyncadd.s32 $0xFFFFE0C0  }
0xa2: {  	[tilespmem:s31], [sflag:$0x1] =	stream.indirect.gather [hbm4b:s0+s28], $0x40, s7, s28, $0xb8;
	[tilespmem:$0x1A2A0] =	vst v63  }
0xa3: {  	_ =	swait.ge [sflag:s13], $0x1F40  }
0xa4: {  	[sflag:s13] =	ssyncset.done $0x0  }
0xa5: {  	s7 =	sadd.s32 $0x380, s26;
	[sflag:s13] =	ssyncadd.s32 $0xFFFFE0C0  }
0xa6: {  	[tilespmem:s2], [sflag:$0x1] =	stream.indirect.gather [hbm4b:s0+s28], $0x40, s7, s28, $0xb8;
	[tilespmem:$0x1A2A0] =	vst v63  }
0xa7: {  	_ =	swait.ge [sflag:s13], $0x1F40  }
0xa8: {  	[sflag:s13] =	ssyncset.done $0x0  }
.Ltmp1:
0xa9: {  	s7 =	sadd.s32 $0x400, s26;
	[sflag:s13] =	ssyncadd.s32 $0xFFFFE0C0;
	(pc) =	sbr.rel @p2 .LBB2_4-.Ltmp1, $4  }
0xaa: {  	[tilespmem:s8], [sflag:$0x1] =	stream.indirect.gather [hbm4b:s0+s28], $0x40, s7, s28, $0xb8;
	[tilespmem:$0x1A2A0] =	vst v63  }
0xab: {  	_ =	swait.ge [sflag:s13], $0x1F40  }
0xac: {  	[sflag:s13] =	ssyncset.done $0x0  }
0xad: {  	s20 =	sadd.s32 $0x480, s26;
	[sflag:s13] =	ssyncadd.s32 $0xFFFFE0C0  }
0xae: {  	[tilespmem:s10], [sflag:$0x1] =	stream.indirect.gather [hbm4b:s0+s28], $0x40, s20, s28, $0xb8;
	[tilespmem:$0x1A2A0] =	vst v63  }
0xaf: {  	_ =	swait.ge [sflag:s12], $0x1F40  }
0xb0: {  	[sflag:s12] =	ssyncset.done $0x0  }
0xb1: {  	[sflag:s12] =	ssyncadd.s32 $0xFFFFE0C0  }
0xb2: {  	[spmem:s3] =	stream.indirect.scatter.add.f32 [tilespmem:s29], [sflag:$0x2], $0x40, s6, s28, $0xb8;
	[tilespmem:$0x1A2A0] =	vst v63  }
0xb3: {  	_ =	swait.ge [sflag:s12], $0x1F40  }
0xb4: {  	[sflag:s12] =	ssyncset.done $0x0  }
0xb5: {  	[sflag:s12] =	ssyncadd.s32 $0xFFFFE0C0  }
0xb6: {  	[spmem:s3] =	stream.indirect.scatter.add.f32 [tilespmem:s31], [sflag:$0x2], $0x40, s14, s28, $0xb8;
	[tilespmem:$0x1A2A0] =	vst v63  }
0xb7: {  	_ =	swait.ge [sflag:s12], $0x1F40  }
0xb8: {  	[sflag:s12] =	ssyncset.done $0x0  }
0xb9: {  	[sflag:s12] =	ssyncadd.s32 $0xFFFFE0C0  }
0xba: {  	[spmem:s3] =	stream.indirect.scatter.add.f32 [tilespmem:s2], [sflag:$0x2], $0x40, s15, s28, $0xb8;
	[tilespmem:$0x1A2A0] =	vst v63  }
0xbb: {  	_ =	swait.ge [sflag:s12], $0x1F40  }
0xbc: {  	[sflag:s12] =	ssyncset.done $0x0  }
0xbd: {  	[sflag:s12] =	ssyncadd.s32 $0xFFFFE0C0  }
0xbe: {  	[spmem:s3] =	stream.indirect.scatter.add.f32 [tilespmem:s8], [sflag:$0x2], $0x40, s16, s28, $0xb8;
	[tilespmem:$0x1A2A0] =	vst v63  }
0xbf: {  	_ =	swait.ge [sflag:s12], $0x1F40  }
0xc0: {  	[sflag:s12] =	ssyncset.done $0x0  }
0xc1: {  	[sflag:s12] =	ssyncadd.s32 $0xFFFFE0C0  }
0xc2: {  	[spmem:s3] =	stream.indirect.scatter.add.f32 [tilespmem:s10], [sflag:$0x2], $0x40, s17, s28, $0xb8;
	[tilespmem:$0x1A2A0] =	vst v63  }
0xc3: {  	_ =	swait.ge [sflag:s13], $0x1F40  }
0xc4: {  	[sflag:s13] =	ssyncset.done $0x0  }
0xc5: {  	[sflag:s13] =	ssyncadd.s32 $0xFFFFE0C0  }
0xc6: {  	_ =	swait.ge [sflag:s13], $0x1F40  }
0xc7: {  	[sflag:s13] =	ssyncset.done $0x0  }
0xc8: {  	[sflag:s13] =	ssyncadd.s32 $0xFFFFE0C0  }
0xc9: {  	_ =	swait.ge [sflag:s13], $0x1F40  }
0xca: {  	[sflag:s13] =	ssyncset.done $0x0  }
0xcb: {  	[sflag:s13] =	ssyncadd.s32 $0xFFFFE0C0  }
0xcc: {  	_ =	swait.ge [sflag:s13], $0x1F40  }
0xcd: {  	[sflag:s13] =	ssyncset.done $0x0  }
0xce: {  	[sflag:s13] =	ssyncadd.s32 $0xFFFFE0C0  }
0xcf: {  	_ =	swait.ge [sflag:s13], $0x1F40  }
0xd0: {  	[sflag:s13] =	ssyncset.done $0x0  }
0xd1: {  	s7 =	simm.s32 $0x0;
	s19 =	rddreg [dreg:$0xe];
	[sflag:s13] =	ssyncadd.s32 $0xFFFFE0C0  }
0xd2: {  	[tilespmem:s7], [sflag:$0x3] =	stream.linear.gather [hbm4b:s19+s7], $0x2800, $0x38;
	[tilespmem:$0x1A2A0] =	vst v63  }
0xd3: {  	_ =	swait.ge [sflag:s21], $0x2800  }
0xd4: {  	[sflag:s21] =	ssyncset.done $0x0  }
0xd5: {  	s26 =	simm.s32 $0x2800;
	s20 =	rddreg [dreg:$0xf];
	[sflag:s21] =	ssyncadd.s32 $0xFFFFD800  }
0xd6: {  	[tilespmem:s26], [sflag:$0x3] =	stream.linear.gather [hbm4b:s20+s7], $0x2800, $0x38;
	[tilespmem:$0x1A2A0] =	vst v63  }
0xd7: {  	_ =	swait.ge [sflag:s21], $0x2800  }
0xd8: {  	[sflag:s21] =	ssyncset.done $0x0  }
0xd9: {  	[sflag:s21] =	ssyncadd.s32 $0xFFFFD800  }
0xda: {  	[tilespmem:s29], [sflag:$0x1] =	stream.indirect.gather [hbm4b:s0+s28], $0x40, s7, s28, $0xb8;
	[tilespmem:$0x1A2A0] =	vst v63  }
0xdb: {  	_ = 	snop  }
0xdc: {  	[tilespmem:s31], [sflag:$0x1] =	stream.indirect.gather [hbm4b:s0+s28], $0x40, s30, s28, $0xb8;
	[tilespmem:$0x1A2A0] =	vst v63  }
0xdd: {  	_ = 	snop  }
0xde: {  	[tilespmem:s2], [sflag:$0x1] =	stream.indirect.gather [hbm4b:s0+s28], $0x40, s1, s28, $0xb8;
	[tilespmem:$0x1A2A0] =	vst v63  }
0xdf: {  	_ = 	snop  }
0xe0: {  	[tilespmem:s8], [sflag:$0x1] =	stream.indirect.gather [hbm4b:s0+s28], $0x40, s5, s28, $0xb8;
	[tilespmem:$0x1A2A0] =	vst v63  }
0xe1: {  	_ = 	snop  }
0xe2: {  	[tilespmem:s10], [sflag:$0x1] =	stream.indirect.gather [hbm4b:s0+s28], $0x40, s9, s28, $0xb8;
	[tilespmem:$0x1A2A0] =	vst v63  }
0xe3: {  	_ =	swait.ge [sflag:s12], $0x1F40  }
0xe4: {  	[sflag:s12] =	ssyncset.done $0x0  }
0xe5: {  	s19 =	simm.s32 $0x2800;
	[sflag:s12] =	ssyncadd.s32 $0xFFFFE0C0  }
0xe6: {  	[spmem:s3] =	stream.indirect.scatter.add.f32 [tilespmem:s29], [sflag:$0x2], $0x40, s19, s28, $0xb8;
	[tilespmem:$0x1A2A0] =	vst v63  }
0xe7: {  	_ =	swait.ge [sflag:s12], $0x1F40  }
0xe8: {  	[sflag:s12] =	ssyncset.done $0x0  }
0xe9: {  	s20 =	simm.s32 $0x2880;
	[sflag:s12] =	ssyncadd.s32 $0xFFFFE0C0  }
0xea: {  	[spmem:s3] =	stream.indirect.scatter.add.f32 [tilespmem:s31], [sflag:$0x2], $0x40, s20, s28, $0xb8;
	[tilespmem:$0x1A2A0] =	vst v63  }
0xeb: {  	_ =	swait.ge [sflag:s12], $0x1F40  }
0xec: {  	[sflag:s12] =	ssyncset.done $0x0  }
0xed: {  	s26 =	simm.s32 $0x2900;
	[sflag:s12] =	ssyncadd.s32 $0xFFFFE0C0  }
0xee: {  	[spmem:s3] =	stream.indirect.scatter.add.f32 [tilespmem:s2], [sflag:$0x2], $0x40, s26, s28, $0xb8;
	[tilespmem:$0x1A2A0] =	vst v63  }
0xef: {  	_ =	swait.ge [sflag:s12], $0x1F40  }
0xf0: {  	[sflag:s12] =	ssyncset.done $0x0  }
0xf1: {  	s19 =	simm.s32 $0x2980;
	[sflag:s12] =	ssyncadd.s32 $0xFFFFE0C0  }
0xf2: {  	[spmem:s3] =	stream.indirect.scatter.add.f32 [tilespmem:s8], [sflag:$0x2], $0x40, s19, s28, $0xb8;
	[tilespmem:$0x1A2A0] =	vst v63  }
0xf3: {  	_ =	swait.ge [sflag:s12], $0x1F40  }
0xf4: {  	[sflag:s12] =	ssyncset.done $0x0  }
0xf5: {  	s20 =	simm.s32 $0x2A00;
	[sflag:s12] =	ssyncadd.s32 $0xFFFFE0C0  }
0xf6: {  	[spmem:s3] =	stream.indirect.scatter.add.f32 [tilespmem:s10], [sflag:$0x2], $0x40, s20, s28, $0xb8;
	[tilespmem:$0x1A2A0] =	vst v63  }
0xf7: {  	_ =	swait.ge [sflag:s13], $0x1F40  }
0xf8: {  	[sflag:s13] =	ssyncset.done $0x0  }
0xf9: {  	s26 =	simm.s32 $0x280;
	[sflag:s13] =	ssyncadd.s32 $0xFFFFE0C0  }
0xfa: {  	[tilespmem:s29], [sflag:$0x1] =	stream.indirect.gather [hbm4b:s0+s28], $0x40, s26, s28, $0xb8;
	[tilespmem:$0x1A2A0] =	vst v63  }
0xfb: {  	_ =	swait.ge [sflag:s13], $0x1F40  }
0xfc: {  	[sflag:s13] =	ssyncset.done $0x0  }
0xfd: {  	s19 =	simm.s32 $0x300;
	[sflag:s13] =	ssyncadd.s32 $0xFFFFE0C0  }
0xfe: {  	[tilespmem:s31], [sflag:$0x1] =	stream.indirect.gather [hbm4b:s0+s28], $0x40, s19, s28, $0xb8;
	[tilespmem:$0x1A2A0] =	vst v63  }
0xff: {  	_ =	swait.ge [sflag:s13], $0x1F40  }
0x100: {  	[sflag:s13] =	ssyncset.done $0x0  }
0x101: {  	s20 =	simm.s32 $0x380;
	[sflag:s13] =	ssyncadd.s32 $0xFFFFE0C0  }
0x102: {  	[tilespmem:s2], [sflag:$0x1] =	stream.indirect.gather [hbm4b:s0+s28], $0x40, s20, s28, $0xb8;
	[tilespmem:$0x1A2A0] =	vst v63  }
0x103: {  	_ =	swait.ge [sflag:s13], $0x1F40  }
0x104: {  	[sflag:s13] =	ssyncset.done $0x0  }
0x105: {  	s26 =	simm.s32 $0x400;
	[sflag:s13] =	ssyncadd.s32 $0xFFFFE0C0  }
0x106: {  	[tilespmem:s8], [sflag:$0x1] =	stream.indirect.gather [hbm4b:s0+s28], $0x40, s26, s28, $0xb8;
	[tilespmem:$0x1A2A0] =	vst v63  }
0x107: {  	_ =	swait.ge [sflag:s13], $0x1F40  }
0x108: {  	[sflag:s13] =	ssyncset.done $0x0  }
0x109: {  	s19 =	simm.s32 $0xA00;
	s20 =	simm.s32 $0x480;
	[sflag:s13] =	ssyncadd.s32 $0xFFFFE0C0  }
.LBB2_6:
0x10a: {  	[tilespmem:s10], [sflag:$0x1] =	stream.indirect.gather [hbm4b:s0+s28], $0x40, s20, s28, $0xb8;
	[tilespmem:$0x1A2A0] =	vst v63  }
0x10b: {  	s7 =	smov.u32 s19  }
0x10c: {  	p2 =	sne.s32 s19, $0x8C00;
	s19 =	sadd.s32 $0xA00, s19;
	_ =	swait.ge [sflag:s12], $0x1F40  }
0x10d: {  	s26 =	sshra.s32 s7, $0x2;
	[sflag:s12] =	ssyncset.done $0x0  }
0x10e: {  	s7 =	sadd.s32 $0x2800, s26;
	[sflag:s12] =	ssyncadd.s32 $0xFFFFE0C0  }
0x10f: {  	[spmem:s3] =	stream.indirect.scatter.add.f32 [tilespmem:s29], [sflag:$0x2], $0x40, s7, s28, $0xb8;
	[tilespmem:$0x1A2A0] =	vst v63  }
0x110: {  	_ =	swait.ge [sflag:s12], $0x1F40  }
0x111: {  	[sflag:s12] =	ssyncset.done $0x0  }
0x112: {  	s7 =	sadd.s32 $0x2880, s26;
	[sflag:s12] =	ssyncadd.s32 $0xFFFFE0C0  }
0x113: {  	[spmem:s3] =	stream.indirect.scatter.add.f32 [tilespmem:s31], [sflag:$0x2], $0x40, s7, s28, $0xb8;
	[tilespmem:$0x1A2A0] =	vst v63  }
0x114: {  	_ =	swait.ge [sflag:s12], $0x1F40  }
0x115: {  	[sflag:s12] =	ssyncset.done $0x0  }
0x116: {  	s7 =	sadd.s32 $0x2900, s26;
	[sflag:s12] =	ssyncadd.s32 $0xFFFFE0C0  }
0x117: {  	[spmem:s3] =	stream.indirect.scatter.add.f32 [tilespmem:s2], [sflag:$0x2], $0x40, s7, s28, $0xb8;
	[tilespmem:$0x1A2A0] =	vst v63  }
0x118: {  	_ =	swait.ge [sflag:s12], $0x1F40  }
0x119: {  	[sflag:s12] =	ssyncset.done $0x0  }
0x11a: {  	s7 =	sadd.s32 $0x2980, s26;
	[sflag:s12] =	ssyncadd.s32 $0xFFFFE0C0  }
0x11b: {  	[spmem:s3] =	stream.indirect.scatter.add.f32 [tilespmem:s8], [sflag:$0x2], $0x40, s7, s28, $0xb8;
	[tilespmem:$0x1A2A0] =	vst v63  }
0x11c: {  	_ =	swait.ge [sflag:s12], $0x1F40  }
0x11d: {  	[sflag:s12] =	ssyncset.done $0x0  }
0x11e: {  	s7 =	sadd.s32 $0x2A00, s26;
	[sflag:s12] =	ssyncadd.s32 $0xFFFFE0C0  }
0x11f: {  	[spmem:s3] =	stream.indirect.scatter.add.f32 [tilespmem:s10], [sflag:$0x2], $0x40, s7, s28, $0xb8;
	[tilespmem:$0x1A2A0] =	vst v63  }
0x120: {  	_ =	swait.ge [sflag:s13], $0x1F40  }
0x121: {  	[sflag:s13] =	ssyncset.done $0x0  }
0x122: {  	s7 =	sadd.s32 $0x280, s26;
	[sflag:s13] =	ssyncadd.s32 $0xFFFFE0C0  }
0x123: {  	[tilespmem:s29], [sflag:$0x1] =	stream.indirect.gather [hbm4b:s0+s28], $0x40, s7, s28, $0xb8;
	[tilespmem:$0x1A2A0] =	vst v63  }
0x124: {  	_ =	swait.ge [sflag:s13], $0x1F40  }
0x125: {  	[sflag:s13] =	ssyncset.done $0x0  }
0x126: {  	s7 =	sadd.s32 $0x300, s26;
	[sflag:s13] =	ssyncadd.s32 $0xFFFFE0C0  }
0x127: {  	[tilespmem:s31], [sflag:$0x1] =	stream.indirect.gather [hbm4b:s0+s28], $0x40, s7, s28, $0xb8;
	[tilespmem:$0x1A2A0] =	vst v63  }
0x128: {  	_ =	swait.ge [sflag:s13], $0x1F40  }
0x129: {  	[sflag:s13] =	ssyncset.done $0x0  }
0x12a: {  	s7 =	sadd.s32 $0x380, s26;
	[sflag:s13] =	ssyncadd.s32 $0xFFFFE0C0  }
0x12b: {  	[tilespmem:s2], [sflag:$0x1] =	stream.indirect.gather [hbm4b:s0+s28], $0x40, s7, s28, $0xb8;
	[tilespmem:$0x1A2A0] =	vst v63  }
0x12c: {  	_ =	swait.ge [sflag:s13], $0x1F40  }
0x12d: {  	[sflag:s13] =	ssyncset.done $0x0  }
.Ltmp2:
0x12e: {  	s7 =	sadd.s32 $0x400, s26;
	[sflag:s13] =	ssyncadd.s32 $0xFFFFE0C0;
	(pc) =	sbr.rel @p2 .LBB2_6-.Ltmp2, $4  }
0x12f: {  	[tilespmem:s8], [sflag:$0x1] =	stream.indirect.gather [hbm4b:s0+s28], $0x40, s7, s28, $0xb8;
	[tilespmem:$0x1A2A0] =	vst v63  }
0x130: {  	_ =	swait.ge [sflag:s13], $0x1F40  }
0x131: {  	[sflag:s13] =	ssyncset.done $0x0  }
0x132: {  	s20 =	sadd.s32 $0x480, s26;
	[sflag:s13] =	ssyncadd.s32 $0xFFFFE0C0  }
0x133: {  	[tilespmem:s10], [sflag:$0x1] =	stream.indirect.gather [hbm4b:s0+s28], $0x40, s20, s28, $0xb8;
	[tilespmem:$0x1A2A0] =	vst v63  }
0x134: {  	_ =	swait.ge [sflag:s12], $0x1F40  }
0x135: {  	[sflag:s12] =	ssyncset.done $0x0  }
0x136: {  	[sflag:s12] =	ssyncadd.s32 $0xFFFFE0C0  }
0x137: {  	[spmem:s3] =	stream.indirect.scatter.add.f32 [tilespmem:s29], [sflag:$0x2], $0x40, s6, s28, $0xb8;
	[tilespmem:$0x1A2A0] =	vst v63  }
0x138: {  	_ =	swait.ge [sflag:s12], $0x1F40  }
0x139: {  	[sflag:s12] =	ssyncset.done $0x0  }
0x13a: {  	[sflag:s12] =	ssyncadd.s32 $0xFFFFE0C0  }
0x13b: {  	[spmem:s3] =	stream.indirect.scatter.add.f32 [tilespmem:s31], [sflag:$0x2], $0x40, s14, s28, $0xb8;
	[tilespmem:$0x1A2A0] =	vst v63  }
0x13c: {  	_ =	swait.ge [sflag:s12], $0x1F40  }
0x13d: {  	[sflag:s12] =	ssyncset.done $0x0  }
0x13e: {  	[sflag:s12] =	ssyncadd.s32 $0xFFFFE0C0  }
0x13f: {  	[spmem:s3] =	stream.indirect.scatter.add.f32 [tilespmem:s2], [sflag:$0x2], $0x40, s15, s28, $0xb8;
	[tilespmem:$0x1A2A0] =	vst v63  }
0x140: {  	_ =	swait.ge [sflag:s12], $0x1F40  }
0x141: {  	[sflag:s12] =	ssyncset.done $0x0  }
0x142: {  	[sflag:s12] =	ssyncadd.s32 $0xFFFFE0C0  }
0x143: {  	[spmem:s3] =	stream.indirect.scatter.add.f32 [tilespmem:s8], [sflag:$0x2], $0x40, s16, s28, $0xb8;
	[tilespmem:$0x1A2A0] =	vst v63  }
0x144: {  	_ =	swait.ge [sflag:s12], $0x1F40  }
0x145: {  	[sflag:s12] =	ssyncset.done $0x0  }
0x146: {  	[sflag:s12] =	ssyncadd.s32 $0xFFFFE0C0  }
0x147: {  	[spmem:s3] =	stream.indirect.scatter.add.f32 [tilespmem:s10], [sflag:$0x2], $0x40, s17, s28, $0xb8;
	[tilespmem:$0x1A2A0] =	vst v63  }
0x148: {  	_ =	swait.ge [sflag:s13], $0x1F40  }
0x149: {  	[sflag:s13] =	ssyncset.done $0x0  }
0x14a: {  	[sflag:s13] =	ssyncadd.s32 $0xFFFFE0C0  }
0x14b: {  	_ =	swait.ge [sflag:s13], $0x1F40  }
0x14c: {  	[sflag:s13] =	ssyncset.done $0x0  }
0x14d: {  	[sflag:s13] =	ssyncadd.s32 $0xFFFFE0C0  }
0x14e: {  	_ =	swait.ge [sflag:s13], $0x1F40  }
0x14f: {  	[sflag:s13] =	ssyncset.done $0x0  }
0x150: {  	[sflag:s13] =	ssyncadd.s32 $0xFFFFE0C0  }
0x151: {  	_ =	swait.ge [sflag:s13], $0x1F40  }
0x152: {  	[sflag:s13] =	ssyncset.done $0x0  }
0x153: {  	[sflag:s13] =	ssyncadd.s32 $0xFFFFE0C0  }
0x154: {  	_ =	swait.ge [sflag:s13], $0x1F40  }
0x155: {  	[sflag:s13] =	ssyncset.done $0x0  }
0x156: {  	s7 =	stileid.u32;
	[sflag:s13] =	ssyncadd.s32 $0xFFFFE0C0  }
0x157: {  	s7 =	sshll.u32 s7, $0x6;
	[bflag:$0x0] =	sbarrier.arrive $0xFFFF  }
0x158: {  	s7 =	sor.u32 $0x1C03, s7;
	s19 =	rddreg [dreg:$0x10]  }
0x159: {  	[hbm:s19], [sflag:s7] =	dma.local [spmem:s22], $0x640  }
0x15a: {  	_ =	swait.ge [sflag:s21], $0x640  }
0x15b: {  	[sflag:s21] =	ssyncset.done $0x0  }
0x15c: {  	s26 =	rddreg [dreg:$0x11];
	[sflag:s21] =	ssyncadd.s32 $0xFFFFF9C0  }
0x15d: {  	[hbm:s26], [sflag:s7] =	dma.local [spmem:s23], $0x640  }
0x15e: {  	_ =	swait.ge [sflag:s21], $0x640  }
0x15f: {  	[sflag:s21] =	ssyncset.done $0x0  }
0x160: {  	s20 =	rddreg [dreg:$0x12];
	[sflag:s21] =	ssyncadd.s32 $0xFFFFF9C0  }
0x161: {  	[hbm:s20], [sflag:s7] =	dma.local [spmem:s24], $0x640  }
0x162: {  	_ =	swait.ge [sflag:s21], $0x640  }
0x163: {  	[sflag:s21] =	ssyncset.done $0x0  }
0x164: {  	s19 =	rddreg [dreg:$0x13];
	[sflag:s21] =	ssyncadd.s32 $0xFFFFF9C0  }
0x165: {  	[hbm:s19], [sflag:s7] =	dma.local @!p1 [spmem:s25], $0x640  }
0x166: {  	s7 =	simm.s32 @!p1 $0x3  }
0x167: {  	_ =	swait.ge @!p1 [sflag:s7], $0x640  }
0x168: {  	s18 =	sadd.s32 $0x1, s18;
	s26 =	rddreg [dreg:$0x14]  }
0x169: {  	p2 =	sne.s32 s18, s26  }
.Ltmp3:
0x16a: {  	_ = 	snop;
	(pc) =	sbr.rel @p2 .LBB2_1-.Ltmp3, $3  }
0x16b: {  	_ =	sdelay $0x1  }
0x16c: {  	[sflag:s7] =	ssyncset.done @!p1 $0x0  }
0x16d: {  	[sflag:s7] =	ssyncadd.s32 @!p1 $0xFFFFF9C0  }
0x16e: {  	_ =	sfence.sel $0x180000  }
0x16f: {  	[bflag:$0x0] =	sbarrier.arrive $0xFFFF  }
0x170: {  	_ =	strace $0x90000047  }
0x171: {  	[bflag:$0x2] =	sbarrier.arrive $0xFFFF  }
0x172: {  	s0 =	rddreg [dreg:$0x4]  }
0x173: {  	s0 =	sadd.s32 @!p0 $0x100000, s0  }
0x174: {  	[sflag:s0] =	ssyncadd.tile.s32 @!p0 $0x1;
	_ =	shalt  }
.Lfunc_end2:
_tile_overlayer_lowered:
.L_overlay_start_2:
0x175: {  	(tag) =	ssettag $0x2  }
0x176: {  	s0 =	rddreg [dreg:$0x0];
	s2 =	stileid.u32  }
0x177: {  	s1 =	rddreg [dreg:$0x1];
	p0 =	sne.s32 s2, $0x0  }
0x178: {  	s3 =	rddreg [dreg:$0x2];
	[bflag:$0x3] =	sbarrier.arrive $0xFFFF;
	s2 =	simm.s32 @!p0 $0x1C03  }
0x179: {  	[timem:s3], [sflag:s2] =	dma.local @!p0 [hbm:s0], s1  }
0x17a: {  	s0 =	simm.s32 @!p0 $0x3  }
0x17b: {  	_ =	swait.ge @!p0 [sflag:s0], s1  }
0x17c: {  	s1 =	ssub.s32 @!p0 $0x0, s1;
	[sflag:s0] =	ssyncset.done @!p0 $0x0  }
0x17d: {  	[sflag:s0] =	ssyncadd.s32 @!p0 s1  }
0x17e: {  	[bflag:$0x3] =	sbarrier.arrive $0xFFFF  }
0x17f: {  	_ =	shalt  }

// kernel: kernel.15.cloned.1.call-start
scs
__scs_entry_jumppad:
0x0: {  	(pc) =	sbr.rel $0x88, $3  }
0x1: {  	(tag) =	ssettag $0x0;
	lr =	simm.s32 $0x1  }
0x2: {  	[smem:$0x3F94] =	sst lr;
	_ =	strace $0xD0000000  }
0x3: {  	_ = 	snop  }
0x4: {  	_ = 	snop  }
0x5: {  	_ = 	snop  }
0x6: {  	_ = 	snop  }
0x7: {  	_ = 	snop  }
__scs_overlays_trampoline_lowered:
0x8: {  	[smem:$0x3FA3] =	sst s0  }
0x9: {  	[smem:$0x3FA4] =	sst s1  }
0xa: {  	[smem:$0x3FA5] =	sst s2  }
0xb: {  	[smem:$0x3FA6] =	sst s3  }
0xc: {  	[smem:$0x3FA7] =	sst s4  }
0xd: {  	[smem:$0x3FA8] =	sst s5  }
0xe: {  	[smem:$0x3FA9] =	sst s6  }
0xf: {  	[smem:$0x3FAA] =	sst s7  }
0x10: {  	[smem:$0x3FAB] =	sst s8  }
0x11: {  	[smem:$0x3FAC] =	sst s9;
	s0 =	simm.s32 @!p0 $0x0  }
0x12: {  	s1 =	sld [smem:$0x3F92];
	s0 =	simm.s32 @p0 $0x1  }
0x13: {  	[smem:$0x3FAD] =	sst s0;
	s0 =	simm.s32 @!p1 $0x0  }
0x14: {  	s2 =	sld [smem:$0x3F91];
	s0 =	simm.s32 @p1 $0x1  }
0x15: {  	[smem:$0x3FAE] =	sst s0;
	s0 =	simm.s32 @!p2 $0x0  }
0x16: {  	s3 =	sld [smem:$0x3FDB];
	s0 =	simm.s32 @p2 $0x1  }
0x17: {  	s4 =	simm.s32 $0x1BF5;
	[smem:$0x3FB0] =	sst s0  }
0x18: {  	s0 =	sld [smem:$0x3F93];
	_ =	swait.ge [sflag:s4], $0x0  }
0x19: {  	s7 =	sld [smem:$0x3F94]  }
0x1a: {  	s8 =	sadd.s32 $0xFFFFE003, lr  }
0x1b: {  	s9 =	sadd.s32 $0xFFFFFEF7, lr;
	s5 =	simm.s32 $0xFFFFFFFF;
	p2 =	slt.u32 s8, $0xFFFFF086  }
0x1c: {  	p1 =	slt.u32 s9, $0xF7A;
	s5 =	simm.s32 @!p2 $0x0  }
0x1d: {  	s5 =	simm.s32 @p1 $0x1;
	p0 =	seq.s32 s7, s2  }
0x1e: {  	s7 =	smul.u32 @!p0 $0xF7A, s2;
	p2 =	seq.s32 @!p0 s5, $0x0  }
0x1f: {  	s9 =	smul.u32 $0xF7A, s1;
	s8 =	simm.s32 @!p0 $0x1BF5;
	p2 =	por !p2, p0  }
0x20: {  	[sflag:s8] =	ssyncset.s32 @!p0 $0xFFFFF086;
	s6 =	sadd.s32 @!p0 s3, s7;
	s7 =	simm.s32 @!p0 $0x108  }
0x21: {  	s3 =	sadd.s32 s3, s9;
	s6 =	sadd.s32 @!p0 $0x88, s6;
	s7 =	simm.s32 @p2 $0x1082  }
0x22: {  	[simem:s7], [sflag:s8] =	dma.local @!p0 [hbm:s6], $0xF7A  }
0x23: {  	s9 =	sor.u32 $0xD0000000, s2;
	s6 =	simm.s32 $0x108;
	_ =	swait.ge @!p0 [sflag:s8], $0x0  }
0x24: {  	s3 =	sadd.s32 $0x88, s3;
	s6 =	simm.s32 @!p1 $0x1082;
	[sflag:s4] =	ssyncset.s32 $0xFFFFF086  }
0x25: {  	[simem:s6], [sflag:s4] =	dma.local [hbm:s3], $0xF7A  }
0x26: {  	[smem:$0x3F94] =	sst s1;
	(tag) =	ssettag s2;
	_ =	strace s9  }
0x27: {  	s1 =	sld [smem:$0x3FA4]  }
0x28: {  	s2 =	sld [smem:$0x3FA5]  }
0x29: {  	s4 =	sld [smem:$0x3FA7]  }
0x2a: {  	p0 =	seq.s32 s5, $0x0;
	s5 =	sld [smem:$0x3FA8]  }
0x2b: {  	s6 =	sld [smem:$0x3FA9]  }
0x2c: {  	s7 =	sld [smem:$0x3FAA]  }
0x2d: {  	s3 =	simm.s32 $0x108;
	s8 =	sld [smem:$0x3FAB]  }
0x2e: {  	s3 =	simm.s32 @!p0 $0x1082;
	s9 =	sld [smem:$0x3FAC]  }
0x2f: {  	lr =	sadd.s32 s0, s3;
	s0 =	sld [smem:$0x3FA3]  }
0x30: {  	s3 =	sld [smem:$0x3FA6]  }
0x31: {  	[smem:$0x3FAF] =	sst s10  }
0x32: {  	s10 =	sld [smem:$0x3FAD];
	_ =	sdelay $0x3  }
0x33: {  	p0 =	seq.s32 s10, $0x1;
	s10 =	sld [smem:$0x3FAF];
	_ =	sdelay $0x3  }
0x34: {  	[smem:$0x3FAF] =	sst s10  }
0x35: {  	s10 =	sld [smem:$0x3FAE];
	_ =	sdelay $0x3  }
0x36: {  	p1 =	seq.s32 s10, $0x1;
	s10 =	sld [smem:$0x3FAF];
	_ =	sdelay $0x3  }
0x37: {  	[smem:$0x3FAF] =	sst s10  }
0x38: {  	s10 =	sld [smem:$0x3FB0]  }
0x39: {  	_ = 	snop;
	(pc) =	sbr.ind lr, $3  }
0x3a: {  	_ = 	snop  }
0x3b: {  	_ = 	snop  }
0x3c: {  	p2 =	seq.s32 s10, $0x1;
	s10 =	sld [smem:$0x3FAF]  }
0x3d: {  	_ =	shalt  }
0x3e: {  	_ =	shalt  }
0x3f: {  	_ =	shalt  }
0x40: {  	_ =	shalt  }
0x41: {  	_ =	shalt  }
0x42: {  	_ =	shalt  }
0x43: {  	_ =	shalt  }
0x44: {  	_ =	shalt  }
0x45: {  	_ =	shalt  }
0x46: {  	_ =	shalt  }
0x47: {  	_ =	shalt  }
0x48: {  	_ =	shalt  }
0x49: {  	_ =	shalt  }
0x4a: {  	_ =	shalt  }
0x4b: {  	_ =	shalt  }
0x4c: {  	_ =	shalt  }
0x4d: {  	_ =	shalt  }
0x4e: {  	_ =	shalt  }
0x4f: {  	_ =	shalt  }
0x50: {  	_ =	shalt  }
0x51: {  	_ =	shalt  }
0x52: {  	_ =	shalt  }
0x53: {  	_ =	shalt  }
0x54: {  	_ =	shalt  }
0x55: {  	_ =	shalt  }
0x56: {  	_ =	shalt  }
0x57: {  	_ =	shalt  }
0x58: {  	_ =	shalt  }
0x59: {  	_ =	shalt  }
0x5a: {  	_ =	shalt  }
0x5b: {  	_ =	shalt  }
0x5c: {  	_ =	shalt  }
0x5d: {  	_ =	shalt  }
0x5e: {  	_ =	shalt  }
0x5f: {  	_ =	shalt  }
0x60: {  	_ =	shalt  }
0x61: {  	_ =	shalt  }
0x62: {  	_ =	shalt  }
0x63: {  	_ =	shalt  }
0x64: {  	_ =	shalt  }
0x65: {  	_ =	shalt  }
0x66: {  	_ =	shalt  }
0x67: {  	_ =	shalt  }
0x68: {  	_ =	shalt  }
0x69: {  	_ =	shalt  }
0x6a: {  	_ =	shalt  }
0x6b: {  	_ =	shalt  }
0x6c: {  	_ =	shalt  }
0x6d: {  	_ =	shalt  }
0x6e: {  	_ =	shalt  }
0x6f: {  	_ =	shalt  }
0x70: {  	_ =	shalt  }
0x71: {  	_ =	shalt  }
0x72: {  	_ =	shalt  }
0x73: {  	_ =	shalt  }
0x74: {  	_ =	shalt  }
0x75: {  	_ =	shalt  }
0x76: {  	_ =	shalt  }
0x77: {  	_ =	shalt  }
0x78: {  	_ =	shalt  }
0x79: {  	_ =	shalt  }
0x7a: {  	_ =	shalt  }
0x7b: {  	_ =	shalt  }
0x7c: {  	_ =	shalt  }
0x7d: {  	_ =	shalt  }
0x7e: {  	_ =	shalt  }
0x7f: {  	_ =	shalt  }
0x80: {  	_ =	shalt  }
0x81: {  	_ =	shalt  }
0x82: {  	_ =	shalt  }
0x83: {  	_ =	shalt  }
0x84: {  	_ =	shalt  }
0x85: {  	_ =	shalt  }
0x86: {  	_ =	shalt  }
0x87: {  	_ =	shalt  }
.Lfunc_end0:
.L_simem_size_0:
called_computation.2_lowered:
.L_overlay_start_0:
0x88: {  	s2 =	sld [smem:$0x3FD9]  }
0x89: {  	s3 =	sld [smem:$0x3FFE];
	_ =	sdelay $0x1  }
0x8a: {  	s1 =	srdreg.scid  }
0x8b: {  	s0 =	sand.u32 $0x1, s1  }
0x8c: {  	s17 =	sshll.u32 s0, $0xA;
	s2 =	sadd.s32 s3, s2  }
0x8d: {  	s2 =	sadd.s32 s2, s17  }
0x8e: {  	[smem:$0x3FBB] =	sst s2  }
0x8f: {  	_ = 	snop  }
0x90: {  	s2 =	sld [smem:$0x3FD0];
	(tm) =	ssettm $0x1  }
0x91: {  	s18 =	sld [smem:$0x3FFB];
	_ =	sdelay $0x3  }
0x92: {  	_ =	strace s18  }
0x93: {  	s3 =	sld [smem:$0x3FFC];
	_ =	sdelay $0x3  }
0x94: {  	_ =	strace s3  }
0x95: {  	s3 =	sld [smem:$0x3FFD];
	_ =	sdelay $0x3  }
0x96: {  	_ =	strace s3  }
0x97: {  	_ =	strace $0x8FFFFFFF  }
0x98: {  	s19 =	sld [smem:$0x3FDB];
	_ =	sdelay $0x1  }
0x99: {  	s4 =	simm.s32 $_scs_section_size  }
0x9a: {  	s5 =	simm.s32 $_size__tile_overlayer_lowered;
	s6 =	simm.s32 $_tile_overlayer_lowered  }
0x9b: {  	s22 =	simm.s32 $0x1BFF;
	s21 =	sshll.u32 s6, $0x1;
	s3 =	sadd.s32 s4, s19  }
0x9c: {  	s7 =	simm.s32 $0x0;
	s20 =	sshll.u32 s5, $0x1;
	s5 =	sadd.s32 s21, s3  }
0x9d: {  	[timem:s7], [sflag:s22] =	dma.local [hbm:s5], s20  }
0x9e: {  	_ =	swait.ge [sflag:s22], s20  }
0x9f: {  	s4 =	ssub.s32 $0x0, s20;
	[sflag:s22] =	ssyncset.done $0x0  }
0xa0: {  	[sflag:s22] =	ssyncadd.s32 s4;
	_ =	sdelay $0x1  }
0xa1: {  	s23 =	simm.s32 $0x1B8B  }
0xa2: {  	_ =	swait.ge [sflag:s23], $0x1  }
0xa3: {  	[sflag:s23] =	ssyncset.done $0x0  }
0xa4: {  	s25 =	simm.s32 $0x1B8E;
	s24 =	sld [smem:$0x3FFE];
	[sflag:s23] =	ssyncadd.s32 $0xFFFFFFFF  }
0xa5: {  	s26 =	simm.s32 $execute0_lowered;
	[smem:$0x3FD2] =	sst s25  }
0xa6: {  	s5 =	sshll.u32 s26, $0x1;
	_ =	strace $0x8000004C;
	[dreg:$0x1] =	wrdreg $0xFFFFFFFF  }
0xa7: {  	s28 =	simm.s32 $_size_execute0_lowered;
	s3 =	sadd.s32 s3, s5;
	[dreg:$0x0] =	wrdreg $0x0  }
0xa8: {  	s5 =	sshll.u32 s28, $0x1;
	[dreg:$0x2] =	wrdreg s3  }
0xa9: {  	[dreg:$0x3] =	wrdreg s5  }
0xaa: {  	[dreg:$0x4] =	wrdreg $0xC0  }
0xab: {  	_ =	task [dreg:s7], $0x5FFFF  }
0xac: {  	[dreg:$0x1] =	wrdreg $0xFFFFFFFF  }
0xad: {  	[dreg:$0x0] =	wrdreg $0x60  }
0xae: {  	[dreg:$0x2] =	wrdreg s24  }
0xaf: {  	[dreg:$0x3] =	wrdreg s2  }
0xb0: {  	[dreg:$0x4] =	wrdreg $0x106400  }
0xb1: {  	[dreg:$0x5] =	wrdreg $0x9  }
0xb2: {  	_ =	task.clear_ibuf [dreg:s7], $0x6FFFF;
	_ =	strace $0x9000004C  }
0xb3: {  	s29 =	simm.s32 $0x9;
	_ =	strace $0x8000004E  }
0xb4: {  	_ =	swait.ge [sflag:s29], $0x1  }
0xb5: {  	[sflag:s29] =	ssyncadd.s32 $0xFFFFFFFF  }
0xb6: {  	_ =	strace $0x9000004E  }
0xb7: {  	_ =	sfence  }
0xb8: {  	s30 =	sld [smem:$0x0];
	_ =	sdelay $0x2  }
0xb9: {  	s31 =	sshll.u32 s1, $0xD;
	s1 =	sshrl.u32 s1, $0x2  }
0xba: {  	s3 =	sand.u32 $0x4000, s31;
	s1 =	sadd.s32 s1, s30  }
0xbb: {  	s0 =	sor.u32 s3, s0;
	s1 =	sshll.u32 s1, $0x11  }
0xbc: {  	s0 =	sor.u32 s1, s0  }
0xbd: {  	s0 =	sadd.s32 $0x8F2B, s0  }
0xbe: {  	[sflag:s0] =	ssyncadd.remote.s32 $0x1  }
0xbf: {  	_ =	sfence.sel $0xFFFF  }
0xc0: {  	[dreg:$0x0] =	wrdreg $0xFFFFFFFF;
	(pc) =	sbr.abs _section_cstart, $3  }
0xc1: {  	[dreg:$0x1] =	wrdreg $0xFFFFFFFF  }
0xc2: {  	_ =	task.clear_ibuf [dreg:s7], $0x2FFFF;
	_ =	strace $0x9FFFFFFF  }
0xc3: {  	(tm) =	ssettm $0x7FFFFFFF  }
tec
execute0_lowered:
.L_overlay_start_1:
0x0: {  	(tag) =	ssettag $0x1  }
0x1: {  	s0 =	rddreg [dreg:$0x0]  }
0x2: {  	s2 =	rddreg [dreg:$0x1];
	s14 =	stileid.u32  }
0x3: {  	s3 =	srdreg.scid;
	s6 =	smul.u32 $0x5000, s14  }
0x4: {  	s1 =	rddreg [dreg:$0x2];
	s20 =	smul.u32 $0x6800, s14  }
0x5: {  	s28 =	simm.s32 $0x7D;
	s5 =	sand.u32 $0x1, s3;
	s26 =	smul.u32 $0x3200, s14  }
0x6: {  	s29 =	simm.s32 $0x5000;
	s21 =	sor.u32 $0x10, s14;
	s4 =	smul.u32 $0x50000, s5  }
0x7: {  	s30 =	simm.s32 $0x80;
	s12 =	sor.u32 $0x20, s14;
	s11 =	smul.u32 $0x6800, s21  }
0x8: {  	s31 =	simm.s32 $0x6F40;
	s23 =	sor.u32 $0x30, s14;
	s22 =	smul.u32 $0x6800, s12  }
0x9: {  	s3 =	simm.s32 $0x0;
	p0 =	sne.s32 s14, $0x0;
	s13 =	smul.u32 $0x6800, s23  }
0xa: {  	p1 =	sgt.u32 s14, $0x1;
	s8 =	ssub.s32 $0x2, s5;
	s5 =	smul.u32 $0x9C400, s5  }
0xb: {  	s14 =	simm.s32 $0x4E00;
	[smem:$0x7FF] =	sst s3;
	s12 =	smul.u32 $0x3200, s12  }
0xc: {  	_ =	strace $0x8000004D;
	s9 =	sshrl.u32 s8, $0x1;
	s7 =	sadd.s32 s6, s4  }
0xd: {  	s4 =	sadd.s32 $0x17400, s0;
	s8 =	ssub.s32 s8, s9;
	s6 =	sshrl.u32 s6, $0x3  }
0xe: {  	s11 =	sshrl.u32 s11, $0x2;
	s24 =	sshrl.u32 s13, $0x2;
	s13 =	sadd.s32 $0x9C000, s1  }
0xf: {  	s9 =	smul.u32 $0x3200, s21;
	s18 =	sadd.s32 s26, s5;
	s7 =	sshrl.u32 s7, $0x3  }
0x10: {  	s15 =	sadd.s32 s2, s6;
	s11 =	sadd.s32 s11, s1;
	s2 =	sshrl.u32 s22, $0x2  }
0x11: {  	[dreg:$0xc] =	wrdreg s13;
	s6 =	smul.u32 $0x3200, s23;
	s23 =	sadd.s32 s5, s12  }
0x12: {  	s13 =	simm.s32 $0x2;
	s10 =	sadd.s32 s7, s0;
	[dreg:$0x7] =	wrdreg s11  }
0x13: {  	s0 =	sadd.s32 $0xA0600, s0;
	s2 =	sadd.s32 s2, s1;
	[dreg:$0x5] =	wrdreg s15  }
0x14: {  	s17 =	sadd.s32 $0x500, s15;
	s19 =	sadd.s32 s5, s9;
	s9 =	sadd.s32 s9, s1  }
0x15: {  	s11 =	simm.s32 $0xEC40;
	s15 =	simm.s32 $0x4E80;
	s7 =	sadd.s32 $0x3400, s10  }
0x16: {  	[dreg:$0x8] =	wrdreg s2;
	s2 =	sadd.s32 s24, s1;
	s16 =	sadd.s32 $0x3900, s10  }
0x17: {  	[dreg:$0xe] =	wrdreg s17;
	s10 =	sshrl.u32 s18, $0x3;
	s21 =	sshrl.u32 s19, $0x3  }
0x18: {  	s5 =	sadd.s32 s5, s6;
	s17 =	simm.s32 $0x4F80;
	[dreg:$0x4] =	wrdreg s7  }
0x19: {  	s18 =	simm.s32 $0x0;
	s7 =	sshrl.u32 s20, $0x2;
	[dreg:$0x9] =	wrdreg s2  }
0x1a: {  	[dreg:$0xd] =	wrdreg s16;
	s20 =	sadd.s32 s0, s10;
	s2 =	sadd.s32 s26, s1  }
0x1b: {  	s22 =	sadd.s32 s0, s21;
	s10 =	sshrl.u32 s23, $0x3;
	s5 =	sshrl.u32 s5, $0x3  }
0x1c: {  	s26 =	smax.u32 s8, $0x1;
	s21 =	simm.s32 $0x3;
	s23 =	sshrl.u32 s9, $0x3  }
0x1d: {  	s8 =	simm.s32 $0xADC0;
	s9 =	simm.s32 $0x200;
	[dreg:$0xf] =	wrdreg s20  }
0x1e: {  	s16 =	simm.s32 $0x4F00;
	s7 =	sadd.s32 s7, s1;
	[dreg:$0x10] =	wrdreg s22  }
0x1f: {  	s24 =	sadd.s32 s0, s10;
	s0 =	sadd.s32 s0, s5;
	[dreg:$0x13] =	wrdreg s26  }
0x20: {  	s22 =	sshrl.u32 s2, $0x3;
	s2 =	simm.s32 $0x8E80;
	[dreg:$0x6] =	wrdreg s7  }
0x21: {  	s5 =	simm.s32 $0x180;
	s10 =	simm.s32 $0xCD00;
	[dreg:$0x11] =	wrdreg s24  }
0x22: {  	s25 =	sadd.s32 $0x68000, s7;
	s7 =	sadd.s32 $0x82000, s7;
	[dreg:$0x12] =	wrdreg s0  }
0x23: {  	s0 =	sadd.s32 s6, s1;
	s6 =	simm.s32 $0x4D80;
	[dreg:$0xa] =	wrdreg s25  }
0x24: {  	[dreg:$0xb] =	wrdreg s7;
	s25 =	sadd.s32 s12, s1;
	s12 =	simm.s32 $0x1  }
0x25: {  	v0 =	vimm.f32 $0.0e+00;
	s24 =	sshrl.u32 s25, $0x3;
	s25 =	sshrl.u32 @!p1 s0, $0x3;
	s0 =	simm.s32 $0x100  }
.LBB2_1:
0x26: {  	s7 =	rddreg [dreg:$0x4]  }
0x27: {  	[tilespmem:s3], [sflag:$0x3] =	stream.linear.gather [hbm4b:s7+s3], $0x2800, $0x38;
	[tilespmem:$0x1A2A0] =	vst v63  }
0x28: {  	_ =	swait.ge [sflag:s21], $0x2800  }
0x29: {  	[sflag:s21] =	ssyncset.done $0x0  }
0x2a: {  	s19 =	simm.s32 $0x2800;
	s20 =	rddreg [dreg:$0x5];
	[sflag:s21] =	ssyncadd.s32 $0xFFFFD800  }
0x2b: {  	[tilespmem:s19], [sflag:$0x3] =	stream.linear.gather [hbm4b:s20+s3], $0x2800, $0x38;
	[tilespmem:$0x1A2A0] =	vst v63  }
0x2c: {  	_ =	swait.ge [sflag:s21], $0x2800  }
0x2d: {  	[sflag:s21] =	ssyncset.done $0x0  }
0x2e: {  	[sflag:s21] =	ssyncadd.s32 $0xFFFFD800  }
0x2f: {  	[tilespmem:s29], [sflag:$0x1] =	stream.indirect.gather [hbm4b:s4+s28], $0x40, s3, s28, $0xb8;
	[tilespmem:$0x1A2A0] =	vst v63  }
0x30: {  	_ = 	snop  }
0x31: {  	[tilespmem:s31], [sflag:$0x1] =	stream.indirect.gather [hbm4b:s4+s28], $0x40, s30, s28, $0xb8;
	[tilespmem:$0x1A2A0] =	vst v63  }
0x32: {  	s26 =	sand.u32 $0x7F00, s3  }
0x33: {  	[tilespmem:s2], [sflag:$0x1] =	stream.indirect.gather [hbm4b:s4+s28], $0x40, s0, s28, $0xb8;
	[tilespmem:$0x1A2A0] =	vst v63  }
0x34: {  	s26 =	sshrl.u32 s26, $0x2;
	s20 =	sand.u32 $0x30, s3  }
0x35: {  	[tilespmem:s8], [sflag:$0x1] =	stream.indirect.gather [hbm4b:s4+s28], $0x40, s5, s28, $0xb8;
	[tilespmem:$0x1A2A0] =	vst v63  }
0x36: {  	s19 =	simm.s32 $0x40;
	s20 =	sor.u32 s20, s26;
	s26 =	simm.s32 $0x0  }
0x37: {  	[tilespmem:s10], [sflag:$0x1] =	stream.indirect.gather [hbm4b:s4+s28], $0x40, s9, s28, $0xb8;
	[tilespmem:$0x1A2A0] =	vst v63  }
.LBB2_2:
0x38: {  	p2 =	sne.s32 s19, $0x67C0  }
0x39: {  	[tilespmem:s20+$0xEC40] =	vst v0;
	s26 =	sadd.s32 $0x10, s26;
	s20 =	smov.u32 s19;
	s19 =	sadd.s32 $0x40, s19  }
.Ltmp0:
0x3a: {  	(pc) =	sbr.rel @p2 .LBB2_2-.Ltmp0, $4  }
0x3b: {  	_ = 	snop  }
0x3c: {  	s20 =	sand.u32 $0x7F00, s20  }
0x3d: {  	s7 =	sand.u32 $0x30, s26;
	s20 =	sshrl.u32 s20, $0x2  }
0x3e: {  	s20 =	sor.u32 s7, s20  }
0x3f: {  	[tilespmem:s20+$0xEC40] =	vst v0;
	s7 =	rddreg [dreg:$0x6]  }
0x40: {  	[spmem:s7] =	stream.linear.scatter [tilespmem:s11], [sflag:$0x3], $0x1A00, $0x38;
	[tilespmem:$0x1A2A0] =	vst v63  }
0x41: {  	_ =	swait.ge [sflag:s21], $0x1A00  }
0x42: {  	[sflag:s21] =	ssyncset.done $0x0  }
0x43: {  	s20 =	rddreg [dreg:$0x7];
	[sflag:s21] =	ssyncadd.s32 $0xFFFFE600  }
0x44: {  	[spmem:s20] =	stream.linear.scatter [tilespmem:s11], [sflag:$0x3], $0x1A00, $0x38;
	[tilespmem:$0x1A2A0] =	vst v63  }
0x45: {  	_ =	swait.ge [sflag:s21], $0x1A00  }
0x46: {  	[sflag:s21] =	ssyncset.done $0x0  }
0x47: {  	s26 =	rddreg [dreg:$0x8];
	[sflag:s21] =	ssyncadd.s32 $0xFFFFE600  }
0x48: {  	[spmem:s26] =	stream.linear.scatter [tilespmem:s11], [sflag:$0x3], $0x1A00, $0x38;
	[tilespmem:$0x1A2A0] =	vst v63  }
0x49: {  	_ =	swait.ge [sflag:s21], $0x1A00  }
0x4a: {  	[sflag:s21] =	ssyncset.done $0x0  }
0x4b: {  	s19 =	rddreg [dreg:$0x9];
	[sflag:s21] =	ssyncadd.s32 $0xFFFFE600  }
0x4c: {  	[spmem:s19] =	stream.linear.scatter [tilespmem:s11], [sflag:$0x3], $0x1A00, $0x38;
	[tilespmem:$0x1A2A0] =	vst v63  }
0x4d: {  	_ =	swait.ge [sflag:s21], $0x1A00  }
0x4e: {  	[sflag:s21] =	ssyncset.done $0x0  }
0x4f: {  	s20 =	rddreg [dreg:$0xa];
	[sflag:s21] =	ssyncadd.s32 $0xFFFFE600  }
0x50: {  	[spmem:s20] =	stream.linear.scatter [tilespmem:s11], [sflag:$0x3], $0x1A00, $0x38;
	[tilespmem:$0x1A2A0] =	vst v63  }
0x51: {  	_ =	swait.ge [sflag:s21], $0x1A00  }
0x52: {  	[sflag:s21] =	ssyncset.done $0x0  }
0x53: {  	s26 =	rddreg [dreg:$0xb];
	[sflag:s21] =	ssyncadd.s32 $0xFFFFE600  }
0x54: {  	[spmem:s26] =	stream.linear.scatter [tilespmem:s11], [sflag:$0x3], $0x1A00, $0x38;
	[tilespmem:$0x1A2A0] =	vst v63  }
0x55: {  	_ =	swait.ge [sflag:s21], $0x1A00  }
0x56: {  	[sflag:s21] =	ssyncset.done $0x0  }
0x57: {  	s7 =	simm.s32 @!p0 $0xEC40;
	s19 =	rddreg [dreg:$0xc];
	[sflag:s21] =	ssyncadd.s32 $0xFFFFE600  }
0x58: {  	[spmem:s19] =	stream.linear.scatter @!p0 [tilespmem:s7], [sflag:$0x3], $0x400, $0x38;
	[tilespmem:$0x1A2A0] =	vst v63  }
0x59: {  	s7 =	simm.s32 @!p0 $0x3  }
0x5a: {  	_ =	swait.ge @!p0 [sflag:s7], $0x400  }
0x5b: {  	[sflag:s7] =	ssyncset.done @!p0 $0x0  }
0x5c: {  	[sflag:s7] =	ssyncadd.s32 @!p0 $0xFFFFFC00  }
0x5d: {  	[bflag:$0x0] =	sbarrier.arrive $0xFFFF  }
0x5e: {  	_ =	swait.ge [sflag:s12], $0x1F40  }
0x5f: {  	[sflag:s12] =	ssyncset.done $0x0  }
0x60: {  	s19 =	simm.s32 $0x2800;
	[sflag:s12] =	ssyncadd.s32 $0xFFFFE0C0  }
0x61: {  	[spmem:s1] =	stream.indirect.scatter.add.f32 [tilespmem:s29], [sflag:$0x2], $0x40, s19, s28, $0xb8;
	[tilespmem:$0x1A2A0] =	vst v63  }
0x62: {  	_ =	swait.ge [sflag:s12], $0x1F40  }
0x63: {  	[sflag:s12] =	ssyncset.done $0x0  }
0x64: {  	s20 =	simm.s32 $0x2880;
	[sflag:s12] =	ssyncadd.s32 $0xFFFFE0C0  }
0x65: {  	[spmem:s1] =	stream.indirect.scatter.add.f32 [tilespmem:s31], [sflag:$0x2], $0x40, s20, s28, $0xb8;
	[tilespmem:$0x1A2A0] =	vst v63  }
0x66: {  	_ =	swait.ge [sflag:s12], $0x1F40  }
0x67: {  	[sflag:s12] =	ssyncset.done $0x0  }
0x68: {  	s26 =	simm.s32 $0x2900;
	[sflag:s12] =	ssyncadd.s32 $0xFFFFE0C0  }
0x69: {  	[spmem:s1] =	stream.indirect.scatter.add.f32 [tilespmem:s2], [sflag:$0x2], $0x40, s26, s28, $0xb8;
	[tilespmem:$0x1A2A0] =	vst v63  }
0x6a: {  	_ =	swait.ge [sflag:s12], $0x1F40  }
0x6b: {  	[sflag:s12] =	ssyncset.done $0x0  }
0x6c: {  	s19 =	simm.s32 $0x2980;
	[sflag:s12] =	ssyncadd.s32 $0xFFFFE0C0  }
0x6d: {  	[spmem:s1] =	stream.indirect.scatter.add.f32 [tilespmem:s8], [sflag:$0x2], $0x40, s19, s28, $0xb8;
	[tilespmem:$0x1A2A0] =	vst v63  }
0x6e: {  	_ =	swait.ge [sflag:s12], $0x1F40  }
0x6f: {  	[sflag:s12] =	ssyncset.done $0x0  }
0x70: {  	s20 =	simm.s32 $0x2A00;
	[sflag:s12] =	ssyncadd.s32 $0xFFFFE0C0  }
0x71: {  	[spmem:s1] =	stream.indirect.scatter.add.f32 [tilespmem:s10], [sflag:$0x2], $0x40, s20, s28, $0xb8;
	[tilespmem:$0x1A2A0] =	vst v63  }
0x72: {  	_ =	swait.ge [sflag:s13], $0x1F40  }
0x73: {  	[sflag:s13] =	ssyncset.done $0x0  }
0x74: {  	s26 =	simm.s32 $0x280;
	[sflag:s13] =	ssyncadd.s32 $0xFFFFE0C0  }
0x75: {  	[tilespmem:s29], [sflag:$0x1] =	stream.indirect.gather [hbm4b:s4+s28], $0x40, s26, s28, $0xb8;
	[tilespmem:$0x1A2A0] =	vst v63  }
0x76: {  	_ =	swait.ge [sflag:s13], $0x1F40  }
0x77: {  	[sflag:s13] =	ssyncset.done $0x0  }
0x78: {  	s19 =	simm.s32 $0x300;
	[sflag:s13] =	ssyncadd.s32 $0xFFFFE0C0  }
0x79: {  	[tilespmem:s31], [sflag:$0x1] =	stream.indirect.gather [hbm4b:s4+s28], $0x40, s19, s28, $0xb8;
	[tilespmem:$0x1A2A0] =	vst v63  }
0x7a: {  	_ =	swait.ge [sflag:s13], $0x1F40  }
0x7b: {  	[sflag:s13] =	ssyncset.done $0x0  }
0x7c: {  	s20 =	simm.s32 $0x380;
	[sflag:s13] =	ssyncadd.s32 $0xFFFFE0C0  }
0x7d: {  	[tilespmem:s2], [sflag:$0x1] =	stream.indirect.gather [hbm4b:s4+s28], $0x40, s20, s28, $0xb8;
	[tilespmem:$0x1A2A0] =	vst v63  }
0x7e: {  	_ =	swait.ge [sflag:s13], $0x1F40  }
0x7f: {  	[sflag:s13] =	ssyncset.done $0x0  }
0x80: {  	s26 =	simm.s32 $0x400;
	[sflag:s13] =	ssyncadd.s32 $0xFFFFE0C0  }
0x81: {  	[tilespmem:s8], [sflag:$0x1] =	stream.indirect.gather [hbm4b:s4+s28], $0x40, s26, s28, $0xb8;
	[tilespmem:$0x1A2A0] =	vst v63  }
0x82: {  	_ =	swait.ge [sflag:s13], $0x1F40  }
0x83: {  	[sflag:s13] =	ssyncset.done $0x0  }
0x84: {  	s19 =	simm.s32 $0xA00;
	s20 =	simm.s32 $0x480;
	[sflag:s13] =	ssyncadd.s32 $0xFFFFE0C0  }
.LBB2_4:
0x85: {  	[tilespmem:s10], [sflag:$0x1] =	stream.indirect.gather [hbm4b:s4+s28], $0x40, s20, s28, $0xb8;
	[tilespmem:$0x1A2A0] =	vst v63  }
0x86: {  	s7 =	smov.u32 s19  }
0x87: {  	p2 =	sne.s32 s19, $0x8C00;
	s19 =	sadd.s32 $0xA00, s19;
	_ =	swait.ge [sflag:s12], $0x1F40  }
0x88: {  	s26 =	sshra.s32 s7, $0x2;
	[sflag:s12] =	ssyncset.done $0x0  }
0x89: {  	s7 =	sadd.s32 $0x2800, s26;
	[sflag:s12] =	ssyncadd.s32 $0xFFFFE0C0  }
0x8a: {  	[spmem:s1] =	stream.indirect.scatter.add.f32 [tilespmem:s29], [sflag:$0x2], $0x40, s7, s28, $0xb8;
	[tilespmem:$0x1A2A0] =	vst v63  }
0x8b: {  	_ =	swait.ge [sflag:s12], $0x1F40  }
0x8c: {  	[sflag:s12] =	ssyncset.done $0x0  }
0x8d: {  	s7 =	sadd.s32 $0x2880, s26;
	[sflag:s12] =	ssyncadd.s32 $0xFFFFE0C0  }
0x8e: {  	[spmem:s1] =	stream.indirect.scatter.add.f32 [tilespmem:s31], [sflag:$0x2], $0x40, s7, s28, $0xb8;
	[tilespmem:$0x1A2A0] =	vst v63  }
0x8f: {  	_ =	swait.ge [sflag:s12], $0x1F40  }
0x90: {  	[sflag:s12] =	ssyncset.done $0x0  }
0x91: {  	s7 =	sadd.s32 $0x2900, s26;
	[sflag:s12] =	ssyncadd.s32 $0xFFFFE0C0  }
0x92: {  	[spmem:s1] =	stream.indirect.scatter.add.f32 [tilespmem:s2], [sflag:$0x2], $0x40, s7, s28, $0xb8;
	[tilespmem:$0x1A2A0] =	vst v63  }
0x93: {  	_ =	swait.ge [sflag:s12], $0x1F40  }
0x94: {  	[sflag:s12] =	ssyncset.done $0x0  }
0x95: {  	s7 =	sadd.s32 $0x2980, s26;
	[sflag:s12] =	ssyncadd.s32 $0xFFFFE0C0  }
0x96: {  	[spmem:s1] =	stream.indirect.scatter.add.f32 [tilespmem:s8], [sflag:$0x2], $0x40, s7, s28, $0xb8;
	[tilespmem:$0x1A2A0] =	vst v63  }
0x97: {  	_ =	swait.ge [sflag:s12], $0x1F40  }
0x98: {  	[sflag:s12] =	ssyncset.done $0x0  }
0x99: {  	s7 =	sadd.s32 $0x2A00, s26;
	[sflag:s12] =	ssyncadd.s32 $0xFFFFE0C0  }
0x9a: {  	[spmem:s1] =	stream.indirect.scatter.add.f32 [tilespmem:s10], [sflag:$0x2], $0x40, s7, s28, $0xb8;
	[tilespmem:$0x1A2A0] =	vst v63  }
0x9b: {  	_ =	swait.ge [sflag:s13], $0x1F40  }
0x9c: {  	[sflag:s13] =	ssyncset.done $0x0  }
0x9d: {  	s7 =	sadd.s32 $0x280, s26;
	[sflag:s13] =	ssyncadd.s32 $0xFFFFE0C0  }
0x9e: {  	[tilespmem:s29], [sflag:$0x1] =	stream.indirect.gather [hbm4b:s4+s28], $0x40, s7, s28, $0xb8;
	[tilespmem:$0x1A2A0] =	vst v63  }
0x9f: {  	_ =	swait.ge [sflag:s13], $0x1F40  }
0xa0: {  	[sflag:s13] =	ssyncset.done $0x0  }
0xa1: {  	s7 =	sadd.s32 $0x300, s26;
	[sflag:s13] =	ssyncadd.s32 $0xFFFFE0C0  }
0xa2: {  	[tilespmem:s31], [sflag:$0x1] =	stream.indirect.gather [hbm4b:s4+s28], $0x40, s7, s28, $0xb8;
	[tilespmem:$0x1A2A0] =	vst v63  }
0xa3: {  	_ =	swait.ge [sflag:s13], $0x1F40  }
0xa4: {  	[sflag:s13] =	ssyncset.done $0x0  }
0xa5: {  	s7 =	sadd.s32 $0x380, s26;
	[sflag:s13] =	ssyncadd.s32 $0xFFFFE0C0  }
0xa6: {  	[tilespmem:s2], [sflag:$0x1] =	stream.indirect.gather [hbm4b:s4+s28], $0x40, s7, s28, $0xb8;
	[tilespmem:$0x1A2A0] =	vst v63  }
0xa7: {  	_ =	swait.ge [sflag:s13], $0x1F40  }
0xa8: {  	[sflag:s13] =	ssyncset.done $0x0  }
.Ltmp1:
0xa9: {  	s7 =	sadd.s32 $0x400, s26;
	[sflag:s13] =	ssyncadd.s32 $0xFFFFE0C0;
	(pc) =	sbr.rel @p2 .LBB2_4-.Ltmp1, $4  }
0xaa: {  	[tilespmem:s8], [sflag:$0x1] =	stream.indirect.gather [hbm4b:s4+s28], $0x40, s7, s28, $0xb8;
	[tilespmem:$0x1A2A0] =	vst v63  }
0xab: {  	_ =	swait.ge [sflag:s13], $0x1F40  }
0xac: {  	[sflag:s13] =	ssyncset.done $0x0  }
0xad: {  	s20 =	sadd.s32 $0x480, s26;
	[sflag:s13] =	ssyncadd.s32 $0xFFFFE0C0  }
0xae: {  	[tilespmem:s10], [sflag:$0x1] =	stream.indirect.gather [hbm4b:s4+s28], $0x40, s20, s28, $0xb8;
	[tilespmem:$0x1A2A0] =	vst v63  }
0xaf: {  	_ =	swait.ge [sflag:s12], $0x1F40  }
0xb0: {  	[sflag:s12] =	ssyncset.done $0x0  }
0xb1: {  	[sflag:s12] =	ssyncadd.s32 $0xFFFFE0C0  }
0xb2: {  	[spmem:s1] =	stream.indirect.scatter.add.f32 [tilespmem:s29], [sflag:$0x2], $0x40, s6, s28, $0xb8;
	[tilespmem:$0x1A2A0] =	vst v63  }
0xb3: {  	_ =	swait.ge [sflag:s12], $0x1F40  }
0xb4: {  	[sflag:s12] =	ssyncset.done $0x0  }
0xb5: {  	[sflag:s12] =	ssyncadd.s32 $0xFFFFE0C0  }
0xb6: {  	[spmem:s1] =	stream.indirect.scatter.add.f32 [tilespmem:s31], [sflag:$0x2], $0x40, s14, s28, $0xb8;
	[tilespmem:$0x1A2A0] =	vst v63  }
0xb7: {  	_ =	swait.ge [sflag:s12], $0x1F40  }
0xb8: {  	[sflag:s12] =	ssyncset.done $0x0  }
0xb9: {  	[sflag:s12] =	ssyncadd.s32 $0xFFFFE0C0  }
0xba: {  	[spmem:s1] =	stream.indirect.scatter.add.f32 [tilespmem:s2], [sflag:$0x2], $0x40, s15, s28, $0xb8;
	[tilespmem:$0x1A2A0] =	vst v63  }
0xbb: {  	_ =	swait.ge [sflag:s12], $0x1F40  }
0xbc: {  	[sflag:s12] =	ssyncset.done $0x0  }
0xbd: {  	[sflag:s12] =	ssyncadd.s32 $0xFFFFE0C0  }
0xbe: {  	[spmem:s1] =	stream.indirect.scatter.add.f32 [tilespmem:s8], [sflag:$0x2], $0x40, s16, s28, $0xb8;
	[tilespmem:$0x1A2A0] =	vst v63  }
0xbf: {  	_ =	swait.ge [sflag:s12], $0x1F40  }
0xc0: {  	[sflag:s12] =	ssyncset.done $0x0  }
0xc1: {  	[sflag:s12] =	ssyncadd.s32 $0xFFFFE0C0  }
0xc2: {  	[spmem:s1] =	stream.indirect.scatter.add.f32 [tilespmem:s10], [sflag:$0x2], $0x40, s17, s28, $0xb8;
	[tilespmem:$0x1A2A0] =	vst v63  }
0xc3: {  	_ =	swait.ge [sflag:s13], $0x1F40  }
0xc4: {  	[sflag:s13] =	ssyncset.done $0x0  }
0xc5: {  	[sflag:s13] =	ssyncadd.s32 $0xFFFFE0C0  }
0xc6: {  	_ =	swait.ge [sflag:s13], $0x1F40  }
0xc7: {  	[sflag:s13] =	ssyncset.done $0x0  }
0xc8: {  	[sflag:s13] =	ssyncadd.s32 $0xFFFFE0C0  }
0xc9: {  	_ =	swait.ge [sflag:s13], $0x1F40  }
0xca: {  	[sflag:s13] =	ssyncset.done $0x0  }
0xcb: {  	[sflag:s13] =	ssyncadd.s32 $0xFFFFE0C0  }
0xcc: {  	_ =	swait.ge [sflag:s13], $0x1F40  }
0xcd: {  	[sflag:s13] =	ssyncset.done $0x0  }
0xce: {  	[sflag:s13] =	ssyncadd.s32 $0xFFFFE0C0  }
0xcf: {  	_ =	swait.ge [sflag:s13], $0x1F40  }
0xd0: {  	[sflag:s13] =	ssyncset.done $0x0  }
0xd1: {  	s7 =	simm.s32 $0x0;
	s19 =	rddreg [dreg:$0xd];
	[sflag:s13] =	ssyncadd.s32 $0xFFFFE0C0  }
0xd2: {  	[tilespmem:s7], [sflag:$0x3] =	stream.linear.gather [hbm4b:s19+s7], $0x2800, $0x38;
	[tilespmem:$0x1A2A0] =	vst v63  }
0xd3: {  	_ =	swait.ge [sflag:s21], $0x2800  }
0xd4: {  	[sflag:s21] =	ssyncset.done $0x0  }
0xd5: {  	s26 =	simm.s32 $0x2800;
	s20 =	rddreg [dreg:$0xe];
	[sflag:s21] =	ssyncadd.s32 $0xFFFFD800  }
0xd6: {  	[tilespmem:s26], [sflag:$0x3] =	stream.linear.gather [hbm4b:s20+s7], $0x2800, $0x38;
	[tilespmem:$0x1A2A0] =	vst v63  }
0xd7: {  	_ =	swait.ge [sflag:s21], $0x2800  }
0xd8: {  	[sflag:s21] =	ssyncset.done $0x0  }
0xd9: {  	[sflag:s21] =	ssyncadd.s32 $0xFFFFD800  }
0xda: {  	[tilespmem:s29], [sflag:$0x1] =	stream.indirect.gather [hbm4b:s4+s28], $0x40, s7, s28, $0xb8;
	[tilespmem:$0x1A2A0] =	vst v63  }
0xdb: {  	_ = 	snop  }
0xdc: {  	[tilespmem:s31], [sflag:$0x1] =	stream.indirect.gather [hbm4b:s4+s28], $0x40, s30, s28, $0xb8;
	[tilespmem:$0x1A2A0] =	vst v63  }
0xdd: {  	_ = 	snop  }
0xde: {  	[tilespmem:s2], [sflag:$0x1] =	stream.indirect.gather [hbm4b:s4+s28], $0x40, s0, s28, $0xb8;
	[tilespmem:$0x1A2A0] =	vst v63  }
0xdf: {  	_ = 	snop  }
0xe0: {  	[tilespmem:s8], [sflag:$0x1] =	stream.indirect.gather [hbm4b:s4+s28], $0x40, s5, s28, $0xb8;
	[tilespmem:$0x1A2A0] =	vst v63  }
0xe1: {  	_ = 	snop  }
0xe2: {  	[tilespmem:s10], [sflag:$0x1] =	stream.indirect.gather [hbm4b:s4+s28], $0x40, s9, s28, $0xb8;
	[tilespmem:$0x1A2A0] =	vst v63  }
0xe3: {  	_ =	swait.ge [sflag:s12], $0x1F40  }
0xe4: {  	[sflag:s12] =	ssyncset.done $0x0  }
0xe5: {  	s19 =	simm.s32 $0x2800;
	[sflag:s12] =	ssyncadd.s32 $0xFFFFE0C0  }
0xe6: {  	[spmem:s1] =	stream.indirect.scatter.add.f32 [tilespmem:s29], [sflag:$0x2], $0x40, s19, s28, $0xb8;
	[tilespmem:$0x1A2A0] =	vst v63  }
0xe7: {  	_ =	swait.ge [sflag:s12], $0x1F40  }
0xe8: {  	[sflag:s12] =	ssyncset.done $0x0  }
0xe9: {  	s20 =	simm.s32 $0x2880;
	[sflag:s12] =	ssyncadd.s32 $0xFFFFE0C0  }
0xea: {  	[spmem:s1] =	stream.indirect.scatter.add.f32 [tilespmem:s31], [sflag:$0x2], $0x40, s20, s28, $0xb8;
	[tilespmem:$0x1A2A0] =	vst v63  }
0xeb: {  	_ =	swait.ge [sflag:s12], $0x1F40  }
0xec: {  	[sflag:s12] =	ssyncset.done $0x0  }
0xed: {  	s26 =	simm.s32 $0x2900;
	[sflag:s12] =	ssyncadd.s32 $0xFFFFE0C0  }
0xee: {  	[spmem:s1] =	stream.indirect.scatter.add.f32 [tilespmem:s2], [sflag:$0x2], $0x40, s26, s28, $0xb8;
	[tilespmem:$0x1A2A0] =	vst v63  }
0xef: {  	_ =	swait.ge [sflag:s12], $0x1F40  }
0xf0: {  	[sflag:s12] =	ssyncset.done $0x0  }
0xf1: {  	s19 =	simm.s32 $0x2980;
	[sflag:s12] =	ssyncadd.s32 $0xFFFFE0C0  }
0xf2: {  	[spmem:s1] =	stream.indirect.scatter.add.f32 [tilespmem:s8], [sflag:$0x2], $0x40, s19, s28, $0xb8;
	[tilespmem:$0x1A2A0] =	vst v63  }
0xf3: {  	_ =	swait.ge [sflag:s12], $0x1F40  }
0xf4: {  	[sflag:s12] =	ssyncset.done $0x0  }
0xf5: {  	s20 =	simm.s32 $0x2A00;
	[sflag:s12] =	ssyncadd.s32 $0xFFFFE0C0  }
0xf6: {  	[spmem:s1] =	stream.indirect.scatter.add.f32 [tilespmem:s10], [sflag:$0x2], $0x40, s20, s28, $0xb8;
	[tilespmem:$0x1A2A0] =	vst v63  }
0xf7: {  	_ =	swait.ge [sflag:s13], $0x1F40  }
0xf8: {  	[sflag:s13] =	ssyncset.done $0x0  }
0xf9: {  	s26 =	simm.s32 $0x280;
	[sflag:s13] =	ssyncadd.s32 $0xFFFFE0C0  }
0xfa: {  	[tilespmem:s29], [sflag:$0x1] =	stream.indirect.gather [hbm4b:s4+s28], $0x40, s26, s28, $0xb8;
	[tilespmem:$0x1A2A0] =	vst v63  }
0xfb: {  	_ =	swait.ge [sflag:s13], $0x1F40  }
0xfc: {  	[sflag:s13] =	ssyncset.done $0x0  }
0xfd: {  	s19 =	simm.s32 $0x300;
	[sflag:s13] =	ssyncadd.s32 $0xFFFFE0C0  }
0xfe: {  	[tilespmem:s31], [sflag:$0x1] =	stream.indirect.gather [hbm4b:s4+s28], $0x40, s19, s28, $0xb8;
	[tilespmem:$0x1A2A0] =	vst v63  }
0xff: {  	_ =	swait.ge [sflag:s13], $0x1F40  }
0x100: {  	[sflag:s13] =	ssyncset.done $0x0  }
0x101: {  	s20 =	simm.s32 $0x380;
	[sflag:s13] =	ssyncadd.s32 $0xFFFFE0C0  }
0x102: {  	[tilespmem:s2], [sflag:$0x1] =	stream.indirect.gather [hbm4b:s4+s28], $0x40, s20, s28, $0xb8;
	[tilespmem:$0x1A2A0] =	vst v63  }
0x103: {  	_ =	swait.ge [sflag:s13], $0x1F40  }
0x104: {  	[sflag:s13] =	ssyncset.done $0x0  }
0x105: {  	s26 =	simm.s32 $0x400;
	[sflag:s13] =	ssyncadd.s32 $0xFFFFE0C0  }
0x106: {  	[tilespmem:s8], [sflag:$0x1] =	stream.indirect.gather [hbm4b:s4+s28], $0x40, s26, s28, $0xb8;
	[tilespmem:$0x1A2A0] =	vst v63  }
0x107: {  	_ =	swait.ge [sflag:s13], $0x1F40  }
0x108: {  	[sflag:s13] =	ssyncset.done $0x0  }
0x109: {  	s19 =	simm.s32 $0xA00;
	s20 =	simm.s32 $0x480;
	[sflag:s13] =	ssyncadd.s32 $0xFFFFE0C0  }
.LBB2_6:
0x10a: {  	[tilespmem:s10], [sflag:$0x1] =	stream.indirect.gather [hbm4b:s4+s28], $0x40, s20, s28, $0xb8;
	[tilespmem:$0x1A2A0] =	vst v63  }
0x10b: {  	s7 =	smov.u32 s19  }
0x10c: {  	p2 =	sne.s32 s19, $0x8C00;
	s19 =	sadd.s32 $0xA00, s19;
	_ =	swait.ge [sflag:s12], $0x1F40  }
0x10d: {  	s26 =	sshra.s32 s7, $0x2;
	[sflag:s12] =	ssyncset.done $0x0  }
0x10e: {  	s7 =	sadd.s32 $0x2800, s26;
	[sflag:s12] =	ssyncadd.s32 $0xFFFFE0C0  }
0x10f: {  	[spmem:s1] =	stream.indirect.scatter.add.f32 [tilespmem:s29], [sflag:$0x2], $0x40, s7, s28, $0xb8;
	[tilespmem:$0x1A2A0] =	vst v63  }
0x110: {  	_ =	swait.ge [sflag:s12], $0x1F40  }
0x111: {  	[sflag:s12] =	ssyncset.done $0x0  }
0x112: {  	s7 =	sadd.s32 $0x2880, s26;
	[sflag:s12] =	ssyncadd.s32 $0xFFFFE0C0  }
0x113: {  	[spmem:s1] =	stream.indirect.scatter.add.f32 [tilespmem:s31], [sflag:$0x2], $0x40, s7, s28, $0xb8;
	[tilespmem:$0x1A2A0] =	vst v63  }
0x114: {  	_ =	swait.ge [sflag:s12], $0x1F40  }
0x115: {  	[sflag:s12] =	ssyncset.done $0x0  }
0x116: {  	s7 =	sadd.s32 $0x2900, s26;
	[sflag:s12] =	ssyncadd.s32 $0xFFFFE0C0  }
0x117: {  	[spmem:s1] =	stream.indirect.scatter.add.f32 [tilespmem:s2], [sflag:$0x2], $0x40, s7, s28, $0xb8;
	[tilespmem:$0x1A2A0] =	vst v63  }
0x118: {  	_ =	swait.ge [sflag:s12], $0x1F40  }
0x119: {  	[sflag:s12] =	ssyncset.done $0x0  }
0x11a: {  	s7 =	sadd.s32 $0x2980, s26;
	[sflag:s12] =	ssyncadd.s32 $0xFFFFE0C0  }
0x11b: {  	[spmem:s1] =	stream.indirect.scatter.add.f32 [tilespmem:s8], [sflag:$0x2], $0x40, s7, s28, $0xb8;
	[tilespmem:$0x1A2A0] =	vst v63  }
0x11c: {  	_ =	swait.ge [sflag:s12], $0x1F40  }
0x11d: {  	[sflag:s12] =	ssyncset.done $0x0  }
0x11e: {  	s7 =	sadd.s32 $0x2A00, s26;
	[sflag:s12] =	ssyncadd.s32 $0xFFFFE0C0  }
0x11f: {  	[spmem:s1] =	stream.indirect.scatter.add.f32 [tilespmem:s10], [sflag:$0x2], $0x40, s7, s28, $0xb8;
	[tilespmem:$0x1A2A0] =	vst v63  }
0x120: {  	_ =	swait.ge [sflag:s13], $0x1F40  }
0x121: {  	[sflag:s13] =	ssyncset.done $0x0  }
0x122: {  	s7 =	sadd.s32 $0x280, s26;
	[sflag:s13] =	ssyncadd.s32 $0xFFFFE0C0  }
0x123: {  	[tilespmem:s29], [sflag:$0x1] =	stream.indirect.gather [hbm4b:s4+s28], $0x40, s7, s28, $0xb8;
	[tilespmem:$0x1A2A0] =	vst v63  }
0x124: {  	_ =	swait.ge [sflag:s13], $0x1F40  }
0x125: {  	[sflag:s13] =	ssyncset.done $0x0  }
0x126: {  	s7 =	sadd.s32 $0x300, s26;
	[sflag:s13] =	ssyncadd.s32 $0xFFFFE0C0  }
0x127: {  	[tilespmem:s31], [sflag:$0x1] =	stream.indirect.gather [hbm4b:s4+s28], $0x40, s7, s28, $0xb8;
	[tilespmem:$0x1A2A0] =	vst v63  }
0x128: {  	_ =	swait.ge [sflag:s13], $0x1F40  }
0x129: {  	[sflag:s13] =	ssyncset.done $0x0  }
0x12a: {  	s7 =	sadd.s32 $0x380, s26;
	[sflag:s13] =	ssyncadd.s32 $0xFFFFE0C0  }
0x12b: {  	[tilespmem:s2], [sflag:$0x1] =	stream.indirect.gather [hbm4b:s4+s28], $0x40, s7, s28, $0xb8;
	[tilespmem:$0x1A2A0] =	vst v63  }
0x12c: {  	_ =	swait.ge [sflag:s13], $0x1F40  }
0x12d: {  	[sflag:s13] =	ssyncset.done $0x0  }
.Ltmp2:
0x12e: {  	s7 =	sadd.s32 $0x400, s26;
	[sflag:s13] =	ssyncadd.s32 $0xFFFFE0C0;
	(pc) =	sbr.rel @p2 .LBB2_6-.Ltmp2, $4  }
0x12f: {  	[tilespmem:s8], [sflag:$0x1] =	stream.indirect.gather [hbm4b:s4+s28], $0x40, s7, s28, $0xb8;
	[tilespmem:$0x1A2A0] =	vst v63  }
0x130: {  	_ =	swait.ge [sflag:s13], $0x1F40  }
0x131: {  	[sflag:s13] =	ssyncset.done $0x0  }
0x132: {  	s20 =	sadd.s32 $0x480, s26;
	[sflag:s13] =	ssyncadd.s32 $0xFFFFE0C0  }
0x133: {  	[tilespmem:s10], [sflag:$0x1] =	stream.indirect.gather [hbm4b:s4+s28], $0x40, s20, s28, $0xb8;
	[tilespmem:$0x1A2A0] =	vst v63  }
0x134: {  	_ =	swait.ge [sflag:s12], $0x1F40  }
0x135: {  	[sflag:s12] =	ssyncset.done $0x0  }
0x136: {  	[sflag:s12] =	ssyncadd.s32 $0xFFFFE0C0  }
0x137: {  	[spmem:s1] =	stream.indirect.scatter.add.f32 [tilespmem:s29], [sflag:$0x2], $0x40, s6, s28, $0xb8;
	[tilespmem:$0x1A2A0] =	vst v63  }
0x138: {  	_ =	swait.ge [sflag:s12], $0x1F40  }
0x139: {  	[sflag:s12] =	ssyncset.done $0x0  }
0x13a: {  	[sflag:s12] =	ssyncadd.s32 $0xFFFFE0C0  }
0x13b: {  	[spmem:s1] =	stream.indirect.scatter.add.f32 [tilespmem:s31], [sflag:$0x2], $0x40, s14, s28, $0xb8;
	[tilespmem:$0x1A2A0] =	vst v63  }
0x13c: {  	_ =	swait.ge [sflag:s12], $0x1F40  }
0x13d: {  	[sflag:s12] =	ssyncset.done $0x0  }
0x13e: {  	[sflag:s12] =	ssyncadd.s32 $0xFFFFE0C0  }
0x13f: {  	[spmem:s1] =	stream.indirect.scatter.add.f32 [tilespmem:s2], [sflag:$0x2], $0x40, s15, s28, $0xb8;
	[tilespmem:$0x1A2A0] =	vst v63  }
0x140: {  	_ =	swait.ge [sflag:s12], $0x1F40  }
0x141: {  	[sflag:s12] =	ssyncset.done $0x0  }
0x142: {  	[sflag:s12] =	ssyncadd.s32 $0xFFFFE0C0  }
0x143: {  	[spmem:s1] =	stream.indirect.scatter.add.f32 [tilespmem:s8], [sflag:$0x2], $0x40, s16, s28, $0xb8;
	[tilespmem:$0x1A2A0] =	vst v63  }
0x144: {  	_ =	swait.ge [sflag:s12], $0x1F40  }
0x145: {  	[sflag:s12] =	ssyncset.done $0x0  }
0x146: {  	[sflag:s12] =	ssyncadd.s32 $0xFFFFE0C0  }
0x147: {  	[spmem:s1] =	stream.indirect.scatter.add.f32 [tilespmem:s10], [sflag:$0x2], $0x40, s17, s28, $0xb8;
	[tilespmem:$0x1A2A0] =	vst v63  }
0x148: {  	_ =	swait.ge [sflag:s13], $0x1F40  }
0x149: {  	[sflag:s13] =	ssyncset.done $0x0  }
0x14a: {  	[sflag:s13] =	ssyncadd.s32 $0xFFFFE0C0  }
0x14b: {  	_ =	swait.ge [sflag:s13], $0x1F40  }
0x14c: {  	[sflag:s13] =	ssyncset.done $0x0  }
0x14d: {  	[sflag:s13] =	ssyncadd.s32 $0xFFFFE0C0  }
0x14e: {  	_ =	swait.ge [sflag:s13], $0x1F40  }
0x14f: {  	[sflag:s13] =	ssyncset.done $0x0  }
0x150: {  	[sflag:s13] =	ssyncadd.s32 $0xFFFFE0C0  }
0x151: {  	_ =	swait.ge [sflag:s13], $0x1F40  }
0x152: {  	[sflag:s13] =	ssyncset.done $0x0  }
0x153: {  	[sflag:s13] =	ssyncadd.s32 $0xFFFFE0C0  }
0x154: {  	_ =	swait.ge [sflag:s13], $0x1F40  }
0x155: {  	[sflag:s13] =	ssyncset.done $0x0  }
0x156: {  	s7 =	stileid.u32;
	[sflag:s13] =	ssyncadd.s32 $0xFFFFE0C0  }
0x157: {  	s7 =	sshll.u32 s7, $0x6;
	[bflag:$0x0] =	sbarrier.arrive $0xFFFF  }
0x158: {  	s7 =	sor.u32 $0x1C03, s7;
	s19 =	rddreg [dreg:$0xf]  }
0x159: {  	[hbm:s19], [sflag:s7] =	dma.local [spmem:s22], $0x640  }
0x15a: {  	_ =	swait.ge [sflag:s21], $0x640  }
0x15b: {  	[sflag:s21] =	ssyncset.done $0x0  }
0x15c: {  	s26 =	rddreg [dreg:$0x10];
	[sflag:s21] =	ssyncadd.s32 $0xFFFFF9C0  }
0x15d: {  	[hbm:s26], [sflag:s7] =	dma.local [spmem:s23], $0x640  }
0x15e: {  	_ =	swait.ge [sflag:s21], $0x640  }
0x15f: {  	[sflag:s21] =	ssyncset.done $0x0  }
0x160: {  	s20 =	rddreg [dreg:$0x11];
	[sflag:s21] =	ssyncadd.s32 $0xFFFFF9C0  }
0x161: {  	[hbm:s20], [sflag:s7] =	dma.local [spmem:s24], $0x640  }
0x162: {  	_ =	swait.ge [sflag:s21], $0x640  }
0x163: {  	[sflag:s21] =	ssyncset.done $0x0  }
0x164: {  	s19 =	rddreg [dreg:$0x12];
	[sflag:s21] =	ssyncadd.s32 $0xFFFFF9C0  }
0x165: {  	[hbm:s19], [sflag:s7] =	dma.local @!p1 [spmem:s25], $0x640  }
0x166: {  	s7 =	simm.s32 @!p1 $0x3  }
0x167: {  	_ =	swait.ge @!p1 [sflag:s7], $0x640  }
0x168: {  	s18 =	sadd.s32 $0x1, s18;
	s26 =	rddreg [dreg:$0x13]  }
0x169: {  	p2 =	sne.s32 s18, s26  }
.Ltmp3:
0x16a: {  	_ = 	snop;
	(pc) =	sbr.rel @p2 .LBB2_1-.Ltmp3, $3  }
0x16b: {  	_ =	sdelay $0x1  }
0x16c: {  	[sflag:s7] =	ssyncset.done @!p1 $0x0  }
0x16d: {  	[sflag:s7] =	ssyncadd.s32 @!p1 $0xFFFFF9C0  }
0x16e: {  	_ =	sfence.sel $0x180000  }
0x16f: {  	[bflag:$0x0] =	sbarrier.arrive $0xFFFF  }
0x170: {  	_ =	strace $0x9000004D  }
0x171: {  	[bflag:$0x2] =	sbarrier.arrive $0xFFFF  }
0x172: {  	s0 =	rddreg [dreg:$0x3]  }
0x173: {  	s0 =	sadd.s32 @!p0 $0x100000, s0  }
0x174: {  	[sflag:s0] =	ssyncadd.tile.s32 @!p0 $0x1;
	_ =	shalt  }
.Lfunc_end2:
_tile_overlayer_lowered:
.L_overlay_start_2:
0x175: {  	(tag) =	ssettag $0x2  }
0x176: {  	s0 =	rddreg [dreg:$0x0];
	s2 =	stileid.u32  }
0x177: {  	s1 =	rddreg [dreg:$0x1];
	p0 =	sne.s32 s2, $0x0  }
0x178: {  	s3 =	rddreg [dreg:$0x2];
	[bflag:$0x3] =	sbarrier.arrive $0xFFFF;
	s2 =	simm.s32 @!p0 $0x1C03  }
0x179: {  	[timem:s3], [sflag:s2] =	dma.local @!p0 [hbm:s0], s1  }
0x17a: {  	s0 =	simm.s32 @!p0 $0x3  }
0x17b: {  	_ =	swait.ge @!p0 [sflag:s0], s1  }
0x17c: {  	s1 =	ssub.s32 @!p0 $0x0, s1;
	[sflag:s0] =	ssyncset.done @!p0 $0x0  }
0x17d: {  	[sflag:s0] =	ssyncadd.s32 @!p0 s1  }
0x17e: {  	[bflag:$0x3] =	sbarrier.arrive $0xFFFF  }
0x17f: {  	_ =	shalt  }

// kernel: kernel.18.cloned.1.call-start
scs
__scs_entry_jumppad:
0x0: {  	(pc) =	sbr.rel $0x88, $3  }
0x1: {  	(tag) =	ssettag $0x0;
	lr =	simm.s32 $0x1  }
0x2: {  	[smem:$0x3F94] =	sst lr;
	_ =	strace $0xD0000000  }
0x3: {  	_ = 	snop  }
0x4: {  	_ = 	snop  }
0x5: {  	_ = 	snop  }
0x6: {  	_ = 	snop  }
0x7: {  	_ = 	snop  }
__scs_overlays_trampoline_lowered:
0x8: {  	[smem:$0x3FA3] =	sst s0  }
0x9: {  	[smem:$0x3FA4] =	sst s1  }
0xa: {  	[smem:$0x3FA5] =	sst s2  }
0xb: {  	[smem:$0x3FA6] =	sst s3  }
0xc: {  	[smem:$0x3FA7] =	sst s4  }
0xd: {  	[smem:$0x3FA8] =	sst s5  }
0xe: {  	[smem:$0x3FA9] =	sst s6  }
0xf: {  	[smem:$0x3FAA] =	sst s7  }
0x10: {  	[smem:$0x3FAB] =	sst s8  }
0x11: {  	[smem:$0x3FAC] =	sst s9;
	s0 =	simm.s32 @!p0 $0x0  }
0x12: {  	s1 =	sld [smem:$0x3F92];
	s0 =	simm.s32 @p0 $0x1  }
0x13: {  	[smem:$0x3FAD] =	sst s0;
	s0 =	simm.s32 @!p1 $0x0  }
0x14: {  	s2 =	sld [smem:$0x3F91];
	s0 =	simm.s32 @p1 $0x1  }
0x15: {  	[smem:$0x3FAE] =	sst s0;
	s0 =	simm.s32 @!p2 $0x0  }
0x16: {  	s3 =	sld [smem:$0x3FDB];
	s0 =	simm.s32 @p2 $0x1  }
0x17: {  	s4 =	simm.s32 $0x1BF5;
	[smem:$0x3FB0] =	sst s0  }
0x18: {  	s0 =	sld [smem:$0x3F93];
	_ =	swait.ge [sflag:s4], $0x0  }
0x19: {  	s7 =	sld [smem:$0x3F94]  }
0x1a: {  	s8 =	sadd.s32 $0xFFFFE003, lr  }
0x1b: {  	s9 =	sadd.s32 $0xFFFFFEF7, lr;
	s5 =	simm.s32 $0xFFFFFFFF;
	p2 =	slt.u32 s8, $0xFFFFF086  }
0x1c: {  	p1 =	slt.u32 s9, $0xF7A;
	s5 =	simm.s32 @!p2 $0x0  }
0x1d: {  	s5 =	simm.s32 @p1 $0x1;
	p0 =	seq.s32 s7, s2  }
0x1e: {  	s7 =	smul.u32 @!p0 $0xF7A, s2;
	p2 =	seq.s32 @!p0 s5, $0x0  }
0x1f: {  	s9 =	smul.u32 $0xF7A, s1;
	s8 =	simm.s32 @!p0 $0x1BF5;
	p2 =	por !p2, p0  }
0x20: {  	[sflag:s8] =	ssyncset.s32 @!p0 $0xFFFFF086;
	s6 =	sadd.s32 @!p0 s3, s7;
	s7 =	simm.s32 @!p0 $0x108  }
0x21: {  	s3 =	sadd.s32 s3, s9;
	s6 =	sadd.s32 @!p0 $0x88, s6;
	s7 =	simm.s32 @p2 $0x1082  }
0x22: {  	[simem:s7], [sflag:s8] =	dma.local @!p0 [hbm:s6], $0xF7A  }
0x23: {  	s9 =	sor.u32 $0xD0000000, s2;
	s6 =	simm.s32 $0x108;
	_ =	swait.ge @!p0 [sflag:s8], $0x0  }
0x24: {  	s3 =	sadd.s32 $0x88, s3;
	s6 =	simm.s32 @!p1 $0x1082;
	[sflag:s4] =	ssyncset.s32 $0xFFFFF086  }
0x25: {  	[simem:s6], [sflag:s4] =	dma.local [hbm:s3], $0xF7A  }
0x26: {  	[smem:$0x3F94] =	sst s1;
	(tag) =	ssettag s2;
	_ =	strace s9  }
0x27: {  	s1 =	sld [smem:$0x3FA4]  }
0x28: {  	s2 =	sld [smem:$0x3FA5]  }
0x29: {  	s4 =	sld [smem:$0x3FA7]  }
0x2a: {  	p0 =	seq.s32 s5, $0x0;
	s5 =	sld [smem:$0x3FA8]  }
0x2b: {  	s6 =	sld [smem:$0x3FA9]  }
0x2c: {  	s7 =	sld [smem:$0x3FAA]  }
0x2d: {  	s3 =	simm.s32 $0x108;
	s8 =	sld [smem:$0x3FAB]  }
0x2e: {  	s3 =	simm.s32 @!p0 $0x1082;
	s9 =	sld [smem:$0x3FAC]  }
0x2f: {  	lr =	sadd.s32 s0, s3;
	s0 =	sld [smem:$0x3FA3]  }
0x30: {  	s3 =	sld [smem:$0x3FA6]  }
0x31: {  	[smem:$0x3FAF] =	sst s10  }
0x32: {  	s10 =	sld [smem:$0x3FAD];
	_ =	sdelay $0x3  }
0x33: {  	p0 =	seq.s32 s10, $0x1;
	s10 =	sld [smem:$0x3FAF];
	_ =	sdelay $0x3  }
0x34: {  	[smem:$0x3FAF] =	sst s10  }
0x35: {  	s10 =	sld [smem:$0x3FAE];
	_ =	sdelay $0x3  }
0x36: {  	p1 =	seq.s32 s10, $0x1;
	s10 =	sld [smem:$0x3FAF];
	_ =	sdelay $0x3  }
0x37: {  	[smem:$0x3FAF] =	sst s10  }
0x38: {  	s10 =	sld [smem:$0x3FB0]  }
0x39: {  	_ = 	snop;
	(pc) =	sbr.ind lr, $3  }
0x3a: {  	_ = 	snop  }
0x3b: {  	_ = 	snop  }
0x3c: {  	p2 =	seq.s32 s10, $0x1;
	s10 =	sld [smem:$0x3FAF]  }
0x3d: {  	_ =	shalt  }
0x3e: {  	_ =	shalt  }
0x3f: {  	_ =	shalt  }
0x40: {  	_ =	shalt  }
0x41: {  	_ =	shalt  }
0x42: {  	_ =	shalt  }
0x43: {  	_ =	shalt  }
0x44: {  	_ =	shalt  }
0x45: {  	_ =	shalt  }
0x46: {  	_ =	shalt  }
0x47: {  	_ =	shalt  }
0x48: {  	_ =	shalt  }
0x49: {  	_ =	shalt  }
0x4a: {  	_ =	shalt  }
0x4b: {  	_ =	shalt  }
0x4c: {  	_ =	shalt  }
0x4d: {  	_ =	shalt  }
0x4e: {  	_ =	shalt  }
0x4f: {  	_ =	shalt  }
0x50: {  	_ =	shalt  }
0x51: {  	_ =	shalt  }
0x52: {  	_ =	shalt  }
0x53: {  	_ =	shalt  }
0x54: {  	_ =	shalt  }
0x55: {  	_ =	shalt  }
0x56: {  	_ =	shalt  }
0x57: {  	_ =	shalt  }
0x58: {  	_ =	shalt  }
0x59: {  	_ =	shalt  }
0x5a: {  	_ =	shalt  }
0x5b: {  	_ =	shalt  }
0x5c: {  	_ =	shalt  }
0x5d: {  	_ =	shalt  }
0x5e: {  	_ =	shalt  }
0x5f: {  	_ =	shalt  }
0x60: {  	_ =	shalt  }
0x61: {  	_ =	shalt  }
0x62: {  	_ =	shalt  }
0x63: {  	_ =	shalt  }
0x64: {  	_ =	shalt  }
0x65: {  	_ =	shalt  }
0x66: {  	_ =	shalt  }
0x67: {  	_ =	shalt  }
0x68: {  	_ =	shalt  }
0x69: {  	_ =	shalt  }
0x6a: {  	_ =	shalt  }
0x6b: {  	_ =	shalt  }
0x6c: {  	_ =	shalt  }
0x6d: {  	_ =	shalt  }
0x6e: {  	_ =	shalt  }
0x6f: {  	_ =	shalt  }
0x70: {  	_ =	shalt  }
0x71: {  	_ =	shalt  }
0x72: {  	_ =	shalt  }
0x73: {  	_ =	shalt  }
0x74: {  	_ =	shalt  }
0x75: {  	_ =	shalt  }
0x76: {  	_ =	shalt  }
0x77: {  	_ =	shalt  }
0x78: {  	_ =	shalt  }
0x79: {  	_ =	shalt  }
0x7a: {  	_ =	shalt  }
0x7b: {  	_ =	shalt  }
0x7c: {  	_ =	shalt  }
0x7d: {  	_ =	shalt  }
0x7e: {  	_ =	shalt  }
0x7f: {  	_ =	shalt  }
0x80: {  	_ =	shalt  }
0x81: {  	_ =	shalt  }
0x82: {  	_ =	shalt  }
0x83: {  	_ =	shalt  }
0x84: {  	_ =	shalt  }
0x85: {  	_ =	shalt  }
0x86: {  	_ =	shalt  }
0x87: {  	_ =	shalt  }
.Lfunc_end0:
.L_simem_size_0:
called_computation.3_lowered:
.L_overlay_start_0:
0x88: {  	s2 =	sld [smem:$0x3FD9]  }
0x89: {  	s3 =	sld [smem:$0x3FFE];
	_ =	sdelay $0x1  }
0x8a: {  	s1 =	srdreg.scid  }
0x8b: {  	s0 =	sand.u32 $0x1, s1  }
0x8c: {  	s17 =	sshll.u32 s0, $0xA;
	s2 =	sadd.s32 s3, s2  }
0x8d: {  	s2 =	sadd.s32 s2, s17  }
0x8e: {  	[smem:$0x3FBB] =	sst s2  }
0x8f: {  	_ = 	snop  }
0x90: {  	s2 =	sld [smem:$0x3FD0];
	(tm) =	ssettm $0x1  }
0x91: {  	s18 =	sld [smem:$0x3FFB];
	_ =	sdelay $0x3  }
0x92: {  	_ =	strace s18  }
0x93: {  	s3 =	sld [smem:$0x3FFC];
	_ =	sdelay $0x3  }
0x94: {  	_ =	strace s3  }
0x95: {  	s3 =	sld [smem:$0x3FFD];
	_ =	sdelay $0x3  }
0x96: {  	_ =	strace s3  }
0x97: {  	_ =	strace $0x8FFFFFFF  }
0x98: {  	s19 =	sld [smem:$0x3FDB];
	_ =	sdelay $0x1  }
0x99: {  	s4 =	simm.s32 $_scs_section_size  }
0x9a: {  	s5 =	simm.s32 $_size__tile_overlayer_lowered;
	s6 =	simm.s32 $_tile_overlayer_lowered  }
0x9b: {  	s22 =	simm.s32 $0x1BFF;
	s21 =	sshll.u32 s6, $0x1;
	s3 =	sadd.s32 s4, s19  }
0x9c: {  	s7 =	simm.s32 $0x0;
	s20 =	sshll.u32 s5, $0x1;
	s5 =	sadd.s32 s21, s3  }
0x9d: {  	[timem:s7], [sflag:s22] =	dma.local [hbm:s5], s20  }
0x9e: {  	_ =	swait.ge [sflag:s22], s20  }
0x9f: {  	s4 =	ssub.s32 $0x0, s20;
	[sflag:s22] =	ssyncset.done $0x0  }
0xa0: {  	[sflag:s22] =	ssyncadd.s32 s4;
	_ =	sdelay $0x1  }
0xa1: {  	s23 =	simm.s32 $0x1B8B  }
0xa2: {  	_ =	swait.ge [sflag:s23], $0x1  }
0xa3: {  	[sflag:s23] =	ssyncset.done $0x0  }
0xa4: {  	s25 =	simm.s32 $0x1B8E;
	s24 =	sld [smem:$0x3FFE];
	[sflag:s23] =	ssyncadd.s32 $0xFFFFFFFF  }
0xa5: {  	s26 =	simm.s32 $execute0_lowered;
	[smem:$0x3FD2] =	sst s25  }
0xa6: {  	s5 =	sshll.u32 s26, $0x1;
	_ =	strace $0x8000004F;
	[dreg:$0x1] =	wrdreg $0xFFFFFFFF  }
0xa7: {  	s28 =	simm.s32 $_size_execute0_lowered;
	s3 =	sadd.s32 s3, s5;
	[dreg:$0x0] =	wrdreg $0x0  }
0xa8: {  	s5 =	sshll.u32 s28, $0x1;
	[dreg:$0x2] =	wrdreg s3  }
0xa9: {  	[dreg:$0x3] =	wrdreg s5  }
0xaa: {  	[dreg:$0x4] =	wrdreg $0xC0  }
0xab: {  	_ =	task [dreg:s7], $0x5FFFF  }
0xac: {  	[dreg:$0x1] =	wrdreg $0xFFFFFFFF  }
0xad: {  	[dreg:$0x0] =	wrdreg $0x60  }
0xae: {  	[dreg:$0x2] =	wrdreg s24  }
0xaf: {  	[dreg:$0x3] =	wrdreg s2  }
0xb0: {  	[dreg:$0x4] =	wrdreg $0x106400  }
0xb1: {  	[dreg:$0x5] =	wrdreg $0x9  }
0xb2: {  	_ =	task.clear_ibuf [dreg:s7], $0x6FFFF;
	_ =	strace $0x9000004F  }
0xb3: {  	s29 =	simm.s32 $0x9;
	_ =	strace $0x80000051  }
0xb4: {  	_ =	swait.ge [sflag:s29], $0x1  }
0xb5: {  	[sflag:s29] =	ssyncadd.s32 $0xFFFFFFFF  }
0xb6: {  	_ =	strace $0x90000051  }
0xb7: {  	_ =	sfence  }
0xb8: {  	s30 =	sld [smem:$0x0];
	_ =	sdelay $0x2  }
0xb9: {  	s31 =	sshll.u32 s1, $0xD;
	s1 =	sshrl.u32 s1, $0x2  }
0xba: {  	s3 =	sand.u32 $0x4000, s31;
	s1 =	sadd.s32 s1, s30  }
0xbb: {  	s0 =	sor.u32 s3, s0;
	s1 =	sshll.u32 s1, $0x11  }
0xbc: {  	s0 =	sor.u32 s1, s0  }
0xbd: {  	s0 =	sadd.s32 $0x8F2B, s0  }
0xbe: {  	[sflag:s0] =	ssyncadd.remote.s32 $0x1  }
0xbf: {  	_ =	sfence.sel $0xFFFF  }
0xc0: {  	[dreg:$0x0] =	wrdreg $0xFFFFFFFF;
	(pc) =	sbr.abs _section_cstart, $3  }
0xc1: {  	[dreg:$0x1] =	wrdreg $0xFFFFFFFF  }
0xc2: {  	_ =	task.clear_ibuf [dreg:s7], $0x2FFFF;
	_ =	strace $0x9FFFFFFF  }
0xc3: {  	(tm) =	ssettm $0x7FFFFFFF  }
tec
execute0_lowered:
.L_overlay_start_1:
0x0: {  	(tag) =	ssettag $0x1  }
0x1: {  	s0 =	rddreg [dreg:$0x0]  }
0x2: {  	s2 =	rddreg [dreg:$0x1];
	s14 =	stileid.u32  }
0x3: {  	s3 =	srdreg.scid;
	s6 =	smul.u32 $0x5000, s14  }
0x4: {  	s1 =	rddreg [dreg:$0x2];
	s20 =	smul.u32 $0x6800, s14  }
0x5: {  	s28 =	simm.s32 $0x7D;
	s5 =	sand.u32 $0x1, s3;
	s26 =	smul.u32 $0x3200, s14  }
0x6: {  	s29 =	simm.s32 $0x5000;
	s21 =	sor.u32 $0x10, s14;
	s4 =	smul.u32 $0x50000, s5  }
0x7: {  	s30 =	simm.s32 $0x80;
	s12 =	sor.u32 $0x20, s14;
	s11 =	smul.u32 $0x6800, s21  }
0x8: {  	s31 =	simm.s32 $0x6F40;
	s23 =	sor.u32 $0x30, s14;
	s22 =	smul.u32 $0x6800, s12  }
0x9: {  	s3 =	simm.s32 $0x0;
	p0 =	sne.s32 s14, $0x0;
	s13 =	smul.u32 $0x6800, s23  }
0xa: {  	p1 =	sgt.u32 s14, $0x1;
	s8 =	ssub.s32 $0x2, s5;
	s5 =	smul.u32 $0x9C400, s5  }
0xb: {  	s14 =	simm.s32 $0x4E00;
	[smem:$0x7FF] =	sst s3;
	s12 =	smul.u32 $0x3200, s12  }
0xc: {  	_ =	strace $0x80000050;
	s9 =	sshrl.u32 s8, $0x1;
	s7 =	sadd.s32 s6, s4  }
0xd: {  	s4 =	sadd.s32 $0x17400, s0;
	s8 =	ssub.s32 s8, s9;
	s6 =	sshrl.u32 s6, $0x3  }
0xe: {  	s11 =	sshrl.u32 s11, $0x2;
	s24 =	sshrl.u32 s13, $0x2;
	s13 =	sadd.s32 $0x9C000, s1  }
0xf: {  	s9 =	smul.u32 $0x3200, s21;
	s18 =	sadd.s32 s26, s5;
	s7 =	sshrl.u32 s7, $0x3  }
0x10: {  	s15 =	sadd.s32 s2, s6;
	s11 =	sadd.s32 s11, s1;
	s2 =	sshrl.u32 s22, $0x2  }
0x11: {  	[dreg:$0xc] =	wrdreg s13;
	s6 =	smul.u32 $0x3200, s23;
	s23 =	sadd.s32 s5, s12  }
0x12: {  	s13 =	simm.s32 $0x2;
	s10 =	sadd.s32 s7, s0;
	[dreg:$0x7] =	wrdreg s11  }
0x13: {  	s0 =	sadd.s32 $0xA0600, s0;
	s2 =	sadd.s32 s2, s1;
	[dreg:$0x5] =	wrdreg s15  }
0x14: {  	s17 =	sadd.s32 $0x500, s15;
	s19 =	sadd.s32 s5, s9;
	s9 =	sadd.s32 s9, s1  }
0x15: {  	s11 =	simm.s32 $0xEC40;
	s15 =	simm.s32 $0x4E80;
	s7 =	sadd.s32 $0x3400, s10  }
0x16: {  	[dreg:$0x8] =	wrdreg s2;
	s2 =	sadd.s32 s24, s1;
	s16 =	sadd.s32 $0x3900, s10  }
0x17: {  	[dreg:$0xe] =	wrdreg s17;
	s10 =	sshrl.u32 s18, $0x3;
	s21 =	sshrl.u32 s19, $0x3  }
0x18: {  	s5 =	sadd.s32 s5, s6;
	s17 =	simm.s32 $0x4F80;
	[dreg:$0x4] =	wrdreg s7  }
0x19: {  	s18 =	simm.s32 $0x0;
	s7 =	sshrl.u32 s20, $0x2;
	[dreg:$0x9] =	wrdreg s2  }
0x1a: {  	[dreg:$0xd] =	wrdreg s16;
	s20 =	sadd.s32 s0, s10;
	s2 =	sadd.s32 s26, s1  }
0x1b: {  	s22 =	sadd.s32 s0, s21;
	s10 =	sshrl.u32 s23, $0x3;
	s5 =	sshrl.u32 s5, $0x3  }
0x1c: {  	s26 =	smax.u32 s8, $0x1;
	s21 =	simm.s32 $0x3;
	s23 =	sshrl.u32 s9, $0x3  }
0x1d: {  	s8 =	simm.s32 $0xADC0;
	s9 =	simm.s32 $0x200;
	[dreg:$0xf] =	wrdreg s20  }
0x1e: {  	s16 =	simm.s32 $0x4F00;
	s7 =	sadd.s32 s7, s1;
	[dreg:$0x10] =	wrdreg s22  }
0x1f: {  	s24 =	sadd.s32 s0, s10;
	s0 =	sadd.s32 s0, s5;
	[dreg:$0x13] =	wrdreg s26  }
0x20: {  	s22 =	sshrl.u32 s2, $0x3;
	s2 =	simm.s32 $0x8E80;
	[dreg:$0x6] =	wrdreg s7  }
0x21: {  	s5 =	simm.s32 $0x180;
	s10 =	simm.s32 $0xCD00;
	[dreg:$0x11] =	wrdreg s24  }
0x22: {  	s25 =	sadd.s32 $0x68000, s7;
	s7 =	sadd.s32 $0x82000, s7;
	[dreg:$0x12] =	wrdreg s0  }
0x23: {  	s0 =	sadd.s32 s6, s1;
	s6 =	simm.s32 $0x4D80;
	[dreg:$0xa] =	wrdreg s25  }
0x24: {  	[dreg:$0xb] =	wrdreg s7;
	s25 =	sadd.s32 s12, s1;
	s12 =	simm.s32 $0x1  }
0x25: {  	v0 =	vimm.f32 $0.0e+00;
	s24 =	sshrl.u32 s25, $0x3;
	s25 =	sshrl.u32 @!p1 s0, $0x3;
	s0 =	simm.s32 $0x100  }
.LBB2_1:
0x26: {  	s7 =	rddreg [dreg:$0x4]  }
0x27: {  	[tilespmem:s3], [sflag:$0x3] =	stream.linear.gather [hbm4b:s7+s3], $0x2800, $0x38;
	[tilespmem:$0x1A2A0] =	vst v63  }
0x28: {  	_ =	swait.ge [sflag:s21], $0x2800  }
0x29: {  	[sflag:s21] =	ssyncset.done $0x0  }
0x2a: {  	s19 =	simm.s32 $0x2800;
	s20 =	rddreg [dreg:$0x5];
	[sflag:s21] =	ssyncadd.s32 $0xFFFFD800  }
0x2b: {  	[tilespmem:s19], [sflag:$0x3] =	stream.linear.gather [hbm4b:s20+s3], $0x2800, $0x38;
	[tilespmem:$0x1A2A0] =	vst v63  }
0x2c: {  	_ =	swait.ge [sflag:s21], $0x2800  }
0x2d: {  	[sflag:s21] =	ssyncset.done $0x0  }
0x2e: {  	[sflag:s21] =	ssyncadd.s32 $0xFFFFD800  }
0x2f: {  	[tilespmem:s29], [sflag:$0x1] =	stream.indirect.gather [hbm4b:s4+s28], $0x40, s3, s28, $0xb8;
	[tilespmem:$0x1A2A0] =	vst v63  }
0x30: {  	_ = 	snop  }
0x31: {  	[tilespmem:s31], [sflag:$0x1] =	stream.indirect.gather [hbm4b:s4+s28], $0x40, s30, s28, $0xb8;
	[tilespmem:$0x1A2A0] =	vst v63  }
0x32: {  	s26 =	sand.u32 $0x7F00, s3  }
0x33: {  	[tilespmem:s2], [sflag:$0x1] =	stream.indirect.gather [hbm4b:s4+s28], $0x40, s0, s28, $0xb8;
	[tilespmem:$0x1A2A0] =	vst v63  }
0x34: {  	s26 =	sshrl.u32 s26, $0x2;
	s20 =	sand.u32 $0x30, s3  }
0x35: {  	[tilespmem:s8], [sflag:$0x1] =	stream.indirect.gather [hbm4b:s4+s28], $0x40, s5, s28, $0xb8;
	[tilespmem:$0x1A2A0] =	vst v63  }
0x36: {  	s19 =	simm.s32 $0x40;
	s20 =	sor.u32 s20, s26;
	s26 =	simm.s32 $0x0  }
0x37: {  	[tilespmem:s10], [sflag:$0x1] =	stream.indirect.gather [hbm4b:s4+s28], $0x40, s9, s28, $0xb8;
	[tilespmem:$0x1A2A0] =	vst v63  }
.LBB2_2:
0x38: {  	p2 =	sne.s32 s19, $0x67C0  }
0x39: {  	[tilespmem:s20+$0xEC40] =	vst v0;
	s26 =	sadd.s32 $0x10, s26;
	s20 =	smov.u32 s19;
	s19 =	sadd.s32 $0x40, s19  }
.Ltmp0:
0x3a: {  	(pc) =	sbr.rel @p2 .LBB2_2-.Ltmp0, $4  }
0x3b: {  	_ = 	snop  }
0x3c: {  	s20 =	sand.u32 $0x7F00, s20  }
0x3d: {  	s7 =	sand.u32 $0x30, s26;
	s20 =	sshrl.u32 s20, $0x2  }
0x3e: {  	s20 =	sor.u32 s7, s20  }
0x3f: {  	[tilespmem:s20+$0xEC40] =	vst v0;
	s7 =	rddreg [dreg:$0x6]  }
0x40: {  	[spmem:s7] =	stream.linear.scatter [tilespmem:s11], [sflag:$0x3], $0x1A00, $0x38;
	[tilespmem:$0x1A2A0] =	vst v63  }
0x41: {  	_ =	swait.ge [sflag:s21], $0x1A00  }
0x42: {  	[sflag:s21] =	ssyncset.done $0x0  }
0x43: {  	s20 =	rddreg [dreg:$0x7];
	[sflag:s21] =	ssyncadd.s32 $0xFFFFE600  }
0x44: {  	[spmem:s20] =	stream.linear.scatter [tilespmem:s11], [sflag:$0x3], $0x1A00, $0x38;
	[tilespmem:$0x1A2A0] =	vst v63  }
0x45: {  	_ =	swait.ge [sflag:s21], $0x1A00  }
0x46: {  	[sflag:s21] =	ssyncset.done $0x0  }
0x47: {  	s26 =	rddreg [dreg:$0x8];
	[sflag:s21] =	ssyncadd.s32 $0xFFFFE600  }
0x48: {  	[spmem:s26] =	stream.linear.scatter [tilespmem:s11], [sflag:$0x3], $0x1A00, $0x38;
	[tilespmem:$0x1A2A0] =	vst v63  }
0x49: {  	_ =	swait.ge [sflag:s21], $0x1A00  }
0x4a: {  	[sflag:s21] =	ssyncset.done $0x0  }
0x4b: {  	s19 =	rddreg [dreg:$0x9];
	[sflag:s21] =	ssyncadd.s32 $0xFFFFE600  }
0x4c: {  	[spmem:s19] =	stream.linear.scatter [tilespmem:s11], [sflag:$0x3], $0x1A00, $0x38;
	[tilespmem:$0x1A2A0] =	vst v63  }
0x4d: {  	_ =	swait.ge [sflag:s21], $0x1A00  }
0x4e: {  	[sflag:s21] =	ssyncset.done $0x0  }
0x4f: {  	s20 =	rddreg [dreg:$0xa];
	[sflag:s21] =	ssyncadd.s32 $0xFFFFE600  }
0x50: {  	[spmem:s20] =	stream.linear.scatter [tilespmem:s11], [sflag:$0x3], $0x1A00, $0x38;
	[tilespmem:$0x1A2A0] =	vst v63  }
0x51: {  	_ =	swait.ge [sflag:s21], $0x1A00  }
0x52: {  	[sflag:s21] =	ssyncset.done $0x0  }
0x53: {  	s26 =	rddreg [dreg:$0xb];
	[sflag:s21] =	ssyncadd.s32 $0xFFFFE600  }
0x54: {  	[spmem:s26] =	stream.linear.scatter [tilespmem:s11], [sflag:$0x3], $0x1A00, $0x38;
	[tilespmem:$0x1A2A0] =	vst v63  }
0x55: {  	_ =	swait.ge [sflag:s21], $0x1A00  }
0x56: {  	[sflag:s21] =	ssyncset.done $0x0  }
0x57: {  	s7 =	simm.s32 @!p0 $0xEC40;
	s19 =	rddreg [dreg:$0xc];
	[sflag:s21] =	ssyncadd.s32 $0xFFFFE600  }
0x58: {  	[spmem:s19] =	stream.linear.scatter @!p0 [tilespmem:s7], [sflag:$0x3], $0x400, $0x38;
	[tilespmem:$0x1A2A0] =	vst v63  }
0x59: {  	s7 =	simm.s32 @!p0 $0x3  }
0x5a: {  	_ =	swait.ge @!p0 [sflag:s7], $0x400  }
0x5b: {  	[sflag:s7] =	ssyncset.done @!p0 $0x0  }
0x5c: {  	[sflag:s7] =	ssyncadd.s32 @!p0 $0xFFFFFC00  }
0x5d: {  	[bflag:$0x0] =	sbarrier.arrive $0xFFFF  }
0x5e: {  	_ =	swait.ge [sflag:s12], $0x1F40  }
0x5f: {  	[sflag:s12] =	ssyncset.done $0x0  }
0x60: {  	s19 =	simm.s32 $0x2800;
	[sflag:s12] =	ssyncadd.s32 $0xFFFFE0C0  }
0x61: {  	[spmem:s1] =	stream.indirect.scatter.add.f32 [tilespmem:s29], [sflag:$0x2], $0x40, s19, s28, $0xb8;
	[tilespmem:$0x1A2A0] =	vst v63  }
0x62: {  	_ =	swait.ge [sflag:s12], $0x1F40  }
0x63: {  	[sflag:s12] =	ssyncset.done $0x0  }
0x64: {  	s20 =	simm.s32 $0x2880;
	[sflag:s12] =	ssyncadd.s32 $0xFFFFE0C0  }
0x65: {  	[spmem:s1] =	stream.indirect.scatter.add.f32 [tilespmem:s31], [sflag:$0x2], $0x40, s20, s28, $0xb8;
	[tilespmem:$0x1A2A0] =	vst v63  }
0x66: {  	_ =	swait.ge [sflag:s12], $0x1F40  }
0x67: {  	[sflag:s12] =	ssyncset.done $0x0  }
0x68: {  	s26 =	simm.s32 $0x2900;
	[sflag:s12] =	ssyncadd.s32 $0xFFFFE0C0  }
0x69: {  	[spmem:s1] =	stream.indirect.scatter.add.f32 [tilespmem:s2], [sflag:$0x2], $0x40, s26, s28, $0xb8;
	[tilespmem:$0x1A2A0] =	vst v63  }
0x6a: {  	_ =	swait.ge [sflag:s12], $0x1F40  }
0x6b: {  	[sflag:s12] =	ssyncset.done $0x0  }
0x6c: {  	s19 =	simm.s32 $0x2980;
	[sflag:s12] =	ssyncadd.s32 $0xFFFFE0C0  }
0x6d: {  	[spmem:s1] =	stream.indirect.scatter.add.f32 [tilespmem:s8], [sflag:$0x2], $0x40, s19, s28, $0xb8;
	[tilespmem:$0x1A2A0] =	vst v63  }
0x6e: {  	_ =	swait.ge [sflag:s12], $0x1F40  }
0x6f: {  	[sflag:s12] =	ssyncset.done $0x0  }
0x70: {  	s20 =	simm.s32 $0x2A00;
	[sflag:s12] =	ssyncadd.s32 $0xFFFFE0C0  }
0x71: {  	[spmem:s1] =	stream.indirect.scatter.add.f32 [tilespmem:s10], [sflag:$0x2], $0x40, s20, s28, $0xb8;
	[tilespmem:$0x1A2A0] =	vst v63  }
0x72: {  	_ =	swait.ge [sflag:s13], $0x1F40  }
0x73: {  	[sflag:s13] =	ssyncset.done $0x0  }
0x74: {  	s26 =	simm.s32 $0x280;
	[sflag:s13] =	ssyncadd.s32 $0xFFFFE0C0  }
0x75: {  	[tilespmem:s29], [sflag:$0x1] =	stream.indirect.gather [hbm4b:s4+s28], $0x40, s26, s28, $0xb8;
	[tilespmem:$0x1A2A0] =	vst v63  }
0x76: {  	_ =	swait.ge [sflag:s13], $0x1F40  }
0x77: {  	[sflag:s13] =	ssyncset.done $0x0  }
0x78: {  	s19 =	simm.s32 $0x300;
	[sflag:s13] =	ssyncadd.s32 $0xFFFFE0C0  }
0x79: {  	[tilespmem:s31], [sflag:$0x1] =	stream.indirect.gather [hbm4b:s4+s28], $0x40, s19, s28, $0xb8;
	[tilespmem:$0x1A2A0] =	vst v63  }
0x7a: {  	_ =	swait.ge [sflag:s13], $0x1F40  }
0x7b: {  	[sflag:s13] =	ssyncset.done $0x0  }
0x7c: {  	s20 =	simm.s32 $0x380;
	[sflag:s13] =	ssyncadd.s32 $0xFFFFE0C0  }
0x7d: {  	[tilespmem:s2], [sflag:$0x1] =	stream.indirect.gather [hbm4b:s4+s28], $0x40, s20, s28, $0xb8;
	[tilespmem:$0x1A2A0] =	vst v63  }
0x7e: {  	_ =	swait.ge [sflag:s13], $0x1F40  }
0x7f: {  	[sflag:s13] =	ssyncset.done $0x0  }
0x80: {  	s26 =	simm.s32 $0x400;
	[sflag:s13] =	ssyncadd.s32 $0xFFFFE0C0  }
0x81: {  	[tilespmem:s8], [sflag:$0x1] =	stream.indirect.gather [hbm4b:s4+s28], $0x40, s26, s28, $0xb8;
	[tilespmem:$0x1A2A0] =	vst v63  }
0x82: {  	_ =	swait.ge [sflag:s13], $0x1F40  }
0x83: {  	[sflag:s13] =	ssyncset.done $0x0  }
0x84: {  	s19 =	simm.s32 $0xA00;
	s20 =	simm.s32 $0x480;
	[sflag:s13] =	ssyncadd.s32 $0xFFFFE0C0  }
.LBB2_4:
0x85: {  	[tilespmem:s10], [sflag:$0x1] =	stream.indirect.gather [hbm4b:s4+s28], $0x40, s20, s28, $0xb8;
	[tilespmem:$0x1A2A0] =	vst v63  }
0x86: {  	s7 =	smov.u32 s19  }
0x87: {  	p2 =	sne.s32 s19, $0x8C00;
	s19 =	sadd.s32 $0xA00, s19;
	_ =	swait.ge [sflag:s12], $0x1F40  }
0x88: {  	s26 =	sshra.s32 s7, $0x2;
	[sflag:s12] =	ssyncset.done $0x0  }
0x89: {  	s7 =	sadd.s32 $0x2800, s26;
	[sflag:s12] =	ssyncadd.s32 $0xFFFFE0C0  }
0x8a: {  	[spmem:s1] =	stream.indirect.scatter.add.f32 [tilespmem:s29], [sflag:$0x2], $0x40, s7, s28, $0xb8;
	[tilespmem:$0x1A2A0] =	vst v63  }
0x8b: {  	_ =	swait.ge [sflag:s12], $0x1F40  }
0x8c: {  	[sflag:s12] =	ssyncset.done $0x0  }
0x8d: {  	s7 =	sadd.s32 $0x2880, s26;
	[sflag:s12] =	ssyncadd.s32 $0xFFFFE0C0  }
0x8e: {  	[spmem:s1] =	stream.indirect.scatter.add.f32 [tilespmem:s31], [sflag:$0x2], $0x40, s7, s28, $0xb8;
	[tilespmem:$0x1A2A0] =	vst v63  }
0x8f: {  	_ =	swait.ge [sflag:s12], $0x1F40  }
0x90: {  	[sflag:s12] =	ssyncset.done $0x0  }
0x91: {  	s7 =	sadd.s32 $0x2900, s26;
	[sflag:s12] =	ssyncadd.s32 $0xFFFFE0C0  }
0x92: {  	[spmem:s1] =	stream.indirect.scatter.add.f32 [tilespmem:s2], [sflag:$0x2], $0x40, s7, s28, $0xb8;
	[tilespmem:$0x1A2A0] =	vst v63  }
0x93: {  	_ =	swait.ge [sflag:s12], $0x1F40  }
0x94: {  	[sflag:s12] =	ssyncset.done $0x0  }
0x95: {  	s7 =	sadd.s32 $0x2980, s26;
	[sflag:s12] =	ssyncadd.s32 $0xFFFFE0C0  }
0x96: {  	[spmem:s1] =	stream.indirect.scatter.add.f32 [tilespmem:s8], [sflag:$0x2], $0x40, s7, s28, $0xb8;
	[tilespmem:$0x1A2A0] =	vst v63  }
0x97: {  	_ =	swait.ge [sflag:s12], $0x1F40  }
0x98: {  	[sflag:s12] =	ssyncset.done $0x0  }
0x99: {  	s7 =	sadd.s32 $0x2A00, s26;
	[sflag:s12] =	ssyncadd.s32 $0xFFFFE0C0  }
0x9a: {  	[spmem:s1] =	stream.indirect.scatter.add.f32 [tilespmem:s10], [sflag:$0x2], $0x40, s7, s28, $0xb8;
	[tilespmem:$0x1A2A0] =	vst v63  }
0x9b: {  	_ =	swait.ge [sflag:s13], $0x1F40  }
0x9c: {  	[sflag:s13] =	ssyncset.done $0x0  }
0x9d: {  	s7 =	sadd.s32 $0x280, s26;
	[sflag:s13] =	ssyncadd.s32 $0xFFFFE0C0  }
0x9e: {  	[tilespmem:s29], [sflag:$0x1] =	stream.indirect.gather [hbm4b:s4+s28], $0x40, s7, s28, $0xb8;
	[tilespmem:$0x1A2A0] =	vst v63  }
0x9f: {  	_ =	swait.ge [sflag:s13], $0x1F40  }
0xa0: {  	[sflag:s13] =	ssyncset.done $0x0  }
0xa1: {  	s7 =	sadd.s32 $0x300, s26;
	[sflag:s13] =	ssyncadd.s32 $0xFFFFE0C0  }
0xa2: {  	[tilespmem:s31], [sflag:$0x1] =	stream.indirect.gather [hbm4b:s4+s28], $0x40, s7, s28, $0xb8;
	[tilespmem:$0x1A2A0] =	vst v63  }
0xa3: {  	_ =	swait.ge [sflag:s13], $0x1F40  }
0xa4: {  	[sflag:s13] =	ssyncset.done $0x0  }
0xa5: {  	s7 =	sadd.s32 $0x380, s26;
	[sflag:s13] =	ssyncadd.s32 $0xFFFFE0C0  }
0xa6: {  	[tilespmem:s2], [sflag:$0x1] =	stream.indirect.gather [hbm4b:s4+s28], $0x40, s7, s28, $0xb8;
	[tilespmem:$0x1A2A0] =	vst v63  }
0xa7: {  	_ =	swait.ge [sflag:s13], $0x1F40  }
0xa8: {  	[sflag:s13] =	ssyncset.done $0x0  }
.Ltmp1:
0xa9: {  	s7 =	sadd.s32 $0x400, s26;
	[sflag:s13] =	ssyncadd.s32 $0xFFFFE0C0;
	(pc) =	sbr.rel @p2 .LBB2_4-.Ltmp1, $4  }
0xaa: {  	[tilespmem:s8], [sflag:$0x1] =	stream.indirect.gather [hbm4b:s4+s28], $0x40, s7, s28, $0xb8;
	[tilespmem:$0x1A2A0] =	vst v63  }
0xab: {  	_ =	swait.ge [sflag:s13], $0x1F40  }
0xac: {  	[sflag:s13] =	ssyncset.done $0x0  }
0xad: {  	s20 =	sadd.s32 $0x480, s26;
	[sflag:s13] =	ssyncadd.s32 $0xFFFFE0C0  }
0xae: {  	[tilespmem:s10], [sflag:$0x1] =	stream.indirect.gather [hbm4b:s4+s28], $0x40, s20, s28, $0xb8;
	[tilespmem:$0x1A2A0] =	vst v63  }
0xaf: {  	_ =	swait.ge [sflag:s12], $0x1F40  }
0xb0: {  	[sflag:s12] =	ssyncset.done $0x0  }
0xb1: {  	[sflag:s12] =	ssyncadd.s32 $0xFFFFE0C0  }
0xb2: {  	[spmem:s1] =	stream.indirect.scatter.add.f32 [tilespmem:s29], [sflag:$0x2], $0x40, s6, s28, $0xb8;
	[tilespmem:$0x1A2A0] =	vst v63  }
0xb3: {  	_ =	swait.ge [sflag:s12], $0x1F40  }
0xb4: {  	[sflag:s12] =	ssyncset.done $0x0  }
0xb5: {  	[sflag:s12] =	ssyncadd.s32 $0xFFFFE0C0  }
0xb6: {  	[spmem:s1] =	stream.indirect.scatter.add.f32 [tilespmem:s31], [sflag:$0x2], $0x40, s14, s28, $0xb8;
	[tilespmem:$0x1A2A0] =	vst v63  }
0xb7: {  	_ =	swait.ge [sflag:s12], $0x1F40  }
0xb8: {  	[sflag:s12] =	ssyncset.done $0x0  }
0xb9: {  	[sflag:s12] =	ssyncadd.s32 $0xFFFFE0C0  }
0xba: {  	[spmem:s1] =	stream.indirect.scatter.add.f32 [tilespmem:s2], [sflag:$0x2], $0x40, s15, s28, $0xb8;
	[tilespmem:$0x1A2A0] =	vst v63  }
0xbb: {  	_ =	swait.ge [sflag:s12], $0x1F40  }
0xbc: {  	[sflag:s12] =	ssyncset.done $0x0  }
0xbd: {  	[sflag:s12] =	ssyncadd.s32 $0xFFFFE0C0  }
0xbe: {  	[spmem:s1] =	stream.indirect.scatter.add.f32 [tilespmem:s8], [sflag:$0x2], $0x40, s16, s28, $0xb8;
	[tilespmem:$0x1A2A0] =	vst v63  }
0xbf: {  	_ =	swait.ge [sflag:s12], $0x1F40  }
0xc0: {  	[sflag:s12] =	ssyncset.done $0x0  }
0xc1: {  	[sflag:s12] =	ssyncadd.s32 $0xFFFFE0C0  }
0xc2: {  	[spmem:s1] =	stream.indirect.scatter.add.f32 [tilespmem:s10], [sflag:$0x2], $0x40, s17, s28, $0xb8;
	[tilespmem:$0x1A2A0] =	vst v63  }
0xc3: {  	_ =	swait.ge [sflag:s13], $0x1F40  }
0xc4: {  	[sflag:s13] =	ssyncset.done $0x0  }
0xc5: {  	[sflag:s13] =	ssyncadd.s32 $0xFFFFE0C0  }
0xc6: {  	_ =	swait.ge [sflag:s13], $0x1F40  }
0xc7: {  	[sflag:s13] =	ssyncset.done $0x0  }
0xc8: {  	[sflag:s13] =	ssyncadd.s32 $0xFFFFE0C0  }
0xc9: {  	_ =	swait.ge [sflag:s13], $0x1F40  }
0xca: {  	[sflag:s13] =	ssyncset.done $0x0  }
0xcb: {  	[sflag:s13] =	ssyncadd.s32 $0xFFFFE0C0  }
0xcc: {  	_ =	swait.ge [sflag:s13], $0x1F40  }
0xcd: {  	[sflag:s13] =	ssyncset.done $0x0  }
0xce: {  	[sflag:s13] =	ssyncadd.s32 $0xFFFFE0C0  }
0xcf: {  	_ =	swait.ge [sflag:s13], $0x1F40  }
0xd0: {  	[sflag:s13] =	ssyncset.done $0x0  }
0xd1: {  	s7 =	simm.s32 $0x0;
	s19 =	rddreg [dreg:$0xd];
	[sflag:s13] =	ssyncadd.s32 $0xFFFFE0C0  }
0xd2: {  	[tilespmem:s7], [sflag:$0x3] =	stream.linear.gather [hbm4b:s19+s7], $0x2800, $0x38;
	[tilespmem:$0x1A2A0] =	vst v63  }
0xd3: {  	_ =	swait.ge [sflag:s21], $0x2800  }
0xd4: {  	[sflag:s21] =	ssyncset.done $0x0  }
0xd5: {  	s26 =	simm.s32 $0x2800;
	s20 =	rddreg [dreg:$0xe];
	[sflag:s21] =	ssyncadd.s32 $0xFFFFD800  }
0xd6: {  	[tilespmem:s26], [sflag:$0x3] =	stream.linear.gather [hbm4b:s20+s7], $0x2800, $0x38;
	[tilespmem:$0x1A2A0] =	vst v63  }
0xd7: {  	_ =	swait.ge [sflag:s21], $0x2800  }
0xd8: {  	[sflag:s21] =	ssyncset.done $0x0  }
0xd9: {  	[sflag:s21] =	ssyncadd.s32 $0xFFFFD800  }
0xda: {  	[tilespmem:s29], [sflag:$0x1] =	stream.indirect.gather [hbm4b:s4+s28], $0x40, s7, s28, $0xb8;
	[tilespmem:$0x1A2A0] =	vst v63  }
0xdb: {  	_ = 	snop  }
0xdc: {  	[tilespmem:s31], [sflag:$0x1] =	stream.indirect.gather [hbm4b:s4+s28], $0x40, s30, s28, $0xb8;
	[tilespmem:$0x1A2A0] =	vst v63  }
0xdd: {  	_ = 	snop  }
0xde: {  	[tilespmem:s2], [sflag:$0x1] =	stream.indirect.gather [hbm4b:s4+s28], $0x40, s0, s28, $0xb8;
	[tilespmem:$0x1A2A0] =	vst v63  }
0xdf: {  	_ = 	snop  }
0xe0: {  	[tilespmem:s8], [sflag:$0x1] =	stream.indirect.gather [hbm4b:s4+s28], $0x40, s5, s28, $0xb8;
	[tilespmem:$0x1A2A0] =	vst v63  }
0xe1: {  	_ = 	snop  }
0xe2: {  	[tilespmem:s10], [sflag:$0x1] =	stream.indirect.gather [hbm4b:s4+s28], $0x40, s9, s28, $0xb8;
	[tilespmem:$0x1A2A0] =	vst v63  }
0xe3: {  	_ =	swait.ge [sflag:s12], $0x1F40  }
0xe4: {  	[sflag:s12] =	ssyncset.done $0x0  }
0xe5: {  	s19 =	simm.s32 $0x2800;
	[sflag:s12] =	ssyncadd.s32 $0xFFFFE0C0  }
0xe6: {  	[spmem:s1] =	stream.indirect.scatter.add.f32 [tilespmem:s29], [sflag:$0x2], $0x40, s19, s28, $0xb8;
	[tilespmem:$0x1A2A0] =	vst v63  }
0xe7: {  	_ =	swait.ge [sflag:s12], $0x1F40  }
0xe8: {  	[sflag:s12] =	ssyncset.done $0x0  }
0xe9: {  	s20 =	simm.s32 $0x2880;
	[sflag:s12] =	ssyncadd.s32 $0xFFFFE0C0  }
0xea: {  	[spmem:s1] =	stream.indirect.scatter.add.f32 [tilespmem:s31], [sflag:$0x2], $0x40, s20, s28, $0xb8;
	[tilespmem:$0x1A2A0] =	vst v63  }
0xeb: {  	_ =	swait.ge [sflag:s12], $0x1F40  }
0xec: {  	[sflag:s12] =	ssyncset.done $0x0  }
0xed: {  	s26 =	simm.s32 $0x2900;
	[sflag:s12] =	ssyncadd.s32 $0xFFFFE0C0  }
0xee: {  	[spmem:s1] =	stream.indirect.scatter.add.f32 [tilespmem:s2], [sflag:$0x2], $0x40, s26, s28, $0xb8;
	[tilespmem:$0x1A2A0] =	vst v63  }
0xef: {  	_ =	swait.ge [sflag:s12], $0x1F40  }
0xf0: {  	[sflag:s12] =	ssyncset.done $0x0  }
0xf1: {  	s19 =	simm.s32 $0x2980;
	[sflag:s12] =	ssyncadd.s32 $0xFFFFE0C0  }
0xf2: {  	[spmem:s1] =	stream.indirect.scatter.add.f32 [tilespmem:s8], [sflag:$0x2], $0x40, s19, s28, $0xb8;
	[tilespmem:$0x1A2A0] =	vst v63  }
0xf3: {  	_ =	swait.ge [sflag:s12], $0x1F40  }
0xf4: {  	[sflag:s12] =	ssyncset.done $0x0  }
0xf5: {  	s20 =	simm.s32 $0x2A00;
	[sflag:s12] =	ssyncadd.s32 $0xFFFFE0C0  }
0xf6: {  	[spmem:s1] =	stream.indirect.scatter.add.f32 [tilespmem:s10], [sflag:$0x2], $0x40, s20, s28, $0xb8;
	[tilespmem:$0x1A2A0] =	vst v63  }
0xf7: {  	_ =	swait.ge [sflag:s13], $0x1F40  }
0xf8: {  	[sflag:s13] =	ssyncset.done $0x0  }
0xf9: {  	s26 =	simm.s32 $0x280;
	[sflag:s13] =	ssyncadd.s32 $0xFFFFE0C0  }
0xfa: {  	[tilespmem:s29], [sflag:$0x1] =	stream.indirect.gather [hbm4b:s4+s28], $0x40, s26, s28, $0xb8;
	[tilespmem:$0x1A2A0] =	vst v63  }
0xfb: {  	_ =	swait.ge [sflag:s13], $0x1F40  }
0xfc: {  	[sflag:s13] =	ssyncset.done $0x0  }
0xfd: {  	s19 =	simm.s32 $0x300;
	[sflag:s13] =	ssyncadd.s32 $0xFFFFE0C0  }
0xfe: {  	[tilespmem:s31], [sflag:$0x1] =	stream.indirect.gather [hbm4b:s4+s28], $0x40, s19, s28, $0xb8;
	[tilespmem:$0x1A2A0] =	vst v63  }
0xff: {  	_ =	swait.ge [sflag:s13], $0x1F40  }
0x100: {  	[sflag:s13] =	ssyncset.done $0x0  }
0x101: {  	s20 =	simm.s32 $0x380;
	[sflag:s13] =	ssyncadd.s32 $0xFFFFE0C0  }
0x102: {  	[tilespmem:s2], [sflag:$0x1] =	stream.indirect.gather [hbm4b:s4+s28], $0x40, s20, s28, $0xb8;
	[tilespmem:$0x1A2A0] =	vst v63  }
0x103: {  	_ =	swait.ge [sflag:s13], $0x1F40  }
0x104: {  	[sflag:s13] =	ssyncset.done $0x0  }
0x105: {  	s26 =	simm.s32 $0x400;
	[sflag:s13] =	ssyncadd.s32 $0xFFFFE0C0  }
0x106: {  	[tilespmem:s8], [sflag:$0x1] =	stream.indirect.gather [hbm4b:s4+s28], $0x40, s26, s28, $0xb8;
	[tilespmem:$0x1A2A0] =	vst v63  }
0x107: {  	_ =	swait.ge [sflag:s13], $0x1F40  }
0x108: {  	[sflag:s13] =	ssyncset.done $0x0  }
0x109: {  	s19 =	simm.s32 $0xA00;
	s20 =	simm.s32 $0x480;
	[sflag:s13] =	ssyncadd.s32 $0xFFFFE0C0  }
.LBB2_6:
0x10a: {  	[tilespmem:s10], [sflag:$0x1] =	stream.indirect.gather [hbm4b:s4+s28], $0x40, s20, s28, $0xb8;
	[tilespmem:$0x1A2A0] =	vst v63  }
0x10b: {  	s7 =	smov.u32 s19  }
0x10c: {  	p2 =	sne.s32 s19, $0x8C00;
	s19 =	sadd.s32 $0xA00, s19;
	_ =	swait.ge [sflag:s12], $0x1F40  }
0x10d: {  	s26 =	sshra.s32 s7, $0x2;
	[sflag:s12] =	ssyncset.done $0x0  }
0x10e: {  	s7 =	sadd.s32 $0x2800, s26;
	[sflag:s12] =	ssyncadd.s32 $0xFFFFE0C0  }
0x10f: {  	[spmem:s1] =	stream.indirect.scatter.add.f32 [tilespmem:s29], [sflag:$0x2], $0x40, s7, s28, $0xb8;
	[tilespmem:$0x1A2A0] =	vst v63  }
0x110: {  	_ =	swait.ge [sflag:s12], $0x1F40  }
0x111: {  	[sflag:s12] =	ssyncset.done $0x0  }
0x112: {  	s7 =	sadd.s32 $0x2880, s26;
	[sflag:s12] =	ssyncadd.s32 $0xFFFFE0C0  }
0x113: {  	[spmem:s1] =	stream.indirect.scatter.add.f32 [tilespmem:s31], [sflag:$0x2], $0x40, s7, s28, $0xb8;
	[tilespmem:$0x1A2A0] =	vst v63  }
0x114: {  	_ =	swait.ge [sflag:s12], $0x1F40  }
0x115: {  	[sflag:s12] =	ssyncset.done $0x0  }
0x116: {  	s7 =	sadd.s32 $0x2900, s26;
	[sflag:s12] =	ssyncadd.s32 $0xFFFFE0C0  }
0x117: {  	[spmem:s1] =	stream.indirect.scatter.add.f32 [tilespmem:s2], [sflag:$0x2], $0x40, s7, s28, $0xb8;
	[tilespmem:$0x1A2A0] =	vst v63  }
0x118: {  	_ =	swait.ge [sflag:s12], $0x1F40  }
0x119: {  	[sflag:s12] =	ssyncset.done $0x0  }
0x11a: {  	s7 =	sadd.s32 $0x2980, s26;
	[sflag:s12] =	ssyncadd.s32 $0xFFFFE0C0  }
0x11b: {  	[spmem:s1] =	stream.indirect.scatter.add.f32 [tilespmem:s8], [sflag:$0x2], $0x40, s7, s28, $0xb8;
	[tilespmem:$0x1A2A0] =	vst v63  }
0x11c: {  	_ =	swait.ge [sflag:s12], $0x1F40  }
0x11d: {  	[sflag:s12] =	ssyncset.done $0x0  }
0x11e: {  	s7 =	sadd.s32 $0x2A00, s26;
	[sflag:s12] =	ssyncadd.s32 $0xFFFFE0C0  }
0x11f: {  	[spmem:s1] =	stream.indirect.scatter.add.f32 [tilespmem:s10], [sflag:$0x2], $0x40, s7, s28, $0xb8;
	[tilespmem:$0x1A2A0] =	vst v63  }
0x120: {  	_ =	swait.ge [sflag:s13], $0x1F40  }
0x121: {  	[sflag:s13] =	ssyncset.done $0x0  }
0x122: {  	s7 =	sadd.s32 $0x280, s26;
	[sflag:s13] =	ssyncadd.s32 $0xFFFFE0C0  }
0x123: {  	[tilespmem:s29], [sflag:$0x1] =	stream.indirect.gather [hbm4b:s4+s28], $0x40, s7, s28, $0xb8;
	[tilespmem:$0x1A2A0] =	vst v63  }
0x124: {  	_ =	swait.ge [sflag:s13], $0x1F40  }
0x125: {  	[sflag:s13] =	ssyncset.done $0x0  }
0x126: {  	s7 =	sadd.s32 $0x300, s26;
	[sflag:s13] =	ssyncadd.s32 $0xFFFFE0C0  }
0x127: {  	[tilespmem:s31], [sflag:$0x1] =	stream.indirect.gather [hbm4b:s4+s28], $0x40, s7, s28, $0xb8;
	[tilespmem:$0x1A2A0] =	vst v63  }
0x128: {  	_ =	swait.ge [sflag:s13], $0x1F40  }
0x129: {  	[sflag:s13] =	ssyncset.done $0x0  }
0x12a: {  	s7 =	sadd.s32 $0x380, s26;
	[sflag:s13] =	ssyncadd.s32 $0xFFFFE0C0  }
0x12b: {  	[tilespmem:s2], [sflag:$0x1] =	stream.indirect.gather [hbm4b:s4+s28], $0x40, s7, s28, $0xb8;
	[tilespmem:$0x1A2A0] =	vst v63  }
0x12c: {  	_ =	swait.ge [sflag:s13], $0x1F40  }
0x12d: {  	[sflag:s13] =	ssyncset.done $0x0  }
.Ltmp2:
0x12e: {  	s7 =	sadd.s32 $0x400, s26;
	[sflag:s13] =	ssyncadd.s32 $0xFFFFE0C0;
	(pc) =	sbr.rel @p2 .LBB2_6-.Ltmp2, $4  }
0x12f: {  	[tilespmem:s8], [sflag:$0x1] =	stream.indirect.gather [hbm4b:s4+s28], $0x40, s7, s28, $0xb8;
	[tilespmem:$0x1A2A0] =	vst v63  }
0x130: {  	_ =	swait.ge [sflag:s13], $0x1F40  }
0x131: {  	[sflag:s13] =	ssyncset.done $0x0  }
0x132: {  	s20 =	sadd.s32 $0x480, s26;
	[sflag:s13] =	ssyncadd.s32 $0xFFFFE0C0  }
0x133: {  	[tilespmem:s10], [sflag:$0x1] =	stream.indirect.gather [hbm4b:s4+s28], $0x40, s20, s28, $0xb8;
	[tilespmem:$0x1A2A0] =	vst v63  }
0x134: {  	_ =	swait.ge [sflag:s12], $0x1F40  }
0x135: {  	[sflag:s12] =	ssyncset.done $0x0  }
0x136: {  	[sflag:s12] =	ssyncadd.s32 $0xFFFFE0C0  }
0x137: {  	[spmem:s1] =	stream.indirect.scatter.add.f32 [tilespmem:s29], [sflag:$0x2], $0x40, s6, s28, $0xb8;
	[tilespmem:$0x1A2A0] =	vst v63  }
0x138: {  	_ =	swait.ge [sflag:s12], $0x1F40  }
0x139: {  	[sflag:s12] =	ssyncset.done $0x0  }
0x13a: {  	[sflag:s12] =	ssyncadd.s32 $0xFFFFE0C0  }
0x13b: {  	[spmem:s1] =	stream.indirect.scatter.add.f32 [tilespmem:s31], [sflag:$0x2], $0x40, s14, s28, $0xb8;
	[tilespmem:$0x1A2A0] =	vst v63  }
0x13c: {  	_ =	swait.ge [sflag:s12], $0x1F40  }
0x13d: {  	[sflag:s12] =	ssyncset.done $0x0  }
0x13e: {  	[sflag:s12] =	ssyncadd.s32 $0xFFFFE0C0  }
0x13f: {  	[spmem:s1] =	stream.indirect.scatter.add.f32 [tilespmem:s2], [sflag:$0x2], $0x40, s15, s28, $0xb8;
	[tilespmem:$0x1A2A0] =	vst v63  }
0x140: {  	_ =	swait.ge [sflag:s12], $0x1F40  }
0x141: {  	[sflag:s12] =	ssyncset.done $0x0  }
0x142: {  	[sflag:s12] =	ssyncadd.s32 $0xFFFFE0C0  }
0x143: {  	[spmem:s1] =	stream.indirect.scatter.add.f32 [tilespmem:s8], [sflag:$0x2], $0x40, s16, s28, $0xb8;
	[tilespmem:$0x1A2A0] =	vst v63  }
0x144: {  	_ =	swait.ge [sflag:s12], $0x1F40  }
0x145: {  	[sflag:s12] =	ssyncset.done $0x0  }
0x146: {  	[sflag:s12] =	ssyncadd.s32 $0xFFFFE0C0  }
0x147: {  	[spmem:s1] =	stream.indirect.scatter.add.f32 [tilespmem:s10], [sflag:$0x2], $0x40, s17, s28, $0xb8;
	[tilespmem:$0x1A2A0] =	vst v63  }
0x148: {  	_ =	swait.ge [sflag:s13], $0x1F40  }
0x149: {  	[sflag:s13] =	ssyncset.done $0x0  }
0x14a: {  	[sflag:s13] =	ssyncadd.s32 $0xFFFFE0C0  }
0x14b: {  	_ =	swait.ge [sflag:s13], $0x1F40  }
0x14c: {  	[sflag:s13] =	ssyncset.done $0x0  }
0x14d: {  	[sflag:s13] =	ssyncadd.s32 $0xFFFFE0C0  }
0x14e: {  	_ =	swait.ge [sflag:s13], $0x1F40  }
0x14f: {  	[sflag:s13] =	ssyncset.done $0x0  }
0x150: {  	[sflag:s13] =	ssyncadd.s32 $0xFFFFE0C0  }
0x151: {  	_ =	swait.ge [sflag:s13], $0x1F40  }
0x152: {  	[sflag:s13] =	ssyncset.done $0x0  }
0x153: {  	[sflag:s13] =	ssyncadd.s32 $0xFFFFE0C0  }
0x154: {  	_ =	swait.ge [sflag:s13], $0x1F40  }
0x155: {  	[sflag:s13] =	ssyncset.done $0x0  }
0x156: {  	s7 =	stileid.u32;
	[sflag:s13] =	ssyncadd.s32 $0xFFFFE0C0  }
0x157: {  	s7 =	sshll.u32 s7, $0x6;
	[bflag:$0x0] =	sbarrier.arrive $0xFFFF  }
0x158: {  	s7 =	sor.u32 $0x1C03, s7;
	s19 =	rddreg [dreg:$0xf]  }
0x159: {  	[hbm:s19], [sflag:s7] =	dma.local [spmem:s22], $0x640  }
0x15a: {  	_ =	swait.ge [sflag:s21], $0x640  }
0x15b: {  	[sflag:s21] =	ssyncset.done $0x0  }
0x15c: {  	s26 =	rddreg [dreg:$0x10];
	[sflag:s21] =	ssyncadd.s32 $0xFFFFF9C0  }
0x15d: {  	[hbm:s26], [sflag:s7] =	dma.local [spmem:s23], $0x640  }
0x15e: {  	_ =	swait.ge [sflag:s21], $0x640  }
0x15f: {  	[sflag:s21] =	ssyncset.done $0x0  }
0x160: {  	s20 =	rddreg [dreg:$0x11];
	[sflag:s21] =	ssyncadd.s32 $0xFFFFF9C0  }
0x161: {  	[hbm:s20], [sflag:s7] =	dma.local [spmem:s24], $0x640  }
0x162: {  	_ =	swait.ge [sflag:s21], $0x640  }
0x163: {  	[sflag:s21] =	ssyncset.done $0x0  }
0x164: {  	s19 =	rddreg [dreg:$0x12];
	[sflag:s21] =	ssyncadd.s32 $0xFFFFF9C0  }
0x165: {  	[hbm:s19], [sflag:s7] =	dma.local @!p1 [spmem:s25], $0x640  }
0x166: {  	s7 =	simm.s32 @!p1 $0x3  }
0x167: {  	_ =	swait.ge @!p1 [sflag:s7], $0x640  }
0x168: {  	s18 =	sadd.s32 $0x1, s18;
	s26 =	rddreg [dreg:$0x13]  }
0x169: {  	p2 =	sne.s32 s18, s26  }
.Ltmp3:
0x16a: {  	_ = 	snop;
	(pc) =	sbr.rel @p2 .LBB2_1-.Ltmp3, $3  }
0x16b: {  	_ =	sdelay $0x1  }
0x16c: {  	[sflag:s7] =	ssyncset.done @!p1 $0x0  }
0x16d: {  	[sflag:s7] =	ssyncadd.s32 @!p1 $0xFFFFF9C0  }
0x16e: {  	_ =	sfence.sel $0x180000  }
0x16f: {  	[bflag:$0x0] =	sbarrier.arrive $0xFFFF  }
0x170: {  	_ =	strace $0x90000050  }
0x171: {  	[bflag:$0x2] =	sbarrier.arrive $0xFFFF  }
0x172: {  	s0 =	rddreg [dreg:$0x3]  }
0x173: {  	s0 =	sadd.s32 @!p0 $0x100000, s0  }
0x174: {  	[sflag:s0] =	ssyncadd.tile.s32 @!p0 $0x1;
	_ =	shalt  }
.Lfunc_end2:
_tile_overlayer_lowered:
.L_overlay_start_2:
0x175: {  	(tag) =	ssettag $0x2  }
0x176: {  	s0 =	rddreg [dreg:$0x0];
	s2 =	stileid.u32  }
0x177: {  	s1 =	rddreg [dreg:$0x1];
	p0 =	sne.s32 s2, $0x0  }
0x178: {  	s3 =	rddreg [dreg:$0x2];
	[bflag:$0x3] =	sbarrier.arrive $0xFFFF;
	s2 =	simm.s32 @!p0 $0x1C03  }
0x179: {  	[timem:s3], [sflag:s2] =	dma.local @!p0 [hbm:s0], s1  }
0x17a: {  	s0 =	simm.s32 @!p0 $0x3  }
0x17b: {  	_ =	swait.ge @!p0 [sflag:s0], s1  }
0x17c: {  	s1 =	ssub.s32 @!p0 $0x0, s1;
	[sflag:s0] =	ssyncset.done @!p0 $0x0  }
0x17d: {  	[sflag:s0] =	ssyncadd.s32 @!p0 s1  }
0x17e: {  	[bflag:$0x3] =	sbarrier.arrive $0xFFFF  }
0x17f: {  	_ =	shalt  }

// kernel: kernel.9.cloned.1.call-start
scs
__scs_entry_jumppad:
0x0: {  	(pc) =	sbr.rel $0x88, $3  }
0x1: {  	(tag) =	ssettag $0x0;
	lr =	simm.s32 $0x1  }
0x2: {  	[smem:$0x3F94] =	sst lr;
	_ =	strace $0xD0000000  }
0x3: {  	_ = 	snop  }
0x4: {  	_ = 	snop  }
0x5: {  	_ = 	snop  }
0x6: {  	_ = 	snop  }
0x7: {  	_ = 	snop  }
__scs_overlays_trampoline_lowered:
0x8: {  	[smem:$0x3FA3] =	sst s0  }
0x9: {  	[smem:$0x3FA4] =	sst s1  }
0xa: {  	[smem:$0x3FA5] =	sst s2  }
0xb: {  	[smem:$0x3FA6] =	sst s3  }
0xc: {  	[smem:$0x3FA7] =	sst s4  }
0xd: {  	[smem:$0x3FA8] =	sst s5  }
0xe: {  	[smem:$0x3FA9] =	sst s6  }
0xf: {  	[smem:$0x3FAA] =	sst s7  }
0x10: {  	[smem:$0x3FAB] =	sst s8  }
0x11: {  	[smem:$0x3FAC] =	sst s9;
	s0 =	simm.s32 @!p0 $0x0  }
0x12: {  	s1 =	sld [smem:$0x3F92];
	s0 =	simm.s32 @p0 $0x1  }
0x13: {  	[smem:$0x3FAD] =	sst s0;
	s0 =	simm.s32 @!p1 $0x0  }
0x14: {  	s2 =	sld [smem:$0x3F91];
	s0 =	simm.s32 @p1 $0x1  }
0x15: {  	[smem:$0x3FAE] =	sst s0;
	s0 =	simm.s32 @!p2 $0x0  }
0x16: {  	s3 =	sld [smem:$0x3FDB];
	s0 =	simm.s32 @p2 $0x1  }
0x17: {  	s4 =	simm.s32 $0x1BF5;
	[smem:$0x3FB0] =	sst s0  }
0x18: {  	s0 =	sld [smem:$0x3F93];
	_ =	swait.ge [sflag:s4], $0x0  }
0x19: {  	s7 =	sld [smem:$0x3F94]  }
0x1a: {  	s8 =	sadd.s32 $0xFFFFE003, lr  }
0x1b: {  	s9 =	sadd.s32 $0xFFFFFEF7, lr;
	s5 =	simm.s32 $0xFFFFFFFF;
	p2 =	slt.u32 s8, $0xFFFFF086  }
0x1c: {  	p1 =	slt.u32 s9, $0xF7A;
	s5 =	simm.s32 @!p2 $0x0  }
0x1d: {  	s5 =	simm.s32 @p1 $0x1;
	p0 =	seq.s32 s7, s2  }
0x1e: {  	s7 =	smul.u32 @!p0 $0xF7A, s2;
	p2 =	seq.s32 @!p0 s5, $0x0  }
0x1f: {  	s9 =	smul.u32 $0xF7A, s1;
	s8 =	simm.s32 @!p0 $0x1BF5;
	p2 =	por !p2, p0  }
0x20: {  	[sflag:s8] =	ssyncset.s32 @!p0 $0xFFFFF086;
	s6 =	sadd.s32 @!p0 s3, s7;
	s7 =	simm.s32 @!p0 $0x108  }
0x21: {  	s3 =	sadd.s32 s3, s9;
	s6 =	sadd.s32 @!p0 $0x88, s6;
	s7 =	simm.s32 @p2 $0x1082  }
0x22: {  	[simem:s7], [sflag:s8] =	dma.local @!p0 [hbm:s6], $0xF7A  }
0x23: {  	s9 =	sor.u32 $0xD0000000, s2;
	s6 =	simm.s32 $0x108;
	_ =	swait.ge @!p0 [sflag:s8], $0x0  }
0x24: {  	s3 =	sadd.s32 $0x88, s3;
	s6 =	simm.s32 @!p1 $0x1082;
	[sflag:s4] =	ssyncset.s32 $0xFFFFF086  }
0x25: {  	[simem:s6], [sflag:s4] =	dma.local [hbm:s3], $0xF7A  }
0x26: {  	[smem:$0x3F94] =	sst s1;
	(tag) =	ssettag s2;
	_ =	strace s9  }
0x27: {  	s1 =	sld [smem:$0x3FA4]  }
0x28: {  	s2 =	sld [smem:$0x3FA5]  }
0x29: {  	s4 =	sld [smem:$0x3FA7]  }
0x2a: {  	p0 =	seq.s32 s5, $0x0;
	s5 =	sld [smem:$0x3FA8]  }
0x2b: {  	s6 =	sld [smem:$0x3FA9]  }
0x2c: {  	s7 =	sld [smem:$0x3FAA]  }
0x2d: {  	s3 =	simm.s32 $0x108;
	s8 =	sld [smem:$0x3FAB]  }
0x2e: {  	s3 =	simm.s32 @!p0 $0x1082;
	s9 =	sld [smem:$0x3FAC]  }
0x2f: {  	lr =	sadd.s32 s0, s3;
	s0 =	sld [smem:$0x3FA3]  }
0x30: {  	s3 =	sld [smem:$0x3FA6]  }
0x31: {  	[smem:$0x3FAF] =	sst s10  }
0x32: {  	s10 =	sld [smem:$0x3FAD];
	_ =	sdelay $0x3  }
0x33: {  	p0 =	seq.s32 s10, $0x1;
	s10 =	sld [smem:$0x3FAF];
	_ =	sdelay $0x3  }
0x34: {  	[smem:$0x3FAF] =	sst s10  }
0x35: {  	s10 =	sld [smem:$0x3FAE];
	_ =	sdelay $0x3  }
0x36: {  	p1 =	seq.s32 s10, $0x1;
	s10 =	sld [smem:$0x3FAF];
	_ =	sdelay $0x3  }
0x37: {  	[smem:$0x3FAF] =	sst s10  }
0x38: {  	s10 =	sld [smem:$0x3FB0]  }
0x39: {  	_ = 	snop;
	(pc) =	sbr.ind lr, $3  }
0x3a: {  	_ = 	snop  }
0x3b: {  	_ = 	snop  }
0x3c: {  	p2 =	seq.s32 s10, $0x1;
	s10 =	sld [smem:$0x3FAF]  }
0x3d: {  	_ =	shalt  }
0x3e: {  	_ =	shalt  }
0x3f: {  	_ =	shalt  }
0x40: {  	_ =	shalt  }
0x41: {  	_ =	shalt  }
0x42: {  	_ =	shalt  }
0x43: {  	_ =	shalt  }
0x44: {  	_ =	shalt  }
0x45: {  	_ =	shalt  }
0x46: {  	_ =	shalt  }
0x47: {  	_ =	shalt  }
0x48: {  	_ =	shalt  }
0x49: {  	_ =	shalt  }
0x4a: {  	_ =	shalt  }
0x4b: {  	_ =	shalt  }
0x4c: {  	_ =	shalt  }
0x4d: {  	_ =	shalt  }
0x4e: {  	_ =	shalt  }
0x4f: {  	_ =	shalt  }
0x50: {  	_ =	shalt  }
0x51: {  	_ =	shalt  }
0x52: {  	_ =	shalt  }
0x53: {  	_ =	shalt  }
0x54: {  	_ =	shalt  }
0x55: {  	_ =	shalt  }
0x56: {  	_ =	shalt  }
0x57: {  	_ =	shalt  }
0x58: {  	_ =	shalt  }
0x59: {  	_ =	shalt  }
0x5a: {  	_ =	shalt  }
0x5b: {  	_ =	shalt  }
0x5c: {  	_ =	shalt  }
0x5d: {  	_ =	shalt  }
0x5e: {  	_ =	shalt  }
0x5f: {  	_ =	shalt  }
0x60: {  	_ =	shalt  }
0x61: {  	_ =	shalt  }
0x62: {  	_ =	shalt  }
0x63: {  	_ =	shalt  }
0x64: {  	_ =	shalt  }
0x65: {  	_ =	shalt  }
0x66: {  	_ =	shalt  }
0x67: {  	_ =	shalt  }
0x68: {  	_ =	shalt  }
0x69: {  	_ =	shalt  }
0x6a: {  	_ =	shalt  }
0x6b: {  	_ =	shalt  }
0x6c: {  	_ =	shalt  }
0x6d: {  	_ =	shalt  }
0x6e: {  	_ =	shalt  }
0x6f: {  	_ =	shalt  }
0x70: {  	_ =	shalt  }
0x71: {  	_ =	shalt  }
0x72: {  	_ =	shalt  }
0x73: {  	_ =	shalt  }
0x74: {  	_ =	shalt  }
0x75: {  	_ =	shalt  }
0x76: {  	_ =	shalt  }
0x77: {  	_ =	shalt  }
0x78: {  	_ =	shalt  }
0x79: {  	_ =	shalt  }
0x7a: {  	_ =	shalt  }
0x7b: {  	_ =	shalt  }
0x7c: {  	_ =	shalt  }
0x7d: {  	_ =	shalt  }
0x7e: {  	_ =	shalt  }
0x7f: {  	_ =	shalt  }
0x80: {  	_ =	shalt  }
0x81: {  	_ =	shalt  }
0x82: {  	_ =	shalt  }
0x83: {  	_ =	shalt  }
0x84: {  	_ =	shalt  }
0x85: {  	_ =	shalt  }
0x86: {  	_ =	shalt  }
0x87: {  	_ =	shalt  }
.Lfunc_end0:
.L_simem_size_0:
called_computation_lowered:
.L_overlay_start_0:
0x88: {  	s2 =	sld [smem:$0x3FD9]  }
0x89: {  	s3 =	sld [smem:$0x3FFE];
	_ =	sdelay $0x1  }
0x8a: {  	s1 =	srdreg.scid  }
0x8b: {  	s0 =	sand.u32 $0x1, s1  }
0x8c: {  	s17 =	sshll.u32 s0, $0xA;
	s2 =	sadd.s32 s3, s2  }
0x8d: {  	s2 =	sadd.s32 s2, s17  }
0x8e: {  	[smem:$0x3FBB] =	sst s2  }
0x8f: {  	_ = 	snop  }
0x90: {  	(tm) =	ssettm $0x1  }
0x91: {  	s18 =	sld [smem:$0x3FFB];
	_ =	sdelay $0x3  }
0x92: {  	_ =	strace s18  }
0x93: {  	s2 =	sld [smem:$0x3FFC];
	_ =	sdelay $0x3  }
0x94: {  	_ =	strace s2  }
0x95: {  	s2 =	sld [smem:$0x3FFD];
	_ =	sdelay $0x3  }
0x96: {  	_ =	strace s2  }
0x97: {  	_ =	strace $0x8FFFFFFF  }
0x98: {  	s19 =	sld [smem:$0x3FDB];
	_ =	sdelay $0x1  }
0x99: {  	s20 =	simm.s32 $_scs_section_size  }
0x9a: {  	s4 =	simm.s32 $_size__tile_overlayer_lowered;
	s5 =	simm.s32 $_tile_overlayer_lowered  }
0x9b: {  	s6 =	simm.s32 $0x1BFF;
	s21 =	sshll.u32 s5, $0x1;
	s3 =	sadd.s32 s20, s19  }
0x9c: {  	s22 =	simm.s32 $0x0;
	s4 =	sshll.u32 s4, $0x1;
	s5 =	sadd.s32 s21, s3  }
0x9d: {  	[timem:s22], [sflag:s6] =	dma.local [hbm:s5], s4  }
0x9e: {  	_ =	swait.ge [sflag:s6], s4  }
0x9f: {  	s4 =	ssub.s32 $0x0, s4;
	[sflag:s6] =	ssyncset.done $0x0  }
0xa0: {  	[sflag:s6] =	ssyncadd.s32 s4;
	_ =	sdelay $0x1  }
0xa1: {  	s23 =	simm.s32 $0x1B8B  }
0xa2: {  	_ =	swait.ge [sflag:s23], $0x1  }
0xa3: {  	[sflag:s23] =	ssyncset.done $0x0  }
0xa4: {  	[sflag:s23] =	ssyncadd.s32 $0xFFFFFFFF  }
0xa5: {  	s4 =	sld [smem:$0x0]  }
0xa6: {  	s5 =	sand.u32 $0xFFFFFFFE, s1  }
0xa7: {  	p0 =	sne.s32 s1, s5  }
0xa8: {  	s5 =	sshll.u32 @p0 s5, $0xE  }
0xa9: {  	s5 =	sadd.s32 @p0 $0x11B8D, s5;
	s6 =	sshll.u32 @p0 s4, $0x11  }
0xaa: {  	s5 =	sor.u32 @p0 s6, s5  }
0xab: {  	[sflag:s5] =	ssyncadd.remote.s32 @p0 $0x1;
	_ =	sdelay $0x1  }
0xac: {  	s5 =	simm.s32 @p0 $0x1B8D  }
0xad: {  	_ =	swait.eq @p0 [sflag:s5], $0x1  }
0xae: {  	[sflag:s5] =	ssyncadd.s32 @p0 $0xFFFFFFFF  }
0xaf: {  	s6 =	sshll.u32 @!p0 s1, $0xE  }
0xb0: {  	s6 =	sor.u32 @!p0 $0x4000, s6;
	s5 =	simm.s32 @!p0 $0x1B8D  }
0xb1: {  	s4 =	sshll.u32 @!p0 s4, $0x11;
	s6 =	sadd.s32 @!p0 $0x11B8D, s6;
	_ =	swait.eq @!p0 [sflag:s5], $0x1  }
0xb2: {  	s4 =	sor.u32 @!p0 s4, s6;
	[sflag:s5] =	ssyncadd.s32 @!p0 $0xFFFFFFFF  }
0xb3: {  	s25 =	simm.s32 $0x1B8E;
	s24 =	sld [smem:$0x3FFE];
	[sflag:s4] =	ssyncadd.remote.s32 @!p0 $0x1  }
0xb4: {  	s26 =	simm.s32 $execute0_lowered;
	[smem:$0x3FD2] =	sst s25  }
0xb5: {  	s5 =	sshll.u32 s26, $0x1;
	_ =	strace $0x80000049;
	[dreg:$0x1] =	wrdreg $0xFFFFFFFF  }
0xb6: {  	s28 =	simm.s32 $_size_execute0_lowered;
	s3 =	sadd.s32 s3, s5;
	[dreg:$0x0] =	wrdreg $0x0  }
0xb7: {  	s5 =	sshll.u32 s28, $0x1;
	[dreg:$0x2] =	wrdreg s3  }
0xb8: {  	[dreg:$0x3] =	wrdreg s5  }
0xb9: {  	[dreg:$0x4] =	wrdreg $0xC0  }
0xba: {  	_ =	task [dreg:s22], $0x5FFFF  }
0xbb: {  	[dreg:$0x1] =	wrdreg $0xFFFFFFFF  }
0xbc: {  	[dreg:$0x0] =	wrdreg $0x60  }
0xbd: {  	[dreg:$0x2] =	wrdreg s24  }
0xbe: {  	[dreg:$0x3] =	wrdreg $0x3C800  }
0xbf: {  	[dreg:$0x4] =	wrdreg $0x9  }
0xc0: {  	_ =	task.clear_ibuf [dreg:s22], $0x5FFFF;
	_ =	strace $0x90000049  }
0xc1: {  	s29 =	simm.s32 $0x9;
	_ =	strace $0x8000004B  }
0xc2: {  	_ =	swait.ge [sflag:s29], $0x1  }
0xc3: {  	[sflag:s29] =	ssyncadd.s32 $0xFFFFFFFF  }
0xc4: {  	_ =	strace $0x9000004B  }
0xc5: {  	_ =	sfence  }
0xc6: {  	s30 =	sld [smem:$0x0];
	_ =	sdelay $0x2  }
0xc7: {  	s31 =	sshll.u32 s1, $0xD;
	s1 =	sshrl.u32 s1, $0x2  }
0xc8: {  	s4 =	sand.u32 $0x4000, s31;
	s1 =	sadd.s32 s1, s30  }
0xc9: {  	s0 =	sor.u32 s4, s0;
	s1 =	sshll.u32 s1, $0x11  }
0xca: {  	s0 =	sor.u32 s1, s0  }
0xcb: {  	s0 =	sadd.s32 $0x8F2B, s0  }
0xcc: {  	[sflag:s0] =	ssyncadd.remote.s32 $0x1  }
0xcd: {  	_ =	sfence.sel $0xFFFF  }
0xce: {  	[dreg:$0x0] =	wrdreg $0xFFFFFFFF;
	(pc) =	sbr.abs _section_cstart, $3  }
0xcf: {  	[dreg:$0x1] =	wrdreg $0xFFFFFFFF  }
0xd0: {  	_ =	task.clear_ibuf [dreg:s22], $0x2FFFF;
	_ =	strace $0x9FFFFFFF  }
0xd1: {  	(tm) =	ssettm $0x7FFFFFFF  }
tec
execute0_lowered:
.L_overlay_start_1:
0x0: {  	(tag) =	ssettag $0x1  }
0x1: {  	s1 =	stileid.u32  }
0x2: {  	s0 =	srdreg.scid;
	s7 =	smul.u32 $0x3200, s1  }
0x3: {  	s4 =	rddreg [dreg:$0x0];
	s8 =	sor.u32 $0x10, s1;
	s28 =	smul.u32 $0xC80, s1  }
0x4: {  	s2 =	rddreg [dreg:$0x1];
	s11 =	sor.u32 $0x20, s1;
	s10 =	smul.u32 $0x3200, s8  }
0x5: {  	s3 =	simm.s32 $0x0;
	s14 =	sor.u32 $0x30, s1;
	s13 =	smul.u32 $0x3200, s11  }
0x6: {  	s5 =	sand.u32 $0x1, s0;
	s0 =	rddreg [dreg:$0x2];
	s22 =	smul.u32 $0x3200, s14  }
0x7: {  	[smem:$0x7FF] =	sst s3;
	s15 =	sadd.s32 $0x48600, s4;
	s24 =	smul.u32 $0x27100, s5  }
0x8: {  	p0 =	sgt.u32 s1, $0x1;
	s6 =	sshll.u32 s5, $0x4;
	s17 =	smul.u32 $0xC80, s8  }
0x9: {  	_ =	strace $0x8000004A;
	s9 =	ssub.s32 $0x2, s5;
	s18 =	smul.u32 $0xC80, s11  }
0xa: {  	s14 =	smul.u32 $0xC80, s14;
	s6 =	sor.u32 s1, s6;
	s12 =	sshrl.u32 s9, $0x1  }
0xb: {  	s23 =	sshrl.u32 s7, $0x2;
	s19 =	sadd.s32 s28, s2;
	s6 =	smul.u32 $0x500, s6  }
0xc: {  	s16 =	ssub.s32 s9, s12;
	s25 =	sshrl.u32 s10, $0x2;
	s26 =	sshrl.u32 s13, $0x2  }
0xd: {  	s5 =	sadd.s32 s23, s2;
	s9 =	sshrl.u32 s22, $0x2;
	s29 =	sadd.s32 s28, s24  }
0xe: {  	s31 =	sadd.s32 s24, s17;
	s11 =	sadd.s32 s24, s18;
	s12 =	sadd.s32 s24, s14  }
0xf: {  	s20 =	sadd.s32 s17, s2;
	s21 =	sadd.s32 s18, s2;
	s22 =	sadd.s32 s14, s2  }
0x10: {  	s14 =	simm.s32 $0x2;
	s17 =	simm.s32 $0x2800;
	s18 =	simm.s32 $0x1  }
0x11: {  	s19 =	sshrl.u32 s19, $0x3;
	s23 =	simm.s32 $0x0;
	s7 =	sadd.s32 s26, s2  }
0x12: {  	s8 =	sadd.s32 s9, s2;
	s30 =	sshrl.u32 s29, $0x3;
	s10 =	sshrl.u32 s31, $0x3  }
0x13: {  	s11 =	sshrl.u32 s11, $0x3;
	s12 =	sshrl.u32 s12, $0x3;
	s13 =	smax.u32 s16, $0x1  }
0x14: {  	s16 =	simm.s32 $0x80;
	s20 =	sshrl.u32 s20, $0x3;
	s21 =	sshrl.u32 s21, $0x3  }
0x15: {  	s22 =	sshrl.u32 @!p0 s22, $0x3;
	s6 =	sadd.s32 s6, s4;
	s9 =	sadd.s32 s15, s30  }
0x16: {  	s10 =	sadd.s32 s15, s10;
	s11 =	sadd.s32 s15, s11;
	s12 =	sadd.s32 s15, s12  }
0x17: {  	v0 =	vimm.f32 $0.0e+00;
	v1 =	vimm.f32 $1.000000000e+00;
	s15 =	simm.s32 $0x3000;
	s4 =	sadd.s32 $0x3E600, s6;
	s6 =	sadd.s32 s25, s2  }
.LBB2_1:
0x18: {  	[tilespmem:s3], [sflag:$0x2] =	stream.linear.gather [hbm4b:s4+s3], $0x2800, $0x38;
	[tilespmem:$0x6398] =	vst v63  }
0x19: {  	_ =	swait.ge [sflag:s14], $0x2800  }
0x1a: {  	[sflag:s14] =	ssyncset.done $0x0  }
0x1b: {  	s24 =	simm.s32 $0x0;
	[sflag:s14] =	ssyncadd.s32 $0xFFFFD800  }
.LBB2_2:
0x1c: {  	p1 =	sne.s32 s24, $0x31C0  }
.Ltmp0:
0x1d: {  	_ = 	snop;
	(pc) =	sbr.rel @p1 .LBB2_2-.Ltmp0, $3  }
0x1e: {  	_ =	sdelay $0x1  }
0x1f: {  	s25 =	sshra.s32 s24, $0x2  }
0x20: {  	s24 =	sadd.s32 $0x40, s24;
	[tilespmem:s25+$0x3000] =	vst v0  }
0x21: {  	s24 =	simm.s32 $0x40;
	s25 =	simm.s32 $0x0  }
.LBB2_4:
0x22: {  	p1 =	sne.s32 s24, $0x1FC0;
	[tilespmem:s25+$0x2800] =	vst v1;
	s25 =	smov.u32 s24;
	s24 =	sadd.s32 $0x40, s24  }
.Ltmp1:
0x23: {  	(pc) =	sbr.rel @p1 .LBB2_4-.Ltmp1, $2  }
0x24: {  	_ =	sdelay $0x2  }
0x25: {  	s25 =	sshra.s32 s25, $0x2  }
0x26: {  	[tilespmem:s25+$0x2800] =	vst v1  }
0x27: {  	[spmem:s5] =	stream.linear.scatter [tilespmem:s15], [sflag:$0x2], $0xC80, $0x38;
	[tilespmem:$0x6398] =	vst v63  }
0x28: {  	_ =	swait.ge [sflag:s14], $0xC80  }
0x29: {  	[sflag:s14] =	ssyncset.done $0x0  }
0x2a: {  	[sflag:s14] =	ssyncadd.s32 $0xFFFFF380  }
0x2b: {  	[spmem:s6] =	stream.linear.scatter [tilespmem:s15], [sflag:$0x2], $0xC80, $0x38;
	[tilespmem:$0x6398] =	vst v63  }
0x2c: {  	_ =	swait.ge [sflag:s14], $0xC80  }
0x2d: {  	[sflag:s14] =	ssyncset.done $0x0  }
0x2e: {  	[sflag:s14] =	ssyncadd.s32 $0xFFFFF380  }
0x2f: {  	[spmem:s7] =	stream.linear.scatter [tilespmem:s15], [sflag:$0x2], $0xC80, $0x38;
	[tilespmem:$0x6398] =	vst v63  }
0x30: {  	_ =	swait.ge [sflag:s14], $0xC80  }
0x31: {  	[sflag:s14] =	ssyncset.done $0x0  }
0x32: {  	s24 =	simm.s32 @!p0 $0x3000;
	[sflag:s14] =	ssyncadd.s32 $0xFFFFF380  }
0x33: {  	[spmem:s8] =	stream.linear.scatter @!p0 [tilespmem:s24], [sflag:$0x2], $0xC80, $0x38;
	[tilespmem:$0x6398] =	vst v63  }
0x34: {  	s24 =	simm.s32 @!p0 $0x2  }
0x35: {  	_ =	swait.ge @!p0 [sflag:s24], $0xC80  }
0x36: {  	[sflag:s24] =	ssyncset.done @!p0 $0x0  }
0x37: {  	p1 =	por $0x1, $0x1;
	[sflag:s24] =	ssyncadd.s32 @!p0 $0xFFFFF380  }
0x38: {  	s26 =	simm.s32 @!p1 $0x1;
	s24 =	simm.s32 $0x0;
	[bflag:$0x0] =	sbarrier.arrive $0xFFFF  }
0x39: {  	[spmem:s2] =	stream.indirect.scatter.add.f32 [tilespmem:s17], [sflag:$0x1], $0x10, s24, s16, $0xb8;
	[tilespmem:$0x6398] =	vst v63  }
0x3a: {  	_ =	swait.ge @!p1 [sflag:s26], $0x800  }
0x3b: {  	s25 =	simm.s32 $0x1;
	[sflag:s26] =	ssyncset.done @!p1 $0x0  }
.LBB2_6:
0x3c: {  	[sflag:s26] =	ssyncadd.s32 @!p1 $0xFFFFF800  }
0x3d: {  	s24 =	sadd.s32 $0x80, s24;
	s26 =	smov.u32 s25;
	s25 =	sadd.s32 $0x1, s25  }
0x3e: {  	p2 =	sne.s32 s25, $0x50  }
0x3f: {  	[spmem:s2] =	stream.indirect.scatter.add.f32 [tilespmem:s17], [sflag:$0x1], $0x10, s24, s16, $0xb8;
	[tilespmem:$0x6398] =	vst v63  }
.Ltmp2:
0x40: {  	_ = 	snop;
	(pc) =	sbr.rel @p2 .LBB2_6-.Ltmp2, $4  }
0x41: {  	p1 =	slt.u32 s26, $0x8  }
0x42: {  	s26 =	simm.s32 @!p1 $0x1  }
0x43: {  	_ =	swait.ge @!p1 [sflag:s26], $0x800  }
0x44: {  	[sflag:s26] =	ssyncset.done @!p1 $0x0  }
0x45: {  	[sflag:s26] =	ssyncadd.s32 @!p1 $0xFFFFF800  }
0x46: {  	_ =	swait.ge [sflag:s18], $0x800  }
0x47: {  	[sflag:s18] =	ssyncset.done $0x0  }
0x48: {  	[sflag:s18] =	ssyncadd.s32 $0xFFFFF800  }
0x49: {  	_ =	swait.ge [sflag:s18], $0x800  }
0x4a: {  	[sflag:s18] =	ssyncset.done $0x0  }
0x4b: {  	[sflag:s18] =	ssyncadd.s32 $0xFFFFF800  }
0x4c: {  	_ =	swait.ge [sflag:s18], $0x800  }
0x4d: {  	[sflag:s18] =	ssyncset.done $0x0  }
0x4e: {  	[sflag:s18] =	ssyncadd.s32 $0xFFFFF800  }
0x4f: {  	_ =	swait.ge [sflag:s18], $0x800  }
0x50: {  	[sflag:s18] =	ssyncset.done $0x0  }
0x51: {  	[sflag:s18] =	ssyncadd.s32 $0xFFFFF800  }
0x52: {  	_ =	swait.ge [sflag:s18], $0x800  }
0x53: {  	[sflag:s18] =	ssyncset.done $0x0  }
0x54: {  	[sflag:s18] =	ssyncadd.s32 $0xFFFFF800  }
0x55: {  	_ =	swait.ge [sflag:s18], $0x800  }
0x56: {  	[sflag:s18] =	ssyncset.done $0x0  }
0x57: {  	[sflag:s18] =	ssyncadd.s32 $0xFFFFF800  }
0x58: {  	_ =	swait.ge [sflag:s18], $0x800  }
0x59: {  	[sflag:s18] =	ssyncset.done $0x0  }
0x5a: {  	[sflag:s18] =	ssyncadd.s32 $0xFFFFF800  }
0x5b: {  	_ =	swait.ge [sflag:s18], $0x800  }
0x5c: {  	[sflag:s18] =	ssyncset.done $0x0  }
0x5d: {  	s24 =	sshll.u32 s1, $0x6;
	[sflag:s18] =	ssyncadd.s32 $0xFFFFF800  }
0x5e: {  	s24 =	sor.u32 $0x1C02, s24;
	[bflag:$0x0] =	sbarrier.arrive $0xFFFF  }
0x5f: {  	[hbm:s9], [sflag:s24] =	dma.local [spmem:s19], $0x190  }
0x60: {  	_ =	swait.ge [sflag:s14], $0x190  }
0x61: {  	[sflag:s14] =	ssyncset.done $0x0  }
0x62: {  	[sflag:s14] =	ssyncadd.s32 $0xFFFFFE70  }
0x63: {  	[hbm:s10], [sflag:s24] =	dma.local [spmem:s20], $0x190  }
0x64: {  	_ =	swait.ge [sflag:s14], $0x190  }
0x65: {  	[sflag:s14] =	ssyncset.done $0x0  }
0x66: {  	[sflag:s14] =	ssyncadd.s32 $0xFFFFFE70  }
0x67: {  	[hbm:s11], [sflag:s24] =	dma.local [spmem:s21], $0x190  }
0x68: {  	_ =	swait.ge [sflag:s14], $0x190  }
0x69: {  	s23 =	sadd.s32 $0x1, s23;
	[sflag:s14] =	ssyncset.done $0x0  }
0x6a: {  	p1 =	sne.s32 s23, s13;
	[sflag:s14] =	ssyncadd.s32 $0xFFFFFE70  }
0x6b: {  	[hbm:s12], [sflag:s24] =	dma.local @!p0 [spmem:s22], $0x190  }
.Ltmp3:
0x6c: {  	_ = 	snop;
	(pc) =	sbr.rel @p1 .LBB2_1-.Ltmp3, $4  }
0x6d: {  	s24 =	simm.s32 @!p0 $0x2  }
0x6e: {  	_ =	swait.ge @!p0 [sflag:s24], $0x190  }
0x6f: {  	[sflag:s24] =	ssyncset.done @!p0 $0x0  }
0x70: {  	[sflag:s24] =	ssyncadd.s32 @!p0 $0xFFFFFE70  }
0x71: {  	_ =	sfence.sel $0x180000  }
0x72: {  	[bflag:$0x0] =	sbarrier.arrive $0xFFFF  }
0x73: {  	p0 =	sne.s32 s1, $0x0;
	_ =	strace $0x9000004A  }
0x74: {  	s0 =	sadd.s32 @!p0 $0x100000, s0;
	[bflag:$0x2] =	sbarrier.arrive $0xFFFF  }
0x75: {  	[sflag:s0] =	ssyncadd.tile.s32 @!p0 $0x1;
	_ =	shalt  }
.Lfunc_end2:
_tile_overlayer_lowered:
.L_overlay_start_2:
0x76: {  	(tag) =	ssettag $0x2  }
0x77: {  	s0 =	rddreg [dreg:$0x0];
	s2 =	stileid.u32  }
0x78: {  	s1 =	rddreg [dreg:$0x1];
	p0 =	sne.s32 s2, $0x0  }
0x79: {  	s3 =	rddreg [dreg:$0x2];
	[bflag:$0x3] =	sbarrier.arrive $0xFFFF;
	s2 =	simm.s32 @!p0 $0x1C02  }
0x7a: {  	[timem:s3], [sflag:s2] =	dma.local @!p0 [hbm:s0], s1  }
0x7b: {  	s0 =	simm.s32 @!p0 $0x2  }
0x7c: {  	_ =	swait.ge @!p0 [sflag:s0], s1  }
0x7d: {  	s1 =	ssub.s32 @!p0 $0x0, s1;
	[sflag:s0] =	ssyncset.done @!p0 $0x0  }
0x7e: {  	[sflag:s0] =	ssyncadd.s32 @!p0 s1  }
0x7f: {  	[bflag:$0x3] =	sbarrier.arrive $0xFFFF  }
0x80: {  	_ =	shalt  }

</sc_bundles>
